<compile_context>
chip_gen: v7x
topology: tpu7x:2x2x1
jax: 0.10.2.dev20260603
libtpu: 0.0.44.dev20260713+nightly
codegen_flags: <defaults>
</compile_context>

<pallas_src>
import functools

import jax
import jax.numpy as jnp
from jax import lax
from jax.experimental import pallas as pl
from jax.experimental.pallas import tpu as pltpu
from jax.experimental.pallas import tpu_sc as plsc

_B = 4
_N = 16384
_S = 1024
_RADII = (0.5, 1.0)
_NSAMPLES = (16, 32)



_SLAB = _N // 8
_LANES = 16


def _fps_sc_body(x_hbm, y_hbm, z_hbm, d_hbm, idx_hbm, nx_hbm, ny_hbm,
                 nz_hbm, nd_hbm, xf, yf, zf, df, dists, out_idx, gbuf,
                 shared, red, nbuf):
    c = lax.axis_index("c")
    s = lax.axis_index("s")
    b = c * 2 + s // 8
    slab = s % 8
    slab_off = slab * _SLAB
    lanes = lax.iota(jnp.int32, _LANES)
    lane0 = lanes == 0

    pltpu.sync_copy(x_hbm.at[b], xf)
    pltpu.sync_copy(y_hbm.at[b], yf)
    pltpu.sync_copy(z_hbm.at[b], zf)
    pltpu.sync_copy(d_hbm.at[b], df)

    big = jnp.full((_LANES,), 1e10, jnp.float32)
    for j in range(_SLAB // _LANES):
        dists[pl.ds(j * _LANES, _LANES)] = big

    def round_body(i, far):
        plsc.store_scatter(out_idx, [jnp.full((_LANES,), i, jnp.int32)],
                           far, mask=lane0)
        cx = plsc.load_gather(xf, [far])
        cy = plsc.load_gather(yf, [far])
        cz = plsc.load_gather(zf, [far])

        def scan_body(j, carry):
            vmax, vidx = carry
            base = j * _LANES
            dx = xf[pl.ds(slab_off + base, _LANES)] - cx
            dy = yf[pl.ds(slab_off + base, _LANES)] - cy
            dz = zf[pl.ds(slab_off + base, _LANES)] - cz
            d = dx * dx + dy * dy + dz * dz
            nd = jnp.minimum(dists[pl.ds(base, _LANES)], d)
            dists[pl.ds(base, _LANES)] = nd
            better = nd > vmax
            vmax = jnp.where(better, nd, vmax)
            vidx = jnp.where(better, slab_off + base + lanes, vidx)
            return vmax, vidx

        vmax0 = jnp.full((_LANES,), -1.0, jnp.float32)
        vidx0 = jnp.zeros((_LANES,), jnp.int32)
        vmax, vidx = lax.fori_loop(0, _SLAB // _LANES, scan_body,
                                   (vmax0, vidx0))
        m = jnp.max(vmax)
        cand = jnp.where(vmax == m, vidx, _N)
        lidx = jnp.min(cand)
        par = i % 2
        gbuf[pl.ds(0, _LANES)] = plsc.bitcast(
            jnp.full((_LANES,), m, jnp.float32), jnp.int32)
        gbuf[pl.ds(_LANES, _LANES)] = jnp.full((_LANES,), lidx, jnp.int32)
        pltpu.sync_copy(gbuf, shared.at[pl.ds(par * 512 + s * 32, 32)])
        plsc.subcore_barrier()
        group = (s // 8) * 8
        pltpu.sync_copy(shared.at[pl.ds(par * 512 + group * 32, 256)], red)

        bmax = jnp.full((_LANES,), -1.0, jnp.float32)
        bidx = jnp.zeros((_LANES,), jnp.int32)
        for k in range(8):
            v = plsc.bitcast(red[pl.ds(k * 32, _LANES)], jnp.float32)
            ix = red[pl.ds(k * 32 + _LANES, _LANES)]
            better = v > bmax
            bmax = jnp.where(better, v, bmax)
            bidx = jnp.where(better, ix, bidx)
        return jnp.where((bidx >= 0) & (bidx < _N), bidx, 0)

    far0 = jnp.zeros((_LANES,), jnp.int32)
    lax.fori_loop(0, _S, round_body, far0)

    @pl.when(slab == 0)
    def _write():
        for t in range(_S // _LANES):
            iv = out_idx[pl.ds(t * _LANES, _LANES)]
            nbuf[0, pl.ds(t * _LANES, _LANES)] = plsc.load_gather(xf, [iv])
            nbuf[1, pl.ds(t * _LANES, _LANES)] = plsc.load_gather(yf, [iv])
            nbuf[2, pl.ds(t * _LANES, _LANES)] = plsc.load_gather(zf, [iv])
            nbuf[3, pl.ds(t * _LANES, _LANES)] = plsc.load_gather(df, [iv])
        pltpu.sync_copy(nbuf.at[0], nx_hbm.at[b])
        pltpu.sync_copy(nbuf.at[1], ny_hbm.at[b])
        pltpu.sync_copy(nbuf.at[2], nz_hbm.at[b])
        pltpu.sync_copy(nbuf.at[3], nd_hbm.at[b])
        pltpu.sync_copy(out_idx, idx_hbm.at[b])


def _fps_sc(xs, ys, zs, den):
    mesh = plsc.VectorSubcoreMesh(core_axis_name="c", subcore_axis_name="s")
    f = pl.kernel(
        _fps_sc_body,
        out_type=[
            jax.ShapeDtypeStruct((_B, _S), jnp.int32),
            jax.ShapeDtypeStruct((_B, _S), jnp.float32),
            jax.ShapeDtypeStruct((_B, _S), jnp.float32),
            jax.ShapeDtypeStruct((_B, _S), jnp.float32),
            jax.ShapeDtypeStruct((_B, _S), jnp.float32),
        ],
        mesh=mesh,
        scratch_types=[
            pltpu.VMEM((_N,), jnp.float32),
            pltpu.VMEM((_N,), jnp.float32),
            pltpu.VMEM((_N,), jnp.float32),
            pltpu.VMEM((_N,), jnp.float32),
            pltpu.VMEM((_SLAB,), jnp.float32),
            pltpu.VMEM((_S,), jnp.int32),
            pltpu.VMEM((32,), jnp.int32),
            pltpu.VMEM_SHARED((1024,), jnp.int32),
            pltpu.VMEM((256,), jnp.int32),
            pltpu.VMEM((4, _S), jnp.float32),
        ],
        compiler_params=pltpu.CompilerParams(needs_layout_passes=False),
    )
    return f(xs, ys, zs, den)



def _make_bq_body(r2, ns, early_exit):
    cap = 160
    kch = 8
    nchunks = _N // (kch * _LANES)

    def body(x_hbm, y_hbm, z_hbm, f_hbm, si_hbm, g_hbm, xf, yf, zf, ff,
             oidx, idxbuf, obuf):
        c = lax.axis_index("c")
        s = lax.axis_index("s")
        b = c * 2 + s // 8
        slab = s % 8
        lanes = lax.iota(jnp.int32, _LANES)
        zero16 = jnp.zeros((_LANES,), jnp.int32)

        pltpu.sync_copy(x_hbm.at[b], xf)
        pltpu.sync_copy(y_hbm.at[b], yf)
        pltpu.sync_copy(z_hbm.at[b], zf)
        pltpu.sync_copy(f_hbm.at[b], ff)
        pltpu.sync_copy(si_hbm.at[b], oidx)

        def do_query(qi, _):
            q = slab * 128 + qi
            iv = plsc.load_gather(oidx,
                                  [jnp.full((_LANES,), q, jnp.int32)])
            cx = plsc.load_gather(xf, [iv])
            cy = plsc.load_gather(yf, [iv])
            cz = plsc.load_gather(zf, [iv])

            def slices(base, cnt_v):
                for k in range(kch):
                    off = base + k * _LANES
                    dx = xf[pl.ds(off, _LANES)] - cx
                    dy = yf[pl.ds(off, _LANES)] - cy
                    dz = zf[pl.ds(off, _LANES)] - cz
                    d2 = dx * dx + dy * dy + dz * dz
                    mv = d2 < r2
                    cs = plsc.cumsum(jnp.where(mv, 1, 0))
                    pos = cnt_v + cs - 1
                    plsc.store_scatter(idxbuf, [pos], off + lanes,
                                       mask=mv & (pos < cap))
                    cnt_v = cnt_v + plsc.all_reduce_population_count(mv)
                return cnt_v

            if early_exit:
                def cond(st):
                    j, cnt_s = st[0], st[1]
                    return (j < nchunks) & (cnt_s < ns)

                def chunk(st):
                    j, _, cnt_v = st
                    cnt_v = slices(j * (kch * _LANES), cnt_v)
                    return j + 1, jnp.max(cnt_v), cnt_v

                _, _, cnt_v = lax.while_loop(
                    cond, chunk, (jnp.int32(0), jnp.int32(0), zero16))
            else:
                cnt_v = lax.fori_loop(
                    0, nchunks,
                    lambda j, cv: slices(j * (kch * _LANES), cv), zero16)

            first = plsc.load_gather(idxbuf, [zero16])
            for t in range(ns // _LANES):
                cur = idxbuf[pl.ds(t * _LANES, _LANES)]
                sel = jnp.where(t * _LANES + lanes < cnt_v, cur, first)
                gx = plsc.load_gather(xf, [sel]) - cx
                gy = plsc.load_gather(yf, [sel]) - cy
                gz = plsc.load_gather(zf, [sel]) - cz
                gf = plsc.load_gather(ff, [sel])
                o = qi * ns + t * _LANES
                obuf[pl.ds(o, _LANES)] = gx
                obuf[pl.ds(128 * ns + o, _LANES)] = gy
                obuf[pl.ds(2 * 128 * ns + o, _LANES)] = gz
                obuf[pl.ds(3 * 128 * ns + o, _LANES)] = gf
            return 0

        lax.fori_loop(0, 128, do_query, 0)
        w = b * 8 + slab
        pltpu.sync_copy(obuf,
                        g_hbm.at[pl.ds(w * 4 * 128 * ns, 4 * 128 * ns)])

    return body


def _bq_sc(r2, ns, early_exit, xs, ys, zs, feat, sample_idx):
    mesh = plsc.VectorSubcoreMesh(core_axis_name="c", subcore_axis_name="s")
    f = pl.kernel(
        _make_bq_body(r2, ns, early_exit),
        out_type=[jax.ShapeDtypeStruct((_B * _S * 4 * ns,), jnp.float32)],
        mesh=mesh,
        scratch_types=[
            pltpu.VMEM((_N,), jnp.float32),
            pltpu.VMEM((_N,), jnp.float32),
            pltpu.VMEM((_N,), jnp.float32),
            pltpu.VMEM((_N,), jnp.float32),
            pltpu.VMEM((_S,), jnp.int32),
            pltpu.VMEM((160,), jnp.int32),
            pltpu.VMEM((4 * 128 * ns,), jnp.float32),
        ],
        compiler_params=pltpu.CompilerParams(needs_layout_passes=False),
    )
    return f(xs, ys, zs, feat, sample_idx)[0]



def _bn_from_stats(stats, gamma, beta, count):
    mean = stats[:, 0:1] / count
    var = stats[:, 1:2] / count - mean * mean
    scale = gamma[:, None] / jnp.sqrt(var + 1e-5)
    shift = beta[:, None] - mean * scale
    return scale, shift


def _bn_relu_inline(y, gamma, beta):
    mean = jnp.mean(y, axis=1, keepdims=True)
    var = jnp.mean((y - mean) ** 2, axis=1, keepdims=True)
    y = (y - mean) / jnp.sqrt(var + 1e-5) * gamma[:, None] + beta[:, None]
    return jax.nn.relu(y)


def _layer_body(count, x_ref, w_ref, stats_in_ref, gamma_ref, beta_ref,
                y_ref, stats_ref):
    x = x_ref[...]
    if stats_in_ref is not None:
        scale, shift = _bn_from_stats(stats_in_ref[...], gamma_ref[...],
                                      beta_ref[...], count)
        x = jax.nn.relu(x * scale + shift)
    y = jnp.dot(w_ref[...], x, preferred_element_type=jnp.float32)
    y_ref[...] = y
    s1 = jnp.sum(y, axis=1, keepdims=True)
    s2 = jnp.sum(y * y, axis=1, keepdims=True)
    part = jnp.concatenate([s1, s2], axis=1)

    @pl.when(pl.program_id(0) == 0)
    def _init():
        stats_ref[...] = jnp.zeros_like(stats_ref)

    stats_ref[...] += part


def _layer_pass(x, w, stats_in, gamma, beta, chunk):
    cin, l = x.shape
    cout = w.shape[0]
    nsteps = l // chunk
    grid = (nsteps,)
    in_specs = [
        pl.BlockSpec((cin, chunk), lambda i: (0, i)),
        pl.BlockSpec((cout, cin), lambda i: (0, 0)),
    ]
    args = [x, w]
    if stats_in is not None:
        in_specs += [
            pl.BlockSpec((cin, 2), lambda i: (0, 0)),
            pl.BlockSpec((cin,), lambda i: (0,)),
            pl.BlockSpec((cin,), lambda i: (0,)),
        ]
        args += [stats_in, gamma, beta]
        body = functools.partial(_layer_body, float(l))
    else:
        body = lambda x_ref, w_ref, y_ref, stats_ref: _layer_body(
            float(l), x_ref, w_ref, None, None, None, y_ref, stats_ref)
    out_specs = (
        pl.BlockSpec((cout, chunk), lambda i: (0, i)),
        pl.BlockSpec((cout, 2), lambda i: (0, 0)),
    )
    return pl.pallas_call(
        body,
        grid=grid,
        in_specs=in_specs,
        out_specs=out_specs,
        out_shape=(jax.ShapeDtypeStruct((cout, l), jnp.float32),
                   jax.ShapeDtypeStruct((cout, 2), jnp.float32)),
    )(*args)


def _pool_body(count, ns, y_ref, stats_ref, gamma_ref, beta_ref, out_ref):
    scale, shift = _bn_from_stats(stats_ref[...], gamma_ref[...],
                                  beta_ref[...], count)
    x = jax.nn.relu(y_ref[...] * scale + shift)
    c, l = x.shape
    x = x.reshape(c, l // ns, ns)
    out_ref[...] = jnp.max(x, axis=2)


def _pool_pass(y, stats, gamma, beta, ns, chunk):
    c, l = y.shape
    bs = l // ns
    nsteps = bs // chunk
    return pl.pallas_call(
        functools.partial(_pool_body, float(l), ns),
        grid=(nsteps,),
        in_specs=[
            pl.BlockSpec((c, chunk * ns), lambda i: (0, i)),
            pl.BlockSpec((c, 2), lambda i: (0, 0)),
            pl.BlockSpec((c,), lambda i: (0,)),
            pl.BlockSpec((c,), lambda i: (0,)),
        ],
        out_specs=pl.BlockSpec((c, chunk), lambda i: (0, i)),
        out_shape=jax.ShapeDtypeStruct((c, bs), jnp.float32),
    )(y, stats, gamma, beta)


def _head_body(w_agg, g_agg, b_agg, w_conf, g_conf, b_conf, w_out, b_out,
               p0_ref, p1_ref, feats_ref, scores_ref):
    feats = jnp.concatenate([p0_ref[...], p1_ref[...]], axis=0)
    feats = _bn_relu_inline(
        jnp.dot(w_agg[...], feats, preferred_element_type=jnp.float32),
        g_agg[...], b_agg[...])
    feats_ref[...] = feats
    h = _bn_relu_inline(
        jnp.dot(w_conf[...], feats, preferred_element_type=jnp.float32),
        g_conf[...], b_conf[...])
    scores = (jnp.dot(w_out[...], h, preferred_element_type=jnp.float32)
              + b_out[...][:, None])
    scores_ref[...] = scores


def _dense_tail(g0, g1, params):
    pooled = []
    for si, (g, ns) in enumerate(((g0, _NSAMPLES[0]), (g1, _NSAMPLES[1]))):
        layers = params['mlp%d' % si]
        chunk = 16384
        y, stats = _layer_pass(g, layers[0]['W'], None, None, None, chunk)
        for li in (1, 2):
            y, stats = _layer_pass(y, layers[li]['W'], stats,
                                   layers[li - 1]['gamma'],
                                   layers[li - 1]['beta'], chunk)
        pooled.append(_pool_pass(y, stats, layers[2]['gamma'],
                                 layers[2]['beta'], ns, 1024))
    pa, pc, po = params['agg'], params['conf'], params['conf_out']
    return pl.pallas_call(
        functools.partial(_head_body),
        out_shape=(jax.ShapeDtypeStruct((64, _B * _S), jnp.float32),
                   jax.ShapeDtypeStruct((1, _B * _S), jnp.float32)),
    )(pa['W'], pa['gamma'], pa['beta'], pc['W'], pc['gamma'], pc['beta'],
      po['W'], po['b'], pooled[0], pooled[1])



def kernel(xyz, features, density, params):
    xs = xyz[:, :, 0]
    ys = xyz[:, :, 1]
    zs = xyz[:, :, 2]
    den = density[:, 0, :]
    feat = features[:, 0, :]
    sample_idx, nx, ny, nz, nd = _fps_sc(xs, ys, zs, den)
    new_xyz = jnp.stack([nx, ny, nz], axis=-1)
    new_density = nd[:, None, :]

    n = _N
    d2 = jnp.sum((new_xyz[:, :, None, :] - xyz[:, None, :, :]) ** 2,
                 axis=-1)
    gs = []
    for radius, nsample in zip(_RADII, _NSAMPLES):
        mask = d2 < radius * radius
        cand = jnp.where(mask, jnp.arange(n)[None, None, :], n)
        negv, _ = jax.lax.top_k(-cand, nsample)
        idx = -negv
        first = idx[..., :1]
        idx = jnp.where(idx == n, jnp.where(first == n, 0, first),
                        idx).astype(jnp.int32)
        grouped_xyz = (jax.vmap(lambda p, i: p[i])(xyz, idx)
                       - new_xyz[:, :, None, :])
        grouped_feat = jax.vmap(lambda f, i: f[:, i])(features, idx)
        nf = jnp.concatenate(
            [jnp.transpose(grouped_xyz, (0, 3, 1, 2)), grouped_feat],
            axis=1)
        gs.append(jnp.transpose(nf, (1, 0, 2, 3)).reshape(4, -1))

    feats, scores = _dense_tail(gs[0], gs[1], params)
    new_features = jnp.transpose(feats.reshape(64, _B, _S), (1, 0, 2))
    new_scores = scores.reshape(_B, _S)
    return (new_xyz, new_features, new_density, new_scores)

# --- scband reference (transcript-rebuilt; emitter-appended) ---
"""Pipeline reference for scband-pointnet-samodule-fs-48979807043955 (READ-ONLY COPY).

The authoritative reference and input builder live on the scoring server;
editing this copy changes nothing except your own understanding.
"""

import jax, jax.numpy as jnp
import numpy as np

B = 4
N = 16384
NPOINT = 1024
RADII = [0.5, 1.0]
NSAMPLES = [16, 32]
MLP_SPECS = [[4, 16, 16, 32], [4, 16, 16, 32]]
AGG_IN = 64
AGG_OUT = 64
CONF_HID = 64


def fps(xyz, npoint):
    b, n, _ = xyz.shape

    def body(i, state):
        idx, dists, far = state
        idx = idx.at[:, i].set(far)
        centroid = jax.vmap(lambda p, f: p[f])(xyz, far)[:, None, :]
        d = jnp.sum((xyz - centroid) ** 2, axis=-1)
        dists = jnp.minimum(dists, d)
        far = jnp.argmax(dists, axis=-1).astype(jnp.int32)
        return idx, dists, far

    idx0 = jnp.zeros((b, npoint), jnp.int32)
    d0 = jnp.full((b, n), 1e10, jnp.float32)
    f0 = jnp.zeros((b,), jnp.int32)
    idx, _, _ = jax.lax.fori_loop(0, npoint, body, (idx0, d0, f0))
    return idx


def ball_query(radius, nsample, xyz, new_xyz):
    n = xyz.shape[1]
    d2 = jnp.sum((new_xyz[:, :, None, :] - xyz[:, None, :, :]) ** 2, axis=-1)
    mask = d2 < radius * radius
    idx_cnt = jnp.sum(mask, axis=-1)
    cand = jnp.where(mask, jnp.arange(n)[None, None, :], n)
    negv, _ = jax.lax.top_k(-cand, nsample)
    idx = -negv
    first = idx[..., :1]
    idx = jnp.where(idx == n, jnp.where(first == n, 0, first), idx)
    return idx_cnt, idx.astype(jnp.int32)


def init_params(key):
    params = {}
    for si, spec in enumerate(MLP_SPECS):
        layers = []
        for li in range(len(spec) - 1):
            key, k1 = jax.random.split(key)
            cin, cout = spec[li], spec[li + 1]
            layers.append({
                'W': jax.random.normal(k1, (cout, cin), jnp.float32) / np.sqrt(cin),
                'gamma': jnp.ones((cout,), jnp.float32),
                'beta': jnp.zeros((cout,), jnp.float32),
            })
        params['mlp%d' % si] = layers
    key, k1 = jax.random.split(key)
    params['agg'] = {'W': jax.random.normal(k1, (AGG_OUT, AGG_IN), jnp.float32) / np.sqrt(AGG_IN),
                     'gamma': jnp.ones((AGG_OUT,), jnp.float32), 'beta': jnp.zeros((AGG_OUT,), jnp.float32)}
    key, k1 = jax.random.split(key)
    params['conf'] = {'W': jax.random.normal(k1, (CONF_HID, AGG_OUT), jnp.float32) / np.sqrt(AGG_OUT),
                      'gamma': jnp.ones((CONF_HID,), jnp.float32), 'beta': jnp.zeros((CONF_HID,), jnp.float32)}
    key, k1 = jax.random.split(key)
    params['conf_out'] = {'W': jax.random.normal(k1, (1, CONF_HID), jnp.float32) / np.sqrt(CONF_HID),
                          'b': jnp.zeros((1,), jnp.float32)}
    return params


def setup_inputs(seed: int = 0):
    key = jax.random.key(seed)
    k1, k2, k3, k4 = jax.random.split(key, 4)
    xyz = jax.random.normal(k1, (B, N, 3), jnp.float32)
    features = jax.random.normal(k2, (B, 1, N), jnp.float32)
    density = jax.random.uniform(k3, (B, 1, N), jnp.float32)
    params = init_params(k4)
    return {'xyz': xyz, 'features': features, 'density': density, 'params': params}


def conv2d_bn_relu(x, p):
    y = jnp.einsum('oc,bcsn->bosn', p['W'], x)
    mean = y.mean(axis=(0, 2, 3), keepdims=True)
    var = y.var(axis=(0, 2, 3), keepdims=True)
    y = (y - mean) / jnp.sqrt(var + 1e-5) * p['gamma'][None, :, None, None] + p['beta'][None, :, None, None]
    return jax.nn.relu(y)


def conv1d_bn_relu(x, p):
    y = jnp.einsum('oc,bcs->bos', p['W'], x)
    mean = y.mean(axis=(0, 2), keepdims=True)
    var = y.var(axis=(0, 2), keepdims=True)
    y = (y - mean) / jnp.sqrt(var + 1e-5) * p['gamma'][None, :, None] + p['beta'][None, :, None]
    return jax.nn.relu(y)


def reference(xyz, features, density, params):
    sample_idx = fps(xyz, NPOINT)
    new_xyz = jax.vmap(lambda p, i: p[i])(xyz, sample_idx)
    new_density = jax.vmap(lambda d, i: d[:, i])(density, sample_idx)
    feats = []
    for si, (radius, nsample) in enumerate(zip(RADII, NSAMPLES)):
        idx_cnt, idx = ball_query(radius, nsample, xyz, new_xyz)
        grouped_xyz = jax.vmap(lambda p, i: p[i])(xyz, idx) - new_xyz[:, :, None, :]
        grouped_feat = jax.vmap(lambda f, i: f[:, i])(features, idx)
        nf = jnp.concatenate([jnp.transpose(grouped_xyz, (0, 3, 1, 2)), grouped_feat], axis=1)
        for p in params['mlp%d' % si]:
            nf = conv2d_bn_relu(nf, p)
        m = (idx_cnt > 0).astype(nf.dtype)[:, None, :, None]
        nf = nf * m
        feats.append(jnp.max(nf, axis=3))
    new_features = jnp.concatenate(feats, axis=1)
    new_features = conv1d_bn_relu(new_features, params['agg'])
    h = conv1d_bn_relu(new_features, params['conf'])
    new_scores = jnp.einsum('oc,bcs->bos', params['conf_out']['W'], h) + params['conf_out']['b'][None, :, None]
    new_scores = new_scores.squeeze(1)
    return (new_xyz, new_features, new_density, new_scores)

if __name__ == "__main__":
    import jax
    _d = setup_inputs()
    print(jax.jit(kernel)(*tuple(_d.values())))

</pallas_src>

<mosaic_0001>
#map = affine_map<(d0, d1) -> (0, 0)>
module attributes {stable_mosaic.version = 14 : i64} {
  func.func @_fps_sc_body(%arg0: i32, %arg1: i32, %arg2: memref<4x16384xf32, #tpu.memory_space<hbm>>, %arg3: memref<4x16384xf32, #tpu.memory_space<hbm>>, %arg4: memref<4x16384xf32, #tpu.memory_space<hbm>>, %arg5: memref<4x16384xf32, #tpu.memory_space<hbm>>, %arg6: memref<4x1024xi32, #tpu.memory_space<hbm>>, %arg7: memref<4x1024xf32, #tpu.memory_space<hbm>>, %arg8: memref<4x1024xf32, #tpu.memory_space<hbm>>, %arg9: memref<4x1024xf32, #tpu.memory_space<hbm>>, %arg10: memref<4x1024xf32, #tpu.memory_space<hbm>>, %arg11: memref<16384xf32, #tpu.memory_space<vmem>>, %arg12: memref<16384xf32, #tpu.memory_space<vmem>>, %arg13: memref<16384xf32, #tpu.memory_space<vmem>>, %arg14: memref<16384xf32, #tpu.memory_space<vmem>>, %arg15: memref<2048xf32, #tpu.memory_space<vmem>>, %arg16: memref<1024xi32, #tpu.memory_space<vmem>>, %arg17: memref<32xi32, #tpu.memory_space<vmem>>, %arg18: memref<1024xi32, #tpu.memory_space<vmem_shared>>, %arg19: memref<256xi32, #tpu.memory_space<vmem>>, %arg20: memref<4x1024xf32, #tpu.memory_space<vmem>>) attributes {dimension_semantics = [#tpu.dimension_semantics<core_parallel>, #tpu.dimension_semantics<subcore_parallel>], iteration_bounds = array<i64: 2, 16>, scalar_prefetch = 0 : i64, scratch_operands = 10 : i64, tpu.core_type = #tpu.core_type<sc_vector_subcore>, window_params = [{transform_indices = #map}, {transform_indices = #map}, {transform_indices = #map}, {transform_indices = #map}, {transform_indices = #map}, {transform_indices = #map}, {transform_indices = #map}, {transform_indices = #map}, {transform_indices = #map}]} {
    %mul3A = arith.constant 2 : i32
    %mul3A_0 = arith.muli %arg0, %mul3A : i32
    %jit3A = arith.constant 8 : i32
    %div3A = arith.divsi %arg1, %jit3A : i32
    %sign3A = arith.constant 0 : i32
    %sign3A_1 = arith.cmpi sgt, %arg1, %sign3A : i32
    %sign3A_2 = arith.extui %sign3A_1 : i1 to i32
    %sign3A_3 = arith.constant 0 : i32
    %sign3A_4 = arith.cmpi slt, %arg1, %sign3A_3 : i32
    %sign3A_5 = arith.extui %sign3A_4 : i1 to i32
    %sign3A_6 = arith.subi %sign3A_2, %sign3A_5 : i32
    %sign3A_7 = arith.constant 0 : i32
    %sign3A_8 = arith.cmpi sgt, %jit3A, %sign3A_7 : i32
    %sign3A_9 = arith.extui %sign3A_8 : i1 to i32
    %sign3A_10 = arith.constant 0 : i32
    %sign3A_11 = arith.cmpi slt, %jit3A, %sign3A_10 : i32
    %sign3A_12 = arith.extui %sign3A_11 : i1 to i32
    %sign3A_13 = arith.subi %sign3A_9, %sign3A_12 : i32
    %ne3A = arith.cmpi ne, %sign3A_6, %sign3A_13 : i32
    %rem3A = arith.remsi %arg1, %jit3A : i32
    %ne3A_14 = arith.constant 0 : i32
    %ne3A_15 = arith.cmpi ne, %rem3A, %ne3A_14 : i32
    %and3A = arith.andi %ne3A, %ne3A_15 : i1
    %sub3A = arith.constant 1 : i32
    %sub3A_16 = arith.subi %div3A, %sub3A : i32
    %select_n3A = arith.select %and3A, %sub3A_16, %div3A : i32
    %add3A = arith.addi %mul3A_0, %select_n3A : i32
    %jit3A_17 = arith.constant 8 : i32
    %eq3A = arith.constant 0 : i32
    %eq3A_18 = arith.cmpi eq, %jit3A_17, %eq3A : i32
    %jit3A_19 = arith.constant 1 : i32
    %select_n3A_20 = arith.select %eq3A_18, %jit3A_19, %jit3A_17 : i32
    %rem3A_21 = arith.remsi %arg1, %select_n3A_20 : i32
    %ne3A_22 = arith.constant 0 : i32
    %ne3A_23 = arith.cmpi ne, %rem3A_21, %ne3A_22 : i32
    %lt3A = arith.constant 0 : i32
    %lt3A_24 = arith.cmpi slt, %rem3A_21, %lt3A : i32
    %lt3A_25 = arith.constant 0 : i32
    %lt3A_26 = arith.cmpi slt, %select_n3A_20, %lt3A_25 : i32
    %ne3A_27 = arith.xori %lt3A_24, %lt3A_26 : i1
    %and3A_28 = arith.andi %ne3A_27, %ne3A_23 : i1
    %add3A_29 = arith.addi %rem3A_21, %select_n3A_20 : i32
    %select_n3A_30 = arith.select %and3A_28, %add3A_29, %rem3A_21 : i32
    %mul3A_31 = arith.constant 2048 : i32
    %mul3A_32 = arith.muli %select_n3A_30, %mul3A_31 : i32
    %iota3A = tpu.iota {dimensions = array<i32: 0>} : vector<16xi32>
    %eq3A_33 = arith.constant 0 : i32
    %eq3A_34 = vector.broadcast %eq3A_33 : i32 to vector<16xi32>
    %eq3A_35 = arith.cmpi eq, %iota3A, %eq3A_34 : vector<16xi32>
    "tpu.region"() ({
      %run_scoped3A = tpu.sem_alloc : memref<!tpu.dma_semaphore, #tpu.memory_space<semaphore_mem>>
      %dma_start3A = arith.constant 0 : i32
      %dma_start3A_302 = tpu.memref_slice %arg2[%add3A, %dma_start3A] : memref<4x16384xf32, #tpu.memory_space<hbm>> -> memref<1x16384xf32, #tpu.memory_space<hbm>>
      %dma_start3A_303 = tpu.memref_squeeze %dma_start3A_302 : memref<1x16384xf32, #tpu.memory_space<hbm>> -> memref<16384xf32, #tpu.memory_space<hbm>>
      %dma_start3A_304 = arith.constant 0 : i32
      %dma_start3A_305 = tpu.memref_slice %arg2[%add3A, %dma_start3A_304] : memref<4x16384xf32, #tpu.memory_space<hbm>> -> memref<1x16384xf32, #tpu.memory_space<hbm>>
      %dma_start3A_306 = tpu.memref_squeeze %dma_start3A_305 : memref<1x16384xf32, #tpu.memory_space<hbm>> -> memref<16384xf32, #tpu.memory_space<hbm>>
      tpu.enqueue_dma source(%dma_start3A_306 : memref<16384xf32, #tpu.memory_space<hbm>>) target(%arg11 : memref<16384xf32, #tpu.memory_space<vmem>>) target_semaphore(%run_scoped3A : memref<!tpu.dma_semaphore, #tpu.memory_space<semaphore_mem>>)
      %dma_wait3A = arith.constant 0 : i32
      %dma_wait3A_307 = tpu.memref_slice %arg2[%add3A, %dma_wait3A] : memref<4x16384xf32, #tpu.memory_space<hbm>> -> memref<1x16384xf32, #tpu.memory_space<hbm>>
      %dma_wait3A_308 = tpu.memref_squeeze %dma_wait3A_307 : memref<1x16384xf32, #tpu.memory_space<hbm>> -> memref<16384xf32, #tpu.memory_space<hbm>>
      %dma_wait3A_309 = arith.constant 0 : i32
      %dma_wait3A_310 = tpu.memref_slice %arg2[%add3A, %dma_wait3A_309] : memref<4x16384xf32, #tpu.memory_space<hbm>> -> memref<1x16384xf32, #tpu.memory_space<hbm>>
      %dma_wait3A_311 = tpu.memref_squeeze %dma_wait3A_310 : memref<1x16384xf32, #tpu.memory_space<hbm>> -> memref<16384xf32, #tpu.memory_space<hbm>>
      tpu.wait_dma2 semaphore(%run_scoped3A : memref<!tpu.dma_semaphore, #tpu.memory_space<semaphore_mem>>) src(%dma_wait3A_311 : memref<16384xf32, #tpu.memory_space<hbm>>) dst(%arg11 : memref<16384xf32, #tpu.memory_space<vmem>>)
      tpu.yield
    }) : () -> ()
    "tpu.region"() ({
      %run_scoped3A = tpu.sem_alloc : memref<!tpu.dma_semaphore, #tpu.memory_space<semaphore_mem>>
      %dma_start3A = arith.constant 0 : i32
      %dma_start3A_302 = tpu.memref_slice %arg3[%add3A, %dma_start3A] : memref<4x16384xf32, #tpu.memory_space<hbm>> -> memref<1x16384xf32, #tpu.memory_space<hbm>>
      %dma_start3A_303 = tpu.memref_squeeze %dma_start3A_302 : memref<1x16384xf32, #tpu.memory_space<hbm>> -> memref<16384xf32, #tpu.memory_space<hbm>>
      %dma_start3A_304 = arith.constant 0 : i32
      %dma_start3A_305 = tpu.memref_slice %arg3[%add3A, %dma_start3A_304] : memref<4x16384xf32, #tpu.memory_space<hbm>> -> memref<1x16384xf32, #tpu.memory_space<hbm>>
      %dma_start3A_306 = tpu.memref_squeeze %dma_start3A_305 : memref<1x16384xf32, #tpu.memory_space<hbm>> -> memref<16384xf32, #tpu.memory_space<hbm>>
      tpu.enqueue_dma source(%dma_start3A_306 : memref<16384xf32, #tpu.memory_space<hbm>>) target(%arg12 : memref<16384xf32, #tpu.memory_space<vmem>>) target_semaphore(%run_scoped3A : memref<!tpu.dma_semaphore, #tpu.memory_space<semaphore_mem>>)
      %dma_wait3A = arith.constant 0 : i32
      %dma_wait3A_307 = tpu.memref_slice %arg3[%add3A, %dma_wait3A] : memref<4x16384xf32, #tpu.memory_space<hbm>> -> memref<1x16384xf32, #tpu.memory_space<hbm>>
      %dma_wait3A_308 = tpu.memref_squeeze %dma_wait3A_307 : memref<1x16384xf32, #tpu.memory_space<hbm>> -> memref<16384xf32, #tpu.memory_space<hbm>>
      %dma_wait3A_309 = arith.constant 0 : i32
      %dma_wait3A_310 = tpu.memref_slice %arg3[%add3A, %dma_wait3A_309] : memref<4x16384xf32, #tpu.memory_space<hbm>> -> memref<1x16384xf32, #tpu.memory_space<hbm>>
      %dma_wait3A_311 = tpu.memref_squeeze %dma_wait3A_310 : memref<1x16384xf32, #tpu.memory_space<hbm>> -> memref<16384xf32, #tpu.memory_space<hbm>>
      tpu.wait_dma2 semaphore(%run_scoped3A : memref<!tpu.dma_semaphore, #tpu.memory_space<semaphore_mem>>) src(%dma_wait3A_311 : memref<16384xf32, #tpu.memory_space<hbm>>) dst(%arg12 : memref<16384xf32, #tpu.memory_space<vmem>>)
      tpu.yield
    }) : () -> ()
    "tpu.region"() ({
      %run_scoped3A = tpu.sem_alloc : memref<!tpu.dma_semaphore, #tpu.memory_space<semaphore_mem>>
      %dma_start3A = arith.constant 0 : i32
      %dma_start3A_302 = tpu.memref_slice %arg4[%add3A, %dma_start3A] : memref<4x16384xf32, #tpu.memory_space<hbm>> -> memref<1x16384xf32, #tpu.memory_space<hbm>>
      %dma_start3A_303 = tpu.memref_squeeze %dma_start3A_302 : memref<1x16384xf32, #tpu.memory_space<hbm>> -> memref<16384xf32, #tpu.memory_space<hbm>>
      %dma_start3A_304 = arith.constant 0 : i32
      %dma_start3A_305 = tpu.memref_slice %arg4[%add3A, %dma_start3A_304] : memref<4x16384xf32, #tpu.memory_space<hbm>> -> memref<1x16384xf32, #tpu.memory_space<hbm>>
      %dma_start3A_306 = tpu.memref_squeeze %dma_start3A_305 : memref<1x16384xf32, #tpu.memory_space<hbm>> -> memref<16384xf32, #tpu.memory_space<hbm>>
      tpu.enqueue_dma source(%dma_start3A_306 : memref<16384xf32, #tpu.memory_space<hbm>>) target(%arg13 : memref<16384xf32, #tpu.memory_space<vmem>>) target_semaphore(%run_scoped3A : memref<!tpu.dma_semaphore, #tpu.memory_space<semaphore_mem>>)
      %dma_wait3A = arith.constant 0 : i32
      %dma_wait3A_307 = tpu.memref_slice %arg4[%add3A, %dma_wait3A] : memref<4x16384xf32, #tpu.memory_space<hbm>> -> memref<1x16384xf32, #tpu.memory_space<hbm>>
      %dma_wait3A_308 = tpu.memref_squeeze %dma_wait3A_307 : memref<1x16384xf32, #tpu.memory_space<hbm>> -> memref<16384xf32, #tpu.memory_space<hbm>>
      %dma_wait3A_309 = arith.constant 0 : i32
      %dma_wait3A_310 = tpu.memref_slice %arg4[%add3A, %dma_wait3A_309] : memref<4x16384xf32, #tpu.memory_space<hbm>> -> memref<1x16384xf32, #tpu.memory_space<hbm>>
      %dma_wait3A_311 = tpu.memref_squeeze %dma_wait3A_310 : memref<1x16384xf32, #tpu.memory_space<hbm>> -> memref<16384xf32, #tpu.memory_space<hbm>>
      tpu.wait_dma2 semaphore(%run_scoped3A : memref<!tpu.dma_semaphore, #tpu.memory_space<semaphore_mem>>) src(%dma_wait3A_311 : memref<16384xf32, #tpu.memory_space<hbm>>) dst(%arg13 : memref<16384xf32, #tpu.memory_space<vmem>>)
      tpu.yield
    }) : () -> ()
    "tpu.region"() ({
      %run_scoped3A = tpu.sem_alloc : memref<!tpu.dma_semaphore, #tpu.memory_space<semaphore_mem>>
      %dma_start3A = arith.constant 0 : i32
      %dma_start3A_302 = tpu.memref_slice %arg5[%add3A, %dma_start3A] : memref<4x16384xf32, #tpu.memory_space<hbm>> -> memref<1x16384xf32, #tpu.memory_space<hbm>>
      %dma_start3A_303 = tpu.memref_squeeze %dma_start3A_302 : memref<1x16384xf32, #tpu.memory_space<hbm>> -> memref<16384xf32, #tpu.memory_space<hbm>>
      %dma_start3A_304 = arith.constant 0 : i32
      %dma_start3A_305 = tpu.memref_slice %arg5[%add3A, %dma_start3A_304] : memref<4x16384xf32, #tpu.memory_space<hbm>> -> memref<1x16384xf32, #tpu.memory_space<hbm>>
      %dma_start3A_306 = tpu.memref_squeeze %dma_start3A_305 : memref<1x16384xf32, #tpu.memory_space<hbm>> -> memref<16384xf32, #tpu.memory_space<hbm>>
      tpu.enqueue_dma source(%dma_start3A_306 : memref<16384xf32, #tpu.memory_space<hbm>>) target(%arg14 : memref<16384xf32, #tpu.memory_space<vmem>>) target_semaphore(%run_scoped3A : memref<!tpu.dma_semaphore, #tpu.memory_space<semaphore_mem>>)
      %dma_wait3A = arith.constant 0 : i32
      %dma_wait3A_307 = tpu.memref_slice %arg5[%add3A, %dma_wait3A] : memref<4x16384xf32, #tpu.memory_space<hbm>> -> memref<1x16384xf32, #tpu.memory_space<hbm>>
      %dma_wait3A_308 = tpu.memref_squeeze %dma_wait3A_307 : memref<1x16384xf32, #tpu.memory_space<hbm>> -> memref<16384xf32, #tpu.memory_space<hbm>>
      %dma_wait3A_309 = arith.constant 0 : i32
      %dma_wait3A_310 = tpu.memref_slice %arg5[%add3A, %dma_wait3A_309] : memref<4x16384xf32, #tpu.memory_space<hbm>> -> memref<1x16384xf32, #tpu.memory_space<hbm>>
      %dma_wait3A_311 = tpu.memref_squeeze %dma_wait3A_310 : memref<1x16384xf32, #tpu.memory_space<hbm>> -> memref<16384xf32, #tpu.memory_space<hbm>>
      tpu.wait_dma2 semaphore(%run_scoped3A : memref<!tpu.dma_semaphore, #tpu.memory_space<semaphore_mem>>) src(%dma_wait3A_311 : memref<16384xf32, #tpu.memory_space<hbm>>) dst(%arg14 : memref<16384xf32, #tpu.memory_space<vmem>>)
      tpu.yield
    }) : () -> ()
    %broadcast_in_dim3A = arith.constant 1.000000e+10 : f32
    %broadcast_in_dim3A_36 = vector.broadcast %broadcast_in_dim3A : f32 to vector<16xf32>
    %swap3A = arith.constant 0 : index
    %swap3A_37 = tpu.vector_load %arg15[%swap3A] {strides = array<i32>} : memref<2048xf32, #tpu.memory_space<vmem>>, vector<16xf32>,
    tpu.vector_store %arg15[%swap3A], %broadcast_in_dim3A_36 {strides = array<i32>} : memref<2048xf32, #tpu.memory_space<vmem>>, vector<16xf32>,
    %swap3A_38 = arith.constant 16 : index
    %swap3A_39 = tpu.vector_load %arg15[%swap3A_38] {strides = array<i32>} : memref<2048xf32, #tpu.memory_space<vmem>>, vector<16xf32>,
    tpu.vector_store %arg15[%swap3A_38], %broadcast_in_dim3A_36 {strides = array<i32>} : memref<2048xf32, #tpu.memory_space<vmem>>, vector<16xf32>,
    %swap3A_40 = arith.constant 32 : index
    %swap3A_41 = tpu.vector_load %arg15[%swap3A_40] {strides = array<i32>} : memref<2048xf32, #tpu.memory_space<vmem>>, vector<16xf32>,
    tpu.vector_store %arg15[%swap3A_40], %broadcast_in_dim3A_36 {strides = array<i32>} : memref<2048xf32, #tpu.memory_space<vmem>>, vector<16xf32>,
    %swap3A_42 = arith.constant 48 : index
    %swap3A_43 = tpu.vector_load %arg15[%swap3A_42] {strides = array<i32>} : memref<2048xf32, #tpu.memory_space<vmem>>, vector<16xf32>,
    tpu.vector_store %arg15[%swap3A_42], %broadcast_in_dim3A_36 {strides = array<i32>} : memref<2048xf32, #tpu.memory_space<vmem>>, vector<16xf32>,
    %swap3A_44 = arith.constant 64 : index
    %swap3A_45 = tpu.vector_load %arg15[%swap3A_44] {strides = array<i32>} : memref<2048xf32, #tpu.memory_space<vmem>>, vector<16xf32>,
    tpu.vector_store %arg15[%swap3A_44], %broadcast_in_dim3A_36 {strides = array<i32>} : memref<2048xf32, #tpu.memory_space<vmem>>, vector<16xf32>,
    %swap3A_46 = arith.constant 80 : index
    %swap3A_47 = tpu.vector_load %arg15[%swap3A_46] {strides = array<i32>} : memref<2048xf32, #tpu.memory_space<vmem>>, vector<16xf32>,
    tpu.vector_store %arg15[%swap3A_46], %broadcast_in_dim3A_36 {strides = array<i32>} : memref<2048xf32, #tpu.memory_space<vmem>>, vector<16xf32>,
    %swap3A_48 = arith.constant 96 : index
    %swap3A_49 = tpu.vector_load %arg15[%swap3A_48] {strides = array<i32>} : memref<2048xf32, #tpu.memory_space<vmem>>, vector<16xf32>,
    tpu.vector_store %arg15[%swap3A_48], %broadcast_in_dim3A_36 {strides = array<i32>} : memref<2048xf32, #tpu.memory_space<vmem>>, vector<16xf32>,
    %swap3A_50 = arith.constant 112 : index
    %swap3A_51 = tpu.vector_load %arg15[%swap3A_50] {strides = array<i32>} : memref<2048xf32, #tpu.memory_space<vmem>>, vector<16xf32>,
    tpu.vector_store %arg15[%swap3A_50], %broadcast_in_dim3A_36 {strides = array<i32>} : memref<2048xf32, #tpu.memory_space<vmem>>, vector<16xf32>,
    %swap3A_52 = arith.constant 128 : index
    %swap3A_53 = tpu.vector_load %arg15[%swap3A_52] {strides = array<i32>} : memref<2048xf32, #tpu.memory_space<vmem>>, vector<16xf32>,
    tpu.vector_store %arg15[%swap3A_52], %broadcast_in_dim3A_36 {strides = array<i32>} : memref<2048xf32, #tpu.memory_space<vmem>>, vector<16xf32>,
    %swap3A_54 = arith.constant 144 : index
    %swap3A_55 = tpu.vector_load %arg15[%swap3A_54] {strides = array<i32>} : memref<2048xf32, #tpu.memory_space<vmem>>, vector<16xf32>,
    tpu.vector_store %arg15[%swap3A_54], %broadcast_in_dim3A_36 {strides = array<i32>} : memref<2048xf32, #tpu.memory_space<vmem>>, vector<16xf32>,
    %swap3A_56 = arith.constant 160 : index
    %swap3A_57 = tpu.vector_load %arg15[%swap3A_56] {strides = array<i32>} : memref<2048xf32, #tpu.memory_space<vmem>>, vector<16xf32>,
    tpu.vector_store %arg15[%swap3A_56], %broadcast_in_dim3A_36 {strides = array<i32>} : memref<2048xf32, #tpu.memory_space<vmem>>, vector<16xf32>,
    %swap3A_58 = arith.constant 176 : index
    %swap3A_59 = tpu.vector_load %arg15[%swap3A_58] {strides = array<i32>} : memref<2048xf32, #tpu.memory_space<vmem>>, vector<16xf32>,
    tpu.vector_store %arg15[%swap3A_58], %broadcast_in_dim3A_36 {strides = array<i32>} : memref<2048xf32, #tpu.memory_space<vmem>>, vector<16xf32>,
    %swap3A_60 = arith.constant 192 : index
    %swap3A_61 = tpu.vector_load %arg15[%swap3A_60] {strides = array<i32>} : memref<2048xf32, #tpu.memory_space<vmem>>, vector<16xf32>,
    tpu.vector_store %arg15[%swap3A_60], %broadcast_in_dim3A_36 {strides = array<i32>} : memref<2048xf32, #tpu.memory_space<vmem>>, vector<16xf32>,
    %swap3A_62 = arith.constant 208 : index
    %swap3A_63 = tpu.vector_load %arg15[%swap3A_62] {strides = array<i32>} : memref<2048xf32, #tpu.memory_space<vmem>>, vector<16xf32>,
    tpu.vector_store %arg15[%swap3A_62], %broadcast_in_dim3A_36 {strides = array<i32>} : memref<2048xf32, #tpu.memory_space<vmem>>, vector<16xf32>,
    %swap3A_64 = arith.constant 224 : index
    %swap3A_65 = tpu.vector_load %arg15[%swap3A_64] {strides = array<i32>} : memref<2048xf32, #tpu.memory_space<vmem>>, vector<16xf32>,
    tpu.vector_store %arg15[%swap3A_64], %broadcast_in_dim3A_36 {strides = array<i32>} : memref<2048xf32, #tpu.memory_space<vmem>>, vector<16xf32>,
    %swap3A_66 = arith.constant 240 : index
    %swap3A_67 = tpu.vector_load %arg15[%swap3A_66] {strides = array<i32>} : memref<2048xf32, #tpu.memory_space<vmem>>, vector<16xf32>,
    tpu.vector_store %arg15[%swap3A_66], %broadcast_in_dim3A_36 {strides = array<i32>} : memref<2048xf32, #tpu.memory_space<vmem>>, vector<16xf32>,
    %swap3A_68 = arith.constant 256 : index
    %swap3A_69 = tpu.vector_load %arg15[%swap3A_68] {strides = array<i32>} : memref<2048xf32, #tpu.memory_space<vmem>>, vector<16xf32>,
    tpu.vector_store %arg15[%swap3A_68], %broadcast_in_dim3A_36 {strides = array<i32>} : memref<2048xf32, #tpu.memory_space<vmem>>, vector<16xf32>,
    %swap3A_70 = arith.constant 272 : index
    %swap3A_71 = tpu.vector_load %arg15[%swap3A_70] {strides = array<i32>} : memref<2048xf32, #tpu.memory_space<vmem>>, vector<16xf32>,
    tpu.vector_store %arg15[%swap3A_70], %broadcast_in_dim3A_36 {strides = array<i32>} : memref<2048xf32, #tpu.memory_space<vmem>>, vector<16xf32>,
    %swap3A_72 = arith.constant 288 : index
    %swap3A_73 = tpu.vector_load %arg15[%swap3A_72] {strides = array<i32>} : memref<2048xf32, #tpu.memory_space<vmem>>, vector<16xf32>,
    tpu.vector_store %arg15[%swap3A_72], %broadcast_in_dim3A_36 {strides = array<i32>} : memref<2048xf32, #tpu.memory_space<vmem>>, vector<16xf32>,
    %swap3A_74 = arith.constant 304 : index
    %swap3A_75 = tpu.vector_load %arg15[%swap3A_74] {strides = array<i32>} : memref<2048xf32, #tpu.memory_space<vmem>>, vector<16xf32>,
    tpu.vector_store %arg15[%swap3A_74], %broadcast_in_dim3A_36 {strides = array<i32>} : memref<2048xf32, #tpu.memory_space<vmem>>, vector<16xf32>,
    %swap3A_76 = arith.constant 320 : index
    %swap3A_77 = tpu.vector_load %arg15[%swap3A_76] {strides = array<i32>} : memref<2048xf32, #tpu.memory_space<vmem>>, vector<16xf32>,
    tpu.vector_store %arg15[%swap3A_76], %broadcast_in_dim3A_36 {strides = array<i32>} : memref<2048xf32, #tpu.memory_space<vmem>>, vector<16xf32>,
    %swap3A_78 = arith.constant 336 : index
    %swap3A_79 = tpu.vector_load %arg15[%swap3A_78] {strides = array<i32>} : memref<2048xf32, #tpu.memory_space<vmem>>, vector<16xf32>,
    tpu.vector_store %arg15[%swap3A_78], %broadcast_in_dim3A_36 {strides = array<i32>} : memref<2048xf32, #tpu.memory_space<vmem>>, vector<16xf32>,
    %swap3A_80 = arith.constant 352 : index
    %swap3A_81 = tpu.vector_load %arg15[%swap3A_80] {strides = array<i32>} : memref<2048xf32, #tpu.memory_space<vmem>>, vector<16xf32>,
    tpu.vector_store %arg15[%swap3A_80], %broadcast_in_dim3A_36 {strides = array<i32>} : memref<2048xf32, #tpu.memory_space<vmem>>, vector<16xf32>,
    %swap3A_82 = arith.constant 368 : index
    %swap3A_83 = tpu.vector_load %arg15[%swap3A_82] {strides = array<i32>} : memref<2048xf32, #tpu.memory_space<vmem>>, vector<16xf32>,
    tpu.vector_store %arg15[%swap3A_82], %broadcast_in_dim3A_36 {strides = array<i32>} : memref<2048xf32, #tpu.memory_space<vmem>>, vector<16xf32>,
    %swap3A_84 = arith.constant 384 : index
    %swap3A_85 = tpu.vector_load %arg15[%swap3A_84] {strides = array<i32>} : memref<2048xf32, #tpu.memory_space<vmem>>, vector<16xf32>,
    tpu.vector_store %arg15[%swap3A_84], %broadcast_in_dim3A_36 {strides = array<i32>} : memref<2048xf32, #tpu.memory_space<vmem>>, vector<16xf32>,
    %swap3A_86 = arith.constant 400 : index
    %swap3A_87 = tpu.vector_load %arg15[%swap3A_86] {strides = array<i32>} : memref<2048xf32, #tpu.memory_space<vmem>>, vector<16xf32>,
    tpu.vector_store %arg15[%swap3A_86], %broadcast_in_dim3A_36 {strides = array<i32>} : memref<2048xf32, #tpu.memory_space<vmem>>, vector<16xf32>,
    %swap3A_88 = arith.constant 416 : index
    %swap3A_89 = tpu.vector_load %arg15[%swap3A_88] {strides = array<i32>} : memref<2048xf32, #tpu.memory_space<vmem>>, vector<16xf32>,
    tpu.vector_store %arg15[%swap3A_88], %broadcast_in_dim3A_36 {strides = array<i32>} : memref<2048xf32, #tpu.memory_space<vmem>>, vector<16xf32>,
    %swap3A_90 = arith.constant 432 : index
    %swap3A_91 = tpu.vector_load %arg15[%swap3A_90] {strides = array<i32>} : memref<2048xf32, #tpu.memory_space<vmem>>, vector<16xf32>,
    tpu.vector_store %arg15[%swap3A_90], %broadcast_in_dim3A_36 {strides = array<i32>} : memref<2048xf32, #tpu.memory_space<vmem>>, vector<16xf32>,
    %swap3A_92 = arith.constant 448 : index
    %swap3A_93 = tpu.vector_load %arg15[%swap3A_92] {strides = array<i32>} : memref<2048xf32, #tpu.memory_space<vmem>>, vector<16xf32>,
    tpu.vector_store %arg15[%swap3A_92], %broadcast_in_dim3A_36 {strides = array<i32>} : memref<2048xf32, #tpu.memory_space<vmem>>, vector<16xf32>,
    %swap3A_94 = arith.constant 464 : index
    %swap3A_95 = tpu.vector_load %arg15[%swap3A_94] {strides = array<i32>} : memref<2048xf32, #tpu.memory_space<vmem>>, vector<16xf32>,
    tpu.vector_store %arg15[%swap3A_94], %broadcast_in_dim3A_36 {strides = array<i32>} : memref<2048xf32, #tpu.memory_space<vmem>>, vector<16xf32>,
    %swap3A_96 = arith.constant 480 : index
    %swap3A_97 = tpu.vector_load %arg15[%swap3A_96] {strides = array<i32>} : memref<2048xf32, #tpu.memory_space<vmem>>, vector<16xf32>,
    tpu.vector_store %arg15[%swap3A_96], %broadcast_in_dim3A_36 {strides = array<i32>} : memref<2048xf32, #tpu.memory_space<vmem>>, vector<16xf32>,
    %swap3A_98 = arith.constant 496 : index
    %swap3A_99 = tpu.vector_load %arg15[%swap3A_98] {strides = array<i32>} : memref<2048xf32, #tpu.memory_space<vmem>>, vector<16xf32>,
    tpu.vector_store %arg15[%swap3A_98], %broadcast_in_dim3A_36 {strides = array<i32>} : memref<2048xf32, #tpu.memory_space<vmem>>, vector<16xf32>,
    %swap3A_100 = arith.constant 512 : index
    %swap3A_101 = tpu.vector_load %arg15[%swap3A_100] {strides = array<i32>} : memref<2048xf32, #tpu.memory_space<vmem>>, vector<16xf32>,
    tpu.vector_store %arg15[%swap3A_100], %broadcast_in_dim3A_36 {strides = array<i32>} : memref<2048xf32, #tpu.memory_space<vmem>>, vector<16xf32>,
    %swap3A_102 = arith.constant 528 : index
    %swap3A_103 = tpu.vector_load %arg15[%swap3A_102] {strides = array<i32>} : memref<2048xf32, #tpu.memory_space<vmem>>, vector<16xf32>,
    tpu.vector_store %arg15[%swap3A_102], %broadcast_in_dim3A_36 {strides = array<i32>} : memref<2048xf32, #tpu.memory_space<vmem>>, vector<16xf32>,
    %swap3A_104 = arith.constant 544 : index
    %swap3A_105 = tpu.vector_load %arg15[%swap3A_104] {strides = array<i32>} : memref<2048xf32, #tpu.memory_space<vmem>>, vector<16xf32>,
    tpu.vector_store %arg15[%swap3A_104], %broadcast_in_dim3A_36 {strides = array<i32>} : memref<2048xf32, #tpu.memory_space<vmem>>, vector<16xf32>,
    %swap3A_106 = arith.constant 560 : index
    %swap3A_107 = tpu.vector_load %arg15[%swap3A_106] {strides = array<i32>} : memref<2048xf32, #tpu.memory_space<vmem>>, vector<16xf32>,
    tpu.vector_store %arg15[%swap3A_106], %broadcast_in_dim3A_36 {strides = array<i32>} : memref<2048xf32, #tpu.memory_space<vmem>>, vector<16xf32>,
    %swap3A_108 = arith.constant 576 : index
    %swap3A_109 = tpu.vector_load %arg15[%swap3A_108] {strides = array<i32>} : memref<2048xf32, #tpu.memory_space<vmem>>, vector<16xf32>,
    tpu.vector_store %arg15[%swap3A_108], %broadcast_in_dim3A_36 {strides = array<i32>} : memref<2048xf32, #tpu.memory_space<vmem>>, vector<16xf32>,
    %swap3A_110 = arith.constant 592 : index
    %swap3A_111 = tpu.vector_load %arg15[%swap3A_110] {strides = array<i32>} : memref<2048xf32, #tpu.memory_space<vmem>>, vector<16xf32>,
    tpu.vector_store %arg15[%swap3A_110], %broadcast_in_dim3A_36 {strides = array<i32>} : memref<2048xf32, #tpu.memory_space<vmem>>, vector<16xf32>,
    %swap3A_112 = arith.constant 608 : index
    %swap3A_113 = tpu.vector_load %arg15[%swap3A_112] {strides = array<i32>} : memref<2048xf32, #tpu.memory_space<vmem>>, vector<16xf32>,
    tpu.vector_store %arg15[%swap3A_112], %broadcast_in_dim3A_36 {strides = array<i32>} : memref<2048xf32, #tpu.memory_space<vmem>>, vector<16xf32>,
    %swap3A_114 = arith.constant 624 : index
    %swap3A_115 = tpu.vector_load %arg15[%swap3A_114] {strides = array<i32>} : memref<2048xf32, #tpu.memory_space<vmem>>, vector<16xf32>,
    tpu.vector_store %arg15[%swap3A_114], %broadcast_in_dim3A_36 {strides = array<i32>} : memref<2048xf32, #tpu.memory_space<vmem>>, vector<16xf32>,
    %swap3A_116 = arith.constant 640 : index
    %swap3A_117 = tpu.vector_load %arg15[%swap3A_116] {strides = array<i32>} : memref<2048xf32, #tpu.memory_space<vmem>>, vector<16xf32>,
    tpu.vector_store %arg15[%swap3A_116], %broadcast_in_dim3A_36 {strides = array<i32>} : memref<2048xf32, #tpu.memory_space<vmem>>, vector<16xf32>,
    %swap3A_118 = arith.constant 656 : index
    %swap3A_119 = tpu.vector_load %arg15[%swap3A_118] {strides = array<i32>} : memref<2048xf32, #tpu.memory_space<vmem>>, vector<16xf32>,
    tpu.vector_store %arg15[%swap3A_118], %broadcast_in_dim3A_36 {strides = array<i32>} : memref<2048xf32, #tpu.memory_space<vmem>>, vector<16xf32>,
    %swap3A_120 = arith.constant 672 : index
    %swap3A_121 = tpu.vector_load %arg15[%swap3A_120] {strides = array<i32>} : memref<2048xf32, #tpu.memory_space<vmem>>, vector<16xf32>,
    tpu.vector_store %arg15[%swap3A_120], %broadcast_in_dim3A_36 {strides = array<i32>} : memref<2048xf32, #tpu.memory_space<vmem>>, vector<16xf32>,
    %swap3A_122 = arith.constant 688 : index
    %swap3A_123 = tpu.vector_load %arg15[%swap3A_122] {strides = array<i32>} : memref<2048xf32, #tpu.memory_space<vmem>>, vector<16xf32>,
    tpu.vector_store %arg15[%swap3A_122], %broadcast_in_dim3A_36 {strides = array<i32>} : memref<2048xf32, #tpu.memory_space<vmem>>, vector<16xf32>,
    %swap3A_124 = arith.constant 704 : index
    %swap3A_125 = tpu.vector_load %arg15[%swap3A_124] {strides = array<i32>} : memref<2048xf32, #tpu.memory_space<vmem>>, vector<16xf32>,
    tpu.vector_store %arg15[%swap3A_124], %broadcast_in_dim3A_36 {strides = array<i32>} : memref<2048xf32, #tpu.memory_space<vmem>>, vector<16xf32>,
    %swap3A_126 = arith.constant 720 : index
    %swap3A_127 = tpu.vector_load %arg15[%swap3A_126] {strides = array<i32>} : memref<2048xf32, #tpu.memory_space<vmem>>, vector<16xf32>,
    tpu.vector_store %arg15[%swap3A_126], %broadcast_in_dim3A_36 {strides = array<i32>} : memref<2048xf32, #tpu.memory_space<vmem>>, vector<16xf32>,
    %swap3A_128 = arith.constant 736 : index
    %swap3A_129 = tpu.vector_load %arg15[%swap3A_128] {strides = array<i32>} : memref<2048xf32, #tpu.memory_space<vmem>>, vector<16xf32>,
    tpu.vector_store %arg15[%swap3A_128], %broadcast_in_dim3A_36 {strides = array<i32>} : memref<2048xf32, #tpu.memory_space<vmem>>, vector<16xf32>,
    %swap3A_130 = arith.constant 752 : index
    %swap3A_131 = tpu.vector_load %arg15[%swap3A_130] {strides = array<i32>} : memref<2048xf32, #tpu.memory_space<vmem>>, vector<16xf32>,
    tpu.vector_store %arg15[%swap3A_130], %broadcast_in_dim3A_36 {strides = array<i32>} : memref<2048xf32, #tpu.memory_space<vmem>>, vector<16xf32>,
    %swap3A_132 = arith.constant 768 : index
    %swap3A_133 = tpu.vector_load %arg15[%swap3A_132] {strides = array<i32>} : memref<2048xf32, #tpu.memory_space<vmem>>, vector<16xf32>,
    tpu.vector_store %arg15[%swap3A_132], %broadcast_in_dim3A_36 {strides = array<i32>} : memref<2048xf32, #tpu.memory_space<vmem>>, vector<16xf32>,
    %swap3A_134 = arith.constant 784 : index
    %swap3A_135 = tpu.vector_load %arg15[%swap3A_134] {strides = array<i32>} : memref<2048xf32, #tpu.memory_space<vmem>>, vector<16xf32>,
    tpu.vector_store %arg15[%swap3A_134], %broadcast_in_dim3A_36 {strides = array<i32>} : memref<2048xf32, #tpu.memory_space<vmem>>, vector<16xf32>,
    %swap3A_136 = arith.constant 800 : index
    %swap3A_137 = tpu.vector_load %arg15[%swap3A_136] {strides = array<i32>} : memref<2048xf32, #tpu.memory_space<vmem>>, vector<16xf32>,
    tpu.vector_store %arg15[%swap3A_136], %broadcast_in_dim3A_36 {strides = array<i32>} : memref<2048xf32, #tpu.memory_space<vmem>>, vector<16xf32>,
    %swap3A_138 = arith.constant 816 : index
    %swap3A_139 = tpu.vector_load %arg15[%swap3A_138] {strides = array<i32>} : memref<2048xf32, #tpu.memory_space<vmem>>, vector<16xf32>,
    tpu.vector_store %arg15[%swap3A_138], %broadcast_in_dim3A_36 {strides = array<i32>} : memref<2048xf32, #tpu.memory_space<vmem>>, vector<16xf32>,
    %swap3A_140 = arith.constant 832 : index
    %swap3A_141 = tpu.vector_load %arg15[%swap3A_140] {strides = array<i32>} : memref<2048xf32, #tpu.memory_space<vmem>>, vector<16xf32>,
    tpu.vector_store %arg15[%swap3A_140], %broadcast_in_dim3A_36 {strides = array<i32>} : memref<2048xf32, #tpu.memory_space<vmem>>, vector<16xf32>,
    %swap3A_142 = arith.constant 848 : index
    %swap3A_143 = tpu.vector_load %arg15[%swap3A_142] {strides = array<i32>} : memref<2048xf32, #tpu.memory_space<vmem>>, vector<16xf32>,
    tpu.vector_store %arg15[%swap3A_142], %broadcast_in_dim3A_36 {strides = array<i32>} : memref<2048xf32, #tpu.memory_space<vmem>>, vector<16xf32>,
    %swap3A_144 = arith.constant 864 : index
    %swap3A_145 = tpu.vector_load %arg15[%swap3A_144] {strides = array<i32>} : memref<2048xf32, #tpu.memory_space<vmem>>, vector<16xf32>,
    tpu.vector_store %arg15[%swap3A_144], %broadcast_in_dim3A_36 {strides = array<i32>} : memref<2048xf32, #tpu.memory_space<vmem>>, vector<16xf32>,
    %swap3A_146 = arith.constant 880 : index
    %swap3A_147 = tpu.vector_load %arg15[%swap3A_146] {strides = array<i32>} : memref<2048xf32, #tpu.memory_space<vmem>>, vector<16xf32>,
    tpu.vector_store %arg15[%swap3A_146], %broadcast_in_dim3A_36 {strides = array<i32>} : memref<2048xf32, #tpu.memory_space<vmem>>, vector<16xf32>,
    %swap3A_148 = arith.constant 896 : index
    %swap3A_149 = tpu.vector_load %arg15[%swap3A_148] {strides = array<i32>} : memref<2048xf32, #tpu.memory_space<vmem>>, vector<16xf32>,
    tpu.vector_store %arg15[%swap3A_148], %broadcast_in_dim3A_36 {strides = array<i32>} : memref<2048xf32, #tpu.memory_space<vmem>>, vector<16xf32>,
    %swap3A_150 = arith.constant 912 : index
    %swap3A_151 = tpu.vector_load %arg15[%swap3A_150] {strides = array<i32>} : memref<2048xf32, #tpu.memory_space<vmem>>, vector<16xf32>,
    tpu.vector_store %arg15[%swap3A_150], %broadcast_in_dim3A_36 {strides = array<i32>} : memref<2048xf32, #tpu.memory_space<vmem>>, vector<16xf32>,
    %swap3A_152 = arith.constant 928 : index
    %swap3A_153 = tpu.vector_load %arg15[%swap3A_152] {strides = array<i32>} : memref<2048xf32, #tpu.memory_space<vmem>>, vector<16xf32>,
    tpu.vector_store %arg15[%swap3A_152], %broadcast_in_dim3A_36 {strides = array<i32>} : memref<2048xf32, #tpu.memory_space<vmem>>, vector<16xf32>,
    %swap3A_154 = arith.constant 944 : index
    %swap3A_155 = tpu.vector_load %arg15[%swap3A_154] {strides = array<i32>} : memref<2048xf32, #tpu.memory_space<vmem>>, vector<16xf32>,
    tpu.vector_store %arg15[%swap3A_154], %broadcast_in_dim3A_36 {strides = array<i32>} : memref<2048xf32, #tpu.memory_space<vmem>>, vector<16xf32>,
    %swap3A_156 = arith.constant 960 : index
    %swap3A_157 = tpu.vector_load %arg15[%swap3A_156] {strides = array<i32>} : memref<2048xf32, #tpu.memory_space<vmem>>, vector<16xf32>,
    tpu.vector_store %arg15[%swap3A_156], %broadcast_in_dim3A_36 {strides = array<i32>} : memref<2048xf32, #tpu.memory_space<vmem>>, vector<16xf32>,
    %swap3A_158 = arith.constant 976 : index
    %swap3A_159 = tpu.vector_load %arg15[%swap3A_158] {strides = array<i32>} : memref<2048xf32, #tpu.memory_space<vmem>>, vector<16xf32>,
    tpu.vector_store %arg15[%swap3A_158], %broadcast_in_dim3A_36 {strides = array<i32>} : memref<2048xf32, #tpu.memory_space<vmem>>, vector<16xf32>,
    %swap3A_160 = arith.constant 992 : index
    %swap3A_161 = tpu.vector_load %arg15[%swap3A_160] {strides = array<i32>} : memref<2048xf32, #tpu.memory_space<vmem>>, vector<16xf32>,
    tpu.vector_store %arg15[%swap3A_160], %broadcast_in_dim3A_36 {strides = array<i32>} : memref<2048xf32, #tpu.memory_space<vmem>>, vector<16xf32>,
    %swap3A_162 = arith.constant 1008 : index
    %swap3A_163 = tpu.vector_load %arg15[%swap3A_162] {strides = array<i32>} : memref<2048xf32, #tpu.memory_space<vmem>>, vector<16xf32>,
    tpu.vector_store %arg15[%swap3A_162], %broadcast_in_dim3A_36 {strides = array<i32>} : memref<2048xf32, #tpu.memory_space<vmem>>, vector<16xf32>,
    %swap3A_164 = arith.constant 1024 : index
    %swap3A_165 = tpu.vector_load %arg15[%swap3A_164] {strides = array<i32>} : memref<2048xf32, #tpu.memory_space<vmem>>, vector<16xf32>,
    tpu.vector_store %arg15[%swap3A_164], %broadcast_in_dim3A_36 {strides = array<i32>} : memref<2048xf32, #tpu.memory_space<vmem>>, vector<16xf32>,
    %swap3A_166 = arith.constant 1040 : index
    %swap3A_167 = tpu.vector_load %arg15[%swap3A_166] {strides = array<i32>} : memref<2048xf32, #tpu.memory_space<vmem>>, vector<16xf32>,
    tpu.vector_store %arg15[%swap3A_166], %broadcast_in_dim3A_36 {strides = array<i32>} : memref<2048xf32, #tpu.memory_space<vmem>>, vector<16xf32>,
    %swap3A_168 = arith.constant 1056 : index
    %swap3A_169 = tpu.vector_load %arg15[%swap3A_168] {strides = array<i32>} : memref<2048xf32, #tpu.memory_space<vmem>>, vector<16xf32>,
    tpu.vector_store %arg15[%swap3A_168], %broadcast_in_dim3A_36 {strides = array<i32>} : memref<2048xf32, #tpu.memory_space<vmem>>, vector<16xf32>,
    %swap3A_170 = arith.constant 1072 : index
    %swap3A_171 = tpu.vector_load %arg15[%swap3A_170] {strides = array<i32>} : memref<2048xf32, #tpu.memory_space<vmem>>, vector<16xf32>,
    tpu.vector_store %arg15[%swap3A_170], %broadcast_in_dim3A_36 {strides = array<i32>} : memref<2048xf32, #tpu.memory_space<vmem>>, vector<16xf32>,
    %swap3A_172 = arith.constant 1088 : index
    %swap3A_173 = tpu.vector_load %arg15[%swap3A_172] {strides = array<i32>} : memref<2048xf32, #tpu.memory_space<vmem>>, vector<16xf32>,
    tpu.vector_store %arg15[%swap3A_172], %broadcast_in_dim3A_36 {strides = array<i32>} : memref<2048xf32, #tpu.memory_space<vmem>>, vector<16xf32>,
    %swap3A_174 = arith.constant 1104 : index
    %swap3A_175 = tpu.vector_load %arg15[%swap3A_174] {strides = array<i32>} : memref<2048xf32, #tpu.memory_space<vmem>>, vector<16xf32>,
    tpu.vector_store %arg15[%swap3A_174], %broadcast_in_dim3A_36 {strides = array<i32>} : memref<2048xf32, #tpu.memory_space<vmem>>, vector<16xf32>,
    %swap3A_176 = arith.constant 1120 : index
    %swap3A_177 = tpu.vector_load %arg15[%swap3A_176] {strides = array<i32>} : memref<2048xf32, #tpu.memory_space<vmem>>, vector<16xf32>,
    tpu.vector_store %arg15[%swap3A_176], %broadcast_in_dim3A_36 {strides = array<i32>} : memref<2048xf32, #tpu.memory_space<vmem>>, vector<16xf32>,
    %swap3A_178 = arith.constant 1136 : index
    %swap3A_179 = tpu.vector_load %arg15[%swap3A_178] {strides = array<i32>} : memref<2048xf32, #tpu.memory_space<vmem>>, vector<16xf32>,
    tpu.vector_store %arg15[%swap3A_178], %broadcast_in_dim3A_36 {strides = array<i32>} : memref<2048xf32, #tpu.memory_space<vmem>>, vector<16xf32>,
    %swap3A_180 = arith.constant 1152 : index
    %swap3A_181 = tpu.vector_load %arg15[%swap3A_180] {strides = array<i32>} : memref<2048xf32, #tpu.memory_space<vmem>>, vector<16xf32>,
    tpu.vector_store %arg15[%swap3A_180], %broadcast_in_dim3A_36 {strides = array<i32>} : memref<2048xf32, #tpu.memory_space<vmem>>, vector<16xf32>,
    %swap3A_182 = arith.constant 1168 : index
    %swap3A_183 = tpu.vector_load %arg15[%swap3A_182] {strides = array<i32>} : memref<2048xf32, #tpu.memory_space<vmem>>, vector<16xf32>,
    tpu.vector_store %arg15[%swap3A_182], %broadcast_in_dim3A_36 {strides = array<i32>} : memref<2048xf32, #tpu.memory_space<vmem>>, vector<16xf32>,
    %swap3A_184 = arith.constant 1184 : index
    %swap3A_185 = tpu.vector_load %arg15[%swap3A_184] {strides = array<i32>} : memref<2048xf32, #tpu.memory_space<vmem>>, vector<16xf32>,
    tpu.vector_store %arg15[%swap3A_184], %broadcast_in_dim3A_36 {strides = array<i32>} : memref<2048xf32, #tpu.memory_space<vmem>>, vector<16xf32>,
    %swap3A_186 = arith.constant 1200 : index
    %swap3A_187 = tpu.vector_load %arg15[%swap3A_186] {strides = array<i32>} : memref<2048xf32, #tpu.memory_space<vmem>>, vector<16xf32>,
    tpu.vector_store %arg15[%swap3A_186], %broadcast_in_dim3A_36 {strides = array<i32>} : memref<2048xf32, #tpu.memory_space<vmem>>, vector<16xf32>,
    %swap3A_188 = arith.constant 1216 : index
    %swap3A_189 = tpu.vector_load %arg15[%swap3A_188] {strides = array<i32>} : memref<2048xf32, #tpu.memory_space<vmem>>, vector<16xf32>,
    tpu.vector_store %arg15[%swap3A_188], %broadcast_in_dim3A_36 {strides = array<i32>} : memref<2048xf32, #tpu.memory_space<vmem>>, vector<16xf32>,
    %swap3A_190 = arith.constant 1232 : index
    %swap3A_191 = tpu.vector_load %arg15[%swap3A_190] {strides = array<i32>} : memref<2048xf32, #tpu.memory_space<vmem>>, vector<16xf32>,
    tpu.vector_store %arg15[%swap3A_190], %broadcast_in_dim3A_36 {strides = array<i32>} : memref<2048xf32, #tpu.memory_space<vmem>>, vector<16xf32>,
    %swap3A_192 = arith.constant 1248 : index
    %swap3A_193 = tpu.vector_load %arg15[%swap3A_192] {strides = array<i32>} : memref<2048xf32, #tpu.memory_space<vmem>>, vector<16xf32>,
    tpu.vector_store %arg15[%swap3A_192], %broadcast_in_dim3A_36 {strides = array<i32>} : memref<2048xf32, #tpu.memory_space<vmem>>, vector<16xf32>,
    %swap3A_194 = arith.constant 1264 : index
    %swap3A_195 = tpu.vector_load %arg15[%swap3A_194] {strides = array<i32>} : memref<2048xf32, #tpu.memory_space<vmem>>, vector<16xf32>,
    tpu.vector_store %arg15[%swap3A_194], %broadcast_in_dim3A_36 {strides = array<i32>} : memref<2048xf32, #tpu.memory_space<vmem>>, vector<16xf32>,
    %swap3A_196 = arith.constant 1280 : index
    %swap3A_197 = tpu.vector_load %arg15[%swap3A_196] {strides = array<i32>} : memref<2048xf32, #tpu.memory_space<vmem>>, vector<16xf32>,
    tpu.vector_store %arg15[%swap3A_196], %broadcast_in_dim3A_36 {strides = array<i32>} : memref<2048xf32, #tpu.memory_space<vmem>>, vector<16xf32>,
    %swap3A_198 = arith.constant 1296 : index
    %swap3A_199 = tpu.vector_load %arg15[%swap3A_198] {strides = array<i32>} : memref<2048xf32, #tpu.memory_space<vmem>>, vector<16xf32>,
    tpu.vector_store %arg15[%swap3A_198], %broadcast_in_dim3A_36 {strides = array<i32>} : memref<2048xf32, #tpu.memory_space<vmem>>, vector<16xf32>,
    %swap3A_200 = arith.constant 1312 : index
    %swap3A_201 = tpu.vector_load %arg15[%swap3A_200] {strides = array<i32>} : memref<2048xf32, #tpu.memory_space<vmem>>, vector<16xf32>,
    tpu.vector_store %arg15[%swap3A_200], %broadcast_in_dim3A_36 {strides = array<i32>} : memref<2048xf32, #tpu.memory_space<vmem>>, vector<16xf32>,
    %swap3A_202 = arith.constant 1328 : index
    %swap3A_203 = tpu.vector_load %arg15[%swap3A_202] {strides = array<i32>} : memref<2048xf32, #tpu.memory_space<vmem>>, vector<16xf32>,
    tpu.vector_store %arg15[%swap3A_202], %broadcast_in_dim3A_36 {strides = array<i32>} : memref<2048xf32, #tpu.memory_space<vmem>>, vector<16xf32>,
    %swap3A_204 = arith.constant 1344 : index
    %swap3A_205 = tpu.vector_load %arg15[%swap3A_204] {strides = array<i32>} : memref<2048xf32, #tpu.memory_space<vmem>>, vector<16xf32>,
    tpu.vector_store %arg15[%swap3A_204], %broadcast_in_dim3A_36 {strides = array<i32>} : memref<2048xf32, #tpu.memory_space<vmem>>, vector<16xf32>,
    %swap3A_206 = arith.constant 1360 : index
    %swap3A_207 = tpu.vector_load %arg15[%swap3A_206] {strides = array<i32>} : memref<2048xf32, #tpu.memory_space<vmem>>, vector<16xf32>,
    tpu.vector_store %arg15[%swap3A_206], %broadcast_in_dim3A_36 {strides = array<i32>} : memref<2048xf32, #tpu.memory_space<vmem>>, vector<16xf32>,
    %swap3A_208 = arith.constant 1376 : index
    %swap3A_209 = tpu.vector_load %arg15[%swap3A_208] {strides = array<i32>} : memref<2048xf32, #tpu.memory_space<vmem>>, vector<16xf32>,
    tpu.vector_store %arg15[%swap3A_208], %broadcast_in_dim3A_36 {strides = array<i32>} : memref<2048xf32, #tpu.memory_space<vmem>>, vector<16xf32>,
    %swap3A_210 = arith.constant 1392 : index
    %swap3A_211 = tpu.vector_load %arg15[%swap3A_210] {strides = array<i32>} : memref<2048xf32, #tpu.memory_space<vmem>>, vector<16xf32>,
    tpu.vector_store %arg15[%swap3A_210], %broadcast_in_dim3A_36 {strides = array<i32>} : memref<2048xf32, #tpu.memory_space<vmem>>, vector<16xf32>,
    %swap3A_212 = arith.constant 1408 : index
    %swap3A_213 = tpu.vector_load %arg15[%swap3A_212] {strides = array<i32>} : memref<2048xf32, #tpu.memory_space<vmem>>, vector<16xf32>,
    tpu.vector_store %arg15[%swap3A_212], %broadcast_in_dim3A_36 {strides = array<i32>} : memref<2048xf32, #tpu.memory_space<vmem>>, vector<16xf32>,
    %swap3A_214 = arith.constant 1424 : index
    %swap3A_215 = tpu.vector_load %arg15[%swap3A_214] {strides = array<i32>} : memref<2048xf32, #tpu.memory_space<vmem>>, vector<16xf32>,
    tpu.vector_store %arg15[%swap3A_214], %broadcast_in_dim3A_36 {strides = array<i32>} : memref<2048xf32, #tpu.memory_space<vmem>>, vector<16xf32>,
    %swap3A_216 = arith.constant 1440 : index
    %swap3A_217 = tpu.vector_load %arg15[%swap3A_216] {strides = array<i32>} : memref<2048xf32, #tpu.memory_space<vmem>>, vector<16xf32>,
    tpu.vector_store %arg15[%swap3A_216], %broadcast_in_dim3A_36 {strides = array<i32>} : memref<2048xf32, #tpu.memory_space<vmem>>, vector<16xf32>,
    %swap3A_218 = arith.constant 1456 : index
    %swap3A_219 = tpu.vector_load %arg15[%swap3A_218] {strides = array<i32>} : memref<2048xf32, #tpu.memory_space<vmem>>, vector<16xf32>,
    tpu.vector_store %arg15[%swap3A_218], %broadcast_in_dim3A_36 {strides = array<i32>} : memref<2048xf32, #tpu.memory_space<vmem>>, vector<16xf32>,
    %swap3A_220 = arith.constant 1472 : index
    %swap3A_221 = tpu.vector_load %arg15[%swap3A_220] {strides = array<i32>} : memref<2048xf32, #tpu.memory_space<vmem>>, vector<16xf32>,
    tpu.vector_store %arg15[%swap3A_220], %broadcast_in_dim3A_36 {strides = array<i32>} : memref<2048xf32, #tpu.memory_space<vmem>>, vector<16xf32>,
    %swap3A_222 = arith.constant 1488 : index
    %swap3A_223 = tpu.vector_load %arg15[%swap3A_222] {strides = array<i32>} : memref<2048xf32, #tpu.memory_space<vmem>>, vector<16xf32>,
    tpu.vector_store %arg15[%swap3A_222], %broadcast_in_dim3A_36 {strides = array<i32>} : memref<2048xf32, #tpu.memory_space<vmem>>, vector<16xf32>,
    %swap3A_224 = arith.constant 1504 : index
    %swap3A_225 = tpu.vector_load %arg15[%swap3A_224] {strides = array<i32>} : memref<2048xf32, #tpu.memory_space<vmem>>, vector<16xf32>,
    tpu.vector_store %arg15[%swap3A_224], %broadcast_in_dim3A_36 {strides = array<i32>} : memref<2048xf32, #tpu.memory_space<vmem>>, vector<16xf32>,
    %swap3A_226 = arith.constant 1520 : index
    %swap3A_227 = tpu.vector_load %arg15[%swap3A_226] {strides = array<i32>} : memref<2048xf32, #tpu.memory_space<vmem>>, vector<16xf32>,
    tpu.vector_store %arg15[%swap3A_226], %broadcast_in_dim3A_36 {strides = array<i32>} : memref<2048xf32, #tpu.memory_space<vmem>>, vector<16xf32>,
    %swap3A_228 = arith.constant 1536 : index
    %swap3A_229 = tpu.vector_load %arg15[%swap3A_228] {strides = array<i32>} : memref<2048xf32, #tpu.memory_space<vmem>>, vector<16xf32>,
    tpu.vector_store %arg15[%swap3A_228], %broadcast_in_dim3A_36 {strides = array<i32>} : memref<2048xf32, #tpu.memory_space<vmem>>, vector<16xf32>,
    %swap3A_230 = arith.constant 1552 : index
    %swap3A_231 = tpu.vector_load %arg15[%swap3A_230] {strides = array<i32>} : memref<2048xf32, #tpu.memory_space<vmem>>, vector<16xf32>,
    tpu.vector_store %arg15[%swap3A_230], %broadcast_in_dim3A_36 {strides = array<i32>} : memref<2048xf32, #tpu.memory_space<vmem>>, vector<16xf32>,
    %swap3A_232 = arith.constant 1568 : index
    %swap3A_233 = tpu.vector_load %arg15[%swap3A_232] {strides = array<i32>} : memref<2048xf32, #tpu.memory_space<vmem>>, vector<16xf32>,
    tpu.vector_store %arg15[%swap3A_232], %broadcast_in_dim3A_36 {strides = array<i32>} : memref<2048xf32, #tpu.memory_space<vmem>>, vector<16xf32>,
    %swap3A_234 = arith.constant 1584 : index
    %swap3A_235 = tpu.vector_load %arg15[%swap3A_234] {strides = array<i32>} : memref<2048xf32, #tpu.memory_space<vmem>>, vector<16xf32>,
    tpu.vector_store %arg15[%swap3A_234], %broadcast_in_dim3A_36 {strides = array<i32>} : memref<2048xf32, #tpu.memory_space<vmem>>, vector<16xf32>,
    %swap3A_236 = arith.constant 1600 : index
    %swap3A_237 = tpu.vector_load %arg15[%swap3A_236] {strides = array<i32>} : memref<2048xf32, #tpu.memory_space<vmem>>, vector<16xf32>,
    tpu.vector_store %arg15[%swap3A_236], %broadcast_in_dim3A_36 {strides = array<i32>} : memref<2048xf32, #tpu.memory_space<vmem>>, vector<16xf32>,
    %swap3A_238 = arith.constant 1616 : index
    %swap3A_239 = tpu.vector_load %arg15[%swap3A_238] {strides = array<i32>} : memref<2048xf32, #tpu.memory_space<vmem>>, vector<16xf32>,
    tpu.vector_store %arg15[%swap3A_238], %broadcast_in_dim3A_36 {strides = array<i32>} : memref<2048xf32, #tpu.memory_space<vmem>>, vector<16xf32>,
    %swap3A_240 = arith.constant 1632 : index
    %swap3A_241 = tpu.vector_load %arg15[%swap3A_240] {strides = array<i32>} : memref<2048xf32, #tpu.memory_space<vmem>>, vector<16xf32>,
    tpu.vector_store %arg15[%swap3A_240], %broadcast_in_dim3A_36 {strides = array<i32>} : memref<2048xf32, #tpu.memory_space<vmem>>, vector<16xf32>,
    %swap3A_242 = arith.constant 1648 : index
    %swap3A_243 = tpu.vector_load %arg15[%swap3A_242] {strides = array<i32>} : memref<2048xf32, #tpu.memory_space<vmem>>, vector<16xf32>,
    tpu.vector_store %arg15[%swap3A_242], %broadcast_in_dim3A_36 {strides = array<i32>} : memref<2048xf32, #tpu.memory_space<vmem>>, vector<16xf32>,
    %swap3A_244 = arith.constant 1664 : index
    %swap3A_245 = tpu.vector_load %arg15[%swap3A_244] {strides = array<i32>} : memref<2048xf32, #tpu.memory_space<vmem>>, vector<16xf32>,
    tpu.vector_store %arg15[%swap3A_244], %broadcast_in_dim3A_36 {strides = array<i32>} : memref<2048xf32, #tpu.memory_space<vmem>>, vector<16xf32>,
    %swap3A_246 = arith.constant 1680 : index
    %swap3A_247 = tpu.vector_load %arg15[%swap3A_246] {strides = array<i32>} : memref<2048xf32, #tpu.memory_space<vmem>>, vector<16xf32>,
    tpu.vector_store %arg15[%swap3A_246], %broadcast_in_dim3A_36 {strides = array<i32>} : memref<2048xf32, #tpu.memory_space<vmem>>, vector<16xf32>,
    %swap3A_248 = arith.constant 1696 : index
    %swap3A_249 = tpu.vector_load %arg15[%swap3A_248] {strides = array<i32>} : memref<2048xf32, #tpu.memory_space<vmem>>, vector<16xf32>,
    tpu.vector_store %arg15[%swap3A_248], %broadcast_in_dim3A_36 {strides = array<i32>} : memref<2048xf32, #tpu.memory_space<vmem>>, vector<16xf32>,
    %swap3A_250 = arith.constant 1712 : index
    %swap3A_251 = tpu.vector_load %arg15[%swap3A_250] {strides = array<i32>} : memref<2048xf32, #tpu.memory_space<vmem>>, vector<16xf32>,
    tpu.vector_store %arg15[%swap3A_250], %broadcast_in_dim3A_36 {strides = array<i32>} : memref<2048xf32, #tpu.memory_space<vmem>>, vector<16xf32>,
    %swap3A_252 = arith.constant 1728 : index
    %swap3A_253 = tpu.vector_load %arg15[%swap3A_252] {strides = array<i32>} : memref<2048xf32, #tpu.memory_space<vmem>>, vector<16xf32>,
    tpu.vector_store %arg15[%swap3A_252], %broadcast_in_dim3A_36 {strides = array<i32>} : memref<2048xf32, #tpu.memory_space<vmem>>, vector<16xf32>,
    %swap3A_254 = arith.constant 1744 : index
    %swap3A_255 = tpu.vector_load %arg15[%swap3A_254] {strides = array<i32>} : memref<2048xf32, #tpu.memory_space<vmem>>, vector<16xf32>,
    tpu.vector_store %arg15[%swap3A_254], %broadcast_in_dim3A_36 {strides = array<i32>} : memref<2048xf32, #tpu.memory_space<vmem>>, vector<16xf32>,
    %swap3A_256 = arith.constant 1760 : index
    %swap3A_257 = tpu.vector_load %arg15[%swap3A_256] {strides = array<i32>} : memref<2048xf32, #tpu.memory_space<vmem>>, vector<16xf32>,
    tpu.vector_store %arg15[%swap3A_256], %broadcast_in_dim3A_36 {strides = array<i32>} : memref<2048xf32, #tpu.memory_space<vmem>>, vector<16xf32>,
    %swap3A_258 = arith.constant 1776 : index
    %swap3A_259 = tpu.vector_load %arg15[%swap3A_258] {strides = array<i32>} : memref<2048xf32, #tpu.memory_space<vmem>>, vector<16xf32>,
    tpu.vector_store %arg15[%swap3A_258], %broadcast_in_dim3A_36 {strides = array<i32>} : memref<2048xf32, #tpu.memory_space<vmem>>, vector<16xf32>,
    %swap3A_260 = arith.constant 1792 : index
    %swap3A_261 = tpu.vector_load %arg15[%swap3A_260] {strides = array<i32>} : memref<2048xf32, #tpu.memory_space<vmem>>, vector<16xf32>,
    tpu.vector_store %arg15[%swap3A_260], %broadcast_in_dim3A_36 {strides = array<i32>} : memref<2048xf32, #tpu.memory_space<vmem>>, vector<16xf32>,
    %swap3A_262 = arith.constant 1808 : index
    %swap3A_263 = tpu.vector_load %arg15[%swap3A_262] {strides = array<i32>} : memref<2048xf32, #tpu.memory_space<vmem>>, vector<16xf32>,
    tpu.vector_store %arg15[%swap3A_262], %broadcast_in_dim3A_36 {strides = array<i32>} : memref<2048xf32, #tpu.memory_space<vmem>>, vector<16xf32>,
    %swap3A_264 = arith.constant 1824 : index
    %swap3A_265 = tpu.vector_load %arg15[%swap3A_264] {strides = array<i32>} : memref<2048xf32, #tpu.memory_space<vmem>>, vector<16xf32>,
    tpu.vector_store %arg15[%swap3A_264], %broadcast_in_dim3A_36 {strides = array<i32>} : memref<2048xf32, #tpu.memory_space<vmem>>, vector<16xf32>,
    %swap3A_266 = arith.constant 1840 : index
    %swap3A_267 = tpu.vector_load %arg15[%swap3A_266] {strides = array<i32>} : memref<2048xf32, #tpu.memory_space<vmem>>, vector<16xf32>,
    tpu.vector_store %arg15[%swap3A_266], %broadcast_in_dim3A_36 {strides = array<i32>} : memref<2048xf32, #tpu.memory_space<vmem>>, vector<16xf32>,
    %swap3A_268 = arith.constant 1856 : index
    %swap3A_269 = tpu.vector_load %arg15[%swap3A_268] {strides = array<i32>} : memref<2048xf32, #tpu.memory_space<vmem>>, vector<16xf32>,
    tpu.vector_store %arg15[%swap3A_268], %broadcast_in_dim3A_36 {strides = array<i32>} : memref<2048xf32, #tpu.memory_space<vmem>>, vector<16xf32>,
    %swap3A_270 = arith.constant 1872 : index
    %swap3A_271 = tpu.vector_load %arg15[%swap3A_270] {strides = array<i32>} : memref<2048xf32, #tpu.memory_space<vmem>>, vector<16xf32>,
    tpu.vector_store %arg15[%swap3A_270], %broadcast_in_dim3A_36 {strides = array<i32>} : memref<2048xf32, #tpu.memory_space<vmem>>, vector<16xf32>,
    %swap3A_272 = arith.constant 1888 : index
    %swap3A_273 = tpu.vector_load %arg15[%swap3A_272] {strides = array<i32>} : memref<2048xf32, #tpu.memory_space<vmem>>, vector<16xf32>,
    tpu.vector_store %arg15[%swap3A_272], %broadcast_in_dim3A_36 {strides = array<i32>} : memref<2048xf32, #tpu.memory_space<vmem>>, vector<16xf32>,
    %swap3A_274 = arith.constant 1904 : index
    %swap3A_275 = tpu.vector_load %arg15[%swap3A_274] {strides = array<i32>} : memref<2048xf32, #tpu.memory_space<vmem>>, vector<16xf32>,
    tpu.vector_store %arg15[%swap3A_274], %broadcast_in_dim3A_36 {strides = array<i32>} : memref<2048xf32, #tpu.memory_space<vmem>>, vector<16xf32>,
    %swap3A_276 = arith.constant 1920 : index
    %swap3A_277 = tpu.vector_load %arg15[%swap3A_276] {strides = array<i32>} : memref<2048xf32, #tpu.memory_space<vmem>>, vector<16xf32>,
    tpu.vector_store %arg15[%swap3A_276], %broadcast_in_dim3A_36 {strides = array<i32>} : memref<2048xf32, #tpu.memory_space<vmem>>, vector<16xf32>,
    %swap3A_278 = arith.constant 1936 : index
    %swap3A_279 = tpu.vector_load %arg15[%swap3A_278] {strides = array<i32>} : memref<2048xf32, #tpu.memory_space<vmem>>, vector<16xf32>,
    tpu.vector_store %arg15[%swap3A_278], %broadcast_in_dim3A_36 {strides = array<i32>} : memref<2048xf32, #tpu.memory_space<vmem>>, vector<16xf32>,
    %swap3A_280 = arith.constant 1952 : index
    %swap3A_281 = tpu.vector_load %arg15[%swap3A_280] {strides = array<i32>} : memref<2048xf32, #tpu.memory_space<vmem>>, vector<16xf32>,
    tpu.vector_store %arg15[%swap3A_280], %broadcast_in_dim3A_36 {strides = array<i32>} : memref<2048xf32, #tpu.memory_space<vmem>>, vector<16xf32>,
    %swap3A_282 = arith.constant 1968 : index
    %swap3A_283 = tpu.vector_load %arg15[%swap3A_282] {strides = array<i32>} : memref<2048xf32, #tpu.memory_space<vmem>>, vector<16xf32>,
    tpu.vector_store %arg15[%swap3A_282], %broadcast_in_dim3A_36 {strides = array<i32>} : memref<2048xf32, #tpu.memory_space<vmem>>, vector<16xf32>,
    %swap3A_284 = arith.constant 1984 : index
    %swap3A_285 = tpu.vector_load %arg15[%swap3A_284] {strides = array<i32>} : memref<2048xf32, #tpu.memory_space<vmem>>, vector<16xf32>,
    tpu.vector_store %arg15[%swap3A_284], %broadcast_in_dim3A_36 {strides = array<i32>} : memref<2048xf32, #tpu.memory_space<vmem>>, vector<16xf32>,
    %swap3A_286 = arith.constant 2000 : index
    %swap3A_287 = tpu.vector_load %arg15[%swap3A_286] {strides = array<i32>} : memref<2048xf32, #tpu.memory_space<vmem>>, vector<16xf32>,
    tpu.vector_store %arg15[%swap3A_286], %broadcast_in_dim3A_36 {strides = array<i32>} : memref<2048xf32, #tpu.memory_space<vmem>>, vector<16xf32>,
    %swap3A_288 = arith.constant 2016 : index
    %swap3A_289 = tpu.vector_load %arg15[%swap3A_288] {strides = array<i32>} : memref<2048xf32, #tpu.memory_space<vmem>>, vector<16xf32>,
    tpu.vector_store %arg15[%swap3A_288], %broadcast_in_dim3A_36 {strides = array<i32>} : memref<2048xf32, #tpu.memory_space<vmem>>, vector<16xf32>,
    %swap3A_290 = arith.constant 2032 : index
    %swap3A_291 = tpu.vector_load %arg15[%swap3A_290] {strides = array<i32>} : memref<2048xf32, #tpu.memory_space<vmem>>, vector<16xf32>,
    tpu.vector_store %arg15[%swap3A_290], %broadcast_in_dim3A_36 {strides = array<i32>} : memref<2048xf32, #tpu.memory_space<vmem>>, vector<16xf32>,
    %broadcast_in_dim3A_292 = arith.constant 0 : i32
    %broadcast_in_dim3A_293 = vector.broadcast %broadcast_in_dim3A_292 : i32 to vector<16xi32>
    %scan3A = arith.constant 0 : i32
    %scan3A_294 = arith.constant 1024 : i32
    %scan3A_295 = arith.addi %scan3A, %scan3A_294 : i32
    %scan3A_296 = arith.constant 1 : i32
    %scan3A_297 = scf.for %scan3A_302 = %scan3A to %scan3A_295 step %scan3A_296 iter_args(%scan3A_303 = %broadcast_in_dim3A_293) -> (vector<16xi32>)  : i32 {
      %broadcast_in_dim3A_304 = vector.broadcast %scan3A_302 : i32 to vector<16xi32>
      tpu.vector_store_idx %arg16[%broadcast_in_dim3A_304], %scan3A_303 masked %eq3A_35 : memref<1024xi32, #tpu.memory_space<vmem>>[vector<16xi32>], vector<16xi32>, vector<16xi1>
      %gather3A = tpu.vector_load_idx %arg11[%scan3A_303] : memref<16384xf32, #tpu.memory_space<vmem>>[vector<16xi32>], vector<16xf32>,
      %gather3A_305 = tpu.vector_load_idx %arg12[%scan3A_303] : memref<16384xf32, #tpu.memory_space<vmem>>[vector<16xi32>], vector<16xf32>,
      %gather3A_306 = tpu.vector_load_idx %arg13[%scan3A_303] : memref<16384xf32, #tpu.memory_space<vmem>>[vector<16xi32>], vector<16xf32>,
      %broadcast_in_dim3A_307 = arith.constant -1.000000e+00 : f32
      %broadcast_in_dim3A_308 = vector.broadcast %broadcast_in_dim3A_307 : f32 to vector<16xf32>
      %broadcast_in_dim3A_309 = arith.constant 0 : i32
      %broadcast_in_dim3A_310 = vector.broadcast %broadcast_in_dim3A_309 : i32 to vector<16xi32>
      %scan3A_311 = arith.constant 0 : i32
      %scan3A_312 = arith.constant 128 : i32
      %scan3A_313 = arith.addi %scan3A_311, %scan3A_312 : i32
      %scan3A_314 = arith.constant 1 : i32
      %scan3A_315:2 = scf.for %scan3A_465 = %scan3A_311 to %scan3A_313 step %scan3A_314 iter_args(%scan3A_466 = %broadcast_in_dim3A_308, %scan3A_467 = %broadcast_in_dim3A_310) -> (vector<16xf32>, vector<16xi32>)  : i32 {
        %mul3A_468 = arith.constant 16 : i32
        %mul3A_469 = arith.muli %scan3A_465, %mul3A_468 : i32
        %add3A_470 = arith.addi %mul3A_32, %mul3A_469 : i32
        %get3A_471 = arith.index_cast %add3A_470 : i32 to index
        %get3A_472 = tpu.vector_load %arg11[%get3A_471] {strides = array<i32>} : memref<16384xf32, #tpu.memory_space<vmem>>, vector<16xf32>,
        %sub3A_473 = arith.subf %get3A_472, %gather3A : vector<16xf32>
        %add3A_474 = arith.addi %mul3A_32, %mul3A_469 : i32
        %get3A_475 = arith.index_cast %add3A_474 : i32 to index
        %get3A_476 = tpu.vector_load %arg12[%get3A_475] {strides = array<i32>} : memref<16384xf32, #tpu.memory_space<vmem>>, vector<16xf32>,
        %sub3A_477 = arith.subf %get3A_476, %gather3A_305 : vector<16xf32>
        %add3A_478 = arith.addi %mul3A_32, %mul3A_469 : i32
        %get3A_479 = arith.index_cast %add3A_478 : i32 to index
        %get3A_480 = tpu.vector_load %arg13[%get3A_479] {strides = array<i32>} : memref<16384xf32, #tpu.memory_space<vmem>>, vector<16xf32>,
        %sub3A_481 = arith.subf %get3A_480, %gather3A_306 : vector<16xf32>
        %mul3A_482 = arith.mulf %sub3A_473, %sub3A_473 : vector<16xf32>
        %mul3A_483 = arith.mulf %sub3A_477, %sub3A_477 : vector<16xf32>
        %add3A_484 = arith.addf %mul3A_482, %mul3A_483 : vector<16xf32>
        %mul3A_485 = arith.mulf %sub3A_481, %sub3A_481 : vector<16xf32>
        %add3A_486 = arith.addf %add3A_484, %mul3A_485 : vector<16xf32>
        %get3A_487 = arith.index_cast %mul3A_469 : i32 to index
        %get3A_488 = tpu.vector_load %arg15[%get3A_487] {strides = array<i32>} : memref<2048xf32, #tpu.memory_space<vmem>>, vector<16xf32>,
        %min3A = arith.minimumf %get3A_488, %add3A_486 : vector<16xf32>
        %swap3A_489 = arith.index_cast %mul3A_469 : i32 to index
        %swap3A_490 = tpu.vector_load %arg15[%swap3A_489] {strides = array<i32>} : memref<2048xf32, #tpu.memory_space<vmem>>, vector<16xf32>,
        tpu.vector_store %arg15[%swap3A_489], %min3A {strides = array<i32>} : memref<2048xf32, #tpu.memory_space<vmem>>, vector<16xf32>,
        %gt3A_491 = arith.cmpf ogt, %min3A, %scan3A_466 : vector<16xf32>
        %select_n3A_492 = arith.select %gt3A_491, %min3A, %scan3A_466 : vector<16xi1>, vector<16xf32>
        %add3A_493 = arith.addi %mul3A_32, %mul3A_469 : i32
        %add3A_494 = vector.broadcast %add3A_493 : i32 to vector<16xi32>
        %add3A_495 = arith.addi %add3A_494, %iota3A : vector<16xi32>
        %select_n3A_496 = arith.select %gt3A_491, %add3A_495, %scan3A_467 : vector<16xi1>, vector<16xi32>
        scf.yield %select_n3A_492, %select_n3A_496 : vector<16xf32>, vector<16xi32>
      }
      %scan3A_316 = arith.constant 128 : i32
      %reduce_max3A = arith.constant true
      %reduce_max3A_317 = vector.broadcast %reduce_max3A : i1 to vector<16xi1>
      %reduce_max3A_318 = tpu.scan <max>, %scan3A_315#0 masked %reduce_max3A_317 : vector<16xf32>, vector<16xi1> -> vector<16xf32>
      %reduce_max3A_319 = vector.extract %reduce_max3A_318[15] : f32 from vector<16xf32>
      %eq3A_320 = vector.broadcast %reduce_max3A_319 : f32 to vector<16xf32>
      %eq3A_321 = arith.cmpf oeq, %scan3A_315#0, %eq3A_320 : vector<16xf32>
      %jit3A_322 = arith.constant 16384 : i32
      %broadcast_in_dim3A_323 = vector.broadcast %jit3A_322 : i32 to vector<16xi32>
      %select_n3A_324 = arith.select %eq3A_321, %scan3A_315#1, %broadcast_in_dim3A_323 : vector<16xi1>, vector<16xi32>
      %reduce_min3A = arith.constant true
      %reduce_min3A_325 = vector.broadcast %reduce_min3A : i1 to vector<16xi1>
      %reduce_min3A_326 = arith.constant -2147483648 : i32
      %reduce_min3A_327 = vector.broadcast %reduce_min3A_326 : i32 to vector<16xi32>
      %reduce_min3A_328 = arith.xori %select_n3A_324, %reduce_min3A_327 : vector<16xi32>
      %reduce_min3A_329 = tpu.scan <min>, %reduce_min3A_328 masked %reduce_min3A_325 : vector<16xi32>, vector<16xi1> -> vector<16xi32>
      %reduce_min3A_330 = arith.xori %reduce_min3A_329, %reduce_min3A_327 : vector<16xi32>
      %reduce_min3A_331 = vector.extract %reduce_min3A_330[15] : i32 from vector<16xi32>
      %jit3A_332 = arith.constant 2 : i32
      %eq3A_333 = arith.constant 0 : i32
      %eq3A_334 = arith.cmpi eq, %jit3A_332, %eq3A_333 : i32
      %jit3A_335 = arith.constant 1 : i32
      %select_n3A_336 = arith.select %eq3A_334, %jit3A_335, %jit3A_332 : i32
      %rem3A_337 = arith.remsi %scan3A_302, %select_n3A_336 : i32
      %ne3A_338 = arith.constant 0 : i32
      %ne3A_339 = arith.cmpi ne, %rem3A_337, %ne3A_338 : i32
      %lt3A_340 = arith.constant 0 : i32
      %lt3A_341 = arith.cmpi slt, %rem3A_337, %lt3A_340 : i32
      %lt3A_342 = arith.constant 0 : i32
      %lt3A_343 = arith.cmpi slt, %select_n3A_336, %lt3A_342 : i32
      %ne3A_344 = arith.xori %lt3A_341, %lt3A_343 : i1
      %and3A_345 = arith.andi %ne3A_344, %ne3A_339 : i1
      %add3A_346 = arith.addi %rem3A_337, %select_n3A_336 : i32
      %select_n3A_347 = arith.select %and3A_345, %add3A_346, %rem3A_337 : i32
      %broadcast_in_dim3A_348 = vector.broadcast %reduce_max3A_319 : f32 to vector<16xf32>
      %bitcast3A = vector.bitcast %broadcast_in_dim3A_348 : vector<16xf32> to vector<16xi32>
      %swap3A_349 = arith.constant 0 : index
      %swap3A_350 = tpu.vector_load %arg17[%swap3A_349] {strides = array<i32>} : memref<32xi32, #tpu.memory_space<vmem>>, vector<16xi32>,
      tpu.vector_store %arg17[%swap3A_349], %bitcast3A {strides = array<i32>} : memref<32xi32, #tpu.memory_space<vmem>>, vector<16xi32>,
      %broadcast_in_dim3A_351 = vector.broadcast %reduce_min3A_331 : i32 to vector<16xi32>
      %swap3A_352 = arith.constant 16 : index
      %swap3A_353 = tpu.vector_load %arg17[%swap3A_352] {strides = array<i32>} : memref<32xi32, #tpu.memory_space<vmem>>, vector<16xi32>,
      tpu.vector_store %arg17[%swap3A_352], %broadcast_in_dim3A_351 {strides = array<i32>} : memref<32xi32, #tpu.memory_space<vmem>>, vector<16xi32>,
      %mul3A_354 = arith.constant 512 : i32
      %mul3A_355 = arith.muli %select_n3A_347, %mul3A_354 : i32
      %mul3A_356 = arith.constant 32 : i32
      %mul3A_357 = arith.muli %arg1, %mul3A_356 : i32
      %add3A_358 = arith.addi %mul3A_355, %mul3A_357 : i32
      "tpu.region"() ({
        %run_scoped3A = tpu.sem_alloc : memref<!tpu.dma_semaphore, #tpu.memory_space<semaphore_mem>>
        %dma_start3A = tpu.memref_slice %arg18[%add3A_358] : memref<1024xi32, #tpu.memory_space<vmem_shared>> -> memref<32xi32, #tpu.memory_space<vmem_shared>>
        %dma_start3A_465 = tpu.memref_slice %arg18[%add3A_358] : memref<1024xi32, #tpu.memory_space<vmem_shared>> -> memref<32xi32, #tpu.memory_space<vmem_shared>>
        tpu.enqueue_dma source(%arg17 : memref<32xi32, #tpu.memory_space<vmem>>) target(%dma_start3A_465 : memref<32xi32, #tpu.memory_space<vmem_shared>>) target_semaphore(%run_scoped3A : memref<!tpu.dma_semaphore, #tpu.memory_space<semaphore_mem>>)
        %dma_wait3A = tpu.memref_slice %arg18[%add3A_358] : memref<1024xi32, #tpu.memory_space<vmem_shared>> -> memref<32xi32, #tpu.memory_space<vmem_shared>>
        %dma_wait3A_466 = tpu.memref_slice %arg18[%add3A_358] : memref<1024xi32, #tpu.memory_space<vmem_shared>> -> memref<32xi32, #tpu.memory_space<vmem_shared>>
        tpu.wait_dma2 semaphore(%run_scoped3A : memref<!tpu.dma_semaphore, #tpu.memory_space<semaphore_mem>>) src(%arg17 : memref<32xi32, #tpu.memory_space<vmem>>) dst(%dma_wait3A_466 : memref<32xi32, #tpu.memory_space<vmem_shared>>)
        tpu.yield
      }) : () -> ()
      %barrier3A = arith.constant 0 : index
      tpu.barrier barrier_id(%barrier3A)
      %jit3A_359 = arith.constant 8 : i32
      %div3A_360 = arith.divsi %arg1, %jit3A_359 : i32
      %sign3A_361 = arith.constant 0 : i32
      %sign3A_362 = arith.cmpi sgt, %arg1, %sign3A_361 : i32
      %sign3A_363 = arith.extui %sign3A_362 : i1 to i32
      %sign3A_364 = arith.constant 0 : i32
      %sign3A_365 = arith.cmpi slt, %arg1, %sign3A_364 : i32
      %sign3A_366 = arith.extui %sign3A_365 : i1 to i32
      %sign3A_367 = arith.subi %sign3A_363, %sign3A_366 : i32
      %sign3A_368 = arith.constant 0 : i32
      %sign3A_369 = arith.cmpi sgt, %jit3A_359, %sign3A_368 : i32
      %sign3A_370 = arith.extui %sign3A_369 : i1 to i32
      %sign3A_371 = arith.constant 0 : i32
      %sign3A_372 = arith.cmpi slt, %jit3A_359, %sign3A_371 : i32
      %sign3A_373 = arith.extui %sign3A_372 : i1 to i32
      %sign3A_374 = arith.subi %sign3A_370, %sign3A_373 : i32
      %ne3A_375 = arith.cmpi ne, %sign3A_367, %sign3A_374 : i32
      %rem3A_376 = arith.remsi %arg1, %jit3A_359 : i32
      %ne3A_377 = arith.constant 0 : i32
      %ne3A_378 = arith.cmpi ne, %rem3A_376, %ne3A_377 : i32
      %and3A_379 = arith.andi %ne3A_375, %ne3A_378 : i1
      %sub3A_380 = arith.constant 1 : i32
      %sub3A_381 = arith.subi %div3A_360, %sub3A_380 : i32
      %select_n3A_382 = arith.select %and3A_379, %sub3A_381, %div3A_360 : i32
      %mul3A_383 = arith.constant 8 : i32
      %mul3A_384 = arith.muli %select_n3A_382, %mul3A_383 : i32
      %mul3A_385 = arith.constant 512 : i32
      %mul3A_386 = arith.muli %select_n3A_347, %mul3A_385 : i32
      %mul3A_387 = arith.constant 32 : i32
      %mul3A_388 = arith.muli %mul3A_384, %mul3A_387 : i32
      %add3A_389 = arith.addi %mul3A_386, %mul3A_388 : i32
      "tpu.region"() ({
        %run_scoped3A = tpu.sem_alloc : memref<!tpu.dma_semaphore, #tpu.memory_space<semaphore_mem>>
        %dma_start3A = tpu.memref_slice %arg18[%add3A_389] : memref<1024xi32, #tpu.memory_space<vmem_shared>> -> memref<256xi32, #tpu.memory_space<vmem_shared>>
        %dma_start3A_465 = tpu.memref_slice %arg18[%add3A_389] : memref<1024xi32, #tpu.memory_space<vmem_shared>> -> memref<256xi32, #tpu.memory_space<vmem_shared>>
        tpu.enqueue_dma source(%dma_start3A_465 : memref<256xi32, #tpu.memory_space<vmem_shared>>) target(%arg19 : memref<256xi32, #tpu.memory_space<vmem>>) target_semaphore(%run_scoped3A : memref<!tpu.dma_semaphore, #tpu.memory_space<semaphore_mem>>)
        %dma_wait3A = tpu.memref_slice %arg18[%add3A_389] : memref<1024xi32, #tpu.memory_space<vmem_shared>> -> memref<256xi32, #tpu.memory_space<vmem_shared>>
        %dma_wait3A_466 = tpu.memref_slice %arg18[%add3A_389] : memref<1024xi32, #tpu.memory_space<vmem_shared>> -> memref<256xi32, #tpu.memory_space<vmem_shared>>
        tpu.wait_dma2 semaphore(%run_scoped3A : memref<!tpu.dma_semaphore, #tpu.memory_space<semaphore_mem>>) src(%dma_wait3A_466 : memref<256xi32, #tpu.memory_space<vmem_shared>>) dst(%arg19 : memref<256xi32, #tpu.memory_space<vmem>>)
        tpu.yield
      }) : () -> ()
      %broadcast_in_dim3A_390 = arith.constant -1.000000e+00 : f32
      %broadcast_in_dim3A_391 = vector.broadcast %broadcast_in_dim3A_390 : f32 to vector<16xf32>
      %broadcast_in_dim3A_392 = arith.constant 0 : i32
      %broadcast_in_dim3A_393 = vector.broadcast %broadcast_in_dim3A_392 : i32 to vector<16xi32>
      %get3A = arith.constant 0 : index
      %get3A_394 = tpu.vector_load %arg19[%get3A] {strides = array<i32>} : memref<256xi32, #tpu.memory_space<vmem>>, vector<16xi32>,
      %bitcast3A_395 = vector.bitcast %get3A_394 : vector<16xi32> to vector<16xf32>
      %get3A_396 = arith.constant 16 : index
      %get3A_397 = tpu.vector_load %arg19[%get3A_396] {strides = array<i32>} : memref<256xi32, #tpu.memory_space<vmem>>, vector<16xi32>,
      %gt3A = arith.cmpf ogt, %bitcast3A_395, %broadcast_in_dim3A_391 : vector<16xf32>
      %select_n3A_398 = arith.select %gt3A, %bitcast3A_395, %broadcast_in_dim3A_391 : vector<16xi1>, vector<16xf32>
      %select_n3A_399 = arith.select %gt3A, %get3A_397, %broadcast_in_dim3A_393 : vector<16xi1>, vector<16xi32>
      %get3A_400 = arith.constant 32 : index
      %get3A_401 = tpu.vector_load %arg19[%get3A_400] {strides = array<i32>} : memref<256xi32, #tpu.memory_space<vmem>>, vector<16xi32>,
      %bitcast3A_402 = vector.bitcast %get3A_401 : vector<16xi32> to vector<16xf32>
      %get3A_403 = arith.constant 48 : index
      %get3A_404 = tpu.vector_load %arg19[%get3A_403] {strides = array<i32>} : memref<256xi32, #tpu.memory_space<vmem>>, vector<16xi32>,
      %gt3A_405 = arith.cmpf ogt, %bitcast3A_402, %select_n3A_398 : vector<16xf32>
      %select_n3A_406 = arith.select %gt3A_405, %bitcast3A_402, %select_n3A_398 : vector<16xi1>, vector<16xf32>
      %select_n3A_407 = arith.select %gt3A_405, %get3A_404, %select_n3A_399 : vector<16xi1>, vector<16xi32>
      %get3A_408 = arith.constant 64 : index
      %get3A_409 = tpu.vector_load %arg19[%get3A_408] {strides = array<i32>} : memref<256xi32, #tpu.memory_space<vmem>>, vector<16xi32>,
      %bitcast3A_410 = vector.bitcast %get3A_409 : vector<16xi32> to vector<16xf32>
      %get3A_411 = arith.constant 80 : index
      %get3A_412 = tpu.vector_load %arg19[%get3A_411] {strides = array<i32>} : memref<256xi32, #tpu.memory_space<vmem>>, vector<16xi32>,
      %gt3A_413 = arith.cmpf ogt, %bitcast3A_410, %select_n3A_406 : vector<16xf32>
      %select_n3A_414 = arith.select %gt3A_413, %bitcast3A_410, %select_n3A_406 : vector<16xi1>, vector<16xf32>
      %select_n3A_415 = arith.select %gt3A_413, %get3A_412, %select_n3A_407 : vector<16xi1>, vector<16xi32>
      %get3A_416 = arith.constant 96 : index
      %get3A_417 = tpu.vector_load %arg19[%get3A_416] {strides = array<i32>} : memref<256xi32, #tpu.memory_space<vmem>>, vector<16xi32>,
      %bitcast3A_418 = vector.bitcast %get3A_417 : vector<16xi32> to vector<16xf32>
      %get3A_419 = arith.constant 112 : index
      %get3A_420 = tpu.vector_load %arg19[%get3A_419] {strides = array<i32>} : memref<256xi32, #tpu.memory_space<vmem>>, vector<16xi32>,
      %gt3A_421 = arith.cmpf ogt, %bitcast3A_418, %select_n3A_414 : vector<16xf32>
      %select_n3A_422 = arith.select %gt3A_421, %bitcast3A_418, %select_n3A_414 : vector<16xi1>, vector<16xf32>
      %select_n3A_423 = arith.select %gt3A_421, %get3A_420, %select_n3A_415 : vector<16xi1>, vector<16xi32>
      %get3A_424 = arith.constant 128 : index
      %get3A_425 = tpu.vector_load %arg19[%get3A_424] {strides = array<i32>} : memref<256xi32, #tpu.memory_space<vmem>>, vector<16xi32>,
      %bitcast3A_426 = vector.bitcast %get3A_425 : vector<16xi32> to vector<16xf32>
      %get3A_427 = arith.constant 144 : index
      %get3A_428 = tpu.vector_load %arg19[%get3A_427] {strides = array<i32>} : memref<256xi32, #tpu.memory_space<vmem>>, vector<16xi32>,
      %gt3A_429 = arith.cmpf ogt, %bitcast3A_426, %select_n3A_422 : vector<16xf32>
      %select_n3A_430 = arith.select %gt3A_429, %bitcast3A_426, %select_n3A_422 : vector<16xi1>, vector<16xf32>
      %select_n3A_431 = arith.select %gt3A_429, %get3A_428, %select_n3A_423 : vector<16xi1>, vector<16xi32>
      %get3A_432 = arith.constant 160 : index
      %get3A_433 = tpu.vector_load %arg19[%get3A_432] {strides = array<i32>} : memref<256xi32, #tpu.memory_space<vmem>>, vector<16xi32>,
      %bitcast3A_434 = vector.bitcast %get3A_433 : vector<16xi32> to vector<16xf32>
      %get3A_435 = arith.constant 176 : index
      %get3A_436 = tpu.vector_load %arg19[%get3A_435] {strides = array<i32>} : memref<256xi32, #tpu.memory_space<vmem>>, vector<16xi32>,
      %gt3A_437 = arith.cmpf ogt, %bitcast3A_434, %select_n3A_430 : vector<16xf32>
      %select_n3A_438 = arith.select %gt3A_437, %bitcast3A_434, %select_n3A_430 : vector<16xi1>, vector<16xf32>
      %select_n3A_439 = arith.select %gt3A_437, %get3A_436, %select_n3A_431 : vector<16xi1>, vector<16xi32>
      %get3A_440 = arith.constant 192 : index
      %get3A_441 = tpu.vector_load %arg19[%get3A_440] {strides = array<i32>} : memref<256xi32, #tpu.memory_space<vmem>>, vector<16xi32>,
      %bitcast3A_442 = vector.bitcast %get3A_441 : vector<16xi32> to vector<16xf32>
      %get3A_443 = arith.constant 208 : index
      %get3A_444 = tpu.vector_load %arg19[%get3A_443] {strides = array<i32>} : memref<256xi32, #tpu.memory_space<vmem>>, vector<16xi32>,
      %gt3A_445 = arith.cmpf ogt, %bitcast3A_442, %select_n3A_438 : vector<16xf32>
      %select_n3A_446 = arith.select %gt3A_445, %bitcast3A_442, %select_n3A_438 : vector<16xi1>, vector<16xf32>
      %select_n3A_447 = arith.select %gt3A_445, %get3A_444, %select_n3A_439 : vector<16xi1>, vector<16xi32>
      %get3A_448 = arith.constant 224 : index
      %get3A_449 = tpu.vector_load %arg19[%get3A_448] {strides = array<i32>} : memref<256xi32, #tpu.memory_space<vmem>>, vector<16xi32>,
      %bitcast3A_450 = vector.bitcast %get3A_449 : vector<16xi32> to vector<16xf32>
      %get3A_451 = arith.constant 240 : index
      %get3A_452 = tpu.vector_load %arg19[%get3A_451] {strides = array<i32>} : memref<256xi32, #tpu.memory_space<vmem>>, vector<16xi32>,
      %gt3A_453 = arith.cmpf ogt, %bitcast3A_450, %select_n3A_446 : vector<16xf32>
      %select_n3A_454 = arith.select %gt3A_453, %bitcast3A_450, %select_n3A_446 : vector<16xi1>, vector<16xf32>
      %select_n3A_455 = arith.select %gt3A_453, %get3A_452, %select_n3A_447 : vector<16xi1>, vector<16xi32>
      %ge3A = arith.constant 0 : i32
      %ge3A_456 = vector.broadcast %ge3A : i32 to vector<16xi32>
      %ge3A_457 = arith.cmpi sge, %select_n3A_455, %ge3A_456 : vector<16xi32>
      %lt3A_458 = arith.constant 16384 : i32
      %lt3A_459 = vector.broadcast %lt3A_458 : i32 to vector<16xi32>
      %lt3A_460 = arith.cmpi slt, %select_n3A_455, %lt3A_459 : vector<16xi32>
      %and3A_461 = arith.andi %ge3A_457, %lt3A_460 : vector<16xi1>
      %jit3A_462 = arith.constant 0 : i32
      %broadcast_in_dim3A_463 = vector.broadcast %jit3A_462 : i32 to vector<16xi32>
      %select_n3A_464 = arith.select %and3A_461, %select_n3A_455, %broadcast_in_dim3A_463 : vector<16xi1>, vector<16xi32>
      scf.yield %select_n3A_464 : vector<16xi32>
    }
    %scan3A_298 = arith.constant 1024 : i32
    %eq3A_299 = arith.constant 0 : i32
    %eq3A_300 = arith.cmpi eq, %select_n3A_30, %eq3A_299 : i32
    %convert_element_type3A = arith.extui %eq3A_300 : i1 to i32
    %cond3A = arith.constant 0 : i32
    %cond3A_301 = arith.cmpi ne, %convert_element_type3A, %cond3A : i32
    scf.if %cond3A_301 {
      %get3A = arith.constant 0 : index
      %get3A_302 = tpu.vector_load %arg16[%get3A] {strides = array<i32>} : memref<1024xi32, #tpu.memory_space<vmem>>, vector<16xi32>,
      %gather3A = tpu.vector_load_idx %arg11[%get3A_302] : memref<16384xf32, #tpu.memory_space<vmem>>[vector<16xi32>], vector<16xf32>,
      %swap3A_303 = arith.constant 0 : i32
      %swap3A_304 = arith.index_cast %swap3A_303 : i32 to index
      %swap3A_305 = arith.constant 0 : index
      %swap3A_306 = tpu.vector_load %arg20[%swap3A_304, %swap3A_305] {strides = array<i32>} : memref<4x1024xf32, #tpu.memory_space<vmem>>, vector<16xf32>,
      tpu.vector_store %arg20[%swap3A_304, %swap3A_305], %gather3A {strides = array<i32>} : memref<4x1024xf32, #tpu.memory_space<vmem>>, vector<16xf32>,
      %gather3A_307 = tpu.vector_load_idx %arg12[%get3A_302] : memref<16384xf32, #tpu.memory_space<vmem>>[vector<16xi32>], vector<16xf32>,
      %swap3A_308 = arith.constant 1 : i32
      %swap3A_309 = arith.index_cast %swap3A_308 : i32 to index
      %swap3A_310 = arith.constant 0 : index
      %swap3A_311 = tpu.vector_load %arg20[%swap3A_309, %swap3A_310] {strides = array<i32>} : memref<4x1024xf32, #tpu.memory_space<vmem>>, vector<16xf32>,
      tpu.vector_store %arg20[%swap3A_309, %swap3A_310], %gather3A_307 {strides = array<i32>} : memref<4x1024xf32, #tpu.memory_space<vmem>>, vector<16xf32>,
      %gather3A_312 = tpu.vector_load_idx %arg13[%get3A_302] : memref<16384xf32, #tpu.memory_space<vmem>>[vector<16xi32>], vector<16xf32>,
      %swap3A_313 = arith.constant 2 : i32
      %swap3A_314 = arith.index_cast %swap3A_313 : i32 to index
      %swap3A_315 = arith.constant 0 : index
      %swap3A_316 = tpu.vector_load %arg20[%swap3A_314, %swap3A_315] {strides = array<i32>} : memref<4x1024xf32, #tpu.memory_space<vmem>>, vector<16xf32>,
      tpu.vector_store %arg20[%swap3A_314, %swap3A_315], %gather3A_312 {strides = array<i32>} : memref<4x1024xf32, #tpu.memory_space<vmem>>, vector<16xf32>,
      %gather3A_317 = tpu.vector_load_idx %arg14[%get3A_302] : memref<16384xf32, #tpu.memory_space<vmem>>[vector<16xi32>], vector<16xf32>,
      %swap3A_318 = arith.constant 3 : i32
      %swap3A_319 = arith.index_cast %swap3A_318 : i32 to index
      %swap3A_320 = arith.constant 0 : index
      %swap3A_321 = tpu.vector_load %arg20[%swap3A_319, %swap3A_320] {strides = array<i32>} : memref<4x1024xf32, #tpu.memory_space<vmem>>, vector<16xf32>,
      tpu.vector_store %arg20[%swap3A_319, %swap3A_320], %gather3A_317 {strides = array<i32>} : memref<4x1024xf32, #tpu.memory_space<vmem>>, vector<16xf32>,
      %get3A_322 = arith.constant 16 : index
      %get3A_323 = tpu.vector_load %arg16[%get3A_322] {strides = array<i32>} : memref<1024xi32, #tpu.memory_space<vmem>>, vector<16xi32>,
      %gather3A_324 = tpu.vector_load_idx %arg11[%get3A_323] : memref<16384xf32, #tpu.memory_space<vmem>>[vector<16xi32>], vector<16xf32>,
      %swap3A_325 = arith.constant 0 : i32
      %swap3A_326 = arith.index_cast %swap3A_325 : i32 to index
      %swap3A_327 = arith.constant 16 : index
      %swap3A_328 = tpu.vector_load %arg20[%swap3A_326, %swap3A_327] {strides = array<i32>} : memref<4x1024xf32, #tpu.memory_space<vmem>>, vector<16xf32>,
      tpu.vector_store %arg20[%swap3A_326, %swap3A_327], %gather3A_324 {strides = array<i32>} : memref<4x1024xf32, #tpu.memory_space<vmem>>, vector<16xf32>,
      %gather3A_329 = tpu.vector_load_idx %arg12[%get3A_323] : memref<16384xf32, #tpu.memory_space<vmem>>[vector<16xi32>], vector<16xf32>,
      %swap3A_330 = arith.constant 1 : i32
      %swap3A_331 = arith.index_cast %swap3A_330 : i32 to index
      %swap3A_332 = arith.constant 16 : index
      %swap3A_333 = tpu.vector_load %arg20[%swap3A_331, %swap3A_332] {strides = array<i32>} : memref<4x1024xf32, #tpu.memory_space<vmem>>, vector<16xf32>,
      tpu.vector_store %arg20[%swap3A_331, %swap3A_332], %gather3A_329 {strides = array<i32>} : memref<4x1024xf32, #tpu.memory_space<vmem>>, vector<16xf32>,
      %gather3A_334 = tpu.vector_load_idx %arg13[%get3A_323] : memref<16384xf32, #tpu.memory_space<vmem>>[vector<16xi32>], vector<16xf32>,
      %swap3A_335 = arith.constant 2 : i32
      %swap3A_336 = arith.index_cast %swap3A_335 : i32 to index
      %swap3A_337 = arith.constant 16 : index
      %swap3A_338 = tpu.vector_load %arg20[%swap3A_336, %swap3A_337] {strides = array<i32>} : memref<4x1024xf32, #tpu.memory_space<vmem>>, vector<16xf32>,
      tpu.vector_store %arg20[%swap3A_336, %swap3A_337], %gather3A_334 {strides = array<i32>} : memref<4x1024xf32, #tpu.memory_space<vmem>>, vector<16xf32>,
      %gather3A_339 = tpu.vector_load_idx %arg14[%get3A_323] : memref<16384xf32, #tpu.memory_space<vmem>>[vector<16xi32>], vector<16xf32>,
      %swap3A_340 = arith.constant 3 : i32
      %swap3A_341 = arith.index_cast %swap3A_340 : i32 to index
      %swap3A_342 = arith.constant 16 : index
      %swap3A_343 = tpu.vector_load %arg20[%swap3A_341, %swap3A_342] {strides = array<i32>} : memref<4x1024xf32, #tpu.memory_space<vmem>>, vector<16xf32>,
      tpu.vector_store %arg20[%swap3A_341, %swap3A_342], %gather3A_339 {strides = array<i32>} : memref<4x1024xf32, #tpu.memory_space<vmem>>, vector<16xf32>,
      %get3A_344 = arith.constant 32 : index
      %get3A_345 = tpu.vector_load %arg16[%get3A_344] {strides = array<i32>} : memref<1024xi32, #tpu.memory_space<vmem>>, vector<16xi32>,
      %gather3A_346 = tpu.vector_load_idx %arg11[%get3A_345] : memref<16384xf32, #tpu.memory_space<vmem>>[vector<16xi32>], vector<16xf32>,
      %swap3A_347 = arith.constant 0 : i32
      %swap3A_348 = arith.index_cast %swap3A_347 : i32 to index
      %swap3A_349 = arith.constant 32 : index
      %swap3A_350 = tpu.vector_load %arg20[%swap3A_348, %swap3A_349] {strides = array<i32>} : memref<4x1024xf32, #tpu.memory_space<vmem>>, vector<16xf32>,
      tpu.vector_store %arg20[%swap3A_348, %swap3A_349], %gather3A_346 {strides = array<i32>} : memref<4x1024xf32, #tpu.memory_space<vmem>>, vector<16xf32>,
      %gather3A_351 = tpu.vector_load_idx %arg12[%get3A_345] : memref<16384xf32, #tpu.memory_space<vmem>>[vector<16xi32>], vector<16xf32>,
      %swap3A_352 = arith.constant 1 : i32
      %swap3A_353 = arith.index_cast %swap3A_352 : i32 to index
      %swap3A_354 = arith.constant 32 : index
      %swap3A_355 = tpu.vector_load %arg20[%swap3A_353, %swap3A_354] {strides = array<i32>} : memref<4x1024xf32, #tpu.memory_space<vmem>>, vector<16xf32>,
      tpu.vector_store %arg20[%swap3A_353, %swap3A_354], %gather3A_351 {strides = array<i32>} : memref<4x1024xf32, #tpu.memory_space<vmem>>, vector<16xf32>,
      %gather3A_356 = tpu.vector_load_idx %arg13[%get3A_345] : memref<16384xf32, #tpu.memory_space<vmem>>[vector<16xi32>], vector<16xf32>,
      %swap3A_357 = arith.constant 2 : i32
      %swap3A_358 = arith.index_cast %swap3A_357 : i32 to index
      %swap3A_359 = arith.constant 32 : index
      %swap3A_360 = tpu.vector_load %arg20[%swap3A_358, %swap3A_359] {strides = array<i32>} : memref<4x1024xf32, #tpu.memory_space<vmem>>, vector<16xf32>,
      tpu.vector_store %arg20[%swap3A_358, %swap3A_359], %gather3A_356 {strides = array<i32>} : memref<4x1024xf32, #tpu.memory_space<vmem>>, vector<16xf32>,
      %gather3A_361 = tpu.vector_load_idx %arg14[%get3A_345] : memref<16384xf32, #tpu.memory_space<vmem>>[vector<16xi32>], vector<16xf32>,
      %swap3A_362 = arith.constant 3 : i32
      %swap3A_363 = arith.index_cast %swap3A_362 : i32 to index
      %swap3A_364 = arith.constant 32 : index
      %swap3A_365 = tpu.vector_load %arg20[%swap3A_363, %swap3A_364] {strides = array<i32>} : memref<4x1024xf32, #tpu.memory_space<vmem>>, vector<16xf32>,
      tpu.vector_store %arg20[%swap3A_363, %swap3A_364], %gather3A_361 {strides = array<i32>} : memref<4x1024xf32, #tpu.memory_space<vmem>>, vector<16xf32>,
      %get3A_366 = arith.constant 48 : index
      %get3A_367 = tpu.vector_load %arg16[%get3A_366] {strides = array<i32>} : memref<1024xi32, #tpu.memory_space<vmem>>, vector<16xi32>,
      %gather3A_368 = tpu.vector_load_idx %arg11[%get3A_367] : memref<16384xf32, #tpu.memory_space<vmem>>[vector<16xi32>], vector<16xf32>,
      %swap3A_369 = arith.constant 0 : i32
      %swap3A_370 = arith.index_cast %swap3A_369 : i32 to index
      %swap3A_371 = arith.constant 48 : index
      %swap3A_372 = tpu.vector_load %arg20[%swap3A_370, %swap3A_371] {strides = array<i32>} : memref<4x1024xf32, #tpu.memory_space<vmem>>, vector<16xf32>,
      tpu.vector_store %arg20[%swap3A_370, %swap3A_371], %gather3A_368 {strides = array<i32>} : memref<4x1024xf32, #tpu.memory_space<vmem>>, vector<16xf32>,
      %gather3A_373 = tpu.vector_load_idx %arg12[%get3A_367] : memref<16384xf32, #tpu.memory_space<vmem>>[vector<16xi32>], vector<16xf32>,
      %swap3A_374 = arith.constant 1 : i32
      %swap3A_375 = arith.index_cast %swap3A_374 : i32 to index
      %swap3A_376 = arith.constant 48 : index
      %swap3A_377 = tpu.vector_load %arg20[%swap3A_375, %swap3A_376] {strides = array<i32>} : memref<4x1024xf32, #tpu.memory_space<vmem>>, vector<16xf32>,
      tpu.vector_store %arg20[%swap3A_375, %swap3A_376], %gather3A_373 {strides = array<i32>} : memref<4x1024xf32, #tpu.memory_space<vmem>>, vector<16xf32>,
      %gather3A_378 = tpu.vector_load_idx %arg13[%get3A_367] : memref<16384xf32, #tpu.memory_space<vmem>>[vector<16xi32>], vector<16xf32>,
      %swap3A_379 = arith.constant 2 : i32
      %swap3A_380 = arith.index_cast %swap3A_379 : i32 to index
      %swap3A_381 = arith.constant 48 : index
      %swap3A_382 = tpu.vector_load %arg20[%swap3A_380, %swap3A_381] {strides = array<i32>} : memref<4x1024xf32, #tpu.memory_space<vmem>>, vector<16xf32>,
      tpu.vector_store %arg20[%swap3A_380, %swap3A_381], %gather3A_378 {strides = array<i32>} : memref<4x1024xf32, #tpu.memory_space<vmem>>, vector<16xf32>,
      %gather3A_383 = tpu.vector_load_idx %arg14[%get3A_367] : memref<16384xf32, #tpu.memory_space<vmem>>[vector<16xi32>], vector<16xf32>,
      %swap3A_384 = arith.constant 3 : i32
      %swap3A_385 = arith.index_cast %swap3A_384 : i32 to index
      %swap3A_386 = arith.constant 48 : index
      %swap3A_387 = tpu.vector_load %arg20[%swap3A_385, %swap3A_386] {strides = array<i32>} : memref<4x1024xf32, #tpu.memory_space<vmem>>, vector<16xf32>,
      tpu.vector_store %arg20[%swap3A_385, %swap3A_386], %gather3A_383 {strides = array<i32>} : memref<4x1024xf32, #tpu.memory_space<vmem>>, vector<16xf32>,
      %get3A_388 = arith.constant 64 : index
      %get3A_389 = tpu.vector_load %arg16[%get3A_388] {strides = array<i32>} : memref<1024xi32, #tpu.memory_space<vmem>>, vector<16xi32>,
      %gather3A_390 = tpu.vector_load_idx %arg11[%get3A_389] : memref<16384xf32, #tpu.memory_space<vmem>>[vector<16xi32>], vector<16xf32>,
      %swap3A_391 = arith.constant 0 : i32
      %swap3A_392 = arith.index_cast %swap3A_391 : i32 to index
      %swap3A_393 = arith.constant 64 : index
      %swap3A_394 = tpu.vector_load %arg20[%swap3A_392, %swap3A_393] {strides = array<i32>} : memref<4x1024xf32, #tpu.memory_space<vmem>>, vector<16xf32>,
      tpu.vector_store %arg20[%swap3A_392, %swap3A_393], %gather3A_390 {strides = array<i32>} : memref<4x1024xf32, #tpu.memory_space<vmem>>, vector<16xf32>,
      %gather3A_395 = tpu.vector_load_idx %arg12[%get3A_389] : memref<16384xf32, #tpu.memory_space<vmem>>[vector<16xi32>], vector<16xf32>,
      %swap3A_396 = arith.constant 1 : i32
      %swap3A_397 = arith.index_cast %swap3A_396 : i32 to index
      %swap3A_398 = arith.constant 64 : index
      %swap3A_399 = tpu.vector_load %arg20[%swap3A_397, %swap3A_398] {strides = array<i32>} : memref<4x1024xf32, #tpu.memory_space<vmem>>, vector<16xf32>,
      tpu.vector_store %arg20[%swap3A_397, %swap3A_398], %gather3A_395 {strides = array<i32>} : memref<4x1024xf32, #tpu.memory_space<vmem>>, vector<16xf32>,
      %gather3A_400 = tpu.vector_load_idx %arg13[%get3A_389] : memref<16384xf32, #tpu.memory_space<vmem>>[vector<16xi32>], vector<16xf32>,
      %swap3A_401 = arith.constant 2 : i32
      %swap3A_402 = arith.index_cast %swap3A_401 : i32 to index
      %swap3A_403 = arith.constant 64 : index
      %swap3A_404 = tpu.vector_load %arg20[%swap3A_402, %swap3A_403] {strides = array<i32>} : memref<4x1024xf32, #tpu.memory_space<vmem>>, vector<16xf32>,
      tpu.vector_store %arg20[%swap3A_402, %swap3A_403], %gather3A_400 {strides = array<i32>} : memref<4x1024xf32, #tpu.memory_space<vmem>>, vector<16xf32>,
      %gather3A_405 = tpu.vector_load_idx %arg14[%get3A_389] : memref<16384xf32, #tpu.memory_space<vmem>>[vector<16xi32>], vector<16xf32>,
      %swap3A_406 = arith.constant 3 : i32
      %swap3A_407 = arith.index_cast %swap3A_406 : i32 to index
      %swap3A_408 = arith.constant 64 : index
      %swap3A_409 = tpu.vector_load %arg20[%swap3A_407, %swap3A_408] {strides = array<i32>} : memref<4x1024xf32, #tpu.memory_space<vmem>>, vector<16xf32>,
      tpu.vector_store %arg20[%swap3A_407, %swap3A_408], %gather3A_405 {strides = array<i32>} : memref<4x1024xf32, #tpu.memory_space<vmem>>, vector<16xf32>,
      %get3A_410 = arith.constant 80 : index
      %get3A_411 = tpu.vector_load %arg16[%get3A_410] {strides = array<i32>} : memref<1024xi32, #tpu.memory_space<vmem>>, vector<16xi32>,
      %gather3A_412 = tpu.vector_load_idx %arg11[%get3A_411] : memref<16384xf32, #tpu.memory_space<vmem>>[vector<16xi32>], vector<16xf32>,
      %swap3A_413 = arith.constant 0 : i32
      %swap3A_414 = arith.index_cast %swap3A_413 : i32 to index
      %swap3A_415 = arith.constant 80 : index
      %swap3A_416 = tpu.vector_load %arg20[%swap3A_414, %swap3A_415] {strides = array<i32>} : memref<4x1024xf32, #tpu.memory_space<vmem>>, vector<16xf32>,
      tpu.vector_store %arg20[%swap3A_414, %swap3A_415], %gather3A_412 {strides = array<i32>} : memref<4x1024xf32, #tpu.memory_space<vmem>>, vector<16xf32>,
      %gather3A_417 = tpu.vector_load_idx %arg12[%get3A_411] : memref<16384xf32, #tpu.memory_space<vmem>>[vector<16xi32>], vector<16xf32>,
      %swap3A_418 = arith.constant 1 : i32
      %swap3A_419 = arith.index_cast %swap3A_418 : i32 to index
      %swap3A_420 = arith.constant 80 : index
      %swap3A_421 = tpu.vector_load %arg20[%swap3A_419, %swap3A_420] {strides = array<i32>} : memref<4x1024xf32, #tpu.memory_space<vmem>>, vector<16xf32>,
      tpu.vector_store %arg20[%swap3A_419, %swap3A_420], %gather3A_417 {strides = array<i32>} : memref<4x1024xf32, #tpu.memory_space<vmem>>, vector<16xf32>,
      %gather3A_422 = tpu.vector_load_idx %arg13[%get3A_411] : memref<16384xf32, #tpu.memory_space<vmem>>[vector<16xi32>], vector<16xf32>,
      %swap3A_423 = arith.constant 2 : i32
      %swap3A_424 = arith.index_cast %swap3A_423 : i32 to index
      %swap3A_425 = arith.constant 80 : index
      %swap3A_426 = tpu.vector_load %arg20[%swap3A_424, %swap3A_425] {strides = array<i32>} : memref<4x1024xf32, #tpu.memory_space<vmem>>, vector<16xf32>,
      tpu.vector_store %arg20[%swap3A_424, %swap3A_425], %gather3A_422 {strides = array<i32>} : memref<4x1024xf32, #tpu.memory_space<vmem>>, vector<16xf32>,
      %gather3A_427 = tpu.vector_load_idx %arg14[%get3A_411] : memref<16384xf32, #tpu.memory_space<vmem>>[vector<16xi32>], vector<16xf32>,
      %swap3A_428 = arith.constant 3 : i32
      %swap3A_429 = arith.index_cast %swap3A_428 : i32 to index
      %swap3A_430 = arith.constant 80 : index
      %swap3A_431 = tpu.vector_load %arg20[%swap3A_429, %swap3A_430] {strides = array<i32>} : memref<4x1024xf32, #tpu.memory_space<vmem>>, vector<16xf32>,
      tpu.vector_store %arg20[%swap3A_429, %swap3A_430], %gather3A_427 {strides = array<i32>} : memref<4x1024xf32, #tpu.memory_space<vmem>>, vector<16xf32>,
      %get3A_432 = arith.constant 96 : index
      %get3A_433 = tpu.vector_load %arg16[%get3A_432] {strides = array<i32>} : memref<1024xi32, #tpu.memory_space<vmem>>, vector<16xi32>,
      %gather3A_434 = tpu.vector_load_idx %arg11[%get3A_433] : memref<16384xf32, #tpu.memory_space<vmem>>[vector<16xi32>], vector<16xf32>,
      %swap3A_435 = arith.constant 0 : i32
      %swap3A_436 = arith.index_cast %swap3A_435 : i32 to index
      %swap3A_437 = arith.constant 96 : index
      %swap3A_438 = tpu.vector_load %arg20[%swap3A_436, %swap3A_437] {strides = array<i32>} : memref<4x1024xf32, #tpu.memory_space<vmem>>, vector<16xf32>,
      tpu.vector_store %arg20[%swap3A_436, %swap3A_437], %gather3A_434 {strides = array<i32>} : memref<4x1024xf32, #tpu.memory_space<vmem>>, vector<16xf32>,
      %gather3A_439 = tpu.vector_load_idx %arg12[%get3A_433] : memref<16384xf32, #tpu.memory_space<vmem>>[vector<16xi32>], vector<16xf32>,
      %swap3A_440 = arith.constant 1 : i32
      %swap3A_441 = arith.index_cast %swap3A_440 : i32 to index
      %swap3A_442 = arith.constant 96 : index
      %swap3A_443 = tpu.vector_load %arg20[%swap3A_441, %swap3A_442] {strides = array<i32>} : memref<4x1024xf32, #tpu.memory_space<vmem>>, vector<16xf32>,
      tpu.vector_store %arg20[%swap3A_441, %swap3A_442], %gather3A_439 {strides = array<i32>} : memref<4x1024xf32, #tpu.memory_space<vmem>>, vector<16xf32>,
      %gather3A_444 = tpu.vector_load_idx %arg13[%get3A_433] : memref<16384xf32, #tpu.memory_space<vmem>>[vector<16xi32>], vector<16xf32>,
      %swap3A_445 = arith.constant 2 : i32
      %swap3A_446 = arith.index_cast %swap3A_445 : i32 to index
      %swap3A_447 = arith.constant 96 : index
      %swap3A_448 = tpu.vector_load %arg20[%swap3A_446, %swap3A_447] {strides = array<i32>} : memref<4x1024xf32, #tpu.memory_space<vmem>>, vector<16xf32>,
      tpu.vector_store %arg20[%swap3A_446, %swap3A_447], %gather3A_444 {strides = array<i32>} : memref<4x1024xf32, #tpu.memory_space<vmem>>, vector<16xf32>,
      %gather3A_449 = tpu.vector_load_idx %arg14[%get3A_433] : memref<16384xf32, #tpu.memory_space<vmem>>[vector<16xi32>], vector<16xf32>,
      %swap3A_450 = arith.constant 3 : i32
      %swap3A_451 = arith.index_cast %swap3A_450 : i32 to index
      %swap3A_452 = arith.constant 96 : index
      %swap3A_453 = tpu.vector_load %arg20[%swap3A_451, %swap3A_452] {strides = array<i32>} : memref<4x1024xf32, #tpu.memory_space<vmem>>, vector<16xf32>,
      tpu.vector_store %arg20[%swap3A_451, %swap3A_452], %gather3A_449 {strides = array<i32>} : memref<4x1024xf32, #tpu.memory_space<vmem>>, vector<16xf32>,
      %get3A_454 = arith.constant 112 : index
      %get3A_455 = tpu.vector_load %arg16[%get3A_454] {strides = array<i32>} : memref<1024xi32, #tpu.memory_space<vmem>>, vector<16xi32>,
      %gather3A_456 = tpu.vector_load_idx %arg11[%get3A_455] : memref<16384xf32, #tpu.memory_space<vmem>>[vector<16xi32>], vector<16xf32>,
      %swap3A_457 = arith.constant 0 : i32
      %swap3A_458 = arith.index_cast %swap3A_457 : i32 to index
      %swap3A_459 = arith.constant 112 : index
      %swap3A_460 = tpu.vector_load %arg20[%swap3A_458, %swap3A_459] {strides = array<i32>} : memref<4x1024xf32, #tpu.memory_space<vmem>>, vector<16xf32>,
      tpu.vector_store %arg20[%swap3A_458, %swap3A_459], %gather3A_456 {strides = array<i32>} : memref<4x1024xf32, #tpu.memory_space<vmem>>, vector<16xf32>,
      %gather3A_461 = tpu.vector_load_idx %arg12[%get3A_455] : memref<16384xf32, #tpu.memory_space<vmem>>[vector<16xi32>], vector<16xf32>,
      %swap3A_462 = arith.constant 1 : i32
      %swap3A_463 = arith.index_cast %swap3A_462 : i32 to index
      %swap3A_464 = arith.constant 112 : index
      %swap3A_465 = tpu.vector_load %arg20[%swap3A_463, %swap3A_464] {strides = array<i32>} : memref<4x1024xf32, #tpu.memory_space<vmem>>, vector<16xf32>,
      tpu.vector_store %arg20[%swap3A_463, %swap3A_464], %gather3A_461 {strides = array<i32>} : memref<4x1024xf32, #tpu.memory_space<vmem>>, vector<16xf32>,
      %gather3A_466 = tpu.vector_load_idx %arg13[%get3A_455] : memref<16384xf32, #tpu.memory_space<vmem>>[vector<16xi32>], vector<16xf32>,
      %swap3A_467 = arith.constant 2 : i32
      %swap3A_468 = arith.index_cast %swap3A_467 : i32 to index
      %swap3A_469 = arith.constant 112 : index
      %swap3A_470 = tpu.vector_load %arg20[%swap3A_468, %swap3A_469] {strides = array<i32>} : memref<4x1024xf32, #tpu.memory_space<vmem>>, vector<16xf32>,
      tpu.vector_store %arg20[%swap3A_468, %swap3A_469], %gather3A_466 {strides = array<i32>} : memref<4x1024xf32, #tpu.memory_space<vmem>>, vector<16xf32>,
      %gather3A_471 = tpu.vector_load_idx %arg14[%get3A_455] : memref<16384xf32, #tpu.memory_space<vmem>>[vector<16xi32>], vector<16xf32>,
      %swap3A_472 = arith.constant 3 : i32
      %swap3A_473 = arith.index_cast %swap3A_472 : i32 to index
      %swap3A_474 = arith.constant 112 : index
      %swap3A_475 = tpu.vector_load %arg20[%swap3A_473, %swap3A_474] {strides = array<i32>} : memref<4x1024xf32, #tpu.memory_space<vmem>>, vector<16xf32>,
      tpu.vector_store %arg20[%swap3A_473, %swap3A_474], %gather3A_471 {strides = array<i32>} : memref<4x1024xf32, #tpu.memory_space<vmem>>, vector<16xf32>,
      %get3A_476 = arith.constant 128 : index
      %get3A_477 = tpu.vector_load %arg16[%get3A_476] {strides = array<i32>} : memref<1024xi32, #tpu.memory_space<vmem>>, vector<16xi32>,
      %gather3A_478 = tpu.vector_load_idx %arg11[%get3A_477] : memref<16384xf32, #tpu.memory_space<vmem>>[vector<16xi32>], vector<16xf32>,
      %swap3A_479 = arith.constant 0 : i32
      %swap3A_480 = arith.index_cast %swap3A_479 : i32 to index
      %swap3A_481 = arith.constant 128 : index
      %swap3A_482 = tpu.vector_load %arg20[%swap3A_480, %swap3A_481] {strides = array<i32>} : memref<4x1024xf32, #tpu.memory_space<vmem>>, vector<16xf32>,
      tpu.vector_store %arg20[%swap3A_480, %swap3A_481], %gather3A_478 {strides = array<i32>} : memref<4x1024xf32, #tpu.memory_space<vmem>>, vector<16xf32>,
      %gather3A_483 = tpu.vector_load_idx %arg12[%get3A_477] : memref<16384xf32, #tpu.memory_space<vmem>>[vector<16xi32>], vector<16xf32>,
      %swap3A_484 = arith.constant 1 : i32
      %swap3A_485 = arith.index_cast %swap3A_484 : i32 to index
      %swap3A_486 = arith.constant 128 : index
      %swap3A_487 = tpu.vector_load %arg20[%swap3A_485, %swap3A_486] {strides = array<i32>} : memref<4x1024xf32, #tpu.memory_space<vmem>>, vector<16xf32>,
      tpu.vector_store %arg20[%swap3A_485, %swap3A_486], %gather3A_483 {strides = array<i32>} : memref<4x1024xf32, #tpu.memory_space<vmem>>, vector<16xf32>,
      %gather3A_488 = tpu.vector_load_idx %arg13[%get3A_477] : memref<16384xf32, #tpu.memory_space<vmem>>[vector<16xi32>], vector<16xf32>,
      %swap3A_489 = arith.constant 2 : i32
      %swap3A_490 = arith.index_cast %swap3A_489 : i32 to index
      %swap3A_491 = arith.constant 128 : index
      %swap3A_492 = tpu.vector_load %arg20[%swap3A_490, %swap3A_491] {strides = array<i32>} : memref<4x1024xf32, #tpu.memory_space<vmem>>, vector<16xf32>,
      tpu.vector_store %arg20[%swap3A_490, %swap3A_491], %gather3A_488 {strides = array<i32>} : memref<4x1024xf32, #tpu.memory_space<vmem>>, vector<16xf32>,
      %gather3A_493 = tpu.vector_load_idx %arg14[%get3A_477] : memref<16384xf32, #tpu.memory_space<vmem>>[vector<16xi32>], vector<16xf32>,
      %swap3A_494 = arith.constant 3 : i32
      %swap3A_495 = arith.index_cast %swap3A_494 : i32 to index
      %swap3A_496 = arith.constant 128 : index
      %swap3A_497 = tpu.vector_load %arg20[%swap3A_495, %swap3A_496] {strides = array<i32>} : memref<4x1024xf32, #tpu.memory_space<vmem>>, vector<16xf32>,
      tpu.vector_store %arg20[%swap3A_495, %swap3A_496], %gather3A_493 {strides = array<i32>} : memref<4x1024xf32, #tpu.memory_space<vmem>>, vector<16xf32>,
      %get3A_498 = arith.constant 144 : index
      %get3A_499 = tpu.vector_load %arg16[%get3A_498] {strides = array<i32>} : memref<1024xi32, #tpu.memory_space<vmem>>, vector<16xi32>,
      %gather3A_500 = tpu.vector_load_idx %arg11[%get3A_499] : memref<16384xf32, #tpu.memory_space<vmem>>[vector<16xi32>], vector<16xf32>,
      %swap3A_501 = arith.constant 0 : i32
      %swap3A_502 = arith.index_cast %swap3A_501 : i32 to index
      %swap3A_503 = arith.constant 144 : index
      %swap3A_504 = tpu.vector_load %arg20[%swap3A_502, %swap3A_503] {strides = array<i32>} : memref<4x1024xf32, #tpu.memory_space<vmem>>, vector<16xf32>,
      tpu.vector_store %arg20[%swap3A_502, %swap3A_503], %gather3A_500 {strides = array<i32>} : memref<4x1024xf32, #tpu.memory_space<vmem>>, vector<16xf32>,
      %gather3A_505 = tpu.vector_load_idx %arg12[%get3A_499] : memref<16384xf32, #tpu.memory_space<vmem>>[vector<16xi32>], vector<16xf32>,
      %swap3A_506 = arith.constant 1 : i32
      %swap3A_507 = arith.index_cast %swap3A_506 : i32 to index
      %swap3A_508 = arith.constant 144 : index
      %swap3A_509 = tpu.vector_load %arg20[%swap3A_507, %swap3A_508] {strides = array<i32>} : memref<4x1024xf32, #tpu.memory_space<vmem>>, vector<16xf32>,
      tpu.vector_store %arg20[%swap3A_507, %swap3A_508], %gather3A_505 {strides = array<i32>} : memref<4x1024xf32, #tpu.memory_space<vmem>>, vector<16xf32>,
      %gather3A_510 = tpu.vector_load_idx %arg13[%get3A_499] : memref<16384xf32, #tpu.memory_space<vmem>>[vector<16xi32>], vector<16xf32>,
      %swap3A_511 = arith.constant 2 : i32
      %swap3A_512 = arith.index_cast %swap3A_511 : i32 to index
      %swap3A_513 = arith.constant 144 : index
      %swap3A_514 = tpu.vector_load %arg20[%swap3A_512, %swap3A_513] {strides = array<i32>} : memref<4x1024xf32, #tpu.memory_space<vmem>>, vector<16xf32>,
      tpu.vector_store %arg20[%swap3A_512, %swap3A_513], %gather3A_510 {strides = array<i32>} : memref<4x1024xf32, #tpu.memory_space<vmem>>, vector<16xf32>,
      %gather3A_515 = tpu.vector_load_idx %arg14[%get3A_499] : memref<16384xf32, #tpu.memory_space<vmem>>[vector<16xi32>], vector<16xf32>,
      %swap3A_516 = arith.constant 3 : i32
      %swap3A_517 = arith.index_cast %swap3A_516 : i32 to index
      %swap3A_518 = arith.constant 144 : index
      %swap3A_519 = tpu.vector_load %arg20[%swap3A_517, %swap3A_518] {strides = array<i32>} : memref<4x1024xf32, #tpu.memory_space<vmem>>, vector<16xf32>,
      tpu.vector_store %arg20[%swap3A_517, %swap3A_518], %gather3A_515 {strides = array<i32>} : memref<4x1024xf32, #tpu.memory_space<vmem>>, vector<16xf32>,
      %get3A_520 = arith.constant 160 : index
      %get3A_521 = tpu.vector_load %arg16[%get3A_520] {strides = array<i32>} : memref<1024xi32, #tpu.memory_space<vmem>>, vector<16xi32>,
      %gather3A_522 = tpu.vector_load_idx %arg11[%get3A_521] : memref<16384xf32, #tpu.memory_space<vmem>>[vector<16xi32>], vector<16xf32>,
      %swap3A_523 = arith.constant 0 : i32
      %swap3A_524 = arith.index_cast %swap3A_523 : i32 to index
      %swap3A_525 = arith.constant 160 : index
      %swap3A_526 = tpu.vector_load %arg20[%swap3A_524, %swap3A_525] {strides = array<i32>} : memref<4x1024xf32, #tpu.memory_space<vmem>>, vector<16xf32>,
      tpu.vector_store %arg20[%swap3A_524, %swap3A_525], %gather3A_522 {strides = array<i32>} : memref<4x1024xf32, #tpu.memory_space<vmem>>, vector<16xf32>,
      %gather3A_527 = tpu.vector_load_idx %arg12[%get3A_521] : memref<16384xf32, #tpu.memory_space<vmem>>[vector<16xi32>], vector<16xf32>,
      %swap3A_528 = arith.constant 1 : i32
      %swap3A_529 = arith.index_cast %swap3A_528 : i32 to index
      %swap3A_530 = arith.constant 160 : index
      %swap3A_531 = tpu.vector_load %arg20[%swap3A_529, %swap3A_530] {strides = array<i32>} : memref<4x1024xf32, #tpu.memory_space<vmem>>, vector<16xf32>,
      tpu.vector_store %arg20[%swap3A_529, %swap3A_530], %gather3A_527 {strides = array<i32>} : memref<4x1024xf32, #tpu.memory_space<vmem>>, vector<16xf32>,
      %gather3A_532 = tpu.vector_load_idx %arg13[%get3A_521] : memref<16384xf32, #tpu.memory_space<vmem>>[vector<16xi32>], vector<16xf32>,
      %swap3A_533 = arith.constant 2 : i32
      %swap3A_534 = arith.index_cast %swap3A_533 : i32 to index
      %swap3A_535 = arith.constant 160 : index
      %swap3A_536 = tpu.vector_load %arg20[%swap3A_534, %swap3A_535] {strides = array<i32>} : memref<4x1024xf32, #tpu.memory_space<vmem>>, vector<16xf32>,
      tpu.vector_store %arg20[%swap3A_534, %swap3A_535], %gather3A_532 {strides = array<i32>} : memref<4x1024xf32, #tpu.memory_space<vmem>>, vector<16xf32>,
      %gather3A_537 = tpu.vector_load_idx %arg14[%get3A_521] : memref<16384xf32, #tpu.memory_space<vmem>>[vector<16xi32>], vector<16xf32>,
      %swap3A_538 = arith.constant 3 : i32
      %swap3A_539 = arith.index_cast %swap3A_538 : i32 to index
      %swap3A_540 = arith.constant 160 : index
      %swap3A_541 = tpu.vector_load %arg20[%swap3A_539, %swap3A_540] {strides = array<i32>} : memref<4x1024xf32, #tpu.memory_space<vmem>>, vector<16xf32>,
      tpu.vector_store %arg20[%swap3A_539, %swap3A_540], %gather3A_537 {strides = array<i32>} : memref<4x1024xf32, #tpu.memory_space<vmem>>, vector<16xf32>,
      %get3A_542 = arith.constant 176 : index
      %get3A_543 = tpu.vector_load %arg16[%get3A_542] {strides = array<i32>} : memref<1024xi32, #tpu.memory_space<vmem>>, vector<16xi32>,
      %gather3A_544 = tpu.vector_load_idx %arg11[%get3A_543] : memref<16384xf32, #tpu.memory_space<vmem>>[vector<16xi32>], vector<16xf32>,
      %swap3A_545 = arith.constant 0 : i32
      %swap3A_546 = arith.index_cast %swap3A_545 : i32 to index
      %swap3A_547 = arith.constant 176 : index
      %swap3A_548 = tpu.vector_load %arg20[%swap3A_546, %swap3A_547] {strides = array<i32>} : memref<4x1024xf32, #tpu.memory_space<vmem>>, vector<16xf32>,
      tpu.vector_store %arg20[%swap3A_546, %swap3A_547], %gather3A_544 {strides = array<i32>} : memref<4x1024xf32, #tpu.memory_space<vmem>>, vector<16xf32>,
      %gather3A_549 = tpu.vector_load_idx %arg12[%get3A_543] : memref<16384xf32, #tpu.memory_space<vmem>>[vector<16xi32>], vector<16xf32>,
      %swap3A_550 = arith.constant 1 : i32
      %swap3A_551 = arith.index_cast %swap3A_550 : i32 to index
      %swap3A_552 = arith.constant 176 : index
      %swap3A_553 = tpu.vector_load %arg20[%swap3A_551, %swap3A_552] {strides = array<i32>} : memref<4x1024xf32, #tpu.memory_space<vmem>>, vector<16xf32>,
      tpu.vector_store %arg20[%swap3A_551, %swap3A_552], %gather3A_549 {strides = array<i32>} : memref<4x1024xf32, #tpu.memory_space<vmem>>, vector<16xf32>,
      %gather3A_554 = tpu.vector_load_idx %arg13[%get3A_543] : memref<16384xf32, #tpu.memory_space<vmem>>[vector<16xi32>], vector<16xf32>,
      %swap3A_555 = arith.constant 2 : i32
      %swap3A_556 = arith.index_cast %swap3A_555 : i32 to index
      %swap3A_557 = arith.constant 176 : index
      %swap3A_558 = tpu.vector_load %arg20[%swap3A_556, %swap3A_557] {strides = array<i32>} : memref<4x1024xf32, #tpu.memory_space<vmem>>, vector<16xf32>,
      tpu.vector_store %arg20[%swap3A_556, %swap3A_557], %gather3A_554 {strides = array<i32>} : memref<4x1024xf32, #tpu.memory_space<vmem>>, vector<16xf32>,
      %gather3A_559 = tpu.vector_load_idx %arg14[%get3A_543] : memref<16384xf32, #tpu.memory_space<vmem>>[vector<16xi32>], vector<16xf32>,
      %swap3A_560 = arith.constant 3 : i32
      %swap3A_561 = arith.index_cast %swap3A_560 : i32 to index
      %swap3A_562 = arith.constant 176 : index
      %swap3A_563 = tpu.vector_load %arg20[%swap3A_561, %swap3A_562] {strides = array<i32>} : memref<4x1024xf32, #tpu.memory_space<vmem>>, vector<16xf32>,
      tpu.vector_store %arg20[%swap3A_561, %swap3A_562], %gather3A_559 {strides = array<i32>} : memref<4x1024xf32, #tpu.memory_space<vmem>>, vector<16xf32>,
      %get3A_564 = arith.constant 192 : index
      %get3A_565 = tpu.vector_load %arg16[%get3A_564] {strides = array<i32>} : memref<1024xi32, #tpu.memory_space<vmem>>, vector<16xi32>,
      %gather3A_566 = tpu.vector_load_idx %arg11[%get3A_565] : memref<16384xf32, #tpu.memory_space<vmem>>[vector<16xi32>], vector<16xf32>,
      %swap3A_567 = arith.constant 0 : i32
      %swap3A_568 = arith.index_cast %swap3A_567 : i32 to index
      %swap3A_569 = arith.constant 192 : index
      %swap3A_570 = tpu.vector_load %arg20[%swap3A_568, %swap3A_569] {strides = array<i32>} : memref<4x1024xf32, #tpu.memory_space<vmem>>, vector<16xf32>,
      tpu.vector_store %arg20[%swap3A_568, %swap3A_569], %gather3A_566 {strides = array<i32>} : memref<4x1024xf32, #tpu.memory_space<vmem>>, vector<16xf32>,
      %gather3A_571 = tpu.vector_load_idx %arg12[%get3A_565] : memref<16384xf32, #tpu.memory_space<vmem>>[vector<16xi32>], vector<16xf32>,
      %swap3A_572 = arith.constant 1 : i32
      %swap3A_573 = arith.index_cast %swap3A_572 : i32 to index
      %swap3A_574 = arith.constant 192 : index
      %swap3A_575 = tpu.vector_load %arg20[%swap3A_573, %swap3A_574] {strides = array<i32>} : memref<4x1024xf32, #tpu.memory_space<vmem>>, vector<16xf32>,
      tpu.vector_store %arg20[%swap3A_573, %swap3A_574], %gather3A_571 {strides = array<i32>} : memref<4x1024xf32, #tpu.memory_space<vmem>>, vector<16xf32>,
      %gather3A_576 = tpu.vector_load_idx %arg13[%get3A_565] : memref<16384xf32, #tpu.memory_space<vmem>>[vector<16xi32>], vector<16xf32>,
      %swap3A_577 = arith.constant 2 : i32
      %swap3A_578 = arith.index_cast %swap3A_577 : i32 to index
      %swap3A_579 = arith.constant 192 : index
      %swap3A_580 = tpu.vector_load %arg20[%swap3A_578, %swap3A_579] {strides = array<i32>} : memref<4x1024xf32, #tpu.memory_space<vmem>>, vector<16xf32>,
      tpu.vector_store %arg20[%swap3A_578, %swap3A_579], %gather3A_576 {strides = array<i32>} : memref<4x1024xf32, #tpu.memory_space<vmem>>, vector<16xf32>,
      %gather3A_581 = tpu.vector_load_idx %arg14[%get3A_565] : memref<16384xf32, #tpu.memory_space<vmem>>[vector<16xi32>], vector<16xf32>,
      %swap3A_582 = arith.constant 3 : i32
      %swap3A_583 = arith.index_cast %swap3A_582 : i32 to index
      %swap3A_584 = arith.constant 192 : index
      %swap3A_585 = tpu.vector_load %arg20[%swap3A_583, %swap3A_584] {strides = array<i32>} : memref<4x1024xf32, #tpu.memory_space<vmem>>, vector<16xf32>,
      tpu.vector_store %arg20[%swap3A_583, %swap3A_584], %gather3A_581 {strides = array<i32>} : memref<4x1024xf32, #tpu.memory_space<vmem>>, vector<16xf32>,
      %get3A_586 = arith.constant 208 : index
      %get3A_587 = tpu.vector_load %arg16[%get3A_586] {strides = array<i32>} : memref<1024xi32, #tpu.memory_space<vmem>>, vector<16xi32>,
      %gather3A_588 = tpu.vector_load_idx %arg11[%get3A_587] : memref<16384xf32, #tpu.memory_space<vmem>>[vector<16xi32>], vector<16xf32>,
      %swap3A_589 = arith.constant 0 : i32
      %swap3A_590 = arith.index_cast %swap3A_589 : i32 to index
      %swap3A_591 = arith.constant 208 : index
      %swap3A_592 = tpu.vector_load %arg20[%swap3A_590, %swap3A_591] {strides = array<i32>} : memref<4x1024xf32, #tpu.memory_space<vmem>>, vector<16xf32>,
      tpu.vector_store %arg20[%swap3A_590, %swap3A_591], %gather3A_588 {strides = array<i32>} : memref<4x1024xf32, #tpu.memory_space<vmem>>, vector<16xf32>,
      %gather3A_593 = tpu.vector_load_idx %arg12[%get3A_587] : memref<16384xf32, #tpu.memory_space<vmem>>[vector<16xi32>], vector<16xf32>,
      %swap3A_594 = arith.constant 1 : i32
      %swap3A_595 = arith.index_cast %swap3A_594 : i32 to index
      %swap3A_596 = arith.constant 208 : index
      %swap3A_597 = tpu.vector_load %arg20[%swap3A_595, %swap3A_596] {strides = array<i32>} : memref<4x1024xf32, #tpu.memory_space<vmem>>, vector<16xf32>,
      tpu.vector_store %arg20[%swap3A_595, %swap3A_596], %gather3A_593 {strides = array<i32>} : memref<4x1024xf32, #tpu.memory_space<vmem>>, vector<16xf32>,
      %gather3A_598 = tpu.vector_load_idx %arg13[%get3A_587] : memref<16384xf32, #tpu.memory_space<vmem>>[vector<16xi32>], vector<16xf32>,
      %swap3A_599 = arith.constant 2 : i32
      %swap3A_600 = arith.index_cast %swap3A_599 : i32 to index
      %swap3A_601 = arith.constant 208 : index
      %swap3A_602 = tpu.vector_load %arg20[%swap3A_600, %swap3A_601] {strides = array<i32>} : memref<4x1024xf32, #tpu.memory_space<vmem>>, vector<16xf32>,
      tpu.vector_store %arg20[%swap3A_600, %swap3A_601], %gather3A_598 {strides = array<i32>} : memref<4x1024xf32, #tpu.memory_space<vmem>>, vector<16xf32>,
      %gather3A_603 = tpu.vector_load_idx %arg14[%get3A_587] : memref<16384xf32, #tpu.memory_space<vmem>>[vector<16xi32>], vector<16xf32>,
      %swap3A_604 = arith.constant 3 : i32
      %swap3A_605 = arith.index_cast %swap3A_604 : i32 to index
      %swap3A_606 = arith.constant 208 : index
      %swap3A_607 = tpu.vector_load %arg20[%swap3A_605, %swap3A_606] {strides = array<i32>} : memref<4x1024xf32, #tpu.memory_space<vmem>>, vector<16xf32>,
      tpu.vector_store %arg20[%swap3A_605, %swap3A_606], %gather3A_603 {strides = array<i32>} : memref<4x1024xf32, #tpu.memory_space<vmem>>, vector<16xf32>,
      %get3A_608 = arith.constant 224 : index
      %get3A_609 = tpu.vector_load %arg16[%get3A_608] {strides = array<i32>} : memref<1024xi32, #tpu.memory_space<vmem>>, vector<16xi32>,
      %gather3A_610 = tpu.vector_load_idx %arg11[%get3A_609] : memref<16384xf32, #tpu.memory_space<vmem>>[vector<16xi32>], vector<16xf32>,
      %swap3A_611 = arith.constant 0 : i32
      %swap3A_612 = arith.index_cast %swap3A_611 : i32 to index
      %swap3A_613 = arith.constant 224 : index
      %swap3A_614 = tpu.vector_load %arg20[%swap3A_612, %swap3A_613] {strides = array<i32>} : memref<4x1024xf32, #tpu.memory_space<vmem>>, vector<16xf32>,
      tpu.vector_store %arg20[%swap3A_612, %swap3A_613], %gather3A_610 {strides = array<i32>} : memref<4x1024xf32, #tpu.memory_space<vmem>>, vector<16xf32>,
      %gather3A_615 = tpu.vector_load_idx %arg12[%get3A_609] : memref<16384xf32, #tpu.memory_space<vmem>>[vector<16xi32>], vector<16xf32>,
      %swap3A_616 = arith.constant 1 : i32
      %swap3A_617 = arith.index_cast %swap3A_616 : i32 to index
      %swap3A_618 = arith.constant 224 : index
      %swap3A_619 = tpu.vector_load %arg20[%swap3A_617, %swap3A_618] {strides = array<i32>} : memref<4x1024xf32, #tpu.memory_space<vmem>>, vector<16xf32>,
      tpu.vector_store %arg20[%swap3A_617, %swap3A_618], %gather3A_615 {strides = array<i32>} : memref<4x1024xf32, #tpu.memory_space<vmem>>, vector<16xf32>,
      %gather3A_620 = tpu.vector_load_idx %arg13[%get3A_609] : memref<16384xf32, #tpu.memory_space<vmem>>[vector<16xi32>], vector<16xf32>,
      %swap3A_621 = arith.constant 2 : i32
      %swap3A_622 = arith.index_cast %swap3A_621 : i32 to index
      %swap3A_623 = arith.constant 224 : index
      %swap3A_624 = tpu.vector_load %arg20[%swap3A_622, %swap3A_623] {strides = array<i32>} : memref<4x1024xf32, #tpu.memory_space<vmem>>, vector<16xf32>,
      tpu.vector_store %arg20[%swap3A_622, %swap3A_623], %gather3A_620 {strides = array<i32>} : memref<4x1024xf32, #tpu.memory_space<vmem>>, vector<16xf32>,
      %gather3A_625 = tpu.vector_load_idx %arg14[%get3A_609] : memref<16384xf32, #tpu.memory_space<vmem>>[vector<16xi32>], vector<16xf32>,
      %swap3A_626 = arith.constant 3 : i32
      %swap3A_627 = arith.index_cast %swap3A_626 : i32 to index
      %swap3A_628 = arith.constant 224 : index
      %swap3A_629 = tpu.vector_load %arg20[%swap3A_627, %swap3A_628] {strides = array<i32>} : memref<4x1024xf32, #tpu.memory_space<vmem>>, vector<16xf32>,
      tpu.vector_store %arg20[%swap3A_627, %swap3A_628], %gather3A_625 {strides = array<i32>} : memref<4x1024xf32, #tpu.memory_space<vmem>>, vector<16xf32>,
      %get3A_630 = arith.constant 240 : index
      %get3A_631 = tpu.vector_load %arg16[%get3A_630] {strides = array<i32>} : memref<1024xi32, #tpu.memory_space<vmem>>, vector<16xi32>,
      %gather3A_632 = tpu.vector_load_idx %arg11[%get3A_631] : memref<16384xf32, #tpu.memory_space<vmem>>[vector<16xi32>], vector<16xf32>,
      %swap3A_633 = arith.constant 0 : i32
      %swap3A_634 = arith.index_cast %swap3A_633 : i32 to index
      %swap3A_635 = arith.constant 240 : index
      %swap3A_636 = tpu.vector_load %arg20[%swap3A_634, %swap3A_635] {strides = array<i32>} : memref<4x1024xf32, #tpu.memory_space<vmem>>, vector<16xf32>,
      tpu.vector_store %arg20[%swap3A_634, %swap3A_635], %gather3A_632 {strides = array<i32>} : memref<4x1024xf32, #tpu.memory_space<vmem>>, vector<16xf32>,
      %gather3A_637 = tpu.vector_load_idx %arg12[%get3A_631] : memref<16384xf32, #tpu.memory_space<vmem>>[vector<16xi32>], vector<16xf32>,
      %swap3A_638 = arith.constant 1 : i32
      %swap3A_639 = arith.index_cast %swap3A_638 : i32 to index
      %swap3A_640 = arith.constant 240 : index
      %swap3A_641 = tpu.vector_load %arg20[%swap3A_639, %swap3A_640] {strides = array<i32>} : memref<4x1024xf32, #tpu.memory_space<vmem>>, vector<16xf32>,
      tpu.vector_store %arg20[%swap3A_639, %swap3A_640], %gather3A_637 {strides = array<i32>} : memref<4x1024xf32, #tpu.memory_space<vmem>>, vector<16xf32>,
      %gather3A_642 = tpu.vector_load_idx %arg13[%get3A_631] : memref<16384xf32, #tpu.memory_space<vmem>>[vector<16xi32>], vector<16xf32>,
      %swap3A_643 = arith.constant 2 : i32
      %swap3A_644 = arith.index_cast %swap3A_643 : i32 to index
      %swap3A_645 = arith.constant 240 : index
      %swap3A_646 = tpu.vector_load %arg20[%swap3A_644, %swap3A_645] {strides = array<i32>} : memref<4x1024xf32, #tpu.memory_space<vmem>>, vector<16xf32>,
      tpu.vector_store %arg20[%swap3A_644, %swap3A_645], %gather3A_642 {strides = array<i32>} : memref<4x1024xf32, #tpu.memory_space<vmem>>, vector<16xf32>,
      %gather3A_647 = tpu.vector_load_idx %arg14[%get3A_631] : memref<16384xf32, #tpu.memory_space<vmem>>[vector<16xi32>], vector<16xf32>,
      %swap3A_648 = arith.constant 3 : i32
      %swap3A_649 = arith.index_cast %swap3A_648 : i32 to index
      %swap3A_650 = arith.constant 240 : index
      %swap3A_651 = tpu.vector_load %arg20[%swap3A_649, %swap3A_650] {strides = array<i32>} : memref<4x1024xf32, #tpu.memory_space<vmem>>, vector<16xf32>,
      tpu.vector_store %arg20[%swap3A_649, %swap3A_650], %gather3A_647 {strides = array<i32>} : memref<4x1024xf32, #tpu.memory_space<vmem>>, vector<16xf32>,
      %get3A_652 = arith.constant 256 : index
      %get3A_653 = tpu.vector_load %arg16[%get3A_652] {strides = array<i32>} : memref<1024xi32, #tpu.memory_space<vmem>>, vector<16xi32>,
      %gather3A_654 = tpu.vector_load_idx %arg11[%get3A_653] : memref<16384xf32, #tpu.memory_space<vmem>>[vector<16xi32>], vector<16xf32>,
      %swap3A_655 = arith.constant 0 : i32
      %swap3A_656 = arith.index_cast %swap3A_655 : i32 to index
      %swap3A_657 = arith.constant 256 : index
      %swap3A_658 = tpu.vector_load %arg20[%swap3A_656, %swap3A_657] {strides = array<i32>} : memref<4x1024xf32, #tpu.memory_space<vmem>>, vector<16xf32>,
      tpu.vector_store %arg20[%swap3A_656, %swap3A_657], %gather3A_654 {strides = array<i32>} : memref<4x1024xf32, #tpu.memory_space<vmem>>, vector<16xf32>,
      %gather3A_659 = tpu.vector_load_idx %arg12[%get3A_653] : memref<16384xf32, #tpu.memory_space<vmem>>[vector<16xi32>], vector<16xf32>,
      %swap3A_660 = arith.constant 1 : i32
      %swap3A_661 = arith.index_cast %swap3A_660 : i32 to index
      %swap3A_662 = arith.constant 256 : index
      %swap3A_663 = tpu.vector_load %arg20[%swap3A_661, %swap3A_662] {strides = array<i32>} : memref<4x1024xf32, #tpu.memory_space<vmem>>, vector<16xf32>,
      tpu.vector_store %arg20[%swap3A_661, %swap3A_662], %gather3A_659 {strides = array<i32>} : memref<4x1024xf32, #tpu.memory_space<vmem>>, vector<16xf32>,
      %gather3A_664 = tpu.vector_load_idx %arg13[%get3A_653] : memref<16384xf32, #tpu.memory_space<vmem>>[vector<16xi32>], vector<16xf32>,
      %swap3A_665 = arith.constant 2 : i32
      %swap3A_666 = arith.index_cast %swap3A_665 : i32 to index
      %swap3A_667 = arith.constant 256 : index
      %swap3A_668 = tpu.vector_load %arg20[%swap3A_666, %swap3A_667] {strides = array<i32>} : memref<4x1024xf32, #tpu.memory_space<vmem>>, vector<16xf32>,
      tpu.vector_store %arg20[%swap3A_666, %swap3A_667], %gather3A_664 {strides = array<i32>} : memref<4x1024xf32, #tpu.memory_space<vmem>>, vector<16xf32>,
      %gather3A_669 = tpu.vector_load_idx %arg14[%get3A_653] : memref<16384xf32, #tpu.memory_space<vmem>>[vector<16xi32>], vector<16xf32>,
      %swap3A_670 = arith.constant 3 : i32
      %swap3A_671 = arith.index_cast %swap3A_670 : i32 to index
      %swap3A_672 = arith.constant 256 : index
      %swap3A_673 = tpu.vector_load %arg20[%swap3A_671, %swap3A_672] {strides = array<i32>} : memref<4x1024xf32, #tpu.memory_space<vmem>>, vector<16xf32>,
      tpu.vector_store %arg20[%swap3A_671, %swap3A_672], %gather3A_669 {strides = array<i32>} : memref<4x1024xf32, #tpu.memory_space<vmem>>, vector<16xf32>,
      %get3A_674 = arith.constant 272 : index
      %get3A_675 = tpu.vector_load %arg16[%get3A_674] {strides = array<i32>} : memref<1024xi32, #tpu.memory_space<vmem>>, vector<16xi32>,
      %gather3A_676 = tpu.vector_load_idx %arg11[%get3A_675] : memref<16384xf32, #tpu.memory_space<vmem>>[vector<16xi32>], vector<16xf32>,
      %swap3A_677 = arith.constant 0 : i32
      %swap3A_678 = arith.index_cast %swap3A_677 : i32 to index
      %swap3A_679 = arith.constant 272 : index
      %swap3A_680 = tpu.vector_load %arg20[%swap3A_678, %swap3A_679] {strides = array<i32>} : memref<4x1024xf32, #tpu.memory_space<vmem>>, vector<16xf32>,
      tpu.vector_store %arg20[%swap3A_678, %swap3A_679], %gather3A_676 {strides = array<i32>} : memref<4x1024xf32, #tpu.memory_space<vmem>>, vector<16xf32>,
      %gather3A_681 = tpu.vector_load_idx %arg12[%get3A_675] : memref<16384xf32, #tpu.memory_space<vmem>>[vector<16xi32>], vector<16xf32>,
      %swap3A_682 = arith.constant 1 : i32
      %swap3A_683 = arith.index_cast %swap3A_682 : i32 to index
      %swap3A_684 = arith.constant 272 : index
      %swap3A_685 = tpu.vector_load %arg20[%swap3A_683, %swap3A_684] {strides = array<i32>} : memref<4x1024xf32, #tpu.memory_space<vmem>>, vector<16xf32>,
      tpu.vector_store %arg20[%swap3A_683, %swap3A_684], %gather3A_681 {strides = array<i32>} : memref<4x1024xf32, #tpu.memory_space<vmem>>, vector<16xf32>,
      %gather3A_686 = tpu.vector_load_idx %arg13[%get3A_675] : memref<16384xf32, #tpu.memory_space<vmem>>[vector<16xi32>], vector<16xf32>,
      %swap3A_687 = arith.constant 2 : i32
      %swap3A_688 = arith.index_cast %swap3A_687 : i32 to index
      %swap3A_689 = arith.constant 272 : index
      %swap3A_690 = tpu.vector_load %arg20[%swap3A_688, %swap3A_689] {strides = array<i32>} : memref<4x1024xf32, #tpu.memory_space<vmem>>, vector<16xf32>,
      tpu.vector_store %arg20[%swap3A_688, %swap3A_689], %gather3A_686 {strides = array<i32>} : memref<4x1024xf32, #tpu.memory_space<vmem>>, vector<16xf32>,
      %gather3A_691 = tpu.vector_load_idx %arg14[%get3A_675] : memref<16384xf32, #tpu.memory_space<vmem>>[vector<16xi32>], vector<16xf32>,
      %swap3A_692 = arith.constant 3 : i32
      %swap3A_693 = arith.index_cast %swap3A_692 : i32 to index
      %swap3A_694 = arith.constant 272 : index
      %swap3A_695 = tpu.vector_load %arg20[%swap3A_693, %swap3A_694] {strides = array<i32>} : memref<4x1024xf32, #tpu.memory_space<vmem>>, vector<16xf32>,
      tpu.vector_store %arg20[%swap3A_693, %swap3A_694], %gather3A_691 {strides = array<i32>} : memref<4x1024xf32, #tpu.memory_space<vmem>>, vector<16xf32>,
      %get3A_696 = arith.constant 288 : index
      %get3A_697 = tpu.vector_load %arg16[%get3A_696] {strides = array<i32>} : memref<1024xi32, #tpu.memory_space<vmem>>, vector<16xi32>,
      %gather3A_698 = tpu.vector_load_idx %arg11[%get3A_697] : memref<16384xf32, #tpu.memory_space<vmem>>[vector<16xi32>], vector<16xf32>,
      %swap3A_699 = arith.constant 0 : i32
      %swap3A_700 = arith.index_cast %swap3A_699 : i32 to index
      %swap3A_701 = arith.constant 288 : index
      %swap3A_702 = tpu.vector_load %arg20[%swap3A_700, %swap3A_701] {strides = array<i32>} : memref<4x1024xf32, #tpu.memory_space<vmem>>, vector<16xf32>,
      tpu.vector_store %arg20[%swap3A_700, %swap3A_701], %gather3A_698 {strides = array<i32>} : memref<4x1024xf32, #tpu.memory_space<vmem>>, vector<16xf32>,
      %gather3A_703 = tpu.vector_load_idx %arg12[%get3A_697] : memref<16384xf32, #tpu.memory_space<vmem>>[vector<16xi32>], vector<16xf32>,
      %swap3A_704 = arith.constant 1 : i32
      %swap3A_705 = arith.index_cast %swap3A_704 : i32 to index
      %swap3A_706 = arith.constant 288 : index
      %swap3A_707 = tpu.vector_load %arg20[%swap3A_705, %swap3A_706] {strides = array<i32>} : memref<4x1024xf32, #tpu.memory_space<vmem>>, vector<16xf32>,
      tpu.vector_store %arg20[%swap3A_705, %swap3A_706], %gather3A_703 {strides = array<i32>} : memref<4x1024xf32, #tpu.memory_space<vmem>>, vector<16xf32>,
      %gather3A_708 = tpu.vector_load_idx %arg13[%get3A_697] : memref<16384xf32, #tpu.memory_space<vmem>>[vector<16xi32>], vector<16xf32>,
      %swap3A_709 = arith.constant 2 : i32
      %swap3A_710 = arith.index_cast %swap3A_709 : i32 to index
      %swap3A_711 = arith.constant 288 : index
      %swap3A_712 = tpu.vector_load %arg20[%swap3A_710, %swap3A_711] {strides = array<i32>} : memref<4x1024xf32, #tpu.memory_space<vmem>>, vector<16xf32>,
      tpu.vector_store %arg20[%swap3A_710, %swap3A_711], %gather3A_708 {strides = array<i32>} : memref<4x1024xf32, #tpu.memory_space<vmem>>, vector<16xf32>,
      %gather3A_713 = tpu.vector_load_idx %arg14[%get3A_697] : memref<16384xf32, #tpu.memory_space<vmem>>[vector<16xi32>], vector<16xf32>,
      %swap3A_714 = arith.constant 3 : i32
      %swap3A_715 = arith.index_cast %swap3A_714 : i32 to index
      %swap3A_716 = arith.constant 288 : index
      %swap3A_717 = tpu.vector_load %arg20[%swap3A_715, %swap3A_716] {strides = array<i32>} : memref<4x1024xf32, #tpu.memory_space<vmem>>, vector<16xf32>,
      tpu.vector_store %arg20[%swap3A_715, %swap3A_716], %gather3A_713 {strides = array<i32>} : memref<4x1024xf32, #tpu.memory_space<vmem>>, vector<16xf32>,
      %get3A_718 = arith.constant 304 : index
      %get3A_719 = tpu.vector_load %arg16[%get3A_718] {strides = array<i32>} : memref<1024xi32, #tpu.memory_space<vmem>>, vector<16xi32>,
      %gather3A_720 = tpu.vector_load_idx %arg11[%get3A_719] : memref<16384xf32, #tpu.memory_space<vmem>>[vector<16xi32>], vector<16xf32>,
      %swap3A_721 = arith.constant 0 : i32
      %swap3A_722 = arith.index_cast %swap3A_721 : i32 to index
      %swap3A_723 = arith.constant 304 : index
      %swap3A_724 = tpu.vector_load %arg20[%swap3A_722, %swap3A_723] {strides = array<i32>} : memref<4x1024xf32, #tpu.memory_space<vmem>>, vector<16xf32>,
      tpu.vector_store %arg20[%swap3A_722, %swap3A_723], %gather3A_720 {strides = array<i32>} : memref<4x1024xf32, #tpu.memory_space<vmem>>, vector<16xf32>,
      %gather3A_725 = tpu.vector_load_idx %arg12[%get3A_719] : memref<16384xf32, #tpu.memory_space<vmem>>[vector<16xi32>], vector<16xf32>,
      %swap3A_726 = arith.constant 1 : i32
      %swap3A_727 = arith.index_cast %swap3A_726 : i32 to index
      %swap3A_728 = arith.constant 304 : index
      %swap3A_729 = tpu.vector_load %arg20[%swap3A_727, %swap3A_728] {strides = array<i32>} : memref<4x1024xf32, #tpu.memory_space<vmem>>, vector<16xf32>,
      tpu.vector_store %arg20[%swap3A_727, %swap3A_728], %gather3A_725 {strides = array<i32>} : memref<4x1024xf32, #tpu.memory_space<vmem>>, vector<16xf32>,
      %gather3A_730 = tpu.vector_load_idx %arg13[%get3A_719] : memref<16384xf32, #tpu.memory_space<vmem>>[vector<16xi32>], vector<16xf32>,
      %swap3A_731 = arith.constant 2 : i32
      %swap3A_732 = arith.index_cast %swap3A_731 : i32 to index
      %swap3A_733 = arith.constant 304 : index
      %swap3A_734 = tpu.vector_load %arg20[%swap3A_732, %swap3A_733] {strides = array<i32>} : memref<4x1024xf32, #tpu.memory_space<vmem>>, vector<16xf32>,
      tpu.vector_store %arg20[%swap3A_732, %swap3A_733], %gather3A_730 {strides = array<i32>} : memref<4x1024xf32, #tpu.memory_space<vmem>>, vector<16xf32>,
      %gather3A_735 = tpu.vector_load_idx %arg14[%get3A_719] : memref<16384xf32, #tpu.memory_space<vmem>>[vector<16xi32>], vector<16xf32>,
      %swap3A_736 = arith.constant 3 : i32
      %swap3A_737 = arith.index_cast %swap3A_736 : i32 to index
      %swap3A_738 = arith.constant 304 : index
      %swap3A_739 = tpu.vector_load %arg20[%swap3A_737, %swap3A_738] {strides = array<i32>} : memref<4x1024xf32, #tpu.memory_space<vmem>>, vector<16xf32>,
      tpu.vector_store %arg20[%swap3A_737, %swap3A_738], %gather3A_735 {strides = array<i32>} : memref<4x1024xf32, #tpu.memory_space<vmem>>, vector<16xf32>,
      %get3A_740 = arith.constant 320 : index
      %get3A_741 = tpu.vector_load %arg16[%get3A_740] {strides = array<i32>} : memref<1024xi32, #tpu.memory_space<vmem>>, vector<16xi32>,
      %gather3A_742 = tpu.vector_load_idx %arg11[%get3A_741] : memref<16384xf32, #tpu.memory_space<vmem>>[vector<16xi32>], vector<16xf32>,
      %swap3A_743 = arith.constant 0 : i32
      %swap3A_744 = arith.index_cast %swap3A_743 : i32 to index
      %swap3A_745 = arith.constant 320 : index
      %swap3A_746 = tpu.vector_load %arg20[%swap3A_744, %swap3A_745] {strides = array<i32>} : memref<4x1024xf32, #tpu.memory_space<vmem>>, vector<16xf32>,
      tpu.vector_store %arg20[%swap3A_744, %swap3A_745], %gather3A_742 {strides = array<i32>} : memref<4x1024xf32, #tpu.memory_space<vmem>>, vector<16xf32>,
      %gather3A_747 = tpu.vector_load_idx %arg12[%get3A_741] : memref<16384xf32, #tpu.memory_space<vmem>>[vector<16xi32>], vector<16xf32>,
      %swap3A_748 = arith.constant 1 : i32
      %swap3A_749 = arith.index_cast %swap3A_748 : i32 to index
      %swap3A_750 = arith.constant 320 : index
      %swap3A_751 = tpu.vector_load %arg20[%swap3A_749, %swap3A_750] {strides = array<i32>} : memref<4x1024xf32, #tpu.memory_space<vmem>>, vector<16xf32>,
      tpu.vector_store %arg20[%swap3A_749, %swap3A_750], %gather3A_747 {strides = array<i32>} : memref<4x1024xf32, #tpu.memory_space<vmem>>, vector<16xf32>,
      %gather3A_752 = tpu.vector_load_idx %arg13[%get3A_741] : memref<16384xf32, #tpu.memory_space<vmem>>[vector<16xi32>], vector<16xf32>,
      %swap3A_753 = arith.constant 2 : i32
      %swap3A_754 = arith.index_cast %swap3A_753 : i32 to index
      %swap3A_755 = arith.constant 320 : index
      %swap3A_756 = tpu.vector_load %arg20[%swap3A_754, %swap3A_755] {strides = array<i32>} : memref<4x1024xf32, #tpu.memory_space<vmem>>, vector<16xf32>,
      tpu.vector_store %arg20[%swap3A_754, %swap3A_755], %gather3A_752 {strides = array<i32>} : memref<4x1024xf32, #tpu.memory_space<vmem>>, vector<16xf32>,
      %gather3A_757 = tpu.vector_load_idx %arg14[%get3A_741] : memref<16384xf32, #tpu.memory_space<vmem>>[vector<16xi32>], vector<16xf32>,
      %swap3A_758 = arith.constant 3 : i32
      %swap3A_759 = arith.index_cast %swap3A_758 : i32 to index
      %swap3A_760 = arith.constant 320 : index
      %swap3A_761 = tpu.vector_load %arg20[%swap3A_759, %swap3A_760] {strides = array<i32>} : memref<4x1024xf32, #tpu.memory_space<vmem>>, vector<16xf32>,
      tpu.vector_store %arg20[%swap3A_759, %swap3A_760], %gather3A_757 {strides = array<i32>} : memref<4x1024xf32, #tpu.memory_space<vmem>>, vector<16xf32>,
      %get3A_762 = arith.constant 336 : index
      %get3A_763 = tpu.vector_load %arg16[%get3A_762] {strides = array<i32>} : memref<1024xi32, #tpu.memory_space<vmem>>, vector<16xi32>,
      %gather3A_764 = tpu.vector_load_idx %arg11[%get3A_763] : memref<16384xf32, #tpu.memory_space<vmem>>[vector<16xi32>], vector<16xf32>,
      %swap3A_765 = arith.constant 0 : i32
      %swap3A_766 = arith.index_cast %swap3A_765 : i32 to index
      %swap3A_767 = arith.constant 336 : index
      %swap3A_768 = tpu.vector_load %arg20[%swap3A_766, %swap3A_767] {strides = array<i32>} : memref<4x1024xf32, #tpu.memory_space<vmem>>, vector<16xf32>,
      tpu.vector_store %arg20[%swap3A_766, %swap3A_767], %gather3A_764 {strides = array<i32>} : memref<4x1024xf32, #tpu.memory_space<vmem>>, vector<16xf32>,
      %gather3A_769 = tpu.vector_load_idx %arg12[%get3A_763] : memref<16384xf32, #tpu.memory_space<vmem>>[vector<16xi32>], vector<16xf32>,
      %swap3A_770 = arith.constant 1 : i32
      %swap3A_771 = arith.index_cast %swap3A_770 : i32 to index
      %swap3A_772 = arith.constant 336 : index
      %swap3A_773 = tpu.vector_load %arg20[%swap3A_771, %swap3A_772] {strides = array<i32>} : memref<4x1024xf32, #tpu.memory_space<vmem>>, vector<16xf32>,
      tpu.vector_store %arg20[%swap3A_771, %swap3A_772], %gather3A_769 {strides = array<i32>} : memref<4x1024xf32, #tpu.memory_space<vmem>>, vector<16xf32>,
      %gather3A_774 = tpu.vector_load_idx %arg13[%get3A_763] : memref<16384xf32, #tpu.memory_space<vmem>>[vector<16xi32>], vector<16xf32>,
      %swap3A_775 = arith.constant 2 : i32
      %swap3A_776 = arith.index_cast %swap3A_775 : i32 to index
      %swap3A_777 = arith.constant 336 : index
      %swap3A_778 = tpu.vector_load %arg20[%swap3A_776, %swap3A_777] {strides = array<i32>} : memref<4x1024xf32, #tpu.memory_space<vmem>>, vector<16xf32>,
      tpu.vector_store %arg20[%swap3A_776, %swap3A_777], %gather3A_774 {strides = array<i32>} : memref<4x1024xf32, #tpu.memory_space<vmem>>, vector<16xf32>,
      %gather3A_779 = tpu.vector_load_idx %arg14[%get3A_763] : memref<16384xf32, #tpu.memory_space<vmem>>[vector<16xi32>], vector<16xf32>,
      %swap3A_780 = arith.constant 3 : i32
      %swap3A_781 = arith.index_cast %swap3A_780 : i32 to index
      %swap3A_782 = arith.constant 336 : index
      %swap3A_783 = tpu.vector_load %arg20[%swap3A_781, %swap3A_782] {strides = array<i32>} : memref<4x1024xf32, #tpu.memory_space<vmem>>, vector<16xf32>,
      tpu.vector_store %arg20[%swap3A_781, %swap3A_782], %gather3A_779 {strides = array<i32>} : memref<4x1024xf32, #tpu.memory_space<vmem>>, vector<16xf32>,
      %get3A_784 = arith.constant 352 : index
      %get3A_785 = tpu.vector_load %arg16[%get3A_784] {strides = array<i32>} : memref<1024xi32, #tpu.memory_space<vmem>>, vector<16xi32>,
      %gather3A_786 = tpu.vector_load_idx %arg11[%get3A_785] : memref<16384xf32, #tpu.memory_space<vmem>>[vector<16xi32>], vector<16xf32>,
      %swap3A_787 = arith.constant 0 : i32
      %swap3A_788 = arith.index_cast %swap3A_787 : i32 to index
      %swap3A_789 = arith.constant 352 : index
      %swap3A_790 = tpu.vector_load %arg20[%swap3A_788, %swap3A_789] {strides = array<i32>} : memref<4x1024xf32, #tpu.memory_space<vmem>>, vector<16xf32>,
      tpu.vector_store %arg20[%swap3A_788, %swap3A_789], %gather3A_786 {strides = array<i32>} : memref<4x1024xf32, #tpu.memory_space<vmem>>, vector<16xf32>,
      %gather3A_791 = tpu.vector_load_idx %arg12[%get3A_785] : memref<16384xf32, #tpu.memory_space<vmem>>[vector<16xi32>], vector<16xf32>,
      %swap3A_792 = arith.constant 1 : i32
      %swap3A_793 = arith.index_cast %swap3A_792 : i32 to index
      %swap3A_794 = arith.constant 352 : index
      %swap3A_795 = tpu.vector_load %arg20[%swap3A_793, %swap3A_794] {strides = array<i32>} : memref<4x1024xf32, #tpu.memory_space<vmem>>, vector<16xf32>,
      tpu.vector_store %arg20[%swap3A_793, %swap3A_794], %gather3A_791 {strides = array<i32>} : memref<4x1024xf32, #tpu.memory_space<vmem>>, vector<16xf32>,
      %gather3A_796 = tpu.vector_load_idx %arg13[%get3A_785] : memref<16384xf32, #tpu.memory_space<vmem>>[vector<16xi32>], vector<16xf32>,
      %swap3A_797 = arith.constant 2 : i32
      %swap3A_798 = arith.index_cast %swap3A_797 : i32 to index
      %swap3A_799 = arith.constant 352 : index
      %swap3A_800 = tpu.vector_load %arg20[%swap3A_798, %swap3A_799] {strides = array<i32>} : memref<4x1024xf32, #tpu.memory_space<vmem>>, vector<16xf32>,
      tpu.vector_store %arg20[%swap3A_798, %swap3A_799], %gather3A_796 {strides = array<i32>} : memref<4x1024xf32, #tpu.memory_space<vmem>>, vector<16xf32>,
      %gather3A_801 = tpu.vector_load_idx %arg14[%get3A_785] : memref<16384xf32, #tpu.memory_space<vmem>>[vector<16xi32>], vector<16xf32>,
      %swap3A_802 = arith.constant 3 : i32
      %swap3A_803 = arith.index_cast %swap3A_802 : i32 to index
      %swap3A_804 = arith.constant 352 : index
      %swap3A_805 = tpu.vector_load %arg20[%swap3A_803, %swap3A_804] {strides = array<i32>} : memref<4x1024xf32, #tpu.memory_space<vmem>>, vector<16xf32>,
      tpu.vector_store %arg20[%swap3A_803, %swap3A_804], %gather3A_801 {strides = array<i32>} : memref<4x1024xf32, #tpu.memory_space<vmem>>, vector<16xf32>,
      %get3A_806 = arith.constant 368 : index
      %get3A_807 = tpu.vector_load %arg16[%get3A_806] {strides = array<i32>} : memref<1024xi32, #tpu.memory_space<vmem>>, vector<16xi32>,
      %gather3A_808 = tpu.vector_load_idx %arg11[%get3A_807] : memref<16384xf32, #tpu.memory_space<vmem>>[vector<16xi32>], vector<16xf32>,
      %swap3A_809 = arith.constant 0 : i32
      %swap3A_810 = arith.index_cast %swap3A_809 : i32 to index
      %swap3A_811 = arith.constant 368 : index
      %swap3A_812 = tpu.vector_load %arg20[%swap3A_810, %swap3A_811] {strides = array<i32>} : memref<4x1024xf32, #tpu.memory_space<vmem>>, vector<16xf32>,
      tpu.vector_store %arg20[%swap3A_810, %swap3A_811], %gather3A_808 {strides = array<i32>} : memref<4x1024xf32, #tpu.memory_space<vmem>>, vector<16xf32>,
      %gather3A_813 = tpu.vector_load_idx %arg12[%get3A_807] : memref<16384xf32, #tpu.memory_space<vmem>>[vector<16xi32>], vector<16xf32>,
      %swap3A_814 = arith.constant 1 : i32
      %swap3A_815 = arith.index_cast %swap3A_814 : i32 to index
      %swap3A_816 = arith.constant 368 : index
      %swap3A_817 = tpu.vector_load %arg20[%swap3A_815, %swap3A_816] {strides = array<i32>} : memref<4x1024xf32, #tpu.memory_space<vmem>>, vector<16xf32>,
      tpu.vector_store %arg20[%swap3A_815, %swap3A_816], %gather3A_813 {strides = array<i32>} : memref<4x1024xf32, #tpu.memory_space<vmem>>, vector<16xf32>,
      %gather3A_818 = tpu.vector_load_idx %arg13[%get3A_807] : memref<16384xf32, #tpu.memory_space<vmem>>[vector<16xi32>], vector<16xf32>,
      %swap3A_819 = arith.constant 2 : i32
      %swap3A_820 = arith.index_cast %swap3A_819 : i32 to index
      %swap3A_821 = arith.constant 368 : index
      %swap3A_822 = tpu.vector_load %arg20[%swap3A_820, %swap3A_821] {strides = array<i32>} : memref<4x1024xf32, #tpu.memory_space<vmem>>, vector<16xf32>,
      tpu.vector_store %arg20[%swap3A_820, %swap3A_821], %gather3A_818 {strides = array<i32>} : memref<4x1024xf32, #tpu.memory_space<vmem>>, vector<16xf32>,
      %gather3A_823 = tpu.vector_load_idx %arg14[%get3A_807] : memref<16384xf32, #tpu.memory_space<vmem>>[vector<16xi32>], vector<16xf32>,
      %swap3A_824 = arith.constant 3 : i32
      %swap3A_825 = arith.index_cast %swap3A_824 : i32 to index
      %swap3A_826 = arith.constant 368 : index
      %swap3A_827 = tpu.vector_load %arg20[%swap3A_825, %swap3A_826] {strides = array<i32>} : memref<4x1024xf32, #tpu.memory_space<vmem>>, vector<16xf32>,
      tpu.vector_store %arg20[%swap3A_825, %swap3A_826], %gather3A_823 {strides = array<i32>} : memref<4x1024xf32, #tpu.memory_space<vmem>>, vector<16xf32>,
      %get3A_828 = arith.constant 384 : index
      %get3A_829 = tpu.vector_load %arg16[%get3A_828] {strides = array<i32>} : memref<1024xi32, #tpu.memory_space<vmem>>, vector<16xi32>,
      %gather3A_830 = tpu.vector_load_idx %arg11[%get3A_829] : memref<16384xf32, #tpu.memory_space<vmem>>[vector<16xi32>], vector<16xf32>,
      %swap3A_831 = arith.constant 0 : i32
      %swap3A_832 = arith.index_cast %swap3A_831 : i32 to index
      %swap3A_833 = arith.constant 384 : index
      %swap3A_834 = tpu.vector_load %arg20[%swap3A_832, %swap3A_833] {strides = array<i32>} : memref<4x1024xf32, #tpu.memory_space<vmem>>, vector<16xf32>,
      tpu.vector_store %arg20[%swap3A_832, %swap3A_833], %gather3A_830 {strides = array<i32>} : memref<4x1024xf32, #tpu.memory_space<vmem>>, vector<16xf32>,
      %gather3A_835 = tpu.vector_load_idx %arg12[%get3A_829] : memref<16384xf32, #tpu.memory_space<vmem>>[vector<16xi32>], vector<16xf32>,
      %swap3A_836 = arith.constant 1 : i32
      %swap3A_837 = arith.index_cast %swap3A_836 : i32 to index
      %swap3A_838 = arith.constant 384 : index
      %swap3A_839 = tpu.vector_load %arg20[%swap3A_837, %swap3A_838] {strides = array<i32>} : memref<4x1024xf32, #tpu.memory_space<vmem>>, vector<16xf32>,
      tpu.vector_store %arg20[%swap3A_837, %swap3A_838], %gather3A_835 {strides = array<i32>} : memref<4x1024xf32, #tpu.memory_space<vmem>>, vector<16xf32>,
      %gather3A_840 = tpu.vector_load_idx %arg13[%get3A_829] : memref<16384xf32, #tpu.memory_space<vmem>>[vector<16xi32>], vector<16xf32>,
      %swap3A_841 = arith.constant 2 : i32
      %swap3A_842 = arith.index_cast %swap3A_841 : i32 to index
      %swap3A_843 = arith.constant 384 : index
      %swap3A_844 = tpu.vector_load %arg20[%swap3A_842, %swap3A_843] {strides = array<i32>} : memref<4x1024xf32, #tpu.memory_space<vmem>>, vector<16xf32>,
      tpu.vector_store %arg20[%swap3A_842, %swap3A_843], %gather3A_840 {strides = array<i32>} : memref<4x1024xf32, #tpu.memory_space<vmem>>, vector<16xf32>,
      %gather3A_845 = tpu.vector_load_idx %arg14[%get3A_829] : memref<16384xf32, #tpu.memory_space<vmem>>[vector<16xi32>], vector<16xf32>,
      %swap3A_846 = arith.constant 3 : i32
      %swap3A_847 = arith.index_cast %swap3A_846 : i32 to index
      %swap3A_848 = arith.constant 384 : index
      %swap3A_849 = tpu.vector_load %arg20[%swap3A_847, %swap3A_848] {strides = array<i32>} : memref<4x1024xf32, #tpu.memory_space<vmem>>, vector<16xf32>,
      tpu.vector_store %arg20[%swap3A_847, %swap3A_848], %gather3A_845 {strides = array<i32>} : memref<4x1024xf32, #tpu.memory_space<vmem>>, vector<16xf32>,
      %get3A_850 = arith.constant 400 : index
      %get3A_851 = tpu.vector_load %arg16[%get3A_850] {strides = array<i32>} : memref<1024xi32, #tpu.memory_space<vmem>>, vector<16xi32>,
      %gather3A_852 = tpu.vector_load_idx %arg11[%get3A_851] : memref<16384xf32, #tpu.memory_space<vmem>>[vector<16xi32>], vector<16xf32>,
      %swap3A_853 = arith.constant 0 : i32
      %swap3A_854 = arith.index_cast %swap3A_853 : i32 to index
      %swap3A_855 = arith.constant 400 : index
      %swap3A_856 = tpu.vector_load %arg20[%swap3A_854, %swap3A_855] {strides = array<i32>} : memref<4x1024xf32, #tpu.memory_space<vmem>>, vector<16xf32>,
      tpu.vector_store %arg20[%swap3A_854, %swap3A_855], %gather3A_852 {strides = array<i32>} : memref<4x1024xf32, #tpu.memory_space<vmem>>, vector<16xf32>,
      %gather3A_857 = tpu.vector_load_idx %arg12[%get3A_851] : memref<16384xf32, #tpu.memory_space<vmem>>[vector<16xi32>], vector<16xf32>,
      %swap3A_858 = arith.constant 1 : i32
      %swap3A_859 = arith.index_cast %swap3A_858 : i32 to index
      %swap3A_860 = arith.constant 400 : index
      %swap3A_861 = tpu.vector_load %arg20[%swap3A_859, %swap3A_860] {strides = array<i32>} : memref<4x1024xf32, #tpu.memory_space<vmem>>, vector<16xf32>,
      tpu.vector_store %arg20[%swap3A_859, %swap3A_860], %gather3A_857 {strides = array<i32>} : memref<4x1024xf32, #tpu.memory_space<vmem>>, vector<16xf32>,
      %gather3A_862 = tpu.vector_load_idx %arg13[%get3A_851] : memref<16384xf32, #tpu.memory_space<vmem>>[vector<16xi32>], vector<16xf32>,
      %swap3A_863 = arith.constant 2 : i32
      %swap3A_864 = arith.index_cast %swap3A_863 : i32 to index
      %swap3A_865 = arith.constant 400 : index
      %swap3A_866 = tpu.vector_load %arg20[%swap3A_864, %swap3A_865] {strides = array<i32>} : memref<4x1024xf32, #tpu.memory_space<vmem>>, vector<16xf32>,
      tpu.vector_store %arg20[%swap3A_864, %swap3A_865], %gather3A_862 {strides = array<i32>} : memref<4x1024xf32, #tpu.memory_space<vmem>>, vector<16xf32>,
      %gather3A_867 = tpu.vector_load_idx %arg14[%get3A_851] : memref<16384xf32, #tpu.memory_space<vmem>>[vector<16xi32>], vector<16xf32>,
      %swap3A_868 = arith.constant 3 : i32
      %swap3A_869 = arith.index_cast %swap3A_868 : i32 to index
      %swap3A_870 = arith.constant 400 : index
      %swap3A_871 = tpu.vector_load %arg20[%swap3A_869, %swap3A_870] {strides = array<i32>} : memref<4x1024xf32, #tpu.memory_space<vmem>>, vector<16xf32>,
      tpu.vector_store %arg20[%swap3A_869, %swap3A_870], %gather3A_867 {strides = array<i32>} : memref<4x1024xf32, #tpu.memory_space<vmem>>, vector<16xf32>,
      %get3A_872 = arith.constant 416 : index
      %get3A_873 = tpu.vector_load %arg16[%get3A_872] {strides = array<i32>} : memref<1024xi32, #tpu.memory_space<vmem>>, vector<16xi32>,
      %gather3A_874 = tpu.vector_load_idx %arg11[%get3A_873] : memref<16384xf32, #tpu.memory_space<vmem>>[vector<16xi32>], vector<16xf32>,
      %swap3A_875 = arith.constant 0 : i32
      %swap3A_876 = arith.index_cast %swap3A_875 : i32 to index
      %swap3A_877 = arith.constant 416 : index
      %swap3A_878 = tpu.vector_load %arg20[%swap3A_876, %swap3A_877] {strides = array<i32>} : memref<4x1024xf32, #tpu.memory_space<vmem>>, vector<16xf32>,
      tpu.vector_store %arg20[%swap3A_876, %swap3A_877], %gather3A_874 {strides = array<i32>} : memref<4x1024xf32, #tpu.memory_space<vmem>>, vector<16xf32>,
      %gather3A_879 = tpu.vector_load_idx %arg12[%get3A_873] : memref<16384xf32, #tpu.memory_space<vmem>>[vector<16xi32>], vector<16xf32>,
      %swap3A_880 = arith.constant 1 : i32
      %swap3A_881 = arith.index_cast %swap3A_880 : i32 to index
      %swap3A_882 = arith.constant 416 : index
      %swap3A_883 = tpu.vector_load %arg20[%swap3A_881, %swap3A_882] {strides = array<i32>} : memref<4x1024xf32, #tpu.memory_space<vmem>>, vector<16xf32>,
      tpu.vector_store %arg20[%swap3A_881, %swap3A_882], %gather3A_879 {strides = array<i32>} : memref<4x1024xf32, #tpu.memory_space<vmem>>, vector<16xf32>,
      %gather3A_884 = tpu.vector_load_idx %arg13[%get3A_873] : memref<16384xf32, #tpu.memory_space<vmem>>[vector<16xi32>], vector<16xf32>,
      %swap3A_885 = arith.constant 2 : i32
      %swap3A_886 = arith.index_cast %swap3A_885 : i32 to index
      %swap3A_887 = arith.constant 416 : index
      %swap3A_888 = tpu.vector_load %arg20[%swap3A_886, %swap3A_887] {strides = array<i32>} : memref<4x1024xf32, #tpu.memory_space<vmem>>, vector<16xf32>,
      tpu.vector_store %arg20[%swap3A_886, %swap3A_887], %gather3A_884 {strides = array<i32>} : memref<4x1024xf32, #tpu.memory_space<vmem>>, vector<16xf32>,
      %gather3A_889 = tpu.vector_load_idx %arg14[%get3A_873] : memref<16384xf32, #tpu.memory_space<vmem>>[vector<16xi32>], vector<16xf32>,
      %swap3A_890 = arith.constant 3 : i32
      %swap3A_891 = arith.index_cast %swap3A_890 : i32 to index
      %swap3A_892 = arith.constant 416 : index
      %swap3A_893 = tpu.vector_load %arg20[%swap3A_891, %swap3A_892] {strides = array<i32>} : memref<4x1024xf32, #tpu.memory_space<vmem>>, vector<16xf32>,
      tpu.vector_store %arg20[%swap3A_891, %swap3A_892], %gather3A_889 {strides = array<i32>} : memref<4x1024xf32, #tpu.memory_space<vmem>>, vector<16xf32>,
      %get3A_894 = arith.constant 432 : index
      %get3A_895 = tpu.vector_load %arg16[%get3A_894] {strides = array<i32>} : memref<1024xi32, #tpu.memory_space<vmem>>, vector<16xi32>,
      %gather3A_896 = tpu.vector_load_idx %arg11[%get3A_895] : memref<16384xf32, #tpu.memory_space<vmem>>[vector<16xi32>], vector<16xf32>,
      %swap3A_897 = arith.constant 0 : i32
      %swap3A_898 = arith.index_cast %swap3A_897 : i32 to index
      %swap3A_899 = arith.constant 432 : index
      %swap3A_900 = tpu.vector_load %arg20[%swap3A_898, %swap3A_899] {strides = array<i32>} : memref<4x1024xf32, #tpu.memory_space<vmem>>, vector<16xf32>,
      tpu.vector_store %arg20[%swap3A_898, %swap3A_899], %gather3A_896 {strides = array<i32>} : memref<4x1024xf32, #tpu.memory_space<vmem>>, vector<16xf32>,
      %gather3A_901 = tpu.vector_load_idx %arg12[%get3A_895] : memref<16384xf32, #tpu.memory_space<vmem>>[vector<16xi32>], vector<16xf32>,
      %swap3A_902 = arith.constant 1 : i32
      %swap3A_903 = arith.index_cast %swap3A_902 : i32 to index
      %swap3A_904 = arith.constant 432 : index
      %swap3A_905 = tpu.vector_load %arg20[%swap3A_903, %swap3A_904] {strides = array<i32>} : memref<4x1024xf32, #tpu.memory_space<vmem>>, vector<16xf32>,
      tpu.vector_store %arg20[%swap3A_903, %swap3A_904], %gather3A_901 {strides = array<i32>} : memref<4x1024xf32, #tpu.memory_space<vmem>>, vector<16xf32>,
      %gather3A_906 = tpu.vector_load_idx %arg13[%get3A_895] : memref<16384xf32, #tpu.memory_space<vmem>>[vector<16xi32>], vector<16xf32>,
      %swap3A_907 = arith.constant 2 : i32
      %swap3A_908 = arith.index_cast %swap3A_907 : i32 to index
      %swap3A_909 = arith.constant 432 : index
      %swap3A_910 = tpu.vector_load %arg20[%swap3A_908, %swap3A_909] {strides = array<i32>} : memref<4x1024xf32, #tpu.memory_space<vmem>>, vector<16xf32>,
      tpu.vector_store %arg20[%swap3A_908, %swap3A_909], %gather3A_906 {strides = array<i32>} : memref<4x1024xf32, #tpu.memory_space<vmem>>, vector<16xf32>,
      %gather3A_911 = tpu.vector_load_idx %arg14[%get3A_895] : memref<16384xf32, #tpu.memory_space<vmem>>[vector<16xi32>], vector<16xf32>,
      %swap3A_912 = arith.constant 3 : i32
      %swap3A_913 = arith.index_cast %swap3A_912 : i32 to index
      %swap3A_914 = arith.constant 432 : index
      %swap3A_915 = tpu.vector_load %arg20[%swap3A_913, %swap3A_914] {strides = array<i32>} : memref<4x1024xf32, #tpu.memory_space<vmem>>, vector<16xf32>,
      tpu.vector_store %arg20[%swap3A_913, %swap3A_914], %gather3A_911 {strides = array<i32>} : memref<4x1024xf32, #tpu.memory_space<vmem>>, vector<16xf32>,
      %get3A_916 = arith.constant 448 : index
      %get3A_917 = tpu.vector_load %arg16[%get3A_916] {strides = array<i32>} : memref<1024xi32, #tpu.memory_space<vmem>>, vector<16xi32>,
      %gather3A_918 = tpu.vector_load_idx %arg11[%get3A_917] : memref<16384xf32, #tpu.memory_space<vmem>>[vector<16xi32>], vector<16xf32>,
      %swap3A_919 = arith.constant 0 : i32
      %swap3A_920 = arith.index_cast %swap3A_919 : i32 to index
      %swap3A_921 = arith.constant 448 : index
      %swap3A_922 = tpu.vector_load %arg20[%swap3A_920, %swap3A_921] {strides = array<i32>} : memref<4x1024xf32, #tpu.memory_space<vmem>>, vector<16xf32>,
      tpu.vector_store %arg20[%swap3A_920, %swap3A_921], %gather3A_918 {strides = array<i32>} : memref<4x1024xf32, #tpu.memory_space<vmem>>, vector<16xf32>,
      %gather3A_923 = tpu.vector_load_idx %arg12[%get3A_917] : memref<16384xf32, #tpu.memory_space<vmem>>[vector<16xi32>], vector<16xf32>,
      %swap3A_924 = arith.constant 1 : i32
      %swap3A_925 = arith.index_cast %swap3A_924 : i32 to index
      %swap3A_926 = arith.constant 448 : index
      %swap3A_927 = tpu.vector_load %arg20[%swap3A_925, %swap3A_926] {strides = array<i32>} : memref<4x1024xf32, #tpu.memory_space<vmem>>, vector<16xf32>,
      tpu.vector_store %arg20[%swap3A_925, %swap3A_926], %gather3A_923 {strides = array<i32>} : memref<4x1024xf32, #tpu.memory_space<vmem>>, vector<16xf32>,
      %gather3A_928 = tpu.vector_load_idx %arg13[%get3A_917] : memref<16384xf32, #tpu.memory_space<vmem>>[vector<16xi32>], vector<16xf32>,
      %swap3A_929 = arith.constant 2 : i32
      %swap3A_930 = arith.index_cast %swap3A_929 : i32 to index
      %swap3A_931 = arith.constant 448 : index
      %swap3A_932 = tpu.vector_load %arg20[%swap3A_930, %swap3A_931] {strides = array<i32>} : memref<4x1024xf32, #tpu.memory_space<vmem>>, vector<16xf32>,
      tpu.vector_store %arg20[%swap3A_930, %swap3A_931], %gather3A_928 {strides = array<i32>} : memref<4x1024xf32, #tpu.memory_space<vmem>>, vector<16xf32>,
      %gather3A_933 = tpu.vector_load_idx %arg14[%get3A_917] : memref<16384xf32, #tpu.memory_space<vmem>>[vector<16xi32>], vector<16xf32>,
      %swap3A_934 = arith.constant 3 : i32
      %swap3A_935 = arith.index_cast %swap3A_934 : i32 to index
      %swap3A_936 = arith.constant 448 : index
      %swap3A_937 = tpu.vector_load %arg20[%swap3A_935, %swap3A_936] {strides = array<i32>} : memref<4x1024xf32, #tpu.memory_space<vmem>>, vector<16xf32>,
      tpu.vector_store %arg20[%swap3A_935, %swap3A_936], %gather3A_933 {strides = array<i32>} : memref<4x1024xf32, #tpu.memory_space<vmem>>, vector<16xf32>,
      %get3A_938 = arith.constant 464 : index
      %get3A_939 = tpu.vector_load %arg16[%get3A_938] {strides = array<i32>} : memref<1024xi32, #tpu.memory_space<vmem>>, vector<16xi32>,
      %gather3A_940 = tpu.vector_load_idx %arg11[%get3A_939] : memref<16384xf32, #tpu.memory_space<vmem>>[vector<16xi32>], vector<16xf32>,
      %swap3A_941 = arith.constant 0 : i32
      %swap3A_942 = arith.index_cast %swap3A_941 : i32 to index
      %swap3A_943 = arith.constant 464 : index
      %swap3A_944 = tpu.vector_load %arg20[%swap3A_942, %swap3A_943] {strides = array<i32>} : memref<4x1024xf32, #tpu.memory_space<vmem>>, vector<16xf32>,
      tpu.vector_store %arg20[%swap3A_942, %swap3A_943], %gather3A_940 {strides = array<i32>} : memref<4x1024xf32, #tpu.memory_space<vmem>>, vector<16xf32>,
      %gather3A_945 = tpu.vector_load_idx %arg12[%get3A_939] : memref<16384xf32, #tpu.memory_space<vmem>>[vector<16xi32>], vector<16xf32>,
      %swap3A_946 = arith.constant 1 : i32
      %swap3A_947 = arith.index_cast %swap3A_946 : i32 to index
      %swap3A_948 = arith.constant 464 : index
      %swap3A_949 = tpu.vector_load %arg20[%swap3A_947, %swap3A_948] {strides = array<i32>} : memref<4x1024xf32, #tpu.memory_space<vmem>>, vector<16xf32>,
      tpu.vector_store %arg20[%swap3A_947, %swap3A_948], %gather3A_945 {strides = array<i32>} : memref<4x1024xf32, #tpu.memory_space<vmem>>, vector<16xf32>,
      %gather3A_950 = tpu.vector_load_idx %arg13[%get3A_939] : memref<16384xf32, #tpu.memory_space<vmem>>[vector<16xi32>], vector<16xf32>,
      %swap3A_951 = arith.constant 2 : i32
      %swap3A_952 = arith.index_cast %swap3A_951 : i32 to index
      %swap3A_953 = arith.constant 464 : index
      %swap3A_954 = tpu.vector_load %arg20[%swap3A_952, %swap3A_953] {strides = array<i32>} : memref<4x1024xf32, #tpu.memory_space<vmem>>, vector<16xf32>,
      tpu.vector_store %arg20[%swap3A_952, %swap3A_953], %gather3A_950 {strides = array<i32>} : memref<4x1024xf32, #tpu.memory_space<vmem>>, vector<16xf32>,
      %gather3A_955 = tpu.vector_load_idx %arg14[%get3A_939] : memref<16384xf32, #tpu.memory_space<vmem>>[vector<16xi32>], vector<16xf32>,
      %swap3A_956 = arith.constant 3 : i32
      %swap3A_957 = arith.index_cast %swap3A_956 : i32 to index
      %swap3A_958 = arith.constant 464 : index
      %swap3A_959 = tpu.vector_load %arg20[%swap3A_957, %swap3A_958] {strides = array<i32>} : memref<4x1024xf32, #tpu.memory_space<vmem>>, vector<16xf32>,
      tpu.vector_store %arg20[%swap3A_957, %swap3A_958], %gather3A_955 {strides = array<i32>} : memref<4x1024xf32, #tpu.memory_space<vmem>>, vector<16xf32>,
      %get3A_960 = arith.constant 480 : index
      %get3A_961 = tpu.vector_load %arg16[%get3A_960] {strides = array<i32>} : memref<1024xi32, #tpu.memory_space<vmem>>, vector<16xi32>,
      %gather3A_962 = tpu.vector_load_idx %arg11[%get3A_961] : memref<16384xf32, #tpu.memory_space<vmem>>[vector<16xi32>], vector<16xf32>,
      %swap3A_963 = arith.constant 0 : i32
      %swap3A_964 = arith.index_cast %swap3A_963 : i32 to index
      %swap3A_965 = arith.constant 480 : index
      %swap3A_966 = tpu.vector_load %arg20[%swap3A_964, %swap3A_965] {strides = array<i32>} : memref<4x1024xf32, #tpu.memory_space<vmem>>, vector<16xf32>,
      tpu.vector_store %arg20[%swap3A_964, %swap3A_965], %gather3A_962 {strides = array<i32>} : memref<4x1024xf32, #tpu.memory_space<vmem>>, vector<16xf32>,
      %gather3A_967 = tpu.vector_load_idx %arg12[%get3A_961] : memref<16384xf32, #tpu.memory_space<vmem>>[vector<16xi32>], vector<16xf32>,
      %swap3A_968 = arith.constant 1 : i32
      %swap3A_969 = arith.index_cast %swap3A_968 : i32 to index
      %swap3A_970 = arith.constant 480 : index
      %swap3A_971 = tpu.vector_load %arg20[%swap3A_969, %swap3A_970] {strides = array<i32>} : memref<4x1024xf32, #tpu.memory_space<vmem>>, vector<16xf32>,
      tpu.vector_store %arg20[%swap3A_969, %swap3A_970], %gather3A_967 {strides = array<i32>} : memref<4x1024xf32, #tpu.memory_space<vmem>>, vector<16xf32>,
      %gather3A_972 = tpu.vector_load_idx %arg13[%get3A_961] : memref<16384xf32, #tpu.memory_space<vmem>>[vector<16xi32>], vector<16xf32>,
      %swap3A_973 = arith.constant 2 : i32
      %swap3A_974 = arith.index_cast %swap3A_973 : i32 to index
      %swap3A_975 = arith.constant 480 : index
      %swap3A_976 = tpu.vector_load %arg20[%swap3A_974, %swap3A_975] {strides = array<i32>} : memref<4x1024xf32, #tpu.memory_space<vmem>>, vector<16xf32>,
      tpu.vector_store %arg20[%swap3A_974, %swap3A_975], %gather3A_972 {strides = array<i32>} : memref<4x1024xf32, #tpu.memory_space<vmem>>, vector<16xf32>,
      %gather3A_977 = tpu.vector_load_idx %arg14[%get3A_961] : memref<16384xf32, #tpu.memory_space<vmem>>[vector<16xi32>], vector<16xf32>,
      %swap3A_978 = arith.constant 3 : i32
      %swap3A_979 = arith.index_cast %swap3A_978 : i32 to index
      %swap3A_980 = arith.constant 480 : index
      %swap3A_981 = tpu.vector_load %arg20[%swap3A_979, %swap3A_980] {strides = array<i32>} : memref<4x1024xf32, #tpu.memory_space<vmem>>, vector<16xf32>,
      tpu.vector_store %arg20[%swap3A_979, %swap3A_980], %gather3A_977 {strides = array<i32>} : memref<4x1024xf32, #tpu.memory_space<vmem>>, vector<16xf32>,
      %get3A_982 = arith.constant 496 : index
      %get3A_983 = tpu.vector_load %arg16[%get3A_982] {strides = array<i32>} : memref<1024xi32, #tpu.memory_space<vmem>>, vector<16xi32>,
      %gather3A_984 = tpu.vector_load_idx %arg11[%get3A_983] : memref<16384xf32, #tpu.memory_space<vmem>>[vector<16xi32>], vector<16xf32>,
      %swap3A_985 = arith.constant 0 : i32
      %swap3A_986 = arith.index_cast %swap3A_985 : i32 to index
      %swap3A_987 = arith.constant 496 : index
      %swap3A_988 = tpu.vector_load %arg20[%swap3A_986, %swap3A_987] {strides = array<i32>} : memref<4x1024xf32, #tpu.memory_space<vmem>>, vector<16xf32>,
      tpu.vector_store %arg20[%swap3A_986, %swap3A_987], %gather3A_984 {strides = array<i32>} : memref<4x1024xf32, #tpu.memory_space<vmem>>, vector<16xf32>,
      %gather3A_989 = tpu.vector_load_idx %arg12[%get3A_983] : memref<16384xf32, #tpu.memory_space<vmem>>[vector<16xi32>], vector<16xf32>,
      %swap3A_990 = arith.constant 1 : i32
      %swap3A_991 = arith.index_cast %swap3A_990 : i32 to index
      %swap3A_992 = arith.constant 496 : index
      %swap3A_993 = tpu.vector_load %arg20[%swap3A_991, %swap3A_992] {strides = array<i32>} : memref<4x1024xf32, #tpu.memory_space<vmem>>, vector<16xf32>,
      tpu.vector_store %arg20[%swap3A_991, %swap3A_992], %gather3A_989 {strides = array<i32>} : memref<4x1024xf32, #tpu.memory_space<vmem>>, vector<16xf32>,
      %gather3A_994 = tpu.vector_load_idx %arg13[%get3A_983] : memref<16384xf32, #tpu.memory_space<vmem>>[vector<16xi32>], vector<16xf32>,
      %swap3A_995 = arith.constant 2 : i32
      %swap3A_996 = arith.index_cast %swap3A_995 : i32 to index
      %swap3A_997 = arith.constant 496 : index
      %swap3A_998 = tpu.vector_load %arg20[%swap3A_996, %swap3A_997] {strides = array<i32>} : memref<4x1024xf32, #tpu.memory_space<vmem>>, vector<16xf32>,
      tpu.vector_store %arg20[%swap3A_996, %swap3A_997], %gather3A_994 {strides = array<i32>} : memref<4x1024xf32, #tpu.memory_space<vmem>>, vector<16xf32>,
      %gather3A_999 = tpu.vector_load_idx %arg14[%get3A_983] : memref<16384xf32, #tpu.memory_space<vmem>>[vector<16xi32>], vector<16xf32>,
      %swap3A_1000 = arith.constant 3 : i32
      %swap3A_1001 = arith.index_cast %swap3A_1000 : i32 to index
      %swap3A_1002 = arith.constant 496 : index
      %swap3A_1003 = tpu.vector_load %arg20[%swap3A_1001, %swap3A_1002] {strides = array<i32>} : memref<4x1024xf32, #tpu.memory_space<vmem>>, vector<16xf32>,
      tpu.vector_store %arg20[%swap3A_1001, %swap3A_1002], %gather3A_999 {strides = array<i32>} : memref<4x1024xf32, #tpu.memory_space<vmem>>, vector<16xf32>,
      %get3A_1004 = arith.constant 512 : index
      %get3A_1005 = tpu.vector_load %arg16[%get3A_1004] {strides = array<i32>} : memref<1024xi32, #tpu.memory_space<vmem>>, vector<16xi32>,
      %gather3A_1006 = tpu.vector_load_idx %arg11[%get3A_1005] : memref<16384xf32, #tpu.memory_space<vmem>>[vector<16xi32>], vector<16xf32>,
      %swap3A_1007 = arith.constant 0 : i32
      %swap3A_1008 = arith.index_cast %swap3A_1007 : i32 to index
      %swap3A_1009 = arith.constant 512 : index
      %swap3A_1010 = tpu.vector_load %arg20[%swap3A_1008, %swap3A_1009] {strides = array<i32>} : memref<4x1024xf32, #tpu.memory_space<vmem>>, vector<16xf32>,
      tpu.vector_store %arg20[%swap3A_1008, %swap3A_1009], %gather3A_1006 {strides = array<i32>} : memref<4x1024xf32, #tpu.memory_space<vmem>>, vector<16xf32>,
      %gather3A_1011 = tpu.vector_load_idx %arg12[%get3A_1005] : memref<16384xf32, #tpu.memory_space<vmem>>[vector<16xi32>], vector<16xf32>,
      %swap3A_1012 = arith.constant 1 : i32
      %swap3A_1013 = arith.index_cast %swap3A_1012 : i32 to index
      %swap3A_1014 = arith.constant 512 : index
      %swap3A_1015 = tpu.vector_load %arg20[%swap3A_1013, %swap3A_1014] {strides = array<i32>} : memref<4x1024xf32, #tpu.memory_space<vmem>>, vector<16xf32>,
      tpu.vector_store %arg20[%swap3A_1013, %swap3A_1014], %gather3A_1011 {strides = array<i32>} : memref<4x1024xf32, #tpu.memory_space<vmem>>, vector<16xf32>,
      %gather3A_1016 = tpu.vector_load_idx %arg13[%get3A_1005] : memref<16384xf32, #tpu.memory_space<vmem>>[vector<16xi32>], vector<16xf32>,
      %swap3A_1017 = arith.constant 2 : i32
      %swap3A_1018 = arith.index_cast %swap3A_1017 : i32 to index
      %swap3A_1019 = arith.constant 512 : index
      %swap3A_1020 = tpu.vector_load %arg20[%swap3A_1018, %swap3A_1019] {strides = array<i32>} : memref<4x1024xf32, #tpu.memory_space<vmem>>, vector<16xf32>,
      tpu.vector_store %arg20[%swap3A_1018, %swap3A_1019], %gather3A_1016 {strides = array<i32>} : memref<4x1024xf32, #tpu.memory_space<vmem>>, vector<16xf32>,
      %gather3A_1021 = tpu.vector_load_idx %arg14[%get3A_1005] : memref<16384xf32, #tpu.memory_space<vmem>>[vector<16xi32>], vector<16xf32>,
      %swap3A_1022 = arith.constant 3 : i32
      %swap3A_1023 = arith.index_cast %swap3A_1022 : i32 to index
      %swap3A_1024 = arith.constant 512 : index
      %swap3A_1025 = tpu.vector_load %arg20[%swap3A_1023, %swap3A_1024] {strides = array<i32>} : memref<4x1024xf32, #tpu.memory_space<vmem>>, vector<16xf32>,
      tpu.vector_store %arg20[%swap3A_1023, %swap3A_1024], %gather3A_1021 {strides = array<i32>} : memref<4x1024xf32, #tpu.memory_space<vmem>>, vector<16xf32>,
      %get3A_1026 = arith.constant 528 : index
      %get3A_1027 = tpu.vector_load %arg16[%get3A_1026] {strides = array<i32>} : memref<1024xi32, #tpu.memory_space<vmem>>, vector<16xi32>,
      %gather3A_1028 = tpu.vector_load_idx %arg11[%get3A_1027] : memref<16384xf32, #tpu.memory_space<vmem>>[vector<16xi32>], vector<16xf32>,
      %swap3A_1029 = arith.constant 0 : i32
      %swap3A_1030 = arith.index_cast %swap3A_1029 : i32 to index
      %swap3A_1031 = arith.constant 528 : index
      %swap3A_1032 = tpu.vector_load %arg20[%swap3A_1030, %swap3A_1031] {strides = array<i32>} : memref<4x1024xf32, #tpu.memory_space<vmem>>, vector<16xf32>,
      tpu.vector_store %arg20[%swap3A_1030, %swap3A_1031], %gather3A_1028 {strides = array<i32>} : memref<4x1024xf32, #tpu.memory_space<vmem>>, vector<16xf32>,
      %gather3A_1033 = tpu.vector_load_idx %arg12[%get3A_1027] : memref<16384xf32, #tpu.memory_space<vmem>>[vector<16xi32>], vector<16xf32>,
      %swap3A_1034 = arith.constant 1 : i32
      %swap3A_1035 = arith.index_cast %swap3A_1034 : i32 to index
      %swap3A_1036 = arith.constant 528 : index
      %swap3A_1037 = tpu.vector_load %arg20[%swap3A_1035, %swap3A_1036] {strides = array<i32>} : memref<4x1024xf32, #tpu.memory_space<vmem>>, vector<16xf32>,
      tpu.vector_store %arg20[%swap3A_1035, %swap3A_1036], %gather3A_1033 {strides = array<i32>} : memref<4x1024xf32, #tpu.memory_space<vmem>>, vector<16xf32>,
      %gather3A_1038 = tpu.vector_load_idx %arg13[%get3A_1027] : memref<16384xf32, #tpu.memory_space<vmem>>[vector<16xi32>], vector<16xf32>,
      %swap3A_1039 = arith.constant 2 : i32
      %swap3A_1040 = arith.index_cast %swap3A_1039 : i32 to index
      %swap3A_1041 = arith.constant 528 : index
      %swap3A_1042 = tpu.vector_load %arg20[%swap3A_1040, %swap3A_1041] {strides = array<i32>} : memref<4x1024xf32, #tpu.memory_space<vmem>>, vector<16xf32>,
      tpu.vector_store %arg20[%swap3A_1040, %swap3A_1041], %gather3A_1038 {strides = array<i32>} : memref<4x1024xf32, #tpu.memory_space<vmem>>, vector<16xf32>,
      %gather3A_1043 = tpu.vector_load_idx %arg14[%get3A_1027] : memref<16384xf32, #tpu.memory_space<vmem>>[vector<16xi32>], vector<16xf32>,
      %swap3A_1044 = arith.constant 3 : i32
      %swap3A_1045 = arith.index_cast %swap3A_1044 : i32 to index
      %swap3A_1046 = arith.constant 528 : index
      %swap3A_1047 = tpu.vector_load %arg20[%swap3A_1045, %swap3A_1046] {strides = array<i32>} : memref<4x1024xf32, #tpu.memory_space<vmem>>, vector<16xf32>,
      tpu.vector_store %arg20[%swap3A_1045, %swap3A_1046], %gather3A_1043 {strides = array<i32>} : memref<4x1024xf32, #tpu.memory_space<vmem>>, vector<16xf32>,
      %get3A_1048 = arith.constant 544 : index
      %get3A_1049 = tpu.vector_load %arg16[%get3A_1048] {strides = array<i32>} : memref<1024xi32, #tpu.memory_space<vmem>>, vector<16xi32>,
      %gather3A_1050 = tpu.vector_load_idx %arg11[%get3A_1049] : memref<16384xf32, #tpu.memory_space<vmem>>[vector<16xi32>], vector<16xf32>,
      %swap3A_1051 = arith.constant 0 : i32
      %swap3A_1052 = arith.index_cast %swap3A_1051 : i32 to index
      %swap3A_1053 = arith.constant 544 : index
      %swap3A_1054 = tpu.vector_load %arg20[%swap3A_1052, %swap3A_1053] {strides = array<i32>} : memref<4x1024xf32, #tpu.memory_space<vmem>>, vector<16xf32>,
      tpu.vector_store %arg20[%swap3A_1052, %swap3A_1053], %gather3A_1050 {strides = array<i32>} : memref<4x1024xf32, #tpu.memory_space<vmem>>, vector<16xf32>,
      %gather3A_1055 = tpu.vector_load_idx %arg12[%get3A_1049] : memref<16384xf32, #tpu.memory_space<vmem>>[vector<16xi32>], vector<16xf32>,
      %swap3A_1056 = arith.constant 1 : i32
      %swap3A_1057 = arith.index_cast %swap3A_1056 : i32 to index
      %swap3A_1058 = arith.constant 544 : index
      %swap3A_1059 = tpu.vector_load %arg20[%swap3A_1057, %swap3A_1058] {strides = array<i32>} : memref<4x1024xf32, #tpu.memory_space<vmem>>, vector<16xf32>,
      tpu.vector_store %arg20[%swap3A_1057, %swap3A_1058], %gather3A_1055 {strides = array<i32>} : memref<4x1024xf32, #tpu.memory_space<vmem>>, vector<16xf32>,
      %gather3A_1060 = tpu.vector_load_idx %arg13[%get3A_1049] : memref<16384xf32, #tpu.memory_space<vmem>>[vector<16xi32>], vector<16xf32>,
      %swap3A_1061 = arith.constant 2 : i32
      %swap3A_1062 = arith.index_cast %swap3A_1061 : i32 to index
      %swap3A_1063 = arith.constant 544 : index
      %swap3A_1064 = tpu.vector_load %arg20[%swap3A_1062, %swap3A_1063] {strides = array<i32>} : memref<4x1024xf32, #tpu.memory_space<vmem>>, vector<16xf32>,
      tpu.vector_store %arg20[%swap3A_1062, %swap3A_1063], %gather3A_1060 {strides = array<i32>} : memref<4x1024xf32, #tpu.memory_space<vmem>>, vector<16xf32>,
      %gather3A_1065 = tpu.vector_load_idx %arg14[%get3A_1049] : memref<16384xf32, #tpu.memory_space<vmem>>[vector<16xi32>], vector<16xf32>,
      %swap3A_1066 = arith.constant 3 : i32
      %swap3A_1067 = arith.index_cast %swap3A_1066 : i32 to index
      %swap3A_1068 = arith.constant 544 : index
      %swap3A_1069 = tpu.vector_load %arg20[%swap3A_1067, %swap3A_1068] {strides = array<i32>} : memref<4x1024xf32, #tpu.memory_space<vmem>>, vector<16xf32>,
      tpu.vector_store %arg20[%swap3A_1067, %swap3A_1068], %gather3A_1065 {strides = array<i32>} : memref<4x1024xf32, #tpu.memory_space<vmem>>, vector<16xf32>,
      %get3A_1070 = arith.constant 560 : index
      %get3A_1071 = tpu.vector_load %arg16[%get3A_1070] {strides = array<i32>} : memref<1024xi32, #tpu.memory_space<vmem>>, vector<16xi32>,
      %gather3A_1072 = tpu.vector_load_idx %arg11[%get3A_1071] : memref<16384xf32, #tpu.memory_space<vmem>>[vector<16xi32>], vector<16xf32>,
      %swap3A_1073 = arith.constant 0 : i32
      %swap3A_1074 = arith.index_cast %swap3A_1073 : i32 to index
      %swap3A_1075 = arith.constant 560 : index
      %swap3A_1076 = tpu.vector_load %arg20[%swap3A_1074, %swap3A_1075] {strides = array<i32>} : memref<4x1024xf32, #tpu.memory_space<vmem>>, vector<16xf32>,
      tpu.vector_store %arg20[%swap3A_1074, %swap3A_1075], %gather3A_1072 {strides = array<i32>} : memref<4x1024xf32, #tpu.memory_space<vmem>>, vector<16xf32>,
      %gather3A_1077 = tpu.vector_load_idx %arg12[%get3A_1071] : memref<16384xf32, #tpu.memory_space<vmem>>[vector<16xi32>], vector<16xf32>,
      %swap3A_1078 = arith.constant 1 : i32
      %swap3A_1079 = arith.index_cast %swap3A_1078 : i32 to index
      %swap3A_1080 = arith.constant 560 : index
      %swap3A_1081 = tpu.vector_load %arg20[%swap3A_1079, %swap3A_1080] {strides = array<i32>} : memref<4x1024xf32, #tpu.memory_space<vmem>>, vector<16xf32>,
      tpu.vector_store %arg20[%swap3A_1079, %swap3A_1080], %gather3A_1077 {strides = array<i32>} : memref<4x1024xf32, #tpu.memory_space<vmem>>, vector<16xf32>,
      %gather3A_1082 = tpu.vector_load_idx %arg13[%get3A_1071] : memref<16384xf32, #tpu.memory_space<vmem>>[vector<16xi32>], vector<16xf32>,
      %swap3A_1083 = arith.constant 2 : i32
      %swap3A_1084 = arith.index_cast %swap3A_1083 : i32 to index
      %swap3A_1085 = arith.constant 560 : index
      %swap3A_1086 = tpu.vector_load %arg20[%swap3A_1084, %swap3A_1085] {strides = array<i32>} : memref<4x1024xf32, #tpu.memory_space<vmem>>, vector<16xf32>,
      tpu.vector_store %arg20[%swap3A_1084, %swap3A_1085], %gather3A_1082 {strides = array<i32>} : memref<4x1024xf32, #tpu.memory_space<vmem>>, vector<16xf32>,
      %gather3A_1087 = tpu.vector_load_idx %arg14[%get3A_1071] : memref<16384xf32, #tpu.memory_space<vmem>>[vector<16xi32>], vector<16xf32>,
      %swap3A_1088 = arith.constant 3 : i32
      %swap3A_1089 = arith.index_cast %swap3A_1088 : i32 to index
      %swap3A_1090 = arith.constant 560 : index
      %swap3A_1091 = tpu.vector_load %arg20[%swap3A_1089, %swap3A_1090] {strides = array<i32>} : memref<4x1024xf32, #tpu.memory_space<vmem>>, vector<16xf32>,
      tpu.vector_store %arg20[%swap3A_1089, %swap3A_1090], %gather3A_1087 {strides = array<i32>} : memref<4x1024xf32, #tpu.memory_space<vmem>>, vector<16xf32>,
      %get3A_1092 = arith.constant 576 : index
      %get3A_1093 = tpu.vector_load %arg16[%get3A_1092] {strides = array<i32>} : memref<1024xi32, #tpu.memory_space<vmem>>, vector<16xi32>,
      %gather3A_1094 = tpu.vector_load_idx %arg11[%get3A_1093] : memref<16384xf32, #tpu.memory_space<vmem>>[vector<16xi32>], vector<16xf32>,
      %swap3A_1095 = arith.constant 0 : i32
      %swap3A_1096 = arith.index_cast %swap3A_1095 : i32 to index
      %swap3A_1097 = arith.constant 576 : index
      %swap3A_1098 = tpu.vector_load %arg20[%swap3A_1096, %swap3A_1097] {strides = array<i32>} : memref<4x1024xf32, #tpu.memory_space<vmem>>, vector<16xf32>,
      tpu.vector_store %arg20[%swap3A_1096, %swap3A_1097], %gather3A_1094 {strides = array<i32>} : memref<4x1024xf32, #tpu.memory_space<vmem>>, vector<16xf32>,
      %gather3A_1099 = tpu.vector_load_idx %arg12[%get3A_1093] : memref<16384xf32, #tpu.memory_space<vmem>>[vector<16xi32>], vector<16xf32>,
      %swap3A_1100 = arith.constant 1 : i32
      %swap3A_1101 = arith.index_cast %swap3A_1100 : i32 to index
      %swap3A_1102 = arith.constant 576 : index
      %swap3A_1103 = tpu.vector_load %arg20[%swap3A_1101, %swap3A_1102] {strides = array<i32>} : memref<4x1024xf32, #tpu.memory_space<vmem>>, vector<16xf32>,
      tpu.vector_store %arg20[%swap3A_1101, %swap3A_1102], %gather3A_1099 {strides = array<i32>} : memref<4x1024xf32, #tpu.memory_space<vmem>>, vector<16xf32>,
      %gather3A_1104 = tpu.vector_load_idx %arg13[%get3A_1093] : memref<16384xf32, #tpu.memory_space<vmem>>[vector<16xi32>], vector<16xf32>,
      %swap3A_1105 = arith.constant 2 : i32
      %swap3A_1106 = arith.index_cast %swap3A_1105 : i32 to index
      %swap3A_1107 = arith.constant 576 : index
      %swap3A_1108 = tpu.vector_load %arg20[%swap3A_1106, %swap3A_1107] {strides = array<i32>} : memref<4x1024xf32, #tpu.memory_space<vmem>>, vector<16xf32>,
      tpu.vector_store %arg20[%swap3A_1106, %swap3A_1107], %gather3A_1104 {strides = array<i32>} : memref<4x1024xf32, #tpu.memory_space<vmem>>, vector<16xf32>,
      %gather3A_1109 = tpu.vector_load_idx %arg14[%get3A_1093] : memref<16384xf32, #tpu.memory_space<vmem>>[vector<16xi32>], vector<16xf32>,
      %swap3A_1110 = arith.constant 3 : i32
      %swap3A_1111 = arith.index_cast %swap3A_1110 : i32 to index
      %swap3A_1112 = arith.constant 576 : index
      %swap3A_1113 = tpu.vector_load %arg20[%swap3A_1111, %swap3A_1112] {strides = array<i32>} : memref<4x1024xf32, #tpu.memory_space<vmem>>, vector<16xf32>,
      tpu.vector_store %arg20[%swap3A_1111, %swap3A_1112], %gather3A_1109 {strides = array<i32>} : memref<4x1024xf32, #tpu.memory_space<vmem>>, vector<16xf32>,
      %get3A_1114 = arith.constant 592 : index
      %get3A_1115 = tpu.vector_load %arg16[%get3A_1114] {strides = array<i32>} : memref<1024xi32, #tpu.memory_space<vmem>>, vector<16xi32>,
      %gather3A_1116 = tpu.vector_load_idx %arg11[%get3A_1115] : memref<16384xf32, #tpu.memory_space<vmem>>[vector<16xi32>], vector<16xf32>,
      %swap3A_1117 = arith.constant 0 : i32
      %swap3A_1118 = arith.index_cast %swap3A_1117 : i32 to index
      %swap3A_1119 = arith.constant 592 : index
      %swap3A_1120 = tpu.vector_load %arg20[%swap3A_1118, %swap3A_1119] {strides = array<i32>} : memref<4x1024xf32, #tpu.memory_space<vmem>>, vector<16xf32>,
      tpu.vector_store %arg20[%swap3A_1118, %swap3A_1119], %gather3A_1116 {strides = array<i32>} : memref<4x1024xf32, #tpu.memory_space<vmem>>, vector<16xf32>,
      %gather3A_1121 = tpu.vector_load_idx %arg12[%get3A_1115] : memref<16384xf32, #tpu.memory_space<vmem>>[vector<16xi32>], vector<16xf32>,
      %swap3A_1122 = arith.constant 1 : i32
      %swap3A_1123 = arith.index_cast %swap3A_1122 : i32 to index
      %swap3A_1124 = arith.constant 592 : index
      %swap3A_1125 = tpu.vector_load %arg20[%swap3A_1123, %swap3A_1124] {strides = array<i32>} : memref<4x1024xf32, #tpu.memory_space<vmem>>, vector<16xf32>,
      tpu.vector_store %arg20[%swap3A_1123, %swap3A_1124], %gather3A_1121 {strides = array<i32>} : memref<4x1024xf32, #tpu.memory_space<vmem>>, vector<16xf32>,
      %gather3A_1126 = tpu.vector_load_idx %arg13[%get3A_1115] : memref<16384xf32, #tpu.memory_space<vmem>>[vector<16xi32>], vector<16xf32>,
      %swap3A_1127 = arith.constant 2 : i32
      %swap3A_1128 = arith.index_cast %swap3A_1127 : i32 to index
      %swap3A_1129 = arith.constant 592 : index
      %swap3A_1130 = tpu.vector_load %arg20[%swap3A_1128, %swap3A_1129] {strides = array<i32>} : memref<4x1024xf32, #tpu.memory_space<vmem>>, vector<16xf32>,
      tpu.vector_store %arg20[%swap3A_1128, %swap3A_1129], %gather3A_1126 {strides = array<i32>} : memref<4x1024xf32, #tpu.memory_space<vmem>>, vector<16xf32>,
      %gather3A_1131 = tpu.vector_load_idx %arg14[%get3A_1115] : memref<16384xf32, #tpu.memory_space<vmem>>[vector<16xi32>], vector<16xf32>,
      %swap3A_1132 = arith.constant 3 : i32
      %swap3A_1133 = arith.index_cast %swap3A_1132 : i32 to index
      %swap3A_1134 = arith.constant 592 : index
      %swap3A_1135 = tpu.vector_load %arg20[%swap3A_1133, %swap3A_1134] {strides = array<i32>} : memref<4x1024xf32, #tpu.memory_space<vmem>>, vector<16xf32>,
      tpu.vector_store %arg20[%swap3A_1133, %swap3A_1134], %gather3A_1131 {strides = array<i32>} : memref<4x1024xf32, #tpu.memory_space<vmem>>, vector<16xf32>,
      %get3A_1136 = arith.constant 608 : index
      %get3A_1137 = tpu.vector_load %arg16[%get3A_1136] {strides = array<i32>} : memref<1024xi32, #tpu.memory_space<vmem>>, vector<16xi32>,
      %gather3A_1138 = tpu.vector_load_idx %arg11[%get3A_1137] : memref<16384xf32, #tpu.memory_space<vmem>>[vector<16xi32>], vector<16xf32>,
      %swap3A_1139 = arith.constant 0 : i32
      %swap3A_1140 = arith.index_cast %swap3A_1139 : i32 to index
      %swap3A_1141 = arith.constant 608 : index
      %swap3A_1142 = tpu.vector_load %arg20[%swap3A_1140, %swap3A_1141] {strides = array<i32>} : memref<4x1024xf32, #tpu.memory_space<vmem>>, vector<16xf32>,
      tpu.vector_store %arg20[%swap3A_1140, %swap3A_1141], %gather3A_1138 {strides = array<i32>} : memref<4x1024xf32, #tpu.memory_space<vmem>>, vector<16xf32>,
      %gather3A_1143 = tpu.vector_load_idx %arg12[%get3A_1137] : memref<16384xf32, #tpu.memory_space<vmem>>[vector<16xi32>], vector<16xf32>,
      %swap3A_1144 = arith.constant 1 : i32
      %swap3A_1145 = arith.index_cast %swap3A_1144 : i32 to index
      %swap3A_1146 = arith.constant 608 : index
      %swap3A_1147 = tpu.vector_load %arg20[%swap3A_1145, %swap3A_1146] {strides = array<i32>} : memref<4x1024xf32, #tpu.memory_space<vmem>>, vector<16xf32>,
      tpu.vector_store %arg20[%swap3A_1145, %swap3A_1146], %gather3A_1143 {strides = array<i32>} : memref<4x1024xf32, #tpu.memory_space<vmem>>, vector<16xf32>,
      %gather3A_1148 = tpu.vector_load_idx %arg13[%get3A_1137] : memref<16384xf32, #tpu.memory_space<vmem>>[vector<16xi32>], vector<16xf32>,
      %swap3A_1149 = arith.constant 2 : i32
      %swap3A_1150 = arith.index_cast %swap3A_1149 : i32 to index
      %swap3A_1151 = arith.constant 608 : index
      %swap3A_1152 = tpu.vector_load %arg20[%swap3A_1150, %swap3A_1151] {strides = array<i32>} : memref<4x1024xf32, #tpu.memory_space<vmem>>, vector<16xf32>,
      tpu.vector_store %arg20[%swap3A_1150, %swap3A_1151], %gather3A_1148 {strides = array<i32>} : memref<4x1024xf32, #tpu.memory_space<vmem>>, vector<16xf32>,
      %gather3A_1153 = tpu.vector_load_idx %arg14[%get3A_1137] : memref<16384xf32, #tpu.memory_space<vmem>>[vector<16xi32>], vector<16xf32>,
      %swap3A_1154 = arith.constant 3 : i32
      %swap3A_1155 = arith.index_cast %swap3A_1154 : i32 to index
      %swap3A_1156 = arith.constant 608 : index
      %swap3A_1157 = tpu.vector_load %arg20[%swap3A_1155, %swap3A_1156] {strides = array<i32>} : memref<4x1024xf32, #tpu.memory_space<vmem>>, vector<16xf32>,
      tpu.vector_store %arg20[%swap3A_1155, %swap3A_1156], %gather3A_1153 {strides = array<i32>} : memref<4x1024xf32, #tpu.memory_space<vmem>>, vector<16xf32>,
      %get3A_1158 = arith.constant 624 : index
      %get3A_1159 = tpu.vector_load %arg16[%get3A_1158] {strides = array<i32>} : memref<1024xi32, #tpu.memory_space<vmem>>, vector<16xi32>,
      %gather3A_1160 = tpu.vector_load_idx %arg11[%get3A_1159] : memref<16384xf32, #tpu.memory_space<vmem>>[vector<16xi32>], vector<16xf32>,
      %swap3A_1161 = arith.constant 0 : i32
      %swap3A_1162 = arith.index_cast %swap3A_1161 : i32 to index
      %swap3A_1163 = arith.constant 624 : index
      %swap3A_1164 = tpu.vector_load %arg20[%swap3A_1162, %swap3A_1163] {strides = array<i32>} : memref<4x1024xf32, #tpu.memory_space<vmem>>, vector<16xf32>,
      tpu.vector_store %arg20[%swap3A_1162, %swap3A_1163], %gather3A_1160 {strides = array<i32>} : memref<4x1024xf32, #tpu.memory_space<vmem>>, vector<16xf32>,
      %gather3A_1165 = tpu.vector_load_idx %arg12[%get3A_1159] : memref<16384xf32, #tpu.memory_space<vmem>>[vector<16xi32>], vector<16xf32>,
      %swap3A_1166 = arith.constant 1 : i32
      %swap3A_1167 = arith.index_cast %swap3A_1166 : i32 to index
      %swap3A_1168 = arith.constant 624 : index
      %swap3A_1169 = tpu.vector_load %arg20[%swap3A_1167, %swap3A_1168] {strides = array<i32>} : memref<4x1024xf32, #tpu.memory_space<vmem>>, vector<16xf32>,
      tpu.vector_store %arg20[%swap3A_1167, %swap3A_1168], %gather3A_1165 {strides = array<i32>} : memref<4x1024xf32, #tpu.memory_space<vmem>>, vector<16xf32>,
      %gather3A_1170 = tpu.vector_load_idx %arg13[%get3A_1159] : memref<16384xf32, #tpu.memory_space<vmem>>[vector<16xi32>], vector<16xf32>,
      %swap3A_1171 = arith.constant 2 : i32
      %swap3A_1172 = arith.index_cast %swap3A_1171 : i32 to index
      %swap3A_1173 = arith.constant 624 : index
      %swap3A_1174 = tpu.vector_load %arg20[%swap3A_1172, %swap3A_1173] {strides = array<i32>} : memref<4x1024xf32, #tpu.memory_space<vmem>>, vector<16xf32>,
      tpu.vector_store %arg20[%swap3A_1172, %swap3A_1173], %gather3A_1170 {strides = array<i32>} : memref<4x1024xf32, #tpu.memory_space<vmem>>, vector<16xf32>,
      %gather3A_1175 = tpu.vector_load_idx %arg14[%get3A_1159] : memref<16384xf32, #tpu.memory_space<vmem>>[vector<16xi32>], vector<16xf32>,
      %swap3A_1176 = arith.constant 3 : i32
      %swap3A_1177 = arith.index_cast %swap3A_1176 : i32 to index
      %swap3A_1178 = arith.constant 624 : index
      %swap3A_1179 = tpu.vector_load %arg20[%swap3A_1177, %swap3A_1178] {strides = array<i32>} : memref<4x1024xf32, #tpu.memory_space<vmem>>, vector<16xf32>,
      tpu.vector_store %arg20[%swap3A_1177, %swap3A_1178], %gather3A_1175 {strides = array<i32>} : memref<4x1024xf32, #tpu.memory_space<vmem>>, vector<16xf32>,
      %get3A_1180 = arith.constant 640 : index
      %get3A_1181 = tpu.vector_load %arg16[%get3A_1180] {strides = array<i32>} : memref<1024xi32, #tpu.memory_space<vmem>>, vector<16xi32>,
      %gather3A_1182 = tpu.vector_load_idx %arg11[%get3A_1181] : memref<16384xf32, #tpu.memory_space<vmem>>[vector<16xi32>], vector<16xf32>,
      %swap3A_1183 = arith.constant 0 : i32
      %swap3A_1184 = arith.index_cast %swap3A_1183 : i32 to index
      %swap3A_1185 = arith.constant 640 : index
      %swap3A_1186 = tpu.vector_load %arg20[%swap3A_1184, %swap3A_1185] {strides = array<i32>} : memref<4x1024xf32, #tpu.memory_space<vmem>>, vector<16xf32>,
      tpu.vector_store %arg20[%swap3A_1184, %swap3A_1185], %gather3A_1182 {strides = array<i32>} : memref<4x1024xf32, #tpu.memory_space<vmem>>, vector<16xf32>,
      %gather3A_1187 = tpu.vector_load_idx %arg12[%get3A_1181] : memref<16384xf32, #tpu.memory_space<vmem>>[vector<16xi32>], vector<16xf32>,
      %swap3A_1188 = arith.constant 1 : i32
      %swap3A_1189 = arith.index_cast %swap3A_1188 : i32 to index
      %swap3A_1190 = arith.constant 640 : index
      %swap3A_1191 = tpu.vector_load %arg20[%swap3A_1189, %swap3A_1190] {strides = array<i32>} : memref<4x1024xf32, #tpu.memory_space<vmem>>, vector<16xf32>,
      tpu.vector_store %arg20[%swap3A_1189, %swap3A_1190], %gather3A_1187 {strides = array<i32>} : memref<4x1024xf32, #tpu.memory_space<vmem>>, vector<16xf32>,
      %gather3A_1192 = tpu.vector_load_idx %arg13[%get3A_1181] : memref<16384xf32, #tpu.memory_space<vmem>>[vector<16xi32>], vector<16xf32>,
      %swap3A_1193 = arith.constant 2 : i32
      %swap3A_1194 = arith.index_cast %swap3A_1193 : i32 to index
      %swap3A_1195 = arith.constant 640 : index
      %swap3A_1196 = tpu.vector_load %arg20[%swap3A_1194, %swap3A_1195] {strides = array<i32>} : memref<4x1024xf32, #tpu.memory_space<vmem>>, vector<16xf32>,
      tpu.vector_store %arg20[%swap3A_1194, %swap3A_1195], %gather3A_1192 {strides = array<i32>} : memref<4x1024xf32, #tpu.memory_space<vmem>>, vector<16xf32>,
      %gather3A_1197 = tpu.vector_load_idx %arg14[%get3A_1181] : memref<16384xf32, #tpu.memory_space<vmem>>[vector<16xi32>], vector<16xf32>,
      %swap3A_1198 = arith.constant 3 : i32
      %swap3A_1199 = arith.index_cast %swap3A_1198 : i32 to index
      %swap3A_1200 = arith.constant 640 : index
      %swap3A_1201 = tpu.vector_load %arg20[%swap3A_1199, %swap3A_1200] {strides = array<i32>} : memref<4x1024xf32, #tpu.memory_space<vmem>>, vector<16xf32>,
      tpu.vector_store %arg20[%swap3A_1199, %swap3A_1200], %gather3A_1197 {strides = array<i32>} : memref<4x1024xf32, #tpu.memory_space<vmem>>, vector<16xf32>,
      %get3A_1202 = arith.constant 656 : index
      %get3A_1203 = tpu.vector_load %arg16[%get3A_1202] {strides = array<i32>} : memref<1024xi32, #tpu.memory_space<vmem>>, vector<16xi32>,
      %gather3A_1204 = tpu.vector_load_idx %arg11[%get3A_1203] : memref<16384xf32, #tpu.memory_space<vmem>>[vector<16xi32>], vector<16xf32>,
      %swap3A_1205 = arith.constant 0 : i32
      %swap3A_1206 = arith.index_cast %swap3A_1205 : i32 to index
      %swap3A_1207 = arith.constant 656 : index
      %swap3A_1208 = tpu.vector_load %arg20[%swap3A_1206, %swap3A_1207] {strides = array<i32>} : memref<4x1024xf32, #tpu.memory_space<vmem>>, vector<16xf32>,
      tpu.vector_store %arg20[%swap3A_1206, %swap3A_1207], %gather3A_1204 {strides = array<i32>} : memref<4x1024xf32, #tpu.memory_space<vmem>>, vector<16xf32>,
      %gather3A_1209 = tpu.vector_load_idx %arg12[%get3A_1203] : memref<16384xf32, #tpu.memory_space<vmem>>[vector<16xi32>], vector<16xf32>,
      %swap3A_1210 = arith.constant 1 : i32
      %swap3A_1211 = arith.index_cast %swap3A_1210 : i32 to index
      %swap3A_1212 = arith.constant 656 : index
      %swap3A_1213 = tpu.vector_load %arg20[%swap3A_1211, %swap3A_1212] {strides = array<i32>} : memref<4x1024xf32, #tpu.memory_space<vmem>>, vector<16xf32>,
      tpu.vector_store %arg20[%swap3A_1211, %swap3A_1212], %gather3A_1209 {strides = array<i32>} : memref<4x1024xf32, #tpu.memory_space<vmem>>, vector<16xf32>,
      %gather3A_1214 = tpu.vector_load_idx %arg13[%get3A_1203] : memref<16384xf32, #tpu.memory_space<vmem>>[vector<16xi32>], vector<16xf32>,
      %swap3A_1215 = arith.constant 2 : i32
      %swap3A_1216 = arith.index_cast %swap3A_1215 : i32 to index
      %swap3A_1217 = arith.constant 656 : index
      %swap3A_1218 = tpu.vector_load %arg20[%swap3A_1216, %swap3A_1217] {strides = array<i32>} : memref<4x1024xf32, #tpu.memory_space<vmem>>, vector<16xf32>,
      tpu.vector_store %arg20[%swap3A_1216, %swap3A_1217], %gather3A_1214 {strides = array<i32>} : memref<4x1024xf32, #tpu.memory_space<vmem>>, vector<16xf32>,
      %gather3A_1219 = tpu.vector_load_idx %arg14[%get3A_1203] : memref<16384xf32, #tpu.memory_space<vmem>>[vector<16xi32>], vector<16xf32>,
      %swap3A_1220 = arith.constant 3 : i32
      %swap3A_1221 = arith.index_cast %swap3A_1220 : i32 to index
      %swap3A_1222 = arith.constant 656 : index
      %swap3A_1223 = tpu.vector_load %arg20[%swap3A_1221, %swap3A_1222] {strides = array<i32>} : memref<4x1024xf32, #tpu.memory_space<vmem>>, vector<16xf32>,
      tpu.vector_store %arg20[%swap3A_1221, %swap3A_1222], %gather3A_1219 {strides = array<i32>} : memref<4x1024xf32, #tpu.memory_space<vmem>>, vector<16xf32>,
      %get3A_1224 = arith.constant 672 : index
      %get3A_1225 = tpu.vector_load %arg16[%get3A_1224] {strides = array<i32>} : memref<1024xi32, #tpu.memory_space<vmem>>, vector<16xi32>,
      %gather3A_1226 = tpu.vector_load_idx %arg11[%get3A_1225] : memref<16384xf32, #tpu.memory_space<vmem>>[vector<16xi32>], vector<16xf32>,
      %swap3A_1227 = arith.constant 0 : i32
      %swap3A_1228 = arith.index_cast %swap3A_1227 : i32 to index
      %swap3A_1229 = arith.constant 672 : index
      %swap3A_1230 = tpu.vector_load %arg20[%swap3A_1228, %swap3A_1229] {strides = array<i32>} : memref<4x1024xf32, #tpu.memory_space<vmem>>, vector<16xf32>,
      tpu.vector_store %arg20[%swap3A_1228, %swap3A_1229], %gather3A_1226 {strides = array<i32>} : memref<4x1024xf32, #tpu.memory_space<vmem>>, vector<16xf32>,
      %gather3A_1231 = tpu.vector_load_idx %arg12[%get3A_1225] : memref<16384xf32, #tpu.memory_space<vmem>>[vector<16xi32>], vector<16xf32>,
      %swap3A_1232 = arith.constant 1 : i32
      %swap3A_1233 = arith.index_cast %swap3A_1232 : i32 to index
      %swap3A_1234 = arith.constant 672 : index
      %swap3A_1235 = tpu.vector_load %arg20[%swap3A_1233, %swap3A_1234] {strides = array<i32>} : memref<4x1024xf32, #tpu.memory_space<vmem>>, vector<16xf32>,
      tpu.vector_store %arg20[%swap3A_1233, %swap3A_1234], %gather3A_1231 {strides = array<i32>} : memref<4x1024xf32, #tpu.memory_space<vmem>>, vector<16xf32>,
      %gather3A_1236 = tpu.vector_load_idx %arg13[%get3A_1225] : memref<16384xf32, #tpu.memory_space<vmem>>[vector<16xi32>], vector<16xf32>,
      %swap3A_1237 = arith.constant 2 : i32
      %swap3A_1238 = arith.index_cast %swap3A_1237 : i32 to index
      %swap3A_1239 = arith.constant 672 : index
      %swap3A_1240 = tpu.vector_load %arg20[%swap3A_1238, %swap3A_1239] {strides = array<i32>} : memref<4x1024xf32, #tpu.memory_space<vmem>>, vector<16xf32>,
      tpu.vector_store %arg20[%swap3A_1238, %swap3A_1239], %gather3A_1236 {strides = array<i32>} : memref<4x1024xf32, #tpu.memory_space<vmem>>, vector<16xf32>,
      %gather3A_1241 = tpu.vector_load_idx %arg14[%get3A_1225] : memref<16384xf32, #tpu.memory_space<vmem>>[vector<16xi32>], vector<16xf32>,
      %swap3A_1242 = arith.constant 3 : i32
      %swap3A_1243 = arith.index_cast %swap3A_1242 : i32 to index
      %swap3A_1244 = arith.constant 672 : index
      %swap3A_1245 = tpu.vector_load %arg20[%swap3A_1243, %swap3A_1244] {strides = array<i32>} : memref<4x1024xf32, #tpu.memory_space<vmem>>, vector<16xf32>,
      tpu.vector_store %arg20[%swap3A_1243, %swap3A_1244], %gather3A_1241 {strides = array<i32>} : memref<4x1024xf32, #tpu.memory_space<vmem>>, vector<16xf32>,
      %get3A_1246 = arith.constant 688 : index
      %get3A_1247 = tpu.vector_load %arg16[%get3A_1246] {strides = array<i32>} : memref<1024xi32, #tpu.memory_space<vmem>>, vector<16xi32>,
      %gather3A_1248 = tpu.vector_load_idx %arg11[%get3A_1247] : memref<16384xf32, #tpu.memory_space<vmem>>[vector<16xi32>], vector<16xf32>,
      %swap3A_1249 = arith.constant 0 : i32
      %swap3A_1250 = arith.index_cast %swap3A_1249 : i32 to index
      %swap3A_1251 = arith.constant 688 : index
      %swap3A_1252 = tpu.vector_load %arg20[%swap3A_1250, %swap3A_1251] {strides = array<i32>} : memref<4x1024xf32, #tpu.memory_space<vmem>>, vector<16xf32>,
      tpu.vector_store %arg20[%swap3A_1250, %swap3A_1251], %gather3A_1248 {strides = array<i32>} : memref<4x1024xf32, #tpu.memory_space<vmem>>, vector<16xf32>,
      %gather3A_1253 = tpu.vector_load_idx %arg12[%get3A_1247] : memref<16384xf32, #tpu.memory_space<vmem>>[vector<16xi32>], vector<16xf32>,
      %swap3A_1254 = arith.constant 1 : i32
      %swap3A_1255 = arith.index_cast %swap3A_1254 : i32 to index
      %swap3A_1256 = arith.constant 688 : index
      %swap3A_1257 = tpu.vector_load %arg20[%swap3A_1255, %swap3A_1256] {strides = array<i32>} : memref<4x1024xf32, #tpu.memory_space<vmem>>, vector<16xf32>,
      tpu.vector_store %arg20[%swap3A_1255, %swap3A_1256], %gather3A_1253 {strides = array<i32>} : memref<4x1024xf32, #tpu.memory_space<vmem>>, vector<16xf32>,
      %gather3A_1258 = tpu.vector_load_idx %arg13[%get3A_1247] : memref<16384xf32, #tpu.memory_space<vmem>>[vector<16xi32>], vector<16xf32>,
      %swap3A_1259 = arith.constant 2 : i32
      %swap3A_1260 = arith.index_cast %swap3A_1259 : i32 to index
      %swap3A_1261 = arith.constant 688 : index
      %swap3A_1262 = tpu.vector_load %arg20[%swap3A_1260, %swap3A_1261] {strides = array<i32>} : memref<4x1024xf32, #tpu.memory_space<vmem>>, vector<16xf32>,
      tpu.vector_store %arg20[%swap3A_1260, %swap3A_1261], %gather3A_1258 {strides = array<i32>} : memref<4x1024xf32, #tpu.memory_space<vmem>>, vector<16xf32>,
      %gather3A_1263 = tpu.vector_load_idx %arg14[%get3A_1247] : memref<16384xf32, #tpu.memory_space<vmem>>[vector<16xi32>], vector<16xf32>,
      %swap3A_1264 = arith.constant 3 : i32
      %swap3A_1265 = arith.index_cast %swap3A_1264 : i32 to index
      %swap3A_1266 = arith.constant 688 : index
      %swap3A_1267 = tpu.vector_load %arg20[%swap3A_1265, %swap3A_1266] {strides = array<i32>} : memref<4x1024xf32, #tpu.memory_space<vmem>>, vector<16xf32>,
      tpu.vector_store %arg20[%swap3A_1265, %swap3A_1266], %gather3A_1263 {strides = array<i32>} : memref<4x1024xf32, #tpu.memory_space<vmem>>, vector<16xf32>,
      %get3A_1268 = arith.constant 704 : index
      %get3A_1269 = tpu.vector_load %arg16[%get3A_1268] {strides = array<i32>} : memref<1024xi32, #tpu.memory_space<vmem>>, vector<16xi32>,
      %gather3A_1270 = tpu.vector_load_idx %arg11[%get3A_1269] : memref<16384xf32, #tpu.memory_space<vmem>>[vector<16xi32>], vector<16xf32>,
      %swap3A_1271 = arith.constant 0 : i32
      %swap3A_1272 = arith.index_cast %swap3A_1271 : i32 to index
      %swap3A_1273 = arith.constant 704 : index
      %swap3A_1274 = tpu.vector_load %arg20[%swap3A_1272, %swap3A_1273] {strides = array<i32>} : memref<4x1024xf32, #tpu.memory_space<vmem>>, vector<16xf32>,
      tpu.vector_store %arg20[%swap3A_1272, %swap3A_1273], %gather3A_1270 {strides = array<i32>} : memref<4x1024xf32, #tpu.memory_space<vmem>>, vector<16xf32>,
      %gather3A_1275 = tpu.vector_load_idx %arg12[%get3A_1269] : memref<16384xf32, #tpu.memory_space<vmem>>[vector<16xi32>], vector<16xf32>,
      %swap3A_1276 = arith.constant 1 : i32
      %swap3A_1277 = arith.index_cast %swap3A_1276 : i32 to index
      %swap3A_1278 = arith.constant 704 : index
      %swap3A_1279 = tpu.vector_load %arg20[%swap3A_1277, %swap3A_1278] {strides = array<i32>} : memref<4x1024xf32, #tpu.memory_space<vmem>>, vector<16xf32>,
      tpu.vector_store %arg20[%swap3A_1277, %swap3A_1278], %gather3A_1275 {strides = array<i32>} : memref<4x1024xf32, #tpu.memory_space<vmem>>, vector<16xf32>,
      %gather3A_1280 = tpu.vector_load_idx %arg13[%get3A_1269] : memref<16384xf32, #tpu.memory_space<vmem>>[vector<16xi32>], vector<16xf32>,
      %swap3A_1281 = arith.constant 2 : i32
      %swap3A_1282 = arith.index_cast %swap3A_1281 : i32 to index
      %swap3A_1283 = arith.constant 704 : index
      %swap3A_1284 = tpu.vector_load %arg20[%swap3A_1282, %swap3A_1283] {strides = array<i32>} : memref<4x1024xf32, #tpu.memory_space<vmem>>, vector<16xf32>,
      tpu.vector_store %arg20[%swap3A_1282, %swap3A_1283], %gather3A_1280 {strides = array<i32>} : memref<4x1024xf32, #tpu.memory_space<vmem>>, vector<16xf32>,
      %gather3A_1285 = tpu.vector_load_idx %arg14[%get3A_1269] : memref<16384xf32, #tpu.memory_space<vmem>>[vector<16xi32>], vector<16xf32>,
      %swap3A_1286 = arith.constant 3 : i32
      %swap3A_1287 = arith.index_cast %swap3A_1286 : i32 to index
      %swap3A_1288 = arith.constant 704 : index
      %swap3A_1289 = tpu.vector_load %arg20[%swap3A_1287, %swap3A_1288] {strides = array<i32>} : memref<4x1024xf32, #tpu.memory_space<vmem>>, vector<16xf32>,
      tpu.vector_store %arg20[%swap3A_1287, %swap3A_1288], %gather3A_1285 {strides = array<i32>} : memref<4x1024xf32, #tpu.memory_space<vmem>>, vector<16xf32>,
      %get3A_1290 = arith.constant 720 : index
      %get3A_1291 = tpu.vector_load %arg16[%get3A_1290] {strides = array<i32>} : memref<1024xi32, #tpu.memory_space<vmem>>, vector<16xi32>,
      %gather3A_1292 = tpu.vector_load_idx %arg11[%get3A_1291] : memref<16384xf32, #tpu.memory_space<vmem>>[vector<16xi32>], vector<16xf32>,
      %swap3A_1293 = arith.constant 0 : i32
      %swap3A_1294 = arith.index_cast %swap3A_1293 : i32 to index
      %swap3A_1295 = arith.constant 720 : index
      %swap3A_1296 = tpu.vector_load %arg20[%swap3A_1294, %swap3A_1295] {strides = array<i32>} : memref<4x1024xf32, #tpu.memory_space<vmem>>, vector<16xf32>,
      tpu.vector_store %arg20[%swap3A_1294, %swap3A_1295], %gather3A_1292 {strides = array<i32>} : memref<4x1024xf32, #tpu.memory_space<vmem>>, vector<16xf32>,
      %gather3A_1297 = tpu.vector_load_idx %arg12[%get3A_1291] : memref<16384xf32, #tpu.memory_space<vmem>>[vector<16xi32>], vector<16xf32>,
      %swap3A_1298 = arith.constant 1 : i32
      %swap3A_1299 = arith.index_cast %swap3A_1298 : i32 to index
      %swap3A_1300 = arith.constant 720 : index
      %swap3A_1301 = tpu.vector_load %arg20[%swap3A_1299, %swap3A_1300] {strides = array<i32>} : memref<4x1024xf32, #tpu.memory_space<vmem>>, vector<16xf32>,
      tpu.vector_store %arg20[%swap3A_1299, %swap3A_1300], %gather3A_1297 {strides = array<i32>} : memref<4x1024xf32, #tpu.memory_space<vmem>>, vector<16xf32>,
      %gather3A_1302 = tpu.vector_load_idx %arg13[%get3A_1291] : memref<16384xf32, #tpu.memory_space<vmem>>[vector<16xi32>], vector<16xf32>,
      %swap3A_1303 = arith.constant 2 : i32
      %swap3A_1304 = arith.index_cast %swap3A_1303 : i32 to index
      %swap3A_1305 = arith.constant 720 : index
      %swap3A_1306 = tpu.vector_load %arg20[%swap3A_1304, %swap3A_1305] {strides = array<i32>} : memref<4x1024xf32, #tpu.memory_space<vmem>>, vector<16xf32>,
      tpu.vector_store %arg20[%swap3A_1304, %swap3A_1305], %gather3A_1302 {strides = array<i32>} : memref<4x1024xf32, #tpu.memory_space<vmem>>, vector<16xf32>,
      %gather3A_1307 = tpu.vector_load_idx %arg14[%get3A_1291] : memref<16384xf32, #tpu.memory_space<vmem>>[vector<16xi32>], vector<16xf32>,
      %swap3A_1308 = arith.constant 3 : i32
      %swap3A_1309 = arith.index_cast %swap3A_1308 : i32 to index
      %swap3A_1310 = arith.constant 720 : index
      %swap3A_1311 = tpu.vector_load %arg20[%swap3A_1309, %swap3A_1310] {strides = array<i32>} : memref<4x1024xf32, #tpu.memory_space<vmem>>, vector<16xf32>,
      tpu.vector_store %arg20[%swap3A_1309, %swap3A_1310], %gather3A_1307 {strides = array<i32>} : memref<4x1024xf32, #tpu.memory_space<vmem>>, vector<16xf32>,
      %get3A_1312 = arith.constant 736 : index
      %get3A_1313 = tpu.vector_load %arg16[%get3A_1312] {strides = array<i32>} : memref<1024xi32, #tpu.memory_space<vmem>>, vector<16xi32>,
      %gather3A_1314 = tpu.vector_load_idx %arg11[%get3A_1313] : memref<16384xf32, #tpu.memory_space<vmem>>[vector<16xi32>], vector<16xf32>,
      %swap3A_1315 = arith.constant 0 : i32
      %swap3A_1316 = arith.index_cast %swap3A_1315 : i32 to index
      %swap3A_1317 = arith.constant 736 : index
      %swap3A_1318 = tpu.vector_load %arg20[%swap3A_1316, %swap3A_1317] {strides = array<i32>} : memref<4x1024xf32, #tpu.memory_space<vmem>>, vector<16xf32>,
      tpu.vector_store %arg20[%swap3A_1316, %swap3A_1317], %gather3A_1314 {strides = array<i32>} : memref<4x1024xf32, #tpu.memory_space<vmem>>, vector<16xf32>,
      %gather3A_1319 = tpu.vector_load_idx %arg12[%get3A_1313] : memref<16384xf32, #tpu.memory_space<vmem>>[vector<16xi32>], vector<16xf32>,
      %swap3A_1320 = arith.constant 1 : i32
      %swap3A_1321 = arith.index_cast %swap3A_1320 : i32 to index
      %swap3A_1322 = arith.constant 736 : index
      %swap3A_1323 = tpu.vector_load %arg20[%swap3A_1321, %swap3A_1322] {strides = array<i32>} : memref<4x1024xf32, #tpu.memory_space<vmem>>, vector<16xf32>,
      tpu.vector_store %arg20[%swap3A_1321, %swap3A_1322], %gather3A_1319 {strides = array<i32>} : memref<4x1024xf32, #tpu.memory_space<vmem>>, vector<16xf32>,
      %gather3A_1324 = tpu.vector_load_idx %arg13[%get3A_1313] : memref<16384xf32, #tpu.memory_space<vmem>>[vector<16xi32>], vector<16xf32>,
      %swap3A_1325 = arith.constant 2 : i32
      %swap3A_1326 = arith.index_cast %swap3A_1325 : i32 to index
      %swap3A_1327 = arith.constant 736 : index
      %swap3A_1328 = tpu.vector_load %arg20[%swap3A_1326, %swap3A_1327] {strides = array<i32>} : memref<4x1024xf32, #tpu.memory_space<vmem>>, vector<16xf32>,
      tpu.vector_store %arg20[%swap3A_1326, %swap3A_1327], %gather3A_1324 {strides = array<i32>} : memref<4x1024xf32, #tpu.memory_space<vmem>>, vector<16xf32>,
      %gather3A_1329 = tpu.vector_load_idx %arg14[%get3A_1313] : memref<16384xf32, #tpu.memory_space<vmem>>[vector<16xi32>], vector<16xf32>,
      %swap3A_1330 = arith.constant 3 : i32
      %swap3A_1331 = arith.index_cast %swap3A_1330 : i32 to index
      %swap3A_1332 = arith.constant 736 : index
      %swap3A_1333 = tpu.vector_load %arg20[%swap3A_1331, %swap3A_1332] {strides = array<i32>} : memref<4x1024xf32, #tpu.memory_space<vmem>>, vector<16xf32>,
      tpu.vector_store %arg20[%swap3A_1331, %swap3A_1332], %gather3A_1329 {strides = array<i32>} : memref<4x1024xf32, #tpu.memory_space<vmem>>, vector<16xf32>,
      %get3A_1334 = arith.constant 752 : index
      %get3A_1335 = tpu.vector_load %arg16[%get3A_1334] {strides = array<i32>} : memref<1024xi32, #tpu.memory_space<vmem>>, vector<16xi32>,
      %gather3A_1336 = tpu.vector_load_idx %arg11[%get3A_1335] : memref<16384xf32, #tpu.memory_space<vmem>>[vector<16xi32>], vector<16xf32>,
      %swap3A_1337 = arith.constant 0 : i32
      %swap3A_1338 = arith.index_cast %swap3A_1337 : i32 to index
      %swap3A_1339 = arith.constant 752 : index
      %swap3A_1340 = tpu.vector_load %arg20[%swap3A_1338, %swap3A_1339] {strides = array<i32>} : memref<4x1024xf32, #tpu.memory_space<vmem>>, vector<16xf32>,
      tpu.vector_store %arg20[%swap3A_1338, %swap3A_1339], %gather3A_1336 {strides = array<i32>} : memref<4x1024xf32, #tpu.memory_space<vmem>>, vector<16xf32>,
      %gather3A_1341 = tpu.vector_load_idx %arg12[%get3A_1335] : memref<16384xf32, #tpu.memory_space<vmem>>[vector<16xi32>], vector<16xf32>,
      %swap3A_1342 = arith.constant 1 : i32
      %swap3A_1343 = arith.index_cast %swap3A_1342 : i32 to index
      %swap3A_1344 = arith.constant 752 : index
      %swap3A_1345 = tpu.vector_load %arg20[%swap3A_1343, %swap3A_1344] {strides = array<i32>} : memref<4x1024xf32, #tpu.memory_space<vmem>>, vector<16xf32>,
      tpu.vector_store %arg20[%swap3A_1343, %swap3A_1344], %gather3A_1341 {strides = array<i32>} : memref<4x1024xf32, #tpu.memory_space<vmem>>, vector<16xf32>,
      %gather3A_1346 = tpu.vector_load_idx %arg13[%get3A_1335] : memref<16384xf32, #tpu.memory_space<vmem>>[vector<16xi32>], vector<16xf32>,
      %swap3A_1347 = arith.constant 2 : i32
      %swap3A_1348 = arith.index_cast %swap3A_1347 : i32 to index
      %swap3A_1349 = arith.constant 752 : index
      %swap3A_1350 = tpu.vector_load %arg20[%swap3A_1348, %swap3A_1349] {strides = array<i32>} : memref<4x1024xf32, #tpu.memory_space<vmem>>, vector<16xf32>,
      tpu.vector_store %arg20[%swap3A_1348, %swap3A_1349], %gather3A_1346 {strides = array<i32>} : memref<4x1024xf32, #tpu.memory_space<vmem>>, vector<16xf32>,
      %gather3A_1351 = tpu.vector_load_idx %arg14[%get3A_1335] : memref<16384xf32, #tpu.memory_space<vmem>>[vector<16xi32>], vector<16xf32>,
      %swap3A_1352 = arith.constant 3 : i32
      %swap3A_1353 = arith.index_cast %swap3A_1352 : i32 to index
      %swap3A_1354 = arith.constant 752 : index
      %swap3A_1355 = tpu.vector_load %arg20[%swap3A_1353, %swap3A_1354] {strides = array<i32>} : memref<4x1024xf32, #tpu.memory_space<vmem>>, vector<16xf32>,
      tpu.vector_store %arg20[%swap3A_1353, %swap3A_1354], %gather3A_1351 {strides = array<i32>} : memref<4x1024xf32, #tpu.memory_space<vmem>>, vector<16xf32>,
      %get3A_1356 = arith.constant 768 : index
      %get3A_1357 = tpu.vector_load %arg16[%get3A_1356] {strides = array<i32>} : memref<1024xi32, #tpu.memory_space<vmem>>, vector<16xi32>,
      %gather3A_1358 = tpu.vector_load_idx %arg11[%get3A_1357] : memref<16384xf32, #tpu.memory_space<vmem>>[vector<16xi32>], vector<16xf32>,
      %swap3A_1359 = arith.constant 0 : i32
      %swap3A_1360 = arith.index_cast %swap3A_1359 : i32 to index
      %swap3A_1361 = arith.constant 768 : index
      %swap3A_1362 = tpu.vector_load %arg20[%swap3A_1360, %swap3A_1361] {strides = array<i32>} : memref<4x1024xf32, #tpu.memory_space<vmem>>, vector<16xf32>,
      tpu.vector_store %arg20[%swap3A_1360, %swap3A_1361], %gather3A_1358 {strides = array<i32>} : memref<4x1024xf32, #tpu.memory_space<vmem>>, vector<16xf32>,
      %gather3A_1363 = tpu.vector_load_idx %arg12[%get3A_1357] : memref<16384xf32, #tpu.memory_space<vmem>>[vector<16xi32>], vector<16xf32>,
      %swap3A_1364 = arith.constant 1 : i32
      %swap3A_1365 = arith.index_cast %swap3A_1364 : i32 to index
      %swap3A_1366 = arith.constant 768 : index
      %swap3A_1367 = tpu.vector_load %arg20[%swap3A_1365, %swap3A_1366] {strides = array<i32>} : memref<4x1024xf32, #tpu.memory_space<vmem>>, vector<16xf32>,
      tpu.vector_store %arg20[%swap3A_1365, %swap3A_1366], %gather3A_1363 {strides = array<i32>} : memref<4x1024xf32, #tpu.memory_space<vmem>>, vector<16xf32>,
      %gather3A_1368 = tpu.vector_load_idx %arg13[%get3A_1357] : memref<16384xf32, #tpu.memory_space<vmem>>[vector<16xi32>], vector<16xf32>,
      %swap3A_1369 = arith.constant 2 : i32
      %swap3A_1370 = arith.index_cast %swap3A_1369 : i32 to index
      %swap3A_1371 = arith.constant 768 : index
      %swap3A_1372 = tpu.vector_load %arg20[%swap3A_1370, %swap3A_1371] {strides = array<i32>} : memref<4x1024xf32, #tpu.memory_space<vmem>>, vector<16xf32>,
      tpu.vector_store %arg20[%swap3A_1370, %swap3A_1371], %gather3A_1368 {strides = array<i32>} : memref<4x1024xf32, #tpu.memory_space<vmem>>, vector<16xf32>,
      %gather3A_1373 = tpu.vector_load_idx %arg14[%get3A_1357] : memref<16384xf32, #tpu.memory_space<vmem>>[vector<16xi32>], vector<16xf32>,
      %swap3A_1374 = arith.constant 3 : i32
      %swap3A_1375 = arith.index_cast %swap3A_1374 : i32 to index
      %swap3A_1376 = arith.constant 768 : index
      %swap3A_1377 = tpu.vector_load %arg20[%swap3A_1375, %swap3A_1376] {strides = array<i32>} : memref<4x1024xf32, #tpu.memory_space<vmem>>, vector<16xf32>,
      tpu.vector_store %arg20[%swap3A_1375, %swap3A_1376], %gather3A_1373 {strides = array<i32>} : memref<4x1024xf32, #tpu.memory_space<vmem>>, vector<16xf32>,
      %get3A_1378 = arith.constant 784 : index
      %get3A_1379 = tpu.vector_load %arg16[%get3A_1378] {strides = array<i32>} : memref<1024xi32, #tpu.memory_space<vmem>>, vector<16xi32>,
      %gather3A_1380 = tpu.vector_load_idx %arg11[%get3A_1379] : memref<16384xf32, #tpu.memory_space<vmem>>[vector<16xi32>], vector<16xf32>,
      %swap3A_1381 = arith.constant 0 : i32
      %swap3A_1382 = arith.index_cast %swap3A_1381 : i32 to index
      %swap3A_1383 = arith.constant 784 : index
      %swap3A_1384 = tpu.vector_load %arg20[%swap3A_1382, %swap3A_1383] {strides = array<i32>} : memref<4x1024xf32, #tpu.memory_space<vmem>>, vector<16xf32>,
      tpu.vector_store %arg20[%swap3A_1382, %swap3A_1383], %gather3A_1380 {strides = array<i32>} : memref<4x1024xf32, #tpu.memory_space<vmem>>, vector<16xf32>,
      %gather3A_1385 = tpu.vector_load_idx %arg12[%get3A_1379] : memref<16384xf32, #tpu.memory_space<vmem>>[vector<16xi32>], vector<16xf32>,
      %swap3A_1386 = arith.constant 1 : i32
      %swap3A_1387 = arith.index_cast %swap3A_1386 : i32 to index
      %swap3A_1388 = arith.constant 784 : index
      %swap3A_1389 = tpu.vector_load %arg20[%swap3A_1387, %swap3A_1388] {strides = array<i32>} : memref<4x1024xf32, #tpu.memory_space<vmem>>, vector<16xf32>,
      tpu.vector_store %arg20[%swap3A_1387, %swap3A_1388], %gather3A_1385 {strides = array<i32>} : memref<4x1024xf32, #tpu.memory_space<vmem>>, vector<16xf32>,
      %gather3A_1390 = tpu.vector_load_idx %arg13[%get3A_1379] : memref<16384xf32, #tpu.memory_space<vmem>>[vector<16xi32>], vector<16xf32>,
      %swap3A_1391 = arith.constant 2 : i32
      %swap3A_1392 = arith.index_cast %swap3A_1391 : i32 to index
      %swap3A_1393 = arith.constant 784 : index
      %swap3A_1394 = tpu.vector_load %arg20[%swap3A_1392, %swap3A_1393] {strides = array<i32>} : memref<4x1024xf32, #tpu.memory_space<vmem>>, vector<16xf32>,
      tpu.vector_store %arg20[%swap3A_1392, %swap3A_1393], %gather3A_1390 {strides = array<i32>} : memref<4x1024xf32, #tpu.memory_space<vmem>>, vector<16xf32>,
      %gather3A_1395 = tpu.vector_load_idx %arg14[%get3A_1379] : memref<16384xf32, #tpu.memory_space<vmem>>[vector<16xi32>], vector<16xf32>,
      %swap3A_1396 = arith.constant 3 : i32
      %swap3A_1397 = arith.index_cast %swap3A_1396 : i32 to index
      %swap3A_1398 = arith.constant 784 : index
      %swap3A_1399 = tpu.vector_load %arg20[%swap3A_1397, %swap3A_1398] {strides = array<i32>} : memref<4x1024xf32, #tpu.memory_space<vmem>>, vector<16xf32>,
      tpu.vector_store %arg20[%swap3A_1397, %swap3A_1398], %gather3A_1395 {strides = array<i32>} : memref<4x1024xf32, #tpu.memory_space<vmem>>, vector<16xf32>,
      %get3A_1400 = arith.constant 800 : index
      %get3A_1401 = tpu.vector_load %arg16[%get3A_1400] {strides = array<i32>} : memref<1024xi32, #tpu.memory_space<vmem>>, vector<16xi32>,
      %gather3A_1402 = tpu.vector_load_idx %arg11[%get3A_1401] : memref<16384xf32, #tpu.memory_space<vmem>>[vector<16xi32>], vector<16xf32>,
      %swap3A_1403 = arith.constant 0 : i32
      %swap3A_1404 = arith.index_cast %swap3A_1403 : i32 to index
      %swap3A_1405 = arith.constant 800 : index
      %swap3A_1406 = tpu.vector_load %arg20[%swap3A_1404, %swap3A_1405] {strides = array<i32>} : memref<4x1024xf32, #tpu.memory_space<vmem>>, vector<16xf32>,
      tpu.vector_store %arg20[%swap3A_1404, %swap3A_1405], %gather3A_1402 {strides = array<i32>} : memref<4x1024xf32, #tpu.memory_space<vmem>>, vector<16xf32>,
      %gather3A_1407 = tpu.vector_load_idx %arg12[%get3A_1401] : memref<16384xf32, #tpu.memory_space<vmem>>[vector<16xi32>], vector<16xf32>,
      %swap3A_1408 = arith.constant 1 : i32
      %swap3A_1409 = arith.index_cast %swap3A_1408 : i32 to index
      %swap3A_1410 = arith.constant 800 : index
      %swap3A_1411 = tpu.vector_load %arg20[%swap3A_1409, %swap3A_1410] {strides = array<i32>} : memref<4x1024xf32, #tpu.memory_space<vmem>>, vector<16xf32>,
      tpu.vector_store %arg20[%swap3A_1409, %swap3A_1410], %gather3A_1407 {strides = array<i32>} : memref<4x1024xf32, #tpu.memory_space<vmem>>, vector<16xf32>,
      %gather3A_1412 = tpu.vector_load_idx %arg13[%get3A_1401] : memref<16384xf32, #tpu.memory_space<vmem>>[vector<16xi32>], vector<16xf32>,
      %swap3A_1413 = arith.constant 2 : i32
      %swap3A_1414 = arith.index_cast %swap3A_1413 : i32 to index
      %swap3A_1415 = arith.constant 800 : index
      %swap3A_1416 = tpu.vector_load %arg20[%swap3A_1414, %swap3A_1415] {strides = array<i32>} : memref<4x1024xf32, #tpu.memory_space<vmem>>, vector<16xf32>,
      tpu.vector_store %arg20[%swap3A_1414, %swap3A_1415], %gather3A_1412 {strides = array<i32>} : memref<4x1024xf32, #tpu.memory_space<vmem>>, vector<16xf32>,
      %gather3A_1417 = tpu.vector_load_idx %arg14[%get3A_1401] : memref<16384xf32, #tpu.memory_space<vmem>>[vector<16xi32>], vector<16xf32>,
      %swap3A_1418 = arith.constant 3 : i32
      %swap3A_1419 = arith.index_cast %swap3A_1418 : i32 to index
      %swap3A_1420 = arith.constant 800 : index
      %swap3A_1421 = tpu.vector_load %arg20[%swap3A_1419, %swap3A_1420] {strides = array<i32>} : memref<4x1024xf32, #tpu.memory_space<vmem>>, vector<16xf32>,
      tpu.vector_store %arg20[%swap3A_1419, %swap3A_1420], %gather3A_1417 {strides = array<i32>} : memref<4x1024xf32, #tpu.memory_space<vmem>>, vector<16xf32>,
      %get3A_1422 = arith.constant 816 : index
      %get3A_1423 = tpu.vector_load %arg16[%get3A_1422] {strides = array<i32>} : memref<1024xi32, #tpu.memory_space<vmem>>, vector<16xi32>,
      %gather3A_1424 = tpu.vector_load_idx %arg11[%get3A_1423] : memref<16384xf32, #tpu.memory_space<vmem>>[vector<16xi32>], vector<16xf32>,
      %swap3A_1425 = arith.constant 0 : i32
      %swap3A_1426 = arith.index_cast %swap3A_1425 : i32 to index
      %swap3A_1427 = arith.constant 816 : index
      %swap3A_1428 = tpu.vector_load %arg20[%swap3A_1426, %swap3A_1427] {strides = array<i32>} : memref<4x1024xf32, #tpu.memory_space<vmem>>, vector<16xf32>,
      tpu.vector_store %arg20[%swap3A_1426, %swap3A_1427], %gather3A_1424 {strides = array<i32>} : memref<4x1024xf32, #tpu.memory_space<vmem>>, vector<16xf32>,
      %gather3A_1429 = tpu.vector_load_idx %arg12[%get3A_1423] : memref<16384xf32, #tpu.memory_space<vmem>>[vector<16xi32>], vector<16xf32>,
      %swap3A_1430 = arith.constant 1 : i32
      %swap3A_1431 = arith.index_cast %swap3A_1430 : i32 to index
      %swap3A_1432 = arith.constant 816 : index
      %swap3A_1433 = tpu.vector_load %arg20[%swap3A_1431, %swap3A_1432] {strides = array<i32>} : memref<4x1024xf32, #tpu.memory_space<vmem>>, vector<16xf32>,
      tpu.vector_store %arg20[%swap3A_1431, %swap3A_1432], %gather3A_1429 {strides = array<i32>} : memref<4x1024xf32, #tpu.memory_space<vmem>>, vector<16xf32>,
      %gather3A_1434 = tpu.vector_load_idx %arg13[%get3A_1423] : memref<16384xf32, #tpu.memory_space<vmem>>[vector<16xi32>], vector<16xf32>,
      %swap3A_1435 = arith.constant 2 : i32
      %swap3A_1436 = arith.index_cast %swap3A_1435 : i32 to index
      %swap3A_1437 = arith.constant 816 : index
      %swap3A_1438 = tpu.vector_load %arg20[%swap3A_1436, %swap3A_1437] {strides = array<i32>} : memref<4x1024xf32, #tpu.memory_space<vmem>>, vector<16xf32>,
      tpu.vector_store %arg20[%swap3A_1436, %swap3A_1437], %gather3A_1434 {strides = array<i32>} : memref<4x1024xf32, #tpu.memory_space<vmem>>, vector<16xf32>,
      %gather3A_1439 = tpu.vector_load_idx %arg14[%get3A_1423] : memref<16384xf32, #tpu.memory_space<vmem>>[vector<16xi32>], vector<16xf32>,
      %swap3A_1440 = arith.constant 3 : i32
      %swap3A_1441 = arith.index_cast %swap3A_1440 : i32 to index
      %swap3A_1442 = arith.constant 816 : index
      %swap3A_1443 = tpu.vector_load %arg20[%swap3A_1441, %swap3A_1442] {strides = array<i32>} : memref<4x1024xf32, #tpu.memory_space<vmem>>, vector<16xf32>,
      tpu.vector_store %arg20[%swap3A_1441, %swap3A_1442], %gather3A_1439 {strides = array<i32>} : memref<4x1024xf32, #tpu.memory_space<vmem>>, vector<16xf32>,
      %get3A_1444 = arith.constant 832 : index
      %get3A_1445 = tpu.vector_load %arg16[%get3A_1444] {strides = array<i32>} : memref<1024xi32, #tpu.memory_space<vmem>>, vector<16xi32>,
      %gather3A_1446 = tpu.vector_load_idx %arg11[%get3A_1445] : memref<16384xf32, #tpu.memory_space<vmem>>[vector<16xi32>], vector<16xf32>,
      %swap3A_1447 = arith.constant 0 : i32
      %swap3A_1448 = arith.index_cast %swap3A_1447 : i32 to index
      %swap3A_1449 = arith.constant 832 : index
      %swap3A_1450 = tpu.vector_load %arg20[%swap3A_1448, %swap3A_1449] {strides = array<i32>} : memref<4x1024xf32, #tpu.memory_space<vmem>>, vector<16xf32>,
      tpu.vector_store %arg20[%swap3A_1448, %swap3A_1449], %gather3A_1446 {strides = array<i32>} : memref<4x1024xf32, #tpu.memory_space<vmem>>, vector<16xf32>,
      %gather3A_1451 = tpu.vector_load_idx %arg12[%get3A_1445] : memref<16384xf32, #tpu.memory_space<vmem>>[vector<16xi32>], vector<16xf32>,
      %swap3A_1452 = arith.constant 1 : i32
      %swap3A_1453 = arith.index_cast %swap3A_1452 : i32 to index
      %swap3A_1454 = arith.constant 832 : index
      %swap3A_1455 = tpu.vector_load %arg20[%swap3A_1453, %swap3A_1454] {strides = array<i32>} : memref<4x1024xf32, #tpu.memory_space<vmem>>, vector<16xf32>,
      tpu.vector_store %arg20[%swap3A_1453, %swap3A_1454], %gather3A_1451 {strides = array<i32>} : memref<4x1024xf32, #tpu.memory_space<vmem>>, vector<16xf32>,
      %gather3A_1456 = tpu.vector_load_idx %arg13[%get3A_1445] : memref<16384xf32, #tpu.memory_space<vmem>>[vector<16xi32>], vector<16xf32>,
      %swap3A_1457 = arith.constant 2 : i32
      %swap3A_1458 = arith.index_cast %swap3A_1457 : i32 to index
      %swap3A_1459 = arith.constant 832 : index
      %swap3A_1460 = tpu.vector_load %arg20[%swap3A_1458, %swap3A_1459] {strides = array<i32>} : memref<4x1024xf32, #tpu.memory_space<vmem>>, vector<16xf32>,
      tpu.vector_store %arg20[%swap3A_1458, %swap3A_1459], %gather3A_1456 {strides = array<i32>} : memref<4x1024xf32, #tpu.memory_space<vmem>>, vector<16xf32>,
      %gather3A_1461 = tpu.vector_load_idx %arg14[%get3A_1445] : memref<16384xf32, #tpu.memory_space<vmem>>[vector<16xi32>], vector<16xf32>,
      %swap3A_1462 = arith.constant 3 : i32
      %swap3A_1463 = arith.index_cast %swap3A_1462 : i32 to index
      %swap3A_1464 = arith.constant 832 : index
      %swap3A_1465 = tpu.vector_load %arg20[%swap3A_1463, %swap3A_1464] {strides = array<i32>} : memref<4x1024xf32, #tpu.memory_space<vmem>>, vector<16xf32>,
      tpu.vector_store %arg20[%swap3A_1463, %swap3A_1464], %gather3A_1461 {strides = array<i32>} : memref<4x1024xf32, #tpu.memory_space<vmem>>, vector<16xf32>,
      %get3A_1466 = arith.constant 848 : index
      %get3A_1467 = tpu.vector_load %arg16[%get3A_1466] {strides = array<i32>} : memref<1024xi32, #tpu.memory_space<vmem>>, vector<16xi32>,
      %gather3A_1468 = tpu.vector_load_idx %arg11[%get3A_1467] : memref<16384xf32, #tpu.memory_space<vmem>>[vector<16xi32>], vector<16xf32>,
      %swap3A_1469 = arith.constant 0 : i32
      %swap3A_1470 = arith.index_cast %swap3A_1469 : i32 to index
      %swap3A_1471 = arith.constant 848 : index
      %swap3A_1472 = tpu.vector_load %arg20[%swap3A_1470, %swap3A_1471] {strides = array<i32>} : memref<4x1024xf32, #tpu.memory_space<vmem>>, vector<16xf32>,
      tpu.vector_store %arg20[%swap3A_1470, %swap3A_1471], %gather3A_1468 {strides = array<i32>} : memref<4x1024xf32, #tpu.memory_space<vmem>>, vector<16xf32>,
      %gather3A_1473 = tpu.vector_load_idx %arg12[%get3A_1467] : memref<16384xf32, #tpu.memory_space<vmem>>[vector<16xi32>], vector<16xf32>,
      %swap3A_1474 = arith.constant 1 : i32
      %swap3A_1475 = arith.index_cast %swap3A_1474 : i32 to index
      %swap3A_1476 = arith.constant 848 : index
      %swap3A_1477 = tpu.vector_load %arg20[%swap3A_1475, %swap3A_1476] {strides = array<i32>} : memref<4x1024xf32, #tpu.memory_space<vmem>>, vector<16xf32>,
      tpu.vector_store %arg20[%swap3A_1475, %swap3A_1476], %gather3A_1473 {strides = array<i32>} : memref<4x1024xf32, #tpu.memory_space<vmem>>, vector<16xf32>,
      %gather3A_1478 = tpu.vector_load_idx %arg13[%get3A_1467] : memref<16384xf32, #tpu.memory_space<vmem>>[vector<16xi32>], vector<16xf32>,
      %swap3A_1479 = arith.constant 2 : i32
      %swap3A_1480 = arith.index_cast %swap3A_1479 : i32 to index
      %swap3A_1481 = arith.constant 848 : index
      %swap3A_1482 = tpu.vector_load %arg20[%swap3A_1480, %swap3A_1481] {strides = array<i32>} : memref<4x1024xf32, #tpu.memory_space<vmem>>, vector<16xf32>,
      tpu.vector_store %arg20[%swap3A_1480, %swap3A_1481], %gather3A_1478 {strides = array<i32>} : memref<4x1024xf32, #tpu.memory_space<vmem>>, vector<16xf32>,
      %gather3A_1483 = tpu.vector_load_idx %arg14[%get3A_1467] : memref<16384xf32, #tpu.memory_space<vmem>>[vector<16xi32>], vector<16xf32>,
      %swap3A_1484 = arith.constant 3 : i32
      %swap3A_1485 = arith.index_cast %swap3A_1484 : i32 to index
      %swap3A_1486 = arith.constant 848 : index
      %swap3A_1487 = tpu.vector_load %arg20[%swap3A_1485, %swap3A_1486] {strides = array<i32>} : memref<4x1024xf32, #tpu.memory_space<vmem>>, vector<16xf32>,
      tpu.vector_store %arg20[%swap3A_1485, %swap3A_1486], %gather3A_1483 {strides = array<i32>} : memref<4x1024xf32, #tpu.memory_space<vmem>>, vector<16xf32>,
      %get3A_1488 = arith.constant 864 : index
      %get3A_1489 = tpu.vector_load %arg16[%get3A_1488] {strides = array<i32>} : memref<1024xi32, #tpu.memory_space<vmem>>, vector<16xi32>,
      %gather3A_1490 = tpu.vector_load_idx %arg11[%get3A_1489] : memref<16384xf32, #tpu.memory_space<vmem>>[vector<16xi32>], vector<16xf32>,
      %swap3A_1491 = arith.constant 0 : i32
      %swap3A_1492 = arith.index_cast %swap3A_1491 : i32 to index
      %swap3A_1493 = arith.constant 864 : index
      %swap3A_1494 = tpu.vector_load %arg20[%swap3A_1492, %swap3A_1493] {strides = array<i32>} : memref<4x1024xf32, #tpu.memory_space<vmem>>, vector<16xf32>,
      tpu.vector_store %arg20[%swap3A_1492, %swap3A_1493], %gather3A_1490 {strides = array<i32>} : memref<4x1024xf32, #tpu.memory_space<vmem>>, vector<16xf32>,
      %gather3A_1495 = tpu.vector_load_idx %arg12[%get3A_1489] : memref<16384xf32, #tpu.memory_space<vmem>>[vector<16xi32>], vector<16xf32>,
      %swap3A_1496 = arith.constant 1 : i32
      %swap3A_1497 = arith.index_cast %swap3A_1496 : i32 to index
      %swap3A_1498 = arith.constant 864 : index
      %swap3A_1499 = tpu.vector_load %arg20[%swap3A_1497, %swap3A_1498] {strides = array<i32>} : memref<4x1024xf32, #tpu.memory_space<vmem>>, vector<16xf32>,
      tpu.vector_store %arg20[%swap3A_1497, %swap3A_1498], %gather3A_1495 {strides = array<i32>} : memref<4x1024xf32, #tpu.memory_space<vmem>>, vector<16xf32>,
      %gather3A_1500 = tpu.vector_load_idx %arg13[%get3A_1489] : memref<16384xf32, #tpu.memory_space<vmem>>[vector<16xi32>], vector<16xf32>,
      %swap3A_1501 = arith.constant 2 : i32
      %swap3A_1502 = arith.index_cast %swap3A_1501 : i32 to index
      %swap3A_1503 = arith.constant 864 : index
      %swap3A_1504 = tpu.vector_load %arg20[%swap3A_1502, %swap3A_1503] {strides = array<i32>} : memref<4x1024xf32, #tpu.memory_space<vmem>>, vector<16xf32>,
      tpu.vector_store %arg20[%swap3A_1502, %swap3A_1503], %gather3A_1500 {strides = array<i32>} : memref<4x1024xf32, #tpu.memory_space<vmem>>, vector<16xf32>,
      %gather3A_1505 = tpu.vector_load_idx %arg14[%get3A_1489] : memref<16384xf32, #tpu.memory_space<vmem>>[vector<16xi32>], vector<16xf32>,
      %swap3A_1506 = arith.constant 3 : i32
      %swap3A_1507 = arith.index_cast %swap3A_1506 : i32 to index
      %swap3A_1508 = arith.constant 864 : index
      %swap3A_1509 = tpu.vector_load %arg20[%swap3A_1507, %swap3A_1508] {strides = array<i32>} : memref<4x1024xf32, #tpu.memory_space<vmem>>, vector<16xf32>,
      tpu.vector_store %arg20[%swap3A_1507, %swap3A_1508], %gather3A_1505 {strides = array<i32>} : memref<4x1024xf32, #tpu.memory_space<vmem>>, vector<16xf32>,
      %get3A_1510 = arith.constant 880 : index
      %get3A_1511 = tpu.vector_load %arg16[%get3A_1510] {strides = array<i32>} : memref<1024xi32, #tpu.memory_space<vmem>>, vector<16xi32>,
      %gather3A_1512 = tpu.vector_load_idx %arg11[%get3A_1511] : memref<16384xf32, #tpu.memory_space<vmem>>[vector<16xi32>], vector<16xf32>,
      %swap3A_1513 = arith.constant 0 : i32
      %swap3A_1514 = arith.index_cast %swap3A_1513 : i32 to index
      %swap3A_1515 = arith.constant 880 : index
      %swap3A_1516 = tpu.vector_load %arg20[%swap3A_1514, %swap3A_1515] {strides = array<i32>} : memref<4x1024xf32, #tpu.memory_space<vmem>>, vector<16xf32>,
      tpu.vector_store %arg20[%swap3A_1514, %swap3A_1515], %gather3A_1512 {strides = array<i32>} : memref<4x1024xf32, #tpu.memory_space<vmem>>, vector<16xf32>,
      %gather3A_1517 = tpu.vector_load_idx %arg12[%get3A_1511] : memref<16384xf32, #tpu.memory_space<vmem>>[vector<16xi32>], vector<16xf32>,
      %swap3A_1518 = arith.constant 1 : i32
      %swap3A_1519 = arith.index_cast %swap3A_1518 : i32 to index
      %swap3A_1520 = arith.constant 880 : index
      %swap3A_1521 = tpu.vector_load %arg20[%swap3A_1519, %swap3A_1520] {strides = array<i32>} : memref<4x1024xf32, #tpu.memory_space<vmem>>, vector<16xf32>,
      tpu.vector_store %arg20[%swap3A_1519, %swap3A_1520], %gather3A_1517 {strides = array<i32>} : memref<4x1024xf32, #tpu.memory_space<vmem>>, vector<16xf32>,
      %gather3A_1522 = tpu.vector_load_idx %arg13[%get3A_1511] : memref<16384xf32, #tpu.memory_space<vmem>>[vector<16xi32>], vector<16xf32>,
      %swap3A_1523 = arith.constant 2 : i32
      %swap3A_1524 = arith.index_cast %swap3A_1523 : i32 to index
      %swap3A_1525 = arith.constant 880 : index
      %swap3A_1526 = tpu.vector_load %arg20[%swap3A_1524, %swap3A_1525] {strides = array<i32>} : memref<4x1024xf32, #tpu.memory_space<vmem>>, vector<16xf32>,
      tpu.vector_store %arg20[%swap3A_1524, %swap3A_1525], %gather3A_1522 {strides = array<i32>} : memref<4x1024xf32, #tpu.memory_space<vmem>>, vector<16xf32>,
      %gather3A_1527 = tpu.vector_load_idx %arg14[%get3A_1511] : memref<16384xf32, #tpu.memory_space<vmem>>[vector<16xi32>], vector<16xf32>,
      %swap3A_1528 = arith.constant 3 : i32
      %swap3A_1529 = arith.index_cast %swap3A_1528 : i32 to index
      %swap3A_1530 = arith.constant 880 : index
      %swap3A_1531 = tpu.vector_load %arg20[%swap3A_1529, %swap3A_1530] {strides = array<i32>} : memref<4x1024xf32, #tpu.memory_space<vmem>>, vector<16xf32>,
      tpu.vector_store %arg20[%swap3A_1529, %swap3A_1530], %gather3A_1527 {strides = array<i32>} : memref<4x1024xf32, #tpu.memory_space<vmem>>, vector<16xf32>,
      %get3A_1532 = arith.constant 896 : index
      %get3A_1533 = tpu.vector_load %arg16[%get3A_1532] {strides = array<i32>} : memref<1024xi32, #tpu.memory_space<vmem>>, vector<16xi32>,
      %gather3A_1534 = tpu.vector_load_idx %arg11[%get3A_1533] : memref<16384xf32, #tpu.memory_space<vmem>>[vector<16xi32>], vector<16xf32>,
      %swap3A_1535 = arith.constant 0 : i32
      %swap3A_1536 = arith.index_cast %swap3A_1535 : i32 to index
      %swap3A_1537 = arith.constant 896 : index
      %swap3A_1538 = tpu.vector_load %arg20[%swap3A_1536, %swap3A_1537] {strides = array<i32>} : memref<4x1024xf32, #tpu.memory_space<vmem>>, vector<16xf32>,
      tpu.vector_store %arg20[%swap3A_1536, %swap3A_1537], %gather3A_1534 {strides = array<i32>} : memref<4x1024xf32, #tpu.memory_space<vmem>>, vector<16xf32>,
      %gather3A_1539 = tpu.vector_load_idx %arg12[%get3A_1533] : memref<16384xf32, #tpu.memory_space<vmem>>[vector<16xi32>], vector<16xf32>,
      %swap3A_1540 = arith.constant 1 : i32
      %swap3A_1541 = arith.index_cast %swap3A_1540 : i32 to index
      %swap3A_1542 = arith.constant 896 : index
      %swap3A_1543 = tpu.vector_load %arg20[%swap3A_1541, %swap3A_1542] {strides = array<i32>} : memref<4x1024xf32, #tpu.memory_space<vmem>>, vector<16xf32>,
      tpu.vector_store %arg20[%swap3A_1541, %swap3A_1542], %gather3A_1539 {strides = array<i32>} : memref<4x1024xf32, #tpu.memory_space<vmem>>, vector<16xf32>,
      %gather3A_1544 = tpu.vector_load_idx %arg13[%get3A_1533] : memref<16384xf32, #tpu.memory_space<vmem>>[vector<16xi32>], vector<16xf32>,
      %swap3A_1545 = arith.constant 2 : i32
      %swap3A_1546 = arith.index_cast %swap3A_1545 : i32 to index
      %swap3A_1547 = arith.constant 896 : index
      %swap3A_1548 = tpu.vector_load %arg20[%swap3A_1546, %swap3A_1547] {strides = array<i32>} : memref<4x1024xf32, #tpu.memory_space<vmem>>, vector<16xf32>,
      tpu.vector_store %arg20[%swap3A_1546, %swap3A_1547], %gather3A_1544 {strides = array<i32>} : memref<4x1024xf32, #tpu.memory_space<vmem>>, vector<16xf32>,
      %gather3A_1549 = tpu.vector_load_idx %arg14[%get3A_1533] : memref<16384xf32, #tpu.memory_space<vmem>>[vector<16xi32>], vector<16xf32>,
      %swap3A_1550 = arith.constant 3 : i32
      %swap3A_1551 = arith.index_cast %swap3A_1550 : i32 to index
      %swap3A_1552 = arith.constant 896 : index
      %swap3A_1553 = tpu.vector_load %arg20[%swap3A_1551, %swap3A_1552] {strides = array<i32>} : memref<4x1024xf32, #tpu.memory_space<vmem>>, vector<16xf32>,
      tpu.vector_store %arg20[%swap3A_1551, %swap3A_1552], %gather3A_1549 {strides = array<i32>} : memref<4x1024xf32, #tpu.memory_space<vmem>>, vector<16xf32>,
      %get3A_1554 = arith.constant 912 : index
      %get3A_1555 = tpu.vector_load %arg16[%get3A_1554] {strides = array<i32>} : memref<1024xi32, #tpu.memory_space<vmem>>, vector<16xi32>,
      %gather3A_1556 = tpu.vector_load_idx %arg11[%get3A_1555] : memref<16384xf32, #tpu.memory_space<vmem>>[vector<16xi32>], vector<16xf32>,
      %swap3A_1557 = arith.constant 0 : i32
      %swap3A_1558 = arith.index_cast %swap3A_1557 : i32 to index
      %swap3A_1559 = arith.constant 912 : index
      %swap3A_1560 = tpu.vector_load %arg20[%swap3A_1558, %swap3A_1559] {strides = array<i32>} : memref<4x1024xf32, #tpu.memory_space<vmem>>, vector<16xf32>,
      tpu.vector_store %arg20[%swap3A_1558, %swap3A_1559], %gather3A_1556 {strides = array<i32>} : memref<4x1024xf32, #tpu.memory_space<vmem>>, vector<16xf32>,
      %gather3A_1561 = tpu.vector_load_idx %arg12[%get3A_1555] : memref<16384xf32, #tpu.memory_space<vmem>>[vector<16xi32>], vector<16xf32>,
      %swap3A_1562 = arith.constant 1 : i32
      %swap3A_1563 = arith.index_cast %swap3A_1562 : i32 to index
      %swap3A_1564 = arith.constant 912 : index
      %swap3A_1565 = tpu.vector_load %arg20[%swap3A_1563, %swap3A_1564] {strides = array<i32>} : memref<4x1024xf32, #tpu.memory_space<vmem>>, vector<16xf32>,
      tpu.vector_store %arg20[%swap3A_1563, %swap3A_1564], %gather3A_1561 {strides = array<i32>} : memref<4x1024xf32, #tpu.memory_space<vmem>>, vector<16xf32>,
      %gather3A_1566 = tpu.vector_load_idx %arg13[%get3A_1555] : memref<16384xf32, #tpu.memory_space<vmem>>[vector<16xi32>], vector<16xf32>,
      %swap3A_1567 = arith.constant 2 : i32
      %swap3A_1568 = arith.index_cast %swap3A_1567 : i32 to index
      %swap3A_1569 = arith.constant 912 : index
      %swap3A_1570 = tpu.vector_load %arg20[%swap3A_1568, %swap3A_1569] {strides = array<i32>} : memref<4x1024xf32, #tpu.memory_space<vmem>>, vector<16xf32>,
      tpu.vector_store %arg20[%swap3A_1568, %swap3A_1569], %gather3A_1566 {strides = array<i32>} : memref<4x1024xf32, #tpu.memory_space<vmem>>, vector<16xf32>,
      %gather3A_1571 = tpu.vector_load_idx %arg14[%get3A_1555] : memref<16384xf32, #tpu.memory_space<vmem>>[vector<16xi32>], vector<16xf32>,
      %swap3A_1572 = arith.constant 3 : i32
      %swap3A_1573 = arith.index_cast %swap3A_1572 : i32 to index
      %swap3A_1574 = arith.constant 912 : index
      %swap3A_1575 = tpu.vector_load %arg20[%swap3A_1573, %swap3A_1574] {strides = array<i32>} : memref<4x1024xf32, #tpu.memory_space<vmem>>, vector<16xf32>,
      tpu.vector_store %arg20[%swap3A_1573, %swap3A_1574], %gather3A_1571 {strides = array<i32>} : memref<4x1024xf32, #tpu.memory_space<vmem>>, vector<16xf32>,
      %get3A_1576 = arith.constant 928 : index
      %get3A_1577 = tpu.vector_load %arg16[%get3A_1576] {strides = array<i32>} : memref<1024xi32, #tpu.memory_space<vmem>>, vector<16xi32>,
      %gather3A_1578 = tpu.vector_load_idx %arg11[%get3A_1577] : memref<16384xf32, #tpu.memory_space<vmem>>[vector<16xi32>], vector<16xf32>,
      %swap3A_1579 = arith.constant 0 : i32
      %swap3A_1580 = arith.index_cast %swap3A_1579 : i32 to index
      %swap3A_1581 = arith.constant 928 : index
      %swap3A_1582 = tpu.vector_load %arg20[%swap3A_1580, %swap3A_1581] {strides = array<i32>} : memref<4x1024xf32, #tpu.memory_space<vmem>>, vector<16xf32>,
      tpu.vector_store %arg20[%swap3A_1580, %swap3A_1581], %gather3A_1578 {strides = array<i32>} : memref<4x1024xf32, #tpu.memory_space<vmem>>, vector<16xf32>,
      %gather3A_1583 = tpu.vector_load_idx %arg12[%get3A_1577] : memref<16384xf32, #tpu.memory_space<vmem>>[vector<16xi32>], vector<16xf32>,
      %swap3A_1584 = arith.constant 1 : i32
      %swap3A_1585 = arith.index_cast %swap3A_1584 : i32 to index
      %swap3A_1586 = arith.constant 928 : index
      %swap3A_1587 = tpu.vector_load %arg20[%swap3A_1585, %swap3A_1586] {strides = array<i32>} : memref<4x1024xf32, #tpu.memory_space<vmem>>, vector<16xf32>,
      tpu.vector_store %arg20[%swap3A_1585, %swap3A_1586], %gather3A_1583 {strides = array<i32>} : memref<4x1024xf32, #tpu.memory_space<vmem>>, vector<16xf32>,
      %gather3A_1588 = tpu.vector_load_idx %arg13[%get3A_1577] : memref<16384xf32, #tpu.memory_space<vmem>>[vector<16xi32>], vector<16xf32>,
      %swap3A_1589 = arith.constant 2 : i32
      %swap3A_1590 = arith.index_cast %swap3A_1589 : i32 to index
      %swap3A_1591 = arith.constant 928 : index
      %swap3A_1592 = tpu.vector_load %arg20[%swap3A_1590, %swap3A_1591] {strides = array<i32>} : memref<4x1024xf32, #tpu.memory_space<vmem>>, vector<16xf32>,
      tpu.vector_store %arg20[%swap3A_1590, %swap3A_1591], %gather3A_1588 {strides = array<i32>} : memref<4x1024xf32, #tpu.memory_space<vmem>>, vector<16xf32>,
      %gather3A_1593 = tpu.vector_load_idx %arg14[%get3A_1577] : memref<16384xf32, #tpu.memory_space<vmem>>[vector<16xi32>], vector<16xf32>,
      %swap3A_1594 = arith.constant 3 : i32
      %swap3A_1595 = arith.index_cast %swap3A_1594 : i32 to index
      %swap3A_1596 = arith.constant 928 : index
      %swap3A_1597 = tpu.vector_load %arg20[%swap3A_1595, %swap3A_1596] {strides = array<i32>} : memref<4x1024xf32, #tpu.memory_space<vmem>>, vector<16xf32>,
      tpu.vector_store %arg20[%swap3A_1595, %swap3A_1596], %gather3A_1593 {strides = array<i32>} : memref<4x1024xf32, #tpu.memory_space<vmem>>, vector<16xf32>,
      %get3A_1598 = arith.constant 944 : index
      %get3A_1599 = tpu.vector_load %arg16[%get3A_1598] {strides = array<i32>} : memref<1024xi32, #tpu.memory_space<vmem>>, vector<16xi32>,
      %gather3A_1600 = tpu.vector_load_idx %arg11[%get3A_1599] : memref<16384xf32, #tpu.memory_space<vmem>>[vector<16xi32>], vector<16xf32>,
      %swap3A_1601 = arith.constant 0 : i32
      %swap3A_1602 = arith.index_cast %swap3A_1601 : i32 to index
      %swap3A_1603 = arith.constant 944 : index
      %swap3A_1604 = tpu.vector_load %arg20[%swap3A_1602, %swap3A_1603] {strides = array<i32>} : memref<4x1024xf32, #tpu.memory_space<vmem>>, vector<16xf32>,
      tpu.vector_store %arg20[%swap3A_1602, %swap3A_1603], %gather3A_1600 {strides = array<i32>} : memref<4x1024xf32, #tpu.memory_space<vmem>>, vector<16xf32>,
      %gather3A_1605 = tpu.vector_load_idx %arg12[%get3A_1599] : memref<16384xf32, #tpu.memory_space<vmem>>[vector<16xi32>], vector<16xf32>,
      %swap3A_1606 = arith.constant 1 : i32
      %swap3A_1607 = arith.index_cast %swap3A_1606 : i32 to index
      %swap3A_1608 = arith.constant 944 : index
      %swap3A_1609 = tpu.vector_load %arg20[%swap3A_1607, %swap3A_1608] {strides = array<i32>} : memref<4x1024xf32, #tpu.memory_space<vmem>>, vector<16xf32>,
      tpu.vector_store %arg20[%swap3A_1607, %swap3A_1608], %gather3A_1605 {strides = array<i32>} : memref<4x1024xf32, #tpu.memory_space<vmem>>, vector<16xf32>,
      %gather3A_1610 = tpu.vector_load_idx %arg13[%get3A_1599] : memref<16384xf32, #tpu.memory_space<vmem>>[vector<16xi32>], vector<16xf32>,
      %swap3A_1611 = arith.constant 2 : i32
      %swap3A_1612 = arith.index_cast %swap3A_1611 : i32 to index
      %swap3A_1613 = arith.constant 944 : index
      %swap3A_1614 = tpu.vector_load %arg20[%swap3A_1612, %swap3A_1613] {strides = array<i32>} : memref<4x1024xf32, #tpu.memory_space<vmem>>, vector<16xf32>,
      tpu.vector_store %arg20[%swap3A_1612, %swap3A_1613], %gather3A_1610 {strides = array<i32>} : memref<4x1024xf32, #tpu.memory_space<vmem>>, vector<16xf32>,
      %gather3A_1615 = tpu.vector_load_idx %arg14[%get3A_1599] : memref<16384xf32, #tpu.memory_space<vmem>>[vector<16xi32>], vector<16xf32>,
      %swap3A_1616 = arith.constant 3 : i32
      %swap3A_1617 = arith.index_cast %swap3A_1616 : i32 to index
      %swap3A_1618 = arith.constant 944 : index
      %swap3A_1619 = tpu.vector_load %arg20[%swap3A_1617, %swap3A_1618] {strides = array<i32>} : memref<4x1024xf32, #tpu.memory_space<vmem>>, vector<16xf32>,
      tpu.vector_store %arg20[%swap3A_1617, %swap3A_1618], %gather3A_1615 {strides = array<i32>} : memref<4x1024xf32, #tpu.memory_space<vmem>>, vector<16xf32>,
      %get3A_1620 = arith.constant 960 : index
      %get3A_1621 = tpu.vector_load %arg16[%get3A_1620] {strides = array<i32>} : memref<1024xi32, #tpu.memory_space<vmem>>, vector<16xi32>,
      %gather3A_1622 = tpu.vector_load_idx %arg11[%get3A_1621] : memref<16384xf32, #tpu.memory_space<vmem>>[vector<16xi32>], vector<16xf32>,
      %swap3A_1623 = arith.constant 0 : i32
      %swap3A_1624 = arith.index_cast %swap3A_1623 : i32 to index
      %swap3A_1625 = arith.constant 960 : index
      %swap3A_1626 = tpu.vector_load %arg20[%swap3A_1624, %swap3A_1625] {strides = array<i32>} : memref<4x1024xf32, #tpu.memory_space<vmem>>, vector<16xf32>,
      tpu.vector_store %arg20[%swap3A_1624, %swap3A_1625], %gather3A_1622 {strides = array<i32>} : memref<4x1024xf32, #tpu.memory_space<vmem>>, vector<16xf32>,
      %gather3A_1627 = tpu.vector_load_idx %arg12[%get3A_1621] : memref<16384xf32, #tpu.memory_space<vmem>>[vector<16xi32>], vector<16xf32>,
      %swap3A_1628 = arith.constant 1 : i32
      %swap3A_1629 = arith.index_cast %swap3A_1628 : i32 to index
      %swap3A_1630 = arith.constant 960 : index
      %swap3A_1631 = tpu.vector_load %arg20[%swap3A_1629, %swap3A_1630] {strides = array<i32>} : memref<4x1024xf32, #tpu.memory_space<vmem>>, vector<16xf32>,
      tpu.vector_store %arg20[%swap3A_1629, %swap3A_1630], %gather3A_1627 {strides = array<i32>} : memref<4x1024xf32, #tpu.memory_space<vmem>>, vector<16xf32>,
      %gather3A_1632 = tpu.vector_load_idx %arg13[%get3A_1621] : memref<16384xf32, #tpu.memory_space<vmem>>[vector<16xi32>], vector<16xf32>,
      %swap3A_1633 = arith.constant 2 : i32
      %swap3A_1634 = arith.index_cast %swap3A_1633 : i32 to index
      %swap3A_1635 = arith.constant 960 : index
      %swap3A_1636 = tpu.vector_load %arg20[%swap3A_1634, %swap3A_1635] {strides = array<i32>} : memref<4x1024xf32, #tpu.memory_space<vmem>>, vector<16xf32>,
      tpu.vector_store %arg20[%swap3A_1634, %swap3A_1635], %gather3A_1632 {strides = array<i32>} : memref<4x1024xf32, #tpu.memory_space<vmem>>, vector<16xf32>,
      %gather3A_1637 = tpu.vector_load_idx %arg14[%get3A_1621] : memref<16384xf32, #tpu.memory_space<vmem>>[vector<16xi32>], vector<16xf32>,
      %swap3A_1638 = arith.constant 3 : i32
      %swap3A_1639 = arith.index_cast %swap3A_1638 : i32 to index
      %swap3A_1640 = arith.constant 960 : index
      %swap3A_1641 = tpu.vector_load %arg20[%swap3A_1639, %swap3A_1640] {strides = array<i32>} : memref<4x1024xf32, #tpu.memory_space<vmem>>, vector<16xf32>,
      tpu.vector_store %arg20[%swap3A_1639, %swap3A_1640], %gather3A_1637 {strides = array<i32>} : memref<4x1024xf32, #tpu.memory_space<vmem>>, vector<16xf32>,
      %get3A_1642 = arith.constant 976 : index
      %get3A_1643 = tpu.vector_load %arg16[%get3A_1642] {strides = array<i32>} : memref<1024xi32, #tpu.memory_space<vmem>>, vector<16xi32>,
      %gather3A_1644 = tpu.vector_load_idx %arg11[%get3A_1643] : memref<16384xf32, #tpu.memory_space<vmem>>[vector<16xi32>], vector<16xf32>,
      %swap3A_1645 = arith.constant 0 : i32
      %swap3A_1646 = arith.index_cast %swap3A_1645 : i32 to index
      %swap3A_1647 = arith.constant 976 : index
      %swap3A_1648 = tpu.vector_load %arg20[%swap3A_1646, %swap3A_1647] {strides = array<i32>} : memref<4x1024xf32, #tpu.memory_space<vmem>>, vector<16xf32>,
      tpu.vector_store %arg20[%swap3A_1646, %swap3A_1647], %gather3A_1644 {strides = array<i32>} : memref<4x1024xf32, #tpu.memory_space<vmem>>, vector<16xf32>,
      %gather3A_1649 = tpu.vector_load_idx %arg12[%get3A_1643] : memref<16384xf32, #tpu.memory_space<vmem>>[vector<16xi32>], vector<16xf32>,
      %swap3A_1650 = arith.constant 1 : i32
      %swap3A_1651 = arith.index_cast %swap3A_1650 : i32 to index
      %swap3A_1652 = arith.constant 976 : index
      %swap3A_1653 = tpu.vector_load %arg20[%swap3A_1651, %swap3A_1652] {strides = array<i32>} : memref<4x1024xf32, #tpu.memory_space<vmem>>, vector<16xf32>,
      tpu.vector_store %arg20[%swap3A_1651, %swap3A_1652], %gather3A_1649 {strides = array<i32>} : memref<4x1024xf32, #tpu.memory_space<vmem>>, vector<16xf32>,
      %gather3A_1654 = tpu.vector_load_idx %arg13[%get3A_1643] : memref<16384xf32, #tpu.memory_space<vmem>>[vector<16xi32>], vector<16xf32>,
      %swap3A_1655 = arith.constant 2 : i32
      %swap3A_1656 = arith.index_cast %swap3A_1655 : i32 to index
      %swap3A_1657 = arith.constant 976 : index
      %swap3A_1658 = tpu.vector_load %arg20[%swap3A_1656, %swap3A_1657] {strides = array<i32>} : memref<4x1024xf32, #tpu.memory_space<vmem>>, vector<16xf32>,
      tpu.vector_store %arg20[%swap3A_1656, %swap3A_1657], %gather3A_1654 {strides = array<i32>} : memref<4x1024xf32, #tpu.memory_space<vmem>>, vector<16xf32>,
      %gather3A_1659 = tpu.vector_load_idx %arg14[%get3A_1643] : memref<16384xf32, #tpu.memory_space<vmem>>[vector<16xi32>], vector<16xf32>,
      %swap3A_1660 = arith.constant 3 : i32
      %swap3A_1661 = arith.index_cast %swap3A_1660 : i32 to index
      %swap3A_1662 = arith.constant 976 : index
      %swap3A_1663 = tpu.vector_load %arg20[%swap3A_1661, %swap3A_1662] {strides = array<i32>} : memref<4x1024xf32, #tpu.memory_space<vmem>>, vector<16xf32>,
      tpu.vector_store %arg20[%swap3A_1661, %swap3A_1662], %gather3A_1659 {strides = array<i32>} : memref<4x1024xf32, #tpu.memory_space<vmem>>, vector<16xf32>,
      %get3A_1664 = arith.constant 992 : index
      %get3A_1665 = tpu.vector_load %arg16[%get3A_1664] {strides = array<i32>} : memref<1024xi32, #tpu.memory_space<vmem>>, vector<16xi32>,
      %gather3A_1666 = tpu.vector_load_idx %arg11[%get3A_1665] : memref<16384xf32, #tpu.memory_space<vmem>>[vector<16xi32>], vector<16xf32>,
      %swap3A_1667 = arith.constant 0 : i32
      %swap3A_1668 = arith.index_cast %swap3A_1667 : i32 to index
      %swap3A_1669 = arith.constant 992 : index
      %swap3A_1670 = tpu.vector_load %arg20[%swap3A_1668, %swap3A_1669] {strides = array<i32>} : memref<4x1024xf32, #tpu.memory_space<vmem>>, vector<16xf32>,
      tpu.vector_store %arg20[%swap3A_1668, %swap3A_1669], %gather3A_1666 {strides = array<i32>} : memref<4x1024xf32, #tpu.memory_space<vmem>>, vector<16xf32>,
      %gather3A_1671 = tpu.vector_load_idx %arg12[%get3A_1665] : memref<16384xf32, #tpu.memory_space<vmem>>[vector<16xi32>], vector<16xf32>,
      %swap3A_1672 = arith.constant 1 : i32
      %swap3A_1673 = arith.index_cast %swap3A_1672 : i32 to index
      %swap3A_1674 = arith.constant 992 : index
      %swap3A_1675 = tpu.vector_load %arg20[%swap3A_1673, %swap3A_1674] {strides = array<i32>} : memref<4x1024xf32, #tpu.memory_space<vmem>>, vector<16xf32>,
      tpu.vector_store %arg20[%swap3A_1673, %swap3A_1674], %gather3A_1671 {strides = array<i32>} : memref<4x1024xf32, #tpu.memory_space<vmem>>, vector<16xf32>,
      %gather3A_1676 = tpu.vector_load_idx %arg13[%get3A_1665] : memref<16384xf32, #tpu.memory_space<vmem>>[vector<16xi32>], vector<16xf32>,
      %swap3A_1677 = arith.constant 2 : i32
      %swap3A_1678 = arith.index_cast %swap3A_1677 : i32 to index
      %swap3A_1679 = arith.constant 992 : index
      %swap3A_1680 = tpu.vector_load %arg20[%swap3A_1678, %swap3A_1679] {strides = array<i32>} : memref<4x1024xf32, #tpu.memory_space<vmem>>, vector<16xf32>,
      tpu.vector_store %arg20[%swap3A_1678, %swap3A_1679], %gather3A_1676 {strides = array<i32>} : memref<4x1024xf32, #tpu.memory_space<vmem>>, vector<16xf32>,
      %gather3A_1681 = tpu.vector_load_idx %arg14[%get3A_1665] : memref<16384xf32, #tpu.memory_space<vmem>>[vector<16xi32>], vector<16xf32>,
      %swap3A_1682 = arith.constant 3 : i32
      %swap3A_1683 = arith.index_cast %swap3A_1682 : i32 to index
      %swap3A_1684 = arith.constant 992 : index
      %swap3A_1685 = tpu.vector_load %arg20[%swap3A_1683, %swap3A_1684] {strides = array<i32>} : memref<4x1024xf32, #tpu.memory_space<vmem>>, vector<16xf32>,
      tpu.vector_store %arg20[%swap3A_1683, %swap3A_1684], %gather3A_1681 {strides = array<i32>} : memref<4x1024xf32, #tpu.memory_space<vmem>>, vector<16xf32>,
      %get3A_1686 = arith.constant 1008 : index
      %get3A_1687 = tpu.vector_load %arg16[%get3A_1686] {strides = array<i32>} : memref<1024xi32, #tpu.memory_space<vmem>>, vector<16xi32>,
      %gather3A_1688 = tpu.vector_load_idx %arg11[%get3A_1687] : memref<16384xf32, #tpu.memory_space<vmem>>[vector<16xi32>], vector<16xf32>,
      %swap3A_1689 = arith.constant 0 : i32
      %swap3A_1690 = arith.index_cast %swap3A_1689 : i32 to index
      %swap3A_1691 = arith.constant 1008 : index
      %swap3A_1692 = tpu.vector_load %arg20[%swap3A_1690, %swap3A_1691] {strides = array<i32>} : memref<4x1024xf32, #tpu.memory_space<vmem>>, vector<16xf32>,
      tpu.vector_store %arg20[%swap3A_1690, %swap3A_1691], %gather3A_1688 {strides = array<i32>} : memref<4x1024xf32, #tpu.memory_space<vmem>>, vector<16xf32>,
      %gather3A_1693 = tpu.vector_load_idx %arg12[%get3A_1687] : memref<16384xf32, #tpu.memory_space<vmem>>[vector<16xi32>], vector<16xf32>,
      %swap3A_1694 = arith.constant 1 : i32
      %swap3A_1695 = arith.index_cast %swap3A_1694 : i32 to index
      %swap3A_1696 = arith.constant 1008 : index
      %swap3A_1697 = tpu.vector_load %arg20[%swap3A_1695, %swap3A_1696] {strides = array<i32>} : memref<4x1024xf32, #tpu.memory_space<vmem>>, vector<16xf32>,
      tpu.vector_store %arg20[%swap3A_1695, %swap3A_1696], %gather3A_1693 {strides = array<i32>} : memref<4x1024xf32, #tpu.memory_space<vmem>>, vector<16xf32>,
      %gather3A_1698 = tpu.vector_load_idx %arg13[%get3A_1687] : memref<16384xf32, #tpu.memory_space<vmem>>[vector<16xi32>], vector<16xf32>,
      %swap3A_1699 = arith.constant 2 : i32
      %swap3A_1700 = arith.index_cast %swap3A_1699 : i32 to index
      %swap3A_1701 = arith.constant 1008 : index
      %swap3A_1702 = tpu.vector_load %arg20[%swap3A_1700, %swap3A_1701] {strides = array<i32>} : memref<4x1024xf32, #tpu.memory_space<vmem>>, vector<16xf32>,
      tpu.vector_store %arg20[%swap3A_1700, %swap3A_1701], %gather3A_1698 {strides = array<i32>} : memref<4x1024xf32, #tpu.memory_space<vmem>>, vector<16xf32>,
      %gather3A_1703 = tpu.vector_load_idx %arg14[%get3A_1687] : memref<16384xf32, #tpu.memory_space<vmem>>[vector<16xi32>], vector<16xf32>,
      %swap3A_1704 = arith.constant 3 : i32
      %swap3A_1705 = arith.index_cast %swap3A_1704 : i32 to index
      %swap3A_1706 = arith.constant 1008 : index
      %swap3A_1707 = tpu.vector_load %arg20[%swap3A_1705, %swap3A_1706] {strides = array<i32>} : memref<4x1024xf32, #tpu.memory_space<vmem>>, vector<16xf32>,
      tpu.vector_store %arg20[%swap3A_1705, %swap3A_1706], %gather3A_1703 {strides = array<i32>} : memref<4x1024xf32, #tpu.memory_space<vmem>>, vector<16xf32>,
      %run_scoped3A = arith.constant 0 : i32
      "tpu.region"() ({
        %run_scoped3A_1711 = tpu.sem_alloc : memref<!tpu.dma_semaphore, #tpu.memory_space<semaphore_mem>>
        %dma_start3A = arith.constant 0 : i32
        %dma_start3A_1712 = tpu.memref_slice %arg20[%run_scoped3A, %dma_start3A] : memref<4x1024xf32, #tpu.memory_space<vmem>> -> memref<1x1024xf32, #tpu.memory_space<vmem>>
        %dma_start3A_1713 = tpu.memref_squeeze %dma_start3A_1712 : memref<1x1024xf32, #tpu.memory_space<vmem>> -> memref<1024xf32, #tpu.memory_space<vmem>>
        %dma_start3A_1714 = arith.constant 0 : i32
        %dma_start3A_1715 = tpu.memref_slice %arg7[%add3A, %dma_start3A_1714] : memref<4x1024xf32, #tpu.memory_space<hbm>> -> memref<1x1024xf32, #tpu.memory_space<hbm>>
        %dma_start3A_1716 = tpu.memref_squeeze %dma_start3A_1715 : memref<1x1024xf32, #tpu.memory_space<hbm>> -> memref<1024xf32, #tpu.memory_space<hbm>>
        %dma_start3A_1717 = arith.constant 0 : i32
        %dma_start3A_1718 = tpu.memref_slice %arg7[%add3A, %dma_start3A_1717] : memref<4x1024xf32, #tpu.memory_space<hbm>> -> memref<1x1024xf32, #tpu.memory_space<hbm>>
        %dma_start3A_1719 = tpu.memref_squeeze %dma_start3A_1718 : memref<1x1024xf32, #tpu.memory_space<hbm>> -> memref<1024xf32, #tpu.memory_space<hbm>>
        %dma_start3A_1720 = arith.constant 0 : i32
        %dma_start3A_1721 = tpu.memref_slice %arg20[%run_scoped3A, %dma_start3A_1720] : memref<4x1024xf32, #tpu.memory_space<vmem>> -> memref<1x1024xf32, #tpu.memory_space<vmem>>
        %dma_start3A_1722 = tpu.memref_squeeze %dma_start3A_1721 : memref<1x1024xf32, #tpu.memory_space<vmem>> -> memref<1024xf32, #tpu.memory_space<vmem>>
        tpu.enqueue_dma source(%dma_start3A_1722 : memref<1024xf32, #tpu.memory_space<vmem>>) target(%dma_start3A_1719 : memref<1024xf32, #tpu.memory_space<hbm>>) target_semaphore(%run_scoped3A_1711 : memref<!tpu.dma_semaphore, #tpu.memory_space<semaphore_mem>>)
        %dma_wait3A = arith.constant 0 : i32
        %dma_wait3A_1723 = tpu.memref_slice %arg20[%run_scoped3A, %dma_wait3A] : memref<4x1024xf32, #tpu.memory_space<vmem>> -> memref<1x1024xf32, #tpu.memory_space<vmem>>
        %dma_wait3A_1724 = tpu.memref_squeeze %dma_wait3A_1723 : memref<1x1024xf32, #tpu.memory_space<vmem>> -> memref<1024xf32, #tpu.memory_space<vmem>>
        %dma_wait3A_1725 = arith.constant 0 : i32
        %dma_wait3A_1726 = tpu.memref_slice %arg7[%add3A, %dma_wait3A_1725] : memref<4x1024xf32, #tpu.memory_space<hbm>> -> memref<1x1024xf32, #tpu.memory_space<hbm>>
        %dma_wait3A_1727 = tpu.memref_squeeze %dma_wait3A_1726 : memref<1x1024xf32, #tpu.memory_space<hbm>> -> memref<1024xf32, #tpu.memory_space<hbm>>
        %dma_wait3A_1728 = arith.constant 0 : i32
        %dma_wait3A_1729 = tpu.memref_slice %arg7[%add3A, %dma_wait3A_1728] : memref<4x1024xf32, #tpu.memory_space<hbm>> -> memref<1x1024xf32, #tpu.memory_space<hbm>>
        %dma_wait3A_1730 = tpu.memref_squeeze %dma_wait3A_1729 : memref<1x1024xf32, #tpu.memory_space<hbm>> -> memref<1024xf32, #tpu.memory_space<hbm>>
        %dma_wait3A_1731 = arith.constant 0 : i32
        %dma_wait3A_1732 = tpu.memref_slice %arg20[%run_scoped3A, %dma_wait3A_1731] : memref<4x1024xf32, #tpu.memory_space<vmem>> -> memref<1x1024xf32, #tpu.memory_space<vmem>>
        %dma_wait3A_1733 = tpu.memref_squeeze %dma_wait3A_1732 : memref<1x1024xf32, #tpu.memory_space<vmem>> -> memref<1024xf32, #tpu.memory_space<vmem>>
        tpu.wait_dma2 semaphore(%run_scoped3A_1711 : memref<!tpu.dma_semaphore, #tpu.memory_space<semaphore_mem>>) src(%dma_wait3A_1733 : memref<1024xf32, #tpu.memory_space<vmem>>) dst(%dma_wait3A_1730 : memref<1024xf32, #tpu.memory_space<hbm>>)
        tpu.yield
      }) : () -> ()
      %run_scoped3A_1708 = arith.constant 1 : i32
      "tpu.region"() ({
        %run_scoped3A_1711 = tpu.sem_alloc : memref<!tpu.dma_semaphore, #tpu.memory_space<semaphore_mem>>
        %dma_start3A = arith.constant 0 : i32
        %dma_start3A_1712 = tpu.memref_slice %arg20[%run_scoped3A_1708, %dma_start3A] : memref<4x1024xf32, #tpu.memory_space<vmem>> -> memref<1x1024xf32, #tpu.memory_space<vmem>>
        %dma_start3A_1713 = tpu.memref_squeeze %dma_start3A_1712 : memref<1x1024xf32, #tpu.memory_space<vmem>> -> memref<1024xf32, #tpu.memory_space<vmem>>
        %dma_start3A_1714 = arith.constant 0 : i32
        %dma_start3A_1715 = tpu.memref_slice %arg8[%add3A, %dma_start3A_1714] : memref<4x1024xf32, #tpu.memory_space<hbm>> -> memref<1x1024xf32, #tpu.memory_space<hbm>>
        %dma_start3A_1716 = tpu.memref_squeeze %dma_start3A_1715 : memref<1x1024xf32, #tpu.memory_space<hbm>> -> memref<1024xf32, #tpu.memory_space<hbm>>
        %dma_start3A_1717 = arith.constant 0 : i32
        %dma_start3A_1718 = tpu.memref_slice %arg8[%add3A, %dma_start3A_1717] : memref<4x1024xf32, #tpu.memory_space<hbm>> -> memref<1x1024xf32, #tpu.memory_space<hbm>>
        %dma_start3A_1719 = tpu.memref_squeeze %dma_start3A_1718 : memref<1x1024xf32, #tpu.memory_space<hbm>> -> memref<1024xf32, #tpu.memory_space<hbm>>
        %dma_start3A_1720 = arith.constant 0 : i32
        %dma_start3A_1721 = tpu.memref_slice %arg20[%run_scoped3A_1708, %dma_start3A_1720] : memref<4x1024xf32, #tpu.memory_space<vmem>> -> memref<1x1024xf32, #tpu.memory_space<vmem>>
        %dma_start3A_1722 = tpu.memref_squeeze %dma_start3A_1721 : memref<1x1024xf32, #tpu.memory_space<vmem>> -> memref<1024xf32, #tpu.memory_space<vmem>>
        tpu.enqueue_dma source(%dma_start3A_1722 : memref<1024xf32, #tpu.memory_space<vmem>>) target(%dma_start3A_1719 : memref<1024xf32, #tpu.memory_space<hbm>>) target_semaphore(%run_scoped3A_1711 : memref<!tpu.dma_semaphore, #tpu.memory_space<semaphore_mem>>)
        %dma_wait3A = arith.constant 0 : i32
        %dma_wait3A_1723 = tpu.memref_slice %arg20[%run_scoped3A_1708, %dma_wait3A] : memref<4x1024xf32, #tpu.memory_space<vmem>> -> memref<1x1024xf32, #tpu.memory_space<vmem>>
        %dma_wait3A_1724 = tpu.memref_squeeze %dma_wait3A_1723 : memref<1x1024xf32, #tpu.memory_space<vmem>> -> memref<1024xf32, #tpu.memory_space<vmem>>
        %dma_wait3A_1725 = arith.constant 0 : i32
        %dma_wait3A_1726 = tpu.memref_slice %arg8[%add3A, %dma_wait3A_1725] : memref<4x1024xf32, #tpu.memory_space<hbm>> -> memref<1x1024xf32, #tpu.memory_space<hbm>>
        %dma_wait3A_1727 = tpu.memref_squeeze %dma_wait3A_1726 : memref<1x1024xf32, #tpu.memory_space<hbm>> -> memref<1024xf32, #tpu.memory_space<hbm>>
        %dma_wait3A_1728 = arith.constant 0 : i32
        %dma_wait3A_1729 = tpu.memref_slice %arg8[%add3A, %dma_wait3A_1728] : memref<4x1024xf32, #tpu.memory_space<hbm>> -> memref<1x1024xf32, #tpu.memory_space<hbm>>
        %dma_wait3A_1730 = tpu.memref_squeeze %dma_wait3A_1729 : memref<1x1024xf32, #tpu.memory_space<hbm>> -> memref<1024xf32, #tpu.memory_space<hbm>>
        %dma_wait3A_1731 = arith.constant 0 : i32
        %dma_wait3A_1732 = tpu.memref_slice %arg20[%run_scoped3A_1708, %dma_wait3A_1731] : memref<4x1024xf32, #tpu.memory_space<vmem>> -> memref<1x1024xf32, #tpu.memory_space<vmem>>
        %dma_wait3A_1733 = tpu.memref_squeeze %dma_wait3A_1732 : memref<1x1024xf32, #tpu.memory_space<vmem>> -> memref<1024xf32, #tpu.memory_space<vmem>>
        tpu.wait_dma2 semaphore(%run_scoped3A_1711 : memref<!tpu.dma_semaphore, #tpu.memory_space<semaphore_mem>>) src(%dma_wait3A_1733 : memref<1024xf32, #tpu.memory_space<vmem>>) dst(%dma_wait3A_1730 : memref<1024xf32, #tpu.memory_space<hbm>>)
        tpu.yield
      }) : () -> ()
      %run_scoped3A_1709 = arith.constant 2 : i32
      "tpu.region"() ({
        %run_scoped3A_1711 = tpu.sem_alloc : memref<!tpu.dma_semaphore, #tpu.memory_space<semaphore_mem>>
        %dma_start3A = arith.constant 0 : i32
        %dma_start3A_1712 = tpu.memref_slice %arg20[%run_scoped3A_1709, %dma_start3A] : memref<4x1024xf32, #tpu.memory_space<vmem>> -> memref<1x1024xf32, #tpu.memory_space<vmem>>
        %dma_start3A_1713 = tpu.memref_squeeze %dma_start3A_1712 : memref<1x1024xf32, #tpu.memory_space<vmem>> -> memref<1024xf32, #tpu.memory_space<vmem>>
        %dma_start3A_1714 = arith.constant 0 : i32
        %dma_start3A_1715 = tpu.memref_slice %arg9[%add3A, %dma_start3A_1714] : memref<4x1024xf32, #tpu.memory_space<hbm>> -> memref<1x1024xf32, #tpu.memory_space<hbm>>
        %dma_start3A_1716 = tpu.memref_squeeze %dma_start3A_1715 : memref<1x1024xf32, #tpu.memory_space<hbm>> -> memref<1024xf32, #tpu.memory_space<hbm>>
        %dma_start3A_1717 = arith.constant 0 : i32
        %dma_start3A_1718 = tpu.memref_slice %arg9[%add3A, %dma_start3A_1717] : memref<4x1024xf32, #tpu.memory_space<hbm>> -> memref<1x1024xf32, #tpu.memory_space<hbm>>
        %dma_start3A_1719 = tpu.memref_squeeze %dma_start3A_1718 : memref<1x1024xf32, #tpu.memory_space<hbm>> -> memref<1024xf32, #tpu.memory_space<hbm>>
        %dma_start3A_1720 = arith.constant 0 : i32
        %dma_start3A_1721 = tpu.memref_slice %arg20[%run_scoped3A_1709, %dma_start3A_1720] : memref<4x1024xf32, #tpu.memory_space<vmem>> -> memref<1x1024xf32, #tpu.memory_space<vmem>>
        %dma_start3A_1722 = tpu.memref_squeeze %dma_start3A_1721 : memref<1x1024xf32, #tpu.memory_space<vmem>> -> memref<1024xf32, #tpu.memory_space<vmem>>
        tpu.enqueue_dma source(%dma_start3A_1722 : memref<1024xf32, #tpu.memory_space<vmem>>) target(%dma_start3A_1719 : memref<1024xf32, #tpu.memory_space<hbm>>) target_semaphore(%run_scoped3A_1711 : memref<!tpu.dma_semaphore, #tpu.memory_space<semaphore_mem>>)
        %dma_wait3A = arith.constant 0 : i32
        %dma_wait3A_1723 = tpu.memref_slice %arg20[%run_scoped3A_1709, %dma_wait3A] : memref<4x1024xf32, #tpu.memory_space<vmem>> -> memref<1x1024xf32, #tpu.memory_space<vmem>>
        %dma_wait3A_1724 = tpu.memref_squeeze %dma_wait3A_1723 : memref<1x1024xf32, #tpu.memory_space<vmem>> -> memref<1024xf32, #tpu.memory_space<vmem>>
        %dma_wait3A_1725 = arith.constant 0 : i32
        %dma_wait3A_1726 = tpu.memref_slice %arg9[%add3A, %dma_wait3A_1725] : memref<4x1024xf32, #tpu.memory_space<hbm>> -> memref<1x1024xf32, #tpu.memory_space<hbm>>
        %dma_wait3A_1727 = tpu.memref_squeeze %dma_wait3A_1726 : memref<1x1024xf32, #tpu.memory_space<hbm>> -> memref<1024xf32, #tpu.memory_space<hbm>>
        %dma_wait3A_1728 = arith.constant 0 : i32
        %dma_wait3A_1729 = tpu.memref_slice %arg9[%add3A, %dma_wait3A_1728] : memref<4x1024xf32, #tpu.memory_space<hbm>> -> memref<1x1024xf32, #tpu.memory_space<hbm>>
        %dma_wait3A_1730 = tpu.memref_squeeze %dma_wait3A_1729 : memref<1x1024xf32, #tpu.memory_space<hbm>> -> memref<1024xf32, #tpu.memory_space<hbm>>
        %dma_wait3A_1731 = arith.constant 0 : i32
        %dma_wait3A_1732 = tpu.memref_slice %arg20[%run_scoped3A_1709, %dma_wait3A_1731] : memref<4x1024xf32, #tpu.memory_space<vmem>> -> memref<1x1024xf32, #tpu.memory_space<vmem>>
        %dma_wait3A_1733 = tpu.memref_squeeze %dma_wait3A_1732 : memref<1x1024xf32, #tpu.memory_space<vmem>> -> memref<1024xf32, #tpu.memory_space<vmem>>
        tpu.wait_dma2 semaphore(%run_scoped3A_1711 : memref<!tpu.dma_semaphore, #tpu.memory_space<semaphore_mem>>) src(%dma_wait3A_1733 : memref<1024xf32, #tpu.memory_space<vmem>>) dst(%dma_wait3A_1730 : memref<1024xf32, #tpu.memory_space<hbm>>)
        tpu.yield
      }) : () -> ()
      %run_scoped3A_1710 = arith.constant 3 : i32
      "tpu.region"() ({
        %run_scoped3A_1711 = tpu.sem_alloc : memref<!tpu.dma_semaphore, #tpu.memory_space<semaphore_mem>>
        %dma_start3A = arith.constant 0 : i32
        %dma_start3A_1712 = tpu.memref_slice %arg20[%run_scoped3A_1710, %dma_start3A] : memref<4x1024xf32, #tpu.memory_space<vmem>> -> memref<1x1024xf32, #tpu.memory_space<vmem>>
        %dma_start3A_1713 = tpu.memref_squeeze %dma_start3A_1712 : memref<1x1024xf32, #tpu.memory_space<vmem>> -> memref<1024xf32, #tpu.memory_space<vmem>>
        %dma_start3A_1714 = arith.constant 0 : i32
        %dma_start3A_1715 = tpu.memref_slice %arg10[%add3A, %dma_start3A_1714] : memref<4x1024xf32, #tpu.memory_space<hbm>> -> memref<1x1024xf32, #tpu.memory_space<hbm>>
        %dma_start3A_1716 = tpu.memref_squeeze %dma_start3A_1715 : memref<1x1024xf32, #tpu.memory_space<hbm>> -> memref<1024xf32, #tpu.memory_space<hbm>>
        %dma_start3A_1717 = arith.constant 0 : i32
        %dma_start3A_1718 = tpu.memref_slice %arg10[%add3A, %dma_start3A_1717] : memref<4x1024xf32, #tpu.memory_space<hbm>> -> memref<1x1024xf32, #tpu.memory_space<hbm>>
        %dma_start3A_1719 = tpu.memref_squeeze %dma_start3A_1718 : memref<1x1024xf32, #tpu.memory_space<hbm>> -> memref<1024xf32, #tpu.memory_space<hbm>>
        %dma_start3A_1720 = arith.constant 0 : i32
        %dma_start3A_1721 = tpu.memref_slice %arg20[%run_scoped3A_1710, %dma_start3A_1720] : memref<4x1024xf32, #tpu.memory_space<vmem>> -> memref<1x1024xf32, #tpu.memory_space<vmem>>
        %dma_start3A_1722 = tpu.memref_squeeze %dma_start3A_1721 : memref<1x1024xf32, #tpu.memory_space<vmem>> -> memref<1024xf32, #tpu.memory_space<vmem>>
        tpu.enqueue_dma source(%dma_start3A_1722 : memref<1024xf32, #tpu.memory_space<vmem>>) target(%dma_start3A_1719 : memref<1024xf32, #tpu.memory_space<hbm>>) target_semaphore(%run_scoped3A_1711 : memref<!tpu.dma_semaphore, #tpu.memory_space<semaphore_mem>>)
        %dma_wait3A = arith.constant 0 : i32
        %dma_wait3A_1723 = tpu.memref_slice %arg20[%run_scoped3A_1710, %dma_wait3A] : memref<4x1024xf32, #tpu.memory_space<vmem>> -> memref<1x1024xf32, #tpu.memory_space<vmem>>
        %dma_wait3A_1724 = tpu.memref_squeeze %dma_wait3A_1723 : memref<1x1024xf32, #tpu.memory_space<vmem>> -> memref<1024xf32, #tpu.memory_space<vmem>>
        %dma_wait3A_1725 = arith.constant 0 : i32
        %dma_wait3A_1726 = tpu.memref_slice %arg10[%add3A, %dma_wait3A_1725] : memref<4x1024xf32, #tpu.memory_space<hbm>> -> memref<1x1024xf32, #tpu.memory_space<hbm>>
        %dma_wait3A_1727 = tpu.memref_squeeze %dma_wait3A_1726 : memref<1x1024xf32, #tpu.memory_space<hbm>> -> memref<1024xf32, #tpu.memory_space<hbm>>
        %dma_wait3A_1728 = arith.constant 0 : i32
        %dma_wait3A_1729 = tpu.memref_slice %arg10[%add3A, %dma_wait3A_1728] : memref<4x1024xf32, #tpu.memory_space<hbm>> -> memref<1x1024xf32, #tpu.memory_space<hbm>>
        %dma_wait3A_1730 = tpu.memref_squeeze %dma_wait3A_1729 : memref<1x1024xf32, #tpu.memory_space<hbm>> -> memref<1024xf32, #tpu.memory_space<hbm>>
        %dma_wait3A_1731 = arith.constant 0 : i32
        %dma_wait3A_1732 = tpu.memref_slice %arg20[%run_scoped3A_1710, %dma_wait3A_1731] : memref<4x1024xf32, #tpu.memory_space<vmem>> -> memref<1x1024xf32, #tpu.memory_space<vmem>>
        %dma_wait3A_1733 = tpu.memref_squeeze %dma_wait3A_1732 : memref<1x1024xf32, #tpu.memory_space<vmem>> -> memref<1024xf32, #tpu.memory_space<vmem>>
        tpu.wait_dma2 semaphore(%run_scoped3A_1711 : memref<!tpu.dma_semaphore, #tpu.memory_space<semaphore_mem>>) src(%dma_wait3A_1733 : memref<1024xf32, #tpu.memory_space<vmem>>) dst(%dma_wait3A_1730 : memref<1024xf32, #tpu.memory_space<hbm>>)
        tpu.yield
      }) : () -> ()
      "tpu.region"() ({
        %run_scoped3A_1711 = tpu.sem_alloc : memref<!tpu.dma_semaphore, #tpu.memory_space<semaphore_mem>>
        %dma_start3A = arith.constant 0 : i32
        %dma_start3A_1712 = tpu.memref_slice %arg6[%add3A, %dma_start3A] : memref<4x1024xi32, #tpu.memory_space<hbm>> -> memref<1x1024xi32, #tpu.memory_space<hbm>>
        %dma_start3A_1713 = tpu.memref_squeeze %dma_start3A_1712 : memref<1x1024xi32, #tpu.memory_space<hbm>> -> memref<1024xi32, #tpu.memory_space<hbm>>
        %dma_start3A_1714 = arith.constant 0 : i32
        %dma_start3A_1715 = tpu.memref_slice %arg6[%add3A, %dma_start3A_1714] : memref<4x1024xi32, #tpu.memory_space<hbm>> -> memref<1x1024xi32, #tpu.memory_space<hbm>>
        %dma_start3A_1716 = tpu.memref_squeeze %dma_start3A_1715 : memref<1x1024xi32, #tpu.memory_space<hbm>> -> memref<1024xi32, #tpu.memory_space<hbm>>
        tpu.enqueue_dma source(%arg16 : memref<1024xi32, #tpu.memory_space<vmem>>) target(%dma_start3A_1716 : memref<1024xi32, #tpu.memory_space<hbm>>) target_semaphore(%run_scoped3A_1711 : memref<!tpu.dma_semaphore, #tpu.memory_space<semaphore_mem>>)
        %dma_wait3A = arith.constant 0 : i32
        %dma_wait3A_1717 = tpu.memref_slice %arg6[%add3A, %dma_wait3A] : memref<4x1024xi32, #tpu.memory_space<hbm>> -> memref<1x1024xi32, #tpu.memory_space<hbm>>
        %dma_wait3A_1718 = tpu.memref_squeeze %dma_wait3A_1717 : memref<1x1024xi32, #tpu.memory_space<hbm>> -> memref<1024xi32, #tpu.memory_space<hbm>>
        %dma_wait3A_1719 = arith.constant 0 : i32
        %dma_wait3A_1720 = tpu.memref_slice %arg6[%add3A, %dma_wait3A_1719] : memref<4x1024xi32, #tpu.memory_space<hbm>> -> memref<1x1024xi32, #tpu.memory_space<hbm>>
        %dma_wait3A_1721 = tpu.memref_squeeze %dma_wait3A_1720 : memref<1x1024xi32, #tpu.memory_space<hbm>> -> memref<1024xi32, #tpu.memory_space<hbm>>
        tpu.wait_dma2 semaphore(%run_scoped3A_1711 : memref<!tpu.dma_semaphore, #tpu.memory_space<semaphore_mem>>) src(%arg16 : memref<1024xi32, #tpu.memory_space<vmem>>) dst(%dma_wait3A_1721 : memref<1024xi32, #tpu.memory_space<hbm>>)
        tpu.yield
      }) : () -> ()
    } else {
    }
    return
  }
}

module attributes {stable_mosaic.version = 14 : i64} {
  func.func @_lambda_(%arg0: i32, %arg1: memref<4x16384xf32, #tpu.memory_space<vmem>>, %arg2: memref<16x4xf32, #tpu.memory_space<vmem>>, %arg3: memref<16x16384xf32, #tpu.memory_space<vmem>>, %arg4: memref<16x2xf32, #tpu.memory_space<vmem>>) attributes {dimension_semantics = [#tpu.dimension_semantics<arbitrary>], iteration_bounds = array<i64: 8>, scalar_prefetch = 0 : i64, scratch_operands = 0 : i64, tpu.core_type = #tpu.core_type<tc>, window_params = [{transform_indices = @transform_0, window_bounds = array<i64: 4, 16384>}, {pipeline_mode = #tpu.pipeline_mode<synchronous>, transform_indices = @transform_1, window_bounds = array<i64: 16, 4>}, {transform_indices = @transform_2, window_bounds = array<i64: 16, 16384>}, {pipeline_mode = #tpu.pipeline_mode<synchronous>, transform_indices = @transform_3, window_bounds = array<i64: 16, 2>}]} {
    %get3A = arith.constant 0 : index
    %get3A_0 = arith.constant 0 : index
    %get3A_1 = vector.load %arg1[%get3A, %get3A_0] : memref<4x16384xf32, #tpu.memory_space<vmem>>, vector<4x16384xf32>
    %get3A_2 = arith.constant 0 : index
    %get3A_3 = arith.constant 0 : index
    %get3A_4 = vector.load %arg2[%get3A_2, %get3A_3] : memref<16x4xf32, #tpu.memory_space<vmem>>, vector<16x4xf32>
    %dot_general3A = arith.constant dense<0.000000e+00> : vector<16x16384xf32>
    %dot_general3A_5 = tpu.matmul %get3A_4, %get3A_1, %dot_general3A {dimension_numbers = #tpu.dot_dimension_numbers<[1], [0], [0], [1], [0, 0, 1, 1], [], []>, transpose_lhs_hint = false} : vector<16x4xf32>, vector<4x16384xf32>, vector<16x16384xf32> -> vector<16x16384xf32>
    %swap3A = arith.constant 0 : index
    %swap3A_6 = arith.constant 0 : index
    %swap3A_7 = vector.load %arg3[%swap3A, %swap3A_6] : memref<16x16384xf32, #tpu.memory_space<vmem>>, vector<16x16384xf32>
    tpu.vector_store %arg3[%swap3A, %swap3A_6], %dot_general3A_5 {strides = array<i32>} : memref<16x16384xf32, #tpu.memory_space<vmem>>, vector<16x16384xf32>,
    %reduce_sum3A = arith.constant dense<0.000000e+00> : vector<16xf32>
    %reduce_sum3A_8 = vector.multi_reduction <add>, %dot_general3A_5, %reduce_sum3A [1] : vector<16x16384xf32> to vector<16xf32>
    %broadcast_in_dim3A = vector.shape_cast %reduce_sum3A_8 : vector<16xf32> to vector<16x1xf32>
    %mul3A = arith.mulf %dot_general3A_5, %dot_general3A_5 : vector<16x16384xf32>
    %reduce_sum3A_9 = arith.constant dense<0.000000e+00> : vector<16xf32>
    %reduce_sum3A_10 = vector.multi_reduction <add>, %mul3A, %reduce_sum3A_9 [1] : vector<16x16384xf32> to vector<16xf32>
    %broadcast_in_dim3A_11 = vector.shape_cast %reduce_sum3A_10 : vector<16xf32> to vector<16x1xf32>
    %concatenate3A = tpu.concatenate %broadcast_in_dim3A, %broadcast_in_dim3A_11 in 1 : vector<16x1xf32>, vector<16x1xf32> -> vector<16x2xf32>
    %eq3A = arith.constant 0 : i32
    %eq3A_12 = arith.cmpi eq, %arg0, %eq3A : i32
    %convert_element_type3A = arith.extui %eq3A_12 : i1 to i32
    %cond3A = arith.constant 0 : i32
    %cond3A_13 = arith.cmpi ne, %convert_element_type3A, %cond3A : i32
    scf.if %cond3A_13 {
      %broadcast_in_dim3A_20 = arith.constant 0.000000e+00 : f32
      %broadcast_in_dim3A_21 = vector.broadcast %broadcast_in_dim3A_20 : f32 to vector<16x2xf32>
      %swap3A_22 = arith.constant 0 : index
      %swap3A_23 = arith.constant 0 : index
      %swap3A_24 = vector.load %arg4[%swap3A_22, %swap3A_23] : memref<16x2xf32, #tpu.memory_space<vmem>>, vector<16x2xf32>
      tpu.vector_store %arg4[%swap3A_22, %swap3A_23], %broadcast_in_dim3A_21 {strides = array<i32>} : memref<16x2xf32, #tpu.memory_space<vmem>>, vector<16x2xf32>,
    } else {
    }
    %get3A_14 = arith.constant 0 : index
    %get3A_15 = arith.constant 0 : index
    %get3A_16 = vector.load %arg4[%get3A_14, %get3A_15] : memref<16x2xf32, #tpu.memory_space<vmem>>, vector<16x2xf32>
    %add3A = arith.addf %get3A_16, %concatenate3A : vector<16x2xf32>
    %swap3A_17 = arith.constant 0 : index
    %swap3A_18 = arith.constant 0 : index
    %swap3A_19 = vector.load %arg4[%swap3A_17, %swap3A_18] : memref<16x2xf32, #tpu.memory_space<vmem>>, vector<16x2xf32>
    tpu.vector_store %arg4[%swap3A_17, %swap3A_18], %add3A {strides = array<i32>} : memref<16x2xf32, #tpu.memory_space<vmem>>, vector<16x2xf32>,
    return
  }
  func.func @transform_0(%arg0: i32) -> (i32, i32) {
    %c0_i32 = arith.constant 0 : i32
    %c0_i32_0 = arith.constant 0 : i32
    return %c0_i32, %arg0 : i32, i32
  }
  func.func @transform_1(%arg0: i32) -> (i32, i32) {
    %c0_i32 = arith.constant 0 : i32
    %c0_i32_0 = arith.constant 0 : i32
    %c0_i32_1 = arith.constant 0 : i32
    return %c0_i32, %c0_i32_0 : i32, i32
  }
  func.func @transform_2(%arg0: i32) -> (i32, i32) {
    %c0_i32 = arith.constant 0 : i32
    %c0_i32_0 = arith.constant 0 : i32
    return %c0_i32, %arg0 : i32, i32
  }
  func.func @transform_3(%arg0: i32) -> (i32, i32) {
    %c0_i32 = arith.constant 0 : i32
    %c0_i32_0 = arith.constant 0 : i32
    %c0_i32_1 = arith.constant 0 : i32
    return %c0_i32, %c0_i32_0 : i32, i32
  }
}

module attributes {stable_mosaic.version = 14 : i64} {
  func.func @_layer_body(%arg0: i32, %arg1: memref<16x16384xf32, #tpu.memory_space<vmem>>, %arg2: memref<16x16xf32, #tpu.memory_space<vmem>>, %arg3: memref<16x2xf32, #tpu.memory_space<vmem>>, %arg4: memref<16xf32, #tpu.memory_space<vmem>>, %arg5: memref<16xf32, #tpu.memory_space<vmem>>, %arg6: memref<16x16384xf32, #tpu.memory_space<vmem>>, %arg7: memref<16x2xf32, #tpu.memory_space<vmem>>) attributes {dimension_semantics = [#tpu.dimension_semantics<arbitrary>], iteration_bounds = array<i64: 8>, scalar_prefetch = 0 : i64, scratch_operands = 0 : i64, tpu.core_type = #tpu.core_type<tc>, window_params = [{transform_indices = @transform_0, window_bounds = array<i64: 16, 16384>}, {pipeline_mode = #tpu.pipeline_mode<synchronous>, transform_indices = @transform_1, window_bounds = array<i64: 16, 16>}, {pipeline_mode = #tpu.pipeline_mode<synchronous>, transform_indices = @transform_2, window_bounds = array<i64: 16, 2>}, {pipeline_mode = #tpu.pipeline_mode<synchronous>, transform_indices = @transform_3, window_bounds = array<i64: 16>}, {pipeline_mode = #tpu.pipeline_mode<synchronous>, transform_indices = @transform_4, window_bounds = array<i64: 16>}, {transform_indices = @transform_5, window_bounds = array<i64: 16, 16384>}, {pipeline_mode = #tpu.pipeline_mode<synchronous>, transform_indices = @transform_6, window_bounds = array<i64: 16, 2>}]} {
    %get3A = arith.constant 0 : index
    %get3A_0 = arith.constant 0 : index
    %get3A_1 = vector.load %arg1[%get3A, %get3A_0] : memref<16x16384xf32, #tpu.memory_space<vmem>>, vector<16x16384xf32>
    %get3A_2 = arith.constant 0 : index
    %get3A_3 = arith.constant 0 : index
    %get3A_4 = vector.load %arg3[%get3A_2, %get3A_3] : memref<16x2xf32, #tpu.memory_space<vmem>>, vector<16x2xf32>
    %get3A_5 = arith.constant 0 : index
    %get3A_6 = vector.load %arg4[%get3A_5] : memref<16xf32, #tpu.memory_space<vmem>>, vector<16xf32>
    %get3A_7 = arith.constant 0 : index
    %get3A_8 = vector.load %arg5[%get3A_7] : memref<16xf32, #tpu.memory_space<vmem>>, vector<16xf32>
    %slice3A = vector.extract_strided_slice %get3A_4 {offsets = [0, 0], sizes = [16, 1], strides = [1, 1]} : vector<16x2xf32> to vector<16x1xf32>
    %div3A = arith.constant 1.310720e+05 : f32
    %div3A_9 = vector.broadcast %div3A : f32 to vector<16x1xf32>
    %div3A_10 = arith.divf %slice3A, %div3A_9 : vector<16x1xf32>
    %slice3A_11 = vector.extract_strided_slice %get3A_4 {offsets = [0, 1], sizes = [16, 1], strides = [1, 1]} : vector<16x2xf32> to vector<16x1xf32>
    %div3A_12 = arith.constant 1.310720e+05 : f32
    %div3A_13 = vector.broadcast %div3A_12 : f32 to vector<16x1xf32>
    %div3A_14 = arith.divf %slice3A_11, %div3A_13 : vector<16x1xf32>
    %mul3A = arith.mulf %div3A_10, %div3A_10 : vector<16x1xf32>
    %sub3A = arith.subf %div3A_14, %mul3A : vector<16x1xf32>
    %broadcast_in_dim3A = vector.shape_cast %get3A_6 : vector<16xf32> to vector<16x1xf32>
    %add3A = arith.constant 9.99999974E-6 : f32
    %add3A_15 = vector.broadcast %add3A : f32 to vector<16x1xf32>
    %add3A_16 = arith.addf %sub3A, %add3A_15 : vector<16x1xf32>
    %sqrt3A = math.sqrt %add3A_16 : vector<16x1xf32>
    %div3A_17 = arith.divf %broadcast_in_dim3A, %sqrt3A : vector<16x1xf32>
    %broadcast_in_dim3A_18 = vector.shape_cast %get3A_8 : vector<16xf32> to vector<16x1xf32>
    %mul3A_19 = arith.mulf %div3A_10, %div3A_17 : vector<16x1xf32>
    %sub3A_20 = arith.subf %broadcast_in_dim3A_18, %mul3A_19 : vector<16x1xf32>
    %mul3A_21 = vector.broadcast %div3A_17 : vector<16x1xf32> to vector<16x16384xf32>
    %mul3A_22 = arith.mulf %get3A_1, %mul3A_21 : vector<16x16384xf32>
    %add3A_23 = vector.broadcast %sub3A_20 : vector<16x1xf32> to vector<16x16384xf32>
    %add3A_24 = arith.addf %mul3A_22, %add3A_23 : vector<16x16384xf32>
    %max3A = arith.constant 0.000000e+00 : f32
    %max3A_25 = vector.broadcast %max3A : f32 to vector<16x16384xf32>
    %max3A_26 = arith.maximumf %add3A_24, %max3A_25 : vector<16x16384xf32>
    %get3A_27 = arith.constant 0 : index
    %get3A_28 = arith.constant 0 : index
    %get3A_29 = vector.load %arg2[%get3A_27, %get3A_28] : memref<16x16xf32, #tpu.memory_space<vmem>>, vector<16x16xf32>
    %dot_general3A = arith.constant dense<0.000000e+00> : vector<16x16384xf32>
    %dot_general3A_30 = tpu.matmul %get3A_29, %max3A_26, %dot_general3A {dimension_numbers = #tpu.dot_dimension_numbers<[1], [0], [0], [1], [0, 0, 1, 1], [], []>, transpose_lhs_hint = false} : vector<16x16xf32>, vector<16x16384xf32>, vector<16x16384xf32> -> vector<16x16384xf32>
    %swap3A = arith.constant 0 : index
    %swap3A_31 = arith.constant 0 : index
    %swap3A_32 = vector.load %arg6[%swap3A, %swap3A_31] : memref<16x16384xf32, #tpu.memory_space<vmem>>, vector<16x16384xf32>
    tpu.vector_store %arg6[%swap3A, %swap3A_31], %dot_general3A_30 {strides = array<i32>} : memref<16x16384xf32, #tpu.memory_space<vmem>>, vector<16x16384xf32>,
    %reduce_sum3A = arith.constant dense<0.000000e+00> : vector<16xf32>
    %reduce_sum3A_33 = vector.multi_reduction <add>, %dot_general3A_30, %reduce_sum3A [1] : vector<16x16384xf32> to vector<16xf32>
    %broadcast_in_dim3A_34 = vector.shape_cast %reduce_sum3A_33 : vector<16xf32> to vector<16x1xf32>
    %mul3A_35 = arith.mulf %dot_general3A_30, %dot_general3A_30 : vector<16x16384xf32>
    %reduce_sum3A_36 = arith.constant dense<0.000000e+00> : vector<16xf32>
    %reduce_sum3A_37 = vector.multi_reduction <add>, %mul3A_35, %reduce_sum3A_36 [1] : vector<16x16384xf32> to vector<16xf32>
    %broadcast_in_dim3A_38 = vector.shape_cast %reduce_sum3A_37 : vector<16xf32> to vector<16x1xf32>
    %concatenate3A = tpu.concatenate %broadcast_in_dim3A_34, %broadcast_in_dim3A_38 in 1 : vector<16x1xf32>, vector<16x1xf32> -> vector<16x2xf32>
    %eq3A = arith.constant 0 : i32
    %eq3A_39 = arith.cmpi eq, %arg0, %eq3A : i32
    %convert_element_type3A = arith.extui %eq3A_39 : i1 to i32
    %cond3A = arith.constant 0 : i32
    %cond3A_40 = arith.cmpi ne, %convert_element_type3A, %cond3A : i32
    scf.if %cond3A_40 {
      %broadcast_in_dim3A_48 = arith.constant 0.000000e+00 : f32
      %broadcast_in_dim3A_49 = vector.broadcast %broadcast_in_dim3A_48 : f32 to vector<16x2xf32>
      %swap3A_50 = arith.constant 0 : index
      %swap3A_51 = arith.constant 0 : index
      %swap3A_52 = vector.load %arg7[%swap3A_50, %swap3A_51] : memref<16x2xf32, #tpu.memory_space<vmem>>, vector<16x2xf32>
      tpu.vector_store %arg7[%swap3A_50, %swap3A_51], %broadcast_in_dim3A_49 {strides = array<i32>} : memref<16x2xf32, #tpu.memory_space<vmem>>, vector<16x2xf32>,
    } else {
    }
    %get3A_41 = arith.constant 0 : index
    %get3A_42 = arith.constant 0 : index
    %get3A_43 = vector.load %arg7[%get3A_41, %get3A_42] : memref<16x2xf32, #tpu.memory_space<vmem>>, vector<16x2xf32>
    %add3A_44 = arith.addf %get3A_43, %concatenate3A : vector<16x2xf32>
    %swap3A_45 = arith.constant 0 : index
    %swap3A_46 = arith.constant 0 : index
    %swap3A_47 = vector.load %arg7[%swap3A_45, %swap3A_46] : memref<16x2xf32, #tpu.memory_space<vmem>>, vector<16x2xf32>
    tpu.vector_store %arg7[%swap3A_45, %swap3A_46], %add3A_44 {strides = array<i32>} : memref<16x2xf32, #tpu.memory_space<vmem>>, vector<16x2xf32>,
    return
  }
  func.func @transform_0(%arg0: i32) -> (i32, i32) {
    %c0_i32 = arith.constant 0 : i32
    %c0_i32_0 = arith.constant 0 : i32
    return %c0_i32, %arg0 : i32, i32
  }
  func.func @transform_1(%arg0: i32) -> (i32, i32) {
    %c0_i32 = arith.constant 0 : i32
    %c0_i32_0 = arith.constant 0 : i32
    %c0_i32_1 = arith.constant 0 : i32
    return %c0_i32, %c0_i32_0 : i32, i32
  }
  func.func @transform_2(%arg0: i32) -> (i32, i32) {
    %c0_i32 = arith.constant 0 : i32
    %c0_i32_0 = arith.constant 0 : i32
    %c0_i32_1 = arith.constant 0 : i32
    return %c0_i32, %c0_i32_0 : i32, i32
  }
  func.func @transform_3(%arg0: i32) -> i32 {
    %c0_i32 = arith.constant 0 : i32
    %c0_i32_0 = arith.constant 0 : i32
    return %c0_i32 : i32
  }
  func.func @transform_4(%arg0: i32) -> i32 {
    %c0_i32 = arith.constant 0 : i32
    %c0_i32_0 = arith.constant 0 : i32
    return %c0_i32 : i32
  }
  func.func @transform_5(%arg0: i32) -> (i32, i32) {
    %c0_i32 = arith.constant 0 : i32
    %c0_i32_0 = arith.constant 0 : i32
    return %c0_i32, %arg0 : i32, i32
  }
  func.func @transform_6(%arg0: i32) -> (i32, i32) {
    %c0_i32 = arith.constant 0 : i32
    %c0_i32_0 = arith.constant 0 : i32
    %c0_i32_1 = arith.constant 0 : i32
    return %c0_i32, %c0_i32_0 : i32, i32
  }
}

module attributes {stable_mosaic.version = 14 : i64} {
  func.func @_layer_body(%arg0: i32, %arg1: memref<16x16384xf32, #tpu.memory_space<vmem>>, %arg2: memref<32x16xf32, #tpu.memory_space<vmem>>, %arg3: memref<16x2xf32, #tpu.memory_space<vmem>>, %arg4: memref<16xf32, #tpu.memory_space<vmem>>, %arg5: memref<16xf32, #tpu.memory_space<vmem>>, %arg6: memref<32x16384xf32, #tpu.memory_space<vmem>>, %arg7: memref<32x2xf32, #tpu.memory_space<vmem>>) attributes {dimension_semantics = [#tpu.dimension_semantics<arbitrary>], iteration_bounds = array<i64: 8>, scalar_prefetch = 0 : i64, scratch_operands = 0 : i64, tpu.core_type = #tpu.core_type<tc>, window_params = [{transform_indices = @transform_0, window_bounds = array<i64: 16, 16384>}, {pipeline_mode = #tpu.pipeline_mode<synchronous>, transform_indices = @transform_1, window_bounds = array<i64: 32, 16>}, {pipeline_mode = #tpu.pipeline_mode<synchronous>, transform_indices = @transform_2, window_bounds = array<i64: 16, 2>}, {pipeline_mode = #tpu.pipeline_mode<synchronous>, transform_indices = @transform_3, window_bounds = array<i64: 16>}, {pipeline_mode = #tpu.pipeline_mode<synchronous>, transform_indices = @transform_4, window_bounds = array<i64: 16>}, {transform_indices = @transform_5, window_bounds = array<i64: 32, 16384>}, {pipeline_mode = #tpu.pipeline_mode<synchronous>, transform_indices = @transform_6, window_bounds = array<i64: 32, 2>}]} {
    %get3A = arith.constant 0 : index
    %get3A_0 = arith.constant 0 : index
    %get3A_1 = vector.load %arg1[%get3A, %get3A_0] : memref<16x16384xf32, #tpu.memory_space<vmem>>, vector<16x16384xf32>
    %get3A_2 = arith.constant 0 : index
    %get3A_3 = arith.constant 0 : index
    %get3A_4 = vector.load %arg3[%get3A_2, %get3A_3] : memref<16x2xf32, #tpu.memory_space<vmem>>, vector<16x2xf32>
    %get3A_5 = arith.constant 0 : index
    %get3A_6 = vector.load %arg4[%get3A_5] : memref<16xf32, #tpu.memory_space<vmem>>, vector<16xf32>
    %get3A_7 = arith.constant 0 : index
    %get3A_8 = vector.load %arg5[%get3A_7] : memref<16xf32, #tpu.memory_space<vmem>>, vector<16xf32>
    %slice3A = vector.extract_strided_slice %get3A_4 {offsets = [0, 0], sizes = [16, 1], strides = [1, 1]} : vector<16x2xf32> to vector<16x1xf32>
    %div3A = arith.constant 1.310720e+05 : f32
    %div3A_9 = vector.broadcast %div3A : f32 to vector<16x1xf32>
    %div3A_10 = arith.divf %slice3A, %div3A_9 : vector<16x1xf32>
    %slice3A_11 = vector.extract_strided_slice %get3A_4 {offsets = [0, 1], sizes = [16, 1], strides = [1, 1]} : vector<16x2xf32> to vector<16x1xf32>
    %div3A_12 = arith.constant 1.310720e+05 : f32
    %div3A_13 = vector.broadcast %div3A_12 : f32 to vector<16x1xf32>
    %div3A_14 = arith.divf %slice3A_11, %div3A_13 : vector<16x1xf32>
    %mul3A = arith.mulf %div3A_10, %div3A_10 : vector<16x1xf32>
    %sub3A = arith.subf %div3A_14, %mul3A : vector<16x1xf32>
    %broadcast_in_dim3A = vector.shape_cast %get3A_6 : vector<16xf32> to vector<16x1xf32>
    %add3A = arith.constant 9.99999974E-6 : f32
    %add3A_15 = vector.broadcast %add3A : f32 to vector<16x1xf32>
    %add3A_16 = arith.addf %sub3A, %add3A_15 : vector<16x1xf32>
    %sqrt3A = math.sqrt %add3A_16 : vector<16x1xf32>
    %div3A_17 = arith.divf %broadcast_in_dim3A, %sqrt3A : vector<16x1xf32>
    %broadcast_in_dim3A_18 = vector.shape_cast %get3A_8 : vector<16xf32> to vector<16x1xf32>
    %mul3A_19 = arith.mulf %div3A_10, %div3A_17 : vector<16x1xf32>
    %sub3A_20 = arith.subf %broadcast_in_dim3A_18, %mul3A_19 : vector<16x1xf32>
    %mul3A_21 = vector.broadcast %div3A_17 : vector<16x1xf32> to vector<16x16384xf32>
    %mul3A_22 = arith.mulf %get3A_1, %mul3A_21 : vector<16x16384xf32>
    %add3A_23 = vector.broadcast %sub3A_20 : vector<16x1xf32> to vector<16x16384xf32>
    %add3A_24 = arith.addf %mul3A_22, %add3A_23 : vector<16x16384xf32>
    %max3A = arith.constant 0.000000e+00 : f32
    %max3A_25 = vector.broadcast %max3A : f32 to vector<16x16384xf32>
    %max3A_26 = arith.maximumf %add3A_24, %max3A_25 : vector<16x16384xf32>
    %get3A_27 = arith.constant 0 : index
    %get3A_28 = arith.constant 0 : index
    %get3A_29 = vector.load %arg2[%get3A_27, %get3A_28] : memref<32x16xf32, #tpu.memory_space<vmem>>, vector<32x16xf32>
    %dot_general3A = arith.constant dense<0.000000e+00> : vector<32x16384xf32>
    %dot_general3A_30 = tpu.matmul %get3A_29, %max3A_26, %dot_general3A {dimension_numbers = #tpu.dot_dimension_numbers<[1], [0], [0], [1], [0, 0, 1, 1], [], []>, transpose_lhs_hint = false} : vector<32x16xf32>, vector<16x16384xf32>, vector<32x16384xf32> -> vector<32x16384xf32>
    %swap3A = arith.constant 0 : index
    %swap3A_31 = arith.constant 0 : index
    %swap3A_32 = vector.load %arg6[%swap3A, %swap3A_31] : memref<32x16384xf32, #tpu.memory_space<vmem>>, vector<32x16384xf32>
    tpu.vector_store %arg6[%swap3A, %swap3A_31], %dot_general3A_30 {strides = array<i32>} : memref<32x16384xf32, #tpu.memory_space<vmem>>, vector<32x16384xf32>,
    %reduce_sum3A = arith.constant dense<0.000000e+00> : vector<32xf32>
    %reduce_sum3A_33 = vector.multi_reduction <add>, %dot_general3A_30, %reduce_sum3A [1] : vector<32x16384xf32> to vector<32xf32>
    %broadcast_in_dim3A_34 = vector.shape_cast %reduce_sum3A_33 : vector<32xf32> to vector<32x1xf32>
    %mul3A_35 = arith.mulf %dot_general3A_30, %dot_general3A_30 : vector<32x16384xf32>
    %reduce_sum3A_36 = arith.constant dense<0.000000e+00> : vector<32xf32>
    %reduce_sum3A_37 = vector.multi_reduction <add>, %mul3A_35, %reduce_sum3A_36 [1] : vector<32x16384xf32> to vector<32xf32>
    %broadcast_in_dim3A_38 = vector.shape_cast %reduce_sum3A_37 : vector<32xf32> to vector<32x1xf32>
    %concatenate3A = tpu.concatenate %broadcast_in_dim3A_34, %broadcast_in_dim3A_38 in 1 : vector<32x1xf32>, vector<32x1xf32> -> vector<32x2xf32>
    %eq3A = arith.constant 0 : i32
    %eq3A_39 = arith.cmpi eq, %arg0, %eq3A : i32
    %convert_element_type3A = arith.extui %eq3A_39 : i1 to i32
    %cond3A = arith.constant 0 : i32
    %cond3A_40 = arith.cmpi ne, %convert_element_type3A, %cond3A : i32
    scf.if %cond3A_40 {
      %broadcast_in_dim3A_48 = arith.constant 0.000000e+00 : f32
      %broadcast_in_dim3A_49 = vector.broadcast %broadcast_in_dim3A_48 : f32 to vector<32x2xf32>
      %swap3A_50 = arith.constant 0 : index
      %swap3A_51 = arith.constant 0 : index
      %swap3A_52 = vector.load %arg7[%swap3A_50, %swap3A_51] : memref<32x2xf32, #tpu.memory_space<vmem>>, vector<32x2xf32>
      tpu.vector_store %arg7[%swap3A_50, %swap3A_51], %broadcast_in_dim3A_49 {strides = array<i32>} : memref<32x2xf32, #tpu.memory_space<vmem>>, vector<32x2xf32>,
    } else {
    }
    %get3A_41 = arith.constant 0 : index
    %get3A_42 = arith.constant 0 : index
    %get3A_43 = vector.load %arg7[%get3A_41, %get3A_42] : memref<32x2xf32, #tpu.memory_space<vmem>>, vector<32x2xf32>
    %add3A_44 = arith.addf %get3A_43, %concatenate3A : vector<32x2xf32>
    %swap3A_45 = arith.constant 0 : index
    %swap3A_46 = arith.constant 0 : index
    %swap3A_47 = vector.load %arg7[%swap3A_45, %swap3A_46] : memref<32x2xf32, #tpu.memory_space<vmem>>, vector<32x2xf32>
    tpu.vector_store %arg7[%swap3A_45, %swap3A_46], %add3A_44 {strides = array<i32>} : memref<32x2xf32, #tpu.memory_space<vmem>>, vector<32x2xf32>,
    return
  }
  func.func @transform_0(%arg0: i32) -> (i32, i32) {
    %c0_i32 = arith.constant 0 : i32
    %c0_i32_0 = arith.constant 0 : i32
    return %c0_i32, %arg0 : i32, i32
  }
  func.func @transform_1(%arg0: i32) -> (i32, i32) {
    %c0_i32 = arith.constant 0 : i32
    %c0_i32_0 = arith.constant 0 : i32
    %c0_i32_1 = arith.constant 0 : i32
    return %c0_i32, %c0_i32_0 : i32, i32
  }
  func.func @transform_2(%arg0: i32) -> (i32, i32) {
    %c0_i32 = arith.constant 0 : i32
    %c0_i32_0 = arith.constant 0 : i32
    %c0_i32_1 = arith.constant 0 : i32
    return %c0_i32, %c0_i32_0 : i32, i32
  }
  func.func @transform_3(%arg0: i32) -> i32 {
    %c0_i32 = arith.constant 0 : i32
    %c0_i32_0 = arith.constant 0 : i32
    return %c0_i32 : i32
  }
  func.func @transform_4(%arg0: i32) -> i32 {
    %c0_i32 = arith.constant 0 : i32
    %c0_i32_0 = arith.constant 0 : i32
    return %c0_i32 : i32
  }
  func.func @transform_5(%arg0: i32) -> (i32, i32) {
    %c0_i32 = arith.constant 0 : i32
    %c0_i32_0 = arith.constant 0 : i32
    return %c0_i32, %arg0 : i32, i32
  }
  func.func @transform_6(%arg0: i32) -> (i32, i32) {
    %c0_i32 = arith.constant 0 : i32
    %c0_i32_0 = arith.constant 0 : i32
    %c0_i32_1 = arith.constant 0 : i32
    return %c0_i32, %c0_i32_0 : i32, i32
  }
}

module attributes {stable_mosaic.version = 14 : i64} {
  func.func @_pool_body(%arg0: i32, %arg1: memref<32x32768xf32, #tpu.memory_space<vmem>>, %arg2: memref<32x2xf32, #tpu.memory_space<vmem>>, %arg3: memref<32xf32, #tpu.memory_space<vmem>>, %arg4: memref<32xf32, #tpu.memory_space<vmem>>, %arg5: memref<32x1024xf32, #tpu.memory_space<vmem>>) attributes {dimension_semantics = [#tpu.dimension_semantics<arbitrary>], iteration_bounds = array<i64: 4>, scalar_prefetch = 0 : i64, scratch_operands = 0 : i64, tpu.core_type = #tpu.core_type<tc>, window_params = [{transform_indices = @transform_0, window_bounds = array<i64: 32, 32768>}, {pipeline_mode = #tpu.pipeline_mode<synchronous>, transform_indices = @transform_1, window_bounds = array<i64: 32, 2>}, {pipeline_mode = #tpu.pipeline_mode<synchronous>, transform_indices = @transform_2, window_bounds = array<i64: 32>}, {pipeline_mode = #tpu.pipeline_mode<synchronous>, transform_indices = @transform_3, window_bounds = array<i64: 32>}, {transform_indices = @transform_4, window_bounds = array<i64: 32, 1024>}]} {
    %get3A = arith.constant 0 : index
    %get3A_0 = arith.constant 0 : index
    %get3A_1 = vector.load %arg2[%get3A, %get3A_0] : memref<32x2xf32, #tpu.memory_space<vmem>>, vector<32x2xf32>
    %get3A_2 = arith.constant 0 : index
    %get3A_3 = vector.load %arg3[%get3A_2] : memref<32xf32, #tpu.memory_space<vmem>>, vector<32xf32>
    %get3A_4 = arith.constant 0 : index
    %get3A_5 = vector.load %arg4[%get3A_4] : memref<32xf32, #tpu.memory_space<vmem>>, vector<32xf32>
    %slice3A = vector.extract_strided_slice %get3A_1 {offsets = [0, 0], sizes = [32, 1], strides = [1, 1]} : vector<32x2xf32> to vector<32x1xf32>
    %div3A = arith.constant 1.310720e+05 : f32
    %div3A_6 = vector.broadcast %div3A : f32 to vector<32x1xf32>
    %div3A_7 = arith.divf %slice3A, %div3A_6 : vector<32x1xf32>
    %slice3A_8 = vector.extract_strided_slice %get3A_1 {offsets = [0, 1], sizes = [32, 1], strides = [1, 1]} : vector<32x2xf32> to vector<32x1xf32>
    %div3A_9 = arith.constant 1.310720e+05 : f32
    %div3A_10 = vector.broadcast %div3A_9 : f32 to vector<32x1xf32>
    %div3A_11 = arith.divf %slice3A_8, %div3A_10 : vector<32x1xf32>
    %mul3A = arith.mulf %div3A_7, %div3A_7 : vector<32x1xf32>
    %sub3A = arith.subf %div3A_11, %mul3A : vector<32x1xf32>
    %broadcast_in_dim3A = vector.shape_cast %get3A_3 : vector<32xf32> to vector<32x1xf32>
    %add3A = arith.constant 9.99999974E-6 : f32
    %add3A_12 = vector.broadcast %add3A : f32 to vector<32x1xf32>
    %add3A_13 = arith.addf %sub3A, %add3A_12 : vector<32x1xf32>
    %sqrt3A = math.sqrt %add3A_13 : vector<32x1xf32>
    %div3A_14 = arith.divf %broadcast_in_dim3A, %sqrt3A : vector<32x1xf32>
    %broadcast_in_dim3A_15 = vector.shape_cast %get3A_5 : vector<32xf32> to vector<32x1xf32>
    %mul3A_16 = arith.mulf %div3A_7, %div3A_14 : vector<32x1xf32>
    %sub3A_17 = arith.subf %broadcast_in_dim3A_15, %mul3A_16 : vector<32x1xf32>
    %get3A_18 = arith.constant 0 : index
    %get3A_19 = arith.constant 0 : index
    %get3A_20 = vector.load %arg1[%get3A_18, %get3A_19] : memref<32x32768xf32, #tpu.memory_space<vmem>>, vector<32x32768xf32>
    %mul3A_21 = vector.broadcast %div3A_14 : vector<32x1xf32> to vector<32x32768xf32>
    %mul3A_22 = arith.mulf %get3A_20, %mul3A_21 : vector<32x32768xf32>
    %add3A_23 = vector.broadcast %sub3A_17 : vector<32x1xf32> to vector<32x32768xf32>
    %add3A_24 = arith.addf %mul3A_22, %add3A_23 : vector<32x32768xf32>
    %max3A = arith.constant 0.000000e+00 : f32
    %max3A_25 = vector.broadcast %max3A : f32 to vector<32x32768xf32>
    %max3A_26 = arith.maximumf %add3A_24, %max3A_25 : vector<32x32768xf32>
    %reshape3A = vector.shape_cast %max3A_26 : vector<32x32768xf32> to vector<32x1024x32xf32>
    %reduce_max3A = arith.constant dense<0xFF800000> : vector<32x1024xf32>
    %reduce_max3A_27 = vector.multi_reduction <maximumf>, %reshape3A, %reduce_max3A [2] : vector<32x1024x32xf32> to vector<32x1024xf32>
    %swap3A = arith.constant 0 : index
    %swap3A_28 = arith.constant 0 : index
    %swap3A_29 = vector.load %arg5[%swap3A, %swap3A_28] : memref<32x1024xf32, #tpu.memory_space<vmem>>, vector<32x1024xf32>
    tpu.vector_store %arg5[%swap3A, %swap3A_28], %reduce_max3A_27 {strides = array<i32>} : memref<32x1024xf32, #tpu.memory_space<vmem>>, vector<32x1024xf32>,
    return
  }
  func.func @transform_0(%arg0: i32) -> (i32, i32) {
    %c0_i32 = arith.constant 0 : i32
    %c0_i32_0 = arith.constant 0 : i32
    return %c0_i32, %arg0 : i32, i32
  }
  func.func @transform_1(%arg0: i32) -> (i32, i32) {
    %c0_i32 = arith.constant 0 : i32
    %c0_i32_0 = arith.constant 0 : i32
    %c0_i32_1 = arith.constant 0 : i32
    return %c0_i32, %c0_i32_0 : i32, i32
  }
  func.func @transform_2(%arg0: i32) -> i32 {
    %c0_i32 = arith.constant 0 : i32
    %c0_i32_0 = arith.constant 0 : i32
    return %c0_i32 : i32
  }
  func.func @transform_3(%arg0: i32) -> i32 {
    %c0_i32 = arith.constant 0 : i32
    %c0_i32_0 = arith.constant 0 : i32
    return %c0_i32 : i32
  }
  func.func @transform_4(%arg0: i32) -> (i32, i32) {
    %c0_i32 = arith.constant 0 : i32
    %c0_i32_0 = arith.constant 0 : i32
    return %c0_i32, %arg0 : i32, i32
  }
}

module attributes {stable_mosaic.version = 14 : i64} {
  func.func @_lambda_(%arg0: i32, %arg1: memref<4x16384xf32, #tpu.memory_space<vmem>>, %arg2: memref<16x4xf32, #tpu.memory_space<vmem>>, %arg3: memref<16x16384xf32, #tpu.memory_space<vmem>>, %arg4: memref<16x2xf32, #tpu.memory_space<vmem>>) attributes {dimension_semantics = [#tpu.dimension_semantics<arbitrary>], iteration_bounds = array<i64: 4>, scalar_prefetch = 0 : i64, scratch_operands = 0 : i64, tpu.core_type = #tpu.core_type<tc>, window_params = [{transform_indices = @transform_0, window_bounds = array<i64: 4, 16384>}, {pipeline_mode = #tpu.pipeline_mode<synchronous>, transform_indices = @transform_1, window_bounds = array<i64: 16, 4>}, {transform_indices = @transform_2, window_bounds = array<i64: 16, 16384>}, {pipeline_mode = #tpu.pipeline_mode<synchronous>, transform_indices = @transform_3, window_bounds = array<i64: 16, 2>}]} {
    %get3A = arith.constant 0 : index
    %get3A_0 = arith.constant 0 : index
    %get3A_1 = vector.load %arg1[%get3A, %get3A_0] : memref<4x16384xf32, #tpu.memory_space<vmem>>, vector<4x16384xf32>
    %get3A_2 = arith.constant 0 : index
    %get3A_3 = arith.constant 0 : index
    %get3A_4 = vector.load %arg2[%get3A_2, %get3A_3] : memref<16x4xf32, #tpu.memory_space<vmem>>, vector<16x4xf32>
    %dot_general3A = arith.constant dense<0.000000e+00> : vector<16x16384xf32>
    %dot_general3A_5 = tpu.matmul %get3A_4, %get3A_1, %dot_general3A {dimension_numbers = #tpu.dot_dimension_numbers<[1], [0], [0], [1], [0, 0, 1, 1], [], []>, transpose_lhs_hint = false} : vector<16x4xf32>, vector<4x16384xf32>, vector<16x16384xf32> -> vector<16x16384xf32>
    %swap3A = arith.constant 0 : index
    %swap3A_6 = arith.constant 0 : index
    %swap3A_7 = vector.load %arg3[%swap3A, %swap3A_6] : memref<16x16384xf32, #tpu.memory_space<vmem>>, vector<16x16384xf32>
    tpu.vector_store %arg3[%swap3A, %swap3A_6], %dot_general3A_5 {strides = array<i32>} : memref<16x16384xf32, #tpu.memory_space<vmem>>, vector<16x16384xf32>,
    %reduce_sum3A = arith.constant dense<0.000000e+00> : vector<16xf32>
    %reduce_sum3A_8 = vector.multi_reduction <add>, %dot_general3A_5, %reduce_sum3A [1] : vector<16x16384xf32> to vector<16xf32>
    %broadcast_in_dim3A = vector.shape_cast %reduce_sum3A_8 : vector<16xf32> to vector<16x1xf32>
    %mul3A = arith.mulf %dot_general3A_5, %dot_general3A_5 : vector<16x16384xf32>
    %reduce_sum3A_9 = arith.constant dense<0.000000e+00> : vector<16xf32>
    %reduce_sum3A_10 = vector.multi_reduction <add>, %mul3A, %reduce_sum3A_9 [1] : vector<16x16384xf32> to vector<16xf32>
    %broadcast_in_dim3A_11 = vector.shape_cast %reduce_sum3A_10 : vector<16xf32> to vector<16x1xf32>
    %concatenate3A = tpu.concatenate %broadcast_in_dim3A, %broadcast_in_dim3A_11 in 1 : vector<16x1xf32>, vector<16x1xf32> -> vector<16x2xf32>
    %eq3A = arith.constant 0 : i32
    %eq3A_12 = arith.cmpi eq, %arg0, %eq3A : i32
    %convert_element_type3A = arith.extui %eq3A_12 : i1 to i32
    %cond3A = arith.constant 0 : i32
    %cond3A_13 = arith.cmpi ne, %convert_element_type3A, %cond3A : i32
    scf.if %cond3A_13 {
      %broadcast_in_dim3A_20 = arith.constant 0.000000e+00 : f32
      %broadcast_in_dim3A_21 = vector.broadcast %broadcast_in_dim3A_20 : f32 to vector<16x2xf32>
      %swap3A_22 = arith.constant 0 : index
      %swap3A_23 = arith.constant 0 : index
      %swap3A_24 = vector.load %arg4[%swap3A_22, %swap3A_23] : memref<16x2xf32, #tpu.memory_space<vmem>>, vector<16x2xf32>
      tpu.vector_store %arg4[%swap3A_22, %swap3A_23], %broadcast_in_dim3A_21 {strides = array<i32>} : memref<16x2xf32, #tpu.memory_space<vmem>>, vector<16x2xf32>,
    } else {
    }
    %get3A_14 = arith.constant 0 : index
    %get3A_15 = arith.constant 0 : index
    %get3A_16 = vector.load %arg4[%get3A_14, %get3A_15] : memref<16x2xf32, #tpu.memory_space<vmem>>, vector<16x2xf32>
    %add3A = arith.addf %get3A_16, %concatenate3A : vector<16x2xf32>
    %swap3A_17 = arith.constant 0 : index
    %swap3A_18 = arith.constant 0 : index
    %swap3A_19 = vector.load %arg4[%swap3A_17, %swap3A_18] : memref<16x2xf32, #tpu.memory_space<vmem>>, vector<16x2xf32>
    tpu.vector_store %arg4[%swap3A_17, %swap3A_18], %add3A {strides = array<i32>} : memref<16x2xf32, #tpu.memory_space<vmem>>, vector<16x2xf32>,
    return
  }
  func.func @transform_0(%arg0: i32) -> (i32, i32) {
    %c0_i32 = arith.constant 0 : i32
    %c0_i32_0 = arith.constant 0 : i32
    return %c0_i32, %arg0 : i32, i32
  }
  func.func @transform_1(%arg0: i32) -> (i32, i32) {
    %c0_i32 = arith.constant 0 : i32
    %c0_i32_0 = arith.constant 0 : i32
    %c0_i32_1 = arith.constant 0 : i32
    return %c0_i32, %c0_i32_0 : i32, i32
  }
  func.func @transform_2(%arg0: i32) -> (i32, i32) {
    %c0_i32 = arith.constant 0 : i32
    %c0_i32_0 = arith.constant 0 : i32
    return %c0_i32, %arg0 : i32, i32
  }
  func.func @transform_3(%arg0: i32) -> (i32, i32) {
    %c0_i32 = arith.constant 0 : i32
    %c0_i32_0 = arith.constant 0 : i32
    %c0_i32_1 = arith.constant 0 : i32
    return %c0_i32, %c0_i32_0 : i32, i32
  }
}

module attributes {stable_mosaic.version = 14 : i64} {
  func.func @_layer_body(%arg0: i32, %arg1: memref<16x16384xf32, #tpu.memory_space<vmem>>, %arg2: memref<16x16xf32, #tpu.memory_space<vmem>>, %arg3: memref<16x2xf32, #tpu.memory_space<vmem>>, %arg4: memref<16xf32, #tpu.memory_space<vmem>>, %arg5: memref<16xf32, #tpu.memory_space<vmem>>, %arg6: memref<16x16384xf32, #tpu.memory_space<vmem>>, %arg7: memref<16x2xf32, #tpu.memory_space<vmem>>) attributes {dimension_semantics = [#tpu.dimension_semantics<arbitrary>], iteration_bounds = array<i64: 4>, scalar_prefetch = 0 : i64, scratch_operands = 0 : i64, tpu.core_type = #tpu.core_type<tc>, window_params = [{transform_indices = @transform_0, window_bounds = array<i64: 16, 16384>}, {pipeline_mode = #tpu.pipeline_mode<synchronous>, transform_indices = @transform_1, window_bounds = array<i64: 16, 16>}, {pipeline_mode = #tpu.pipeline_mode<synchronous>, transform_indices = @transform_2, window_bounds = array<i64: 16, 2>}, {pipeline_mode = #tpu.pipeline_mode<synchronous>, transform_indices = @transform_3, window_bounds = array<i64: 16>}, {pipeline_mode = #tpu.pipeline_mode<synchronous>, transform_indices = @transform_4, window_bounds = array<i64: 16>}, {transform_indices = @transform_5, window_bounds = array<i64: 16, 16384>}, {pipeline_mode = #tpu.pipeline_mode<synchronous>, transform_indices = @transform_6, window_bounds = array<i64: 16, 2>}]} {
    %get3A = arith.constant 0 : index
    %get3A_0 = arith.constant 0 : index
    %get3A_1 = vector.load %arg1[%get3A, %get3A_0] : memref<16x16384xf32, #tpu.memory_space<vmem>>, vector<16x16384xf32>
    %get3A_2 = arith.constant 0 : index
    %get3A_3 = arith.constant 0 : index
    %get3A_4 = vector.load %arg3[%get3A_2, %get3A_3] : memref<16x2xf32, #tpu.memory_space<vmem>>, vector<16x2xf32>
    %get3A_5 = arith.constant 0 : index
    %get3A_6 = vector.load %arg4[%get3A_5] : memref<16xf32, #tpu.memory_space<vmem>>, vector<16xf32>
    %get3A_7 = arith.constant 0 : index
    %get3A_8 = vector.load %arg5[%get3A_7] : memref<16xf32, #tpu.memory_space<vmem>>, vector<16xf32>
    %slice3A = vector.extract_strided_slice %get3A_4 {offsets = [0, 0], sizes = [16, 1], strides = [1, 1]} : vector<16x2xf32> to vector<16x1xf32>
    %div3A = arith.constant 6.553600e+04 : f32
    %div3A_9 = vector.broadcast %div3A : f32 to vector<16x1xf32>
    %div3A_10 = arith.divf %slice3A, %div3A_9 : vector<16x1xf32>
    %slice3A_11 = vector.extract_strided_slice %get3A_4 {offsets = [0, 1], sizes = [16, 1], strides = [1, 1]} : vector<16x2xf32> to vector<16x1xf32>
    %div3A_12 = arith.constant 6.553600e+04 : f32
    %div3A_13 = vector.broadcast %div3A_12 : f32 to vector<16x1xf32>
    %div3A_14 = arith.divf %slice3A_11, %div3A_13 : vector<16x1xf32>
    %mul3A = arith.mulf %div3A_10, %div3A_10 : vector<16x1xf32>
    %sub3A = arith.subf %div3A_14, %mul3A : vector<16x1xf32>
    %broadcast_in_dim3A = vector.shape_cast %get3A_6 : vector<16xf32> to vector<16x1xf32>
    %add3A = arith.constant 9.99999974E-6 : f32
    %add3A_15 = vector.broadcast %add3A : f32 to vector<16x1xf32>
    %add3A_16 = arith.addf %sub3A, %add3A_15 : vector<16x1xf32>
    %sqrt3A = math.sqrt %add3A_16 : vector<16x1xf32>
    %div3A_17 = arith.divf %broadcast_in_dim3A, %sqrt3A : vector<16x1xf32>
    %broadcast_in_dim3A_18 = vector.shape_cast %get3A_8 : vector<16xf32> to vector<16x1xf32>
    %mul3A_19 = arith.mulf %div3A_10, %div3A_17 : vector<16x1xf32>
    %sub3A_20 = arith.subf %broadcast_in_dim3A_18, %mul3A_19 : vector<16x1xf32>
    %mul3A_21 = vector.broadcast %div3A_17 : vector<16x1xf32> to vector<16x16384xf32>
    %mul3A_22 = arith.mulf %get3A_1, %mul3A_21 : vector<16x16384xf32>
    %add3A_23 = vector.broadcast %sub3A_20 : vector<16x1xf32> to vector<16x16384xf32>
    %add3A_24 = arith.addf %mul3A_22, %add3A_23 : vector<16x16384xf32>
    %max3A = arith.constant 0.000000e+00 : f32
    %max3A_25 = vector.broadcast %max3A : f32 to vector<16x16384xf32>
    %max3A_26 = arith.maximumf %add3A_24, %max3A_25 : vector<16x16384xf32>
    %get3A_27 = arith.constant 0 : index
    %get3A_28 = arith.constant 0 : index
    %get3A_29 = vector.load %arg2[%get3A_27, %get3A_28] : memref<16x16xf32, #tpu.memory_space<vmem>>, vector<16x16xf32>
    %dot_general3A = arith.constant dense<0.000000e+00> : vector<16x16384xf32>
    %dot_general3A_30 = tpu.matmul %get3A_29, %max3A_26, %dot_general3A {dimension_numbers = #tpu.dot_dimension_numbers<[1], [0], [0], [1], [0, 0, 1, 1], [], []>, transpose_lhs_hint = false} : vector<16x16xf32>, vector<16x16384xf32>, vector<16x16384xf32> -> vector<16x16384xf32>
    %swap3A = arith.constant 0 : index
    %swap3A_31 = arith.constant 0 : index
    %swap3A_32 = vector.load %arg6[%swap3A, %swap3A_31] : memref<16x16384xf32, #tpu.memory_space<vmem>>, vector<16x16384xf32>
    tpu.vector_store %arg6[%swap3A, %swap3A_31], %dot_general3A_30 {strides = array<i32>} : memref<16x16384xf32, #tpu.memory_space<vmem>>, vector<16x16384xf32>,
    %reduce_sum3A = arith.constant dense<0.000000e+00> : vector<16xf32>
    %reduce_sum3A_33 = vector.multi_reduction <add>, %dot_general3A_30, %reduce_sum3A [1] : vector<16x16384xf32> to vector<16xf32>
    %broadcast_in_dim3A_34 = vector.shape_cast %reduce_sum3A_33 : vector<16xf32> to vector<16x1xf32>
    %mul3A_35 = arith.mulf %dot_general3A_30, %dot_general3A_30 : vector<16x16384xf32>
    %reduce_sum3A_36 = arith.constant dense<0.000000e+00> : vector<16xf32>
    %reduce_sum3A_37 = vector.multi_reduction <add>, %mul3A_35, %reduce_sum3A_36 [1] : vector<16x16384xf32> to vector<16xf32>
    %broadcast_in_dim3A_38 = vector.shape_cast %reduce_sum3A_37 : vector<16xf32> to vector<16x1xf32>
    %concatenate3A = tpu.concatenate %broadcast_in_dim3A_34, %broadcast_in_dim3A_38 in 1 : vector<16x1xf32>, vector<16x1xf32> -> vector<16x2xf32>
    %eq3A = arith.constant 0 : i32
    %eq3A_39 = arith.cmpi eq, %arg0, %eq3A : i32
    %convert_element_type3A = arith.extui %eq3A_39 : i1 to i32
    %cond3A = arith.constant 0 : i32
    %cond3A_40 = arith.cmpi ne, %convert_element_type3A, %cond3A : i32
    scf.if %cond3A_40 {
      %broadcast_in_dim3A_48 = arith.constant 0.000000e+00 : f32
      %broadcast_in_dim3A_49 = vector.broadcast %broadcast_in_dim3A_48 : f32 to vector<16x2xf32>
      %swap3A_50 = arith.constant 0 : index
      %swap3A_51 = arith.constant 0 : index
      %swap3A_52 = vector.load %arg7[%swap3A_50, %swap3A_51] : memref<16x2xf32, #tpu.memory_space<vmem>>, vector<16x2xf32>
      tpu.vector_store %arg7[%swap3A_50, %swap3A_51], %broadcast_in_dim3A_49 {strides = array<i32>} : memref<16x2xf32, #tpu.memory_space<vmem>>, vector<16x2xf32>,
    } else {
    }
    %get3A_41 = arith.constant 0 : index
    %get3A_42 = arith.constant 0 : index
    %get3A_43 = vector.load %arg7[%get3A_41, %get3A_42] : memref<16x2xf32, #tpu.memory_space<vmem>>, vector<16x2xf32>
    %add3A_44 = arith.addf %get3A_43, %concatenate3A : vector<16x2xf32>
    %swap3A_45 = arith.constant 0 : index
    %swap3A_46 = arith.constant 0 : index
    %swap3A_47 = vector.load %arg7[%swap3A_45, %swap3A_46] : memref<16x2xf32, #tpu.memory_space<vmem>>, vector<16x2xf32>
    tpu.vector_store %arg7[%swap3A_45, %swap3A_46], %add3A_44 {strides = array<i32>} : memref<16x2xf32, #tpu.memory_space<vmem>>, vector<16x2xf32>,
    return
  }
  func.func @transform_0(%arg0: i32) -> (i32, i32) {
    %c0_i32 = arith.constant 0 : i32
    %c0_i32_0 = arith.constant 0 : i32
    return %c0_i32, %arg0 : i32, i32
  }
  func.func @transform_1(%arg0: i32) -> (i32, i32) {
    %c0_i32 = arith.constant 0 : i32
    %c0_i32_0 = arith.constant 0 : i32
    %c0_i32_1 = arith.constant 0 : i32
    return %c0_i32, %c0_i32_0 : i32, i32
  }
  func.func @transform_2(%arg0: i32) -> (i32, i32) {
    %c0_i32 = arith.constant 0 : i32
    %c0_i32_0 = arith.constant 0 : i32
    %c0_i32_1 = arith.constant 0 : i32
    return %c0_i32, %c0_i32_0 : i32, i32
  }
  func.func @transform_3(%arg0: i32) -> i32 {
    %c0_i32 = arith.constant 0 : i32
    %c0_i32_0 = arith.constant 0 : i32
    return %c0_i32 : i32
  }
  func.func @transform_4(%arg0: i32) -> i32 {
    %c0_i32 = arith.constant 0 : i32
    %c0_i32_0 = arith.constant 0 : i32
    return %c0_i32 : i32
  }
  func.func @transform_5(%arg0: i32) -> (i32, i32) {
    %c0_i32 = arith.constant 0 : i32
    %c0_i32_0 = arith.constant 0 : i32
    return %c0_i32, %arg0 : i32, i32
  }
  func.func @transform_6(%arg0: i32) -> (i32, i32) {
    %c0_i32 = arith.constant 0 : i32
    %c0_i32_0 = arith.constant 0 : i32
    %c0_i32_1 = arith.constant 0 : i32
    return %c0_i32, %c0_i32_0 : i32, i32
  }
}

module attributes {stable_mosaic.version = 14 : i64} {
  func.func @_layer_body(%arg0: i32, %arg1: memref<16x16384xf32, #tpu.memory_space<vmem>>, %arg2: memref<32x16xf32, #tpu.memory_space<vmem>>, %arg3: memref<16x2xf32, #tpu.memory_space<vmem>>, %arg4: memref<16xf32, #tpu.memory_space<vmem>>, %arg5: memref<16xf32, #tpu.memory_space<vmem>>, %arg6: memref<32x16384xf32, #tpu.memory_space<vmem>>, %arg7: memref<32x2xf32, #tpu.memory_space<vmem>>) attributes {dimension_semantics = [#tpu.dimension_semantics<arbitrary>], iteration_bounds = array<i64: 4>, scalar_prefetch = 0 : i64, scratch_operands = 0 : i64, tpu.core_type = #tpu.core_type<tc>, window_params = [{transform_indices = @transform_0, window_bounds = array<i64: 16, 16384>}, {pipeline_mode = #tpu.pipeline_mode<synchronous>, transform_indices = @transform_1, window_bounds = array<i64: 32, 16>}, {pipeline_mode = #tpu.pipeline_mode<synchronous>, transform_indices = @transform_2, window_bounds = array<i64: 16, 2>}, {pipeline_mode = #tpu.pipeline_mode<synchronous>, transform_indices = @transform_3, window_bounds = array<i64: 16>}, {pipeline_mode = #tpu.pipeline_mode<synchronous>, transform_indices = @transform_4, window_bounds = array<i64: 16>}, {transform_indices = @transform_5, window_bounds = array<i64: 32, 16384>}, {pipeline_mode = #tpu.pipeline_mode<synchronous>, transform_indices = @transform_6, window_bounds = array<i64: 32, 2>}]} {
    %get3A = arith.constant 0 : index
    %get3A_0 = arith.constant 0 : index
    %get3A_1 = vector.load %arg1[%get3A, %get3A_0] : memref<16x16384xf32, #tpu.memory_space<vmem>>, vector<16x16384xf32>
    %get3A_2 = arith.constant 0 : index
    %get3A_3 = arith.constant 0 : index
    %get3A_4 = vector.load %arg3[%get3A_2, %get3A_3] : memref<16x2xf32, #tpu.memory_space<vmem>>, vector<16x2xf32>
    %get3A_5 = arith.constant 0 : index
    %get3A_6 = vector.load %arg4[%get3A_5] : memref<16xf32, #tpu.memory_space<vmem>>, vector<16xf32>
    %get3A_7 = arith.constant 0 : index
    %get3A_8 = vector.load %arg5[%get3A_7] : memref<16xf32, #tpu.memory_space<vmem>>, vector<16xf32>
    %slice3A = vector.extract_strided_slice %get3A_4 {offsets = [0, 0], sizes = [16, 1], strides = [1, 1]} : vector<16x2xf32> to vector<16x1xf32>
    %div3A = arith.constant 6.553600e+04 : f32
    %div3A_9 = vector.broadcast %div3A : f32 to vector<16x1xf32>
    %div3A_10 = arith.divf %slice3A, %div3A_9 : vector<16x1xf32>
    %slice3A_11 = vector.extract_strided_slice %get3A_4 {offsets = [0, 1], sizes = [16, 1], strides = [1, 1]} : vector<16x2xf32> to vector<16x1xf32>
    %div3A_12 = arith.constant 6.553600e+04 : f32
    %div3A_13 = vector.broadcast %div3A_12 : f32 to vector<16x1xf32>
    %div3A_14 = arith.divf %slice3A_11, %div3A_13 : vector<16x1xf32>
    %mul3A = arith.mulf %div3A_10, %div3A_10 : vector<16x1xf32>
    %sub3A = arith.subf %div3A_14, %mul3A : vector<16x1xf32>
    %broadcast_in_dim3A = vector.shape_cast %get3A_6 : vector<16xf32> to vector<16x1xf32>
    %add3A = arith.constant 9.99999974E-6 : f32
    %add3A_15 = vector.broadcast %add3A : f32 to vector<16x1xf32>
    %add3A_16 = arith.addf %sub3A, %add3A_15 : vector<16x1xf32>
    %sqrt3A = math.sqrt %add3A_16 : vector<16x1xf32>
    %div3A_17 = arith.divf %broadcast_in_dim3A, %sqrt3A : vector<16x1xf32>
    %broadcast_in_dim3A_18 = vector.shape_cast %get3A_8 : vector<16xf32> to vector<16x1xf32>
    %mul3A_19 = arith.mulf %div3A_10, %div3A_17 : vector<16x1xf32>
    %sub3A_20 = arith.subf %broadcast_in_dim3A_18, %mul3A_19 : vector<16x1xf32>
    %mul3A_21 = vector.broadcast %div3A_17 : vector<16x1xf32> to vector<16x16384xf32>
    %mul3A_22 = arith.mulf %get3A_1, %mul3A_21 : vector<16x16384xf32>
    %add3A_23 = vector.broadcast %sub3A_20 : vector<16x1xf32> to vector<16x16384xf32>
    %add3A_24 = arith.addf %mul3A_22, %add3A_23 : vector<16x16384xf32>
    %max3A = arith.constant 0.000000e+00 : f32
    %max3A_25 = vector.broadcast %max3A : f32 to vector<16x16384xf32>
    %max3A_26 = arith.maximumf %add3A_24, %max3A_25 : vector<16x16384xf32>
    %get3A_27 = arith.constant 0 : index
    %get3A_28 = arith.constant 0 : index
    %get3A_29 = vector.load %arg2[%get3A_27, %get3A_28] : memref<32x16xf32, #tpu.memory_space<vmem>>, vector<32x16xf32>
    %dot_general3A = arith.constant dense<0.000000e+00> : vector<32x16384xf32>
    %dot_general3A_30 = tpu.matmul %get3A_29, %max3A_26, %dot_general3A {dimension_numbers = #tpu.dot_dimension_numbers<[1], [0], [0], [1], [0, 0, 1, 1], [], []>, transpose_lhs_hint = false} : vector<32x16xf32>, vector<16x16384xf32>, vector<32x16384xf32> -> vector<32x16384xf32>
    %swap3A = arith.constant 0 : index
    %swap3A_31 = arith.constant 0 : index
    %swap3A_32 = vector.load %arg6[%swap3A, %swap3A_31] : memref<32x16384xf32, #tpu.memory_space<vmem>>, vector<32x16384xf32>
    tpu.vector_store %arg6[%swap3A, %swap3A_31], %dot_general3A_30 {strides = array<i32>} : memref<32x16384xf32, #tpu.memory_space<vmem>>, vector<32x16384xf32>,
    %reduce_sum3A = arith.constant dense<0.000000e+00> : vector<32xf32>
    %reduce_sum3A_33 = vector.multi_reduction <add>, %dot_general3A_30, %reduce_sum3A [1] : vector<32x16384xf32> to vector<32xf32>
    %broadcast_in_dim3A_34 = vector.shape_cast %reduce_sum3A_33 : vector<32xf32> to vector<32x1xf32>
    %mul3A_35 = arith.mulf %dot_general3A_30, %dot_general3A_30 : vector<32x16384xf32>
    %reduce_sum3A_36 = arith.constant dense<0.000000e+00> : vector<32xf32>
    %reduce_sum3A_37 = vector.multi_reduction <add>, %mul3A_35, %reduce_sum3A_36 [1] : vector<32x16384xf32> to vector<32xf32>
    %broadcast_in_dim3A_38 = vector.shape_cast %reduce_sum3A_37 : vector<32xf32> to vector<32x1xf32>
    %concatenate3A = tpu.concatenate %broadcast_in_dim3A_34, %broadcast_in_dim3A_38 in 1 : vector<32x1xf32>, vector<32x1xf32> -> vector<32x2xf32>
    %eq3A = arith.constant 0 : i32
    %eq3A_39 = arith.cmpi eq, %arg0, %eq3A : i32
    %convert_element_type3A = arith.extui %eq3A_39 : i1 to i32
    %cond3A = arith.constant 0 : i32
    %cond3A_40 = arith.cmpi ne, %convert_element_type3A, %cond3A : i32
    scf.if %cond3A_40 {
      %broadcast_in_dim3A_48 = arith.constant 0.000000e+00 : f32
      %broadcast_in_dim3A_49 = vector.broadcast %broadcast_in_dim3A_48 : f32 to vector<32x2xf32>
      %swap3A_50 = arith.constant 0 : index
      %swap3A_51 = arith.constant 0 : index
      %swap3A_52 = vector.load %arg7[%swap3A_50, %swap3A_51] : memref<32x2xf32, #tpu.memory_space<vmem>>, vector<32x2xf32>
      tpu.vector_store %arg7[%swap3A_50, %swap3A_51], %broadcast_in_dim3A_49 {strides = array<i32>} : memref<32x2xf32, #tpu.memory_space<vmem>>, vector<32x2xf32>,
    } else {
    }
    %get3A_41 = arith.constant 0 : index
    %get3A_42 = arith.constant 0 : index
    %get3A_43 = vector.load %arg7[%get3A_41, %get3A_42] : memref<32x2xf32, #tpu.memory_space<vmem>>, vector<32x2xf32>
    %add3A_44 = arith.addf %get3A_43, %concatenate3A : vector<32x2xf32>
    %swap3A_45 = arith.constant 0 : index
    %swap3A_46 = arith.constant 0 : index
    %swap3A_47 = vector.load %arg7[%swap3A_45, %swap3A_46] : memref<32x2xf32, #tpu.memory_space<vmem>>, vector<32x2xf32>
    tpu.vector_store %arg7[%swap3A_45, %swap3A_46], %add3A_44 {strides = array<i32>} : memref<32x2xf32, #tpu.memory_space<vmem>>, vector<32x2xf32>,
    return
  }
  func.func @transform_0(%arg0: i32) -> (i32, i32) {
    %c0_i32 = arith.constant 0 : i32
    %c0_i32_0 = arith.constant 0 : i32
    return %c0_i32, %arg0 : i32, i32
  }
  func.func @transform_1(%arg0: i32) -> (i32, i32) {
    %c0_i32 = arith.constant 0 : i32
    %c0_i32_0 = arith.constant 0 : i32
    %c0_i32_1 = arith.constant 0 : i32
    return %c0_i32, %c0_i32_0 : i32, i32
  }
  func.func @transform_2(%arg0: i32) -> (i32, i32) {
    %c0_i32 = arith.constant 0 : i32
    %c0_i32_0 = arith.constant 0 : i32
    %c0_i32_1 = arith.constant 0 : i32
    return %c0_i32, %c0_i32_0 : i32, i32
  }
  func.func @transform_3(%arg0: i32) -> i32 {
    %c0_i32 = arith.constant 0 : i32
    %c0_i32_0 = arith.constant 0 : i32
    return %c0_i32 : i32
  }
  func.func @transform_4(%arg0: i32) -> i32 {
    %c0_i32 = arith.constant 0 : i32
    %c0_i32_0 = arith.constant 0 : i32
    return %c0_i32 : i32
  }
  func.func @transform_5(%arg0: i32) -> (i32, i32) {
    %c0_i32 = arith.constant 0 : i32
    %c0_i32_0 = arith.constant 0 : i32
    return %c0_i32, %arg0 : i32, i32
  }
  func.func @transform_6(%arg0: i32) -> (i32, i32) {
    %c0_i32 = arith.constant 0 : i32
    %c0_i32_0 = arith.constant 0 : i32
    %c0_i32_1 = arith.constant 0 : i32
    return %c0_i32, %c0_i32_0 : i32, i32
  }
}

module attributes {stable_mosaic.version = 14 : i64} {
  func.func @_pool_body(%arg0: i32, %arg1: memref<32x16384xf32, #tpu.memory_space<vmem>>, %arg2: memref<32x2xf32, #tpu.memory_space<vmem>>, %arg3: memref<32xf32, #tpu.memory_space<vmem>>, %arg4: memref<32xf32, #tpu.memory_space<vmem>>, %arg5: memref<32x1024xf32, #tpu.memory_space<vmem>>) attributes {dimension_semantics = [#tpu.dimension_semantics<arbitrary>], iteration_bounds = array<i64: 4>, scalar_prefetch = 0 : i64, scratch_operands = 0 : i64, tpu.core_type = #tpu.core_type<tc>, window_params = [{transform_indices = @transform_0, window_bounds = array<i64: 32, 16384>}, {pipeline_mode = #tpu.pipeline_mode<synchronous>, transform_indices = @transform_1, window_bounds = array<i64: 32, 2>}, {pipeline_mode = #tpu.pipeline_mode<synchronous>, transform_indices = @transform_2, window_bounds = array<i64: 32>}, {pipeline_mode = #tpu.pipeline_mode<synchronous>, transform_indices = @transform_3, window_bounds = array<i64: 32>}, {transform_indices = @transform_4, window_bounds = array<i64: 32, 1024>}]} {
    %get3A = arith.constant 0 : index
    %get3A_0 = arith.constant 0 : index
    %get3A_1 = vector.load %arg2[%get3A, %get3A_0] : memref<32x2xf32, #tpu.memory_space<vmem>>, vector<32x2xf32>
    %get3A_2 = arith.constant 0 : index
    %get3A_3 = vector.load %arg3[%get3A_2] : memref<32xf32, #tpu.memory_space<vmem>>, vector<32xf32>
    %get3A_4 = arith.constant 0 : index
    %get3A_5 = vector.load %arg4[%get3A_4] : memref<32xf32, #tpu.memory_space<vmem>>, vector<32xf32>
    %slice3A = vector.extract_strided_slice %get3A_1 {offsets = [0, 0], sizes = [32, 1], strides = [1, 1]} : vector<32x2xf32> to vector<32x1xf32>
    %div3A = arith.constant 6.553600e+04 : f32
    %div3A_6 = vector.broadcast %div3A : f32 to vector<32x1xf32>
    %div3A_7 = arith.divf %slice3A, %div3A_6 : vector<32x1xf32>
    %slice3A_8 = vector.extract_strided_slice %get3A_1 {offsets = [0, 1], sizes = [32, 1], strides = [1, 1]} : vector<32x2xf32> to vector<32x1xf32>
    %div3A_9 = arith.constant 6.553600e+04 : f32
    %div3A_10 = vector.broadcast %div3A_9 : f32 to vector<32x1xf32>
    %div3A_11 = arith.divf %slice3A_8, %div3A_10 : vector<32x1xf32>
    %mul3A = arith.mulf %div3A_7, %div3A_7 : vector<32x1xf32>
    %sub3A = arith.subf %div3A_11, %mul3A : vector<32x1xf32>
    %broadcast_in_dim3A = vector.shape_cast %get3A_3 : vector<32xf32> to vector<32x1xf32>
    %add3A = arith.constant 9.99999974E-6 : f32
    %add3A_12 = vector.broadcast %add3A : f32 to vector<32x1xf32>
    %add3A_13 = arith.addf %sub3A, %add3A_12 : vector<32x1xf32>
    %sqrt3A = math.sqrt %add3A_13 : vector<32x1xf32>
    %div3A_14 = arith.divf %broadcast_in_dim3A, %sqrt3A : vector<32x1xf32>
    %broadcast_in_dim3A_15 = vector.shape_cast %get3A_5 : vector<32xf32> to vector<32x1xf32>
    %mul3A_16 = arith.mulf %div3A_7, %div3A_14 : vector<32x1xf32>
    %sub3A_17 = arith.subf %broadcast_in_dim3A_15, %mul3A_16 : vector<32x1xf32>
    %get3A_18 = arith.constant 0 : index
    %get3A_19 = arith.constant 0 : index
    %get3A_20 = vector.load %arg1[%get3A_18, %get3A_19] : memref<32x16384xf32, #tpu.memory_space<vmem>>, vector<32x16384xf32>
    %mul3A_21 = vector.broadcast %div3A_14 : vector<32x1xf32> to vector<32x16384xf32>
    %mul3A_22 = arith.mulf %get3A_20, %mul3A_21 : vector<32x16384xf32>
    %add3A_23 = vector.broadcast %sub3A_17 : vector<32x1xf32> to vector<32x16384xf32>
    %add3A_24 = arith.addf %mul3A_22, %add3A_23 : vector<32x16384xf32>
    %max3A = arith.constant 0.000000e+00 : f32
    %max3A_25 = vector.broadcast %max3A : f32 to vector<32x16384xf32>
    %max3A_26 = arith.maximumf %add3A_24, %max3A_25 : vector<32x16384xf32>
    %reshape3A = vector.shape_cast %max3A_26 : vector<32x16384xf32> to vector<32x1024x16xf32>
    %reduce_max3A = arith.constant dense<0xFF800000> : vector<32x1024xf32>
    %reduce_max3A_27 = vector.multi_reduction <maximumf>, %reshape3A, %reduce_max3A [2] : vector<32x1024x16xf32> to vector<32x1024xf32>
    %swap3A = arith.constant 0 : index
    %swap3A_28 = arith.constant 0 : index
    %swap3A_29 = vector.load %arg5[%swap3A, %swap3A_28] : memref<32x1024xf32, #tpu.memory_space<vmem>>, vector<32x1024xf32>
    tpu.vector_store %arg5[%swap3A, %swap3A_28], %reduce_max3A_27 {strides = array<i32>} : memref<32x1024xf32, #tpu.memory_space<vmem>>, vector<32x1024xf32>,
    return
  }
  func.func @transform_0(%arg0: i32) -> (i32, i32) {
    %c0_i32 = arith.constant 0 : i32
    %c0_i32_0 = arith.constant 0 : i32
    return %c0_i32, %arg0 : i32, i32
  }
  func.func @transform_1(%arg0: i32) -> (i32, i32) {
    %c0_i32 = arith.constant 0 : i32
    %c0_i32_0 = arith.constant 0 : i32
    %c0_i32_1 = arith.constant 0 : i32
    return %c0_i32, %c0_i32_0 : i32, i32
  }
  func.func @transform_2(%arg0: i32) -> i32 {
    %c0_i32 = arith.constant 0 : i32
    %c0_i32_0 = arith.constant 0 : i32
    return %c0_i32 : i32
  }
  func.func @transform_3(%arg0: i32) -> i32 {
    %c0_i32 = arith.constant 0 : i32
    %c0_i32_0 = arith.constant 0 : i32
    return %c0_i32 : i32
  }
  func.func @transform_4(%arg0: i32) -> (i32, i32) {
    %c0_i32 = arith.constant 0 : i32
    %c0_i32_0 = arith.constant 0 : i32
    return %c0_i32, %arg0 : i32, i32
  }
}

module attributes {stable_mosaic.version = 14 : i64} {
  func.func @_head_body(%arg0: memref<64x64xf32, #tpu.memory_space<vmem>>, %arg1: memref<64xf32, #tpu.memory_space<vmem>>, %arg2: memref<64xf32, #tpu.memory_space<vmem>>, %arg3: memref<64x64xf32, #tpu.memory_space<vmem>>, %arg4: memref<64xf32, #tpu.memory_space<vmem>>, %arg5: memref<64xf32, #tpu.memory_space<vmem>>, %arg6: memref<1x64xf32, #tpu.memory_space<vmem>>, %arg7: memref<1xf32, #tpu.memory_space<vmem>>, %arg8: memref<32x4096xf32, #tpu.memory_space<vmem>>, %arg9: memref<32x4096xf32, #tpu.memory_space<vmem>>, %arg10: memref<64x4096xf32, #tpu.memory_space<vmem>>, %arg11: memref<1x4096xf32, #tpu.memory_space<vmem>>) attributes {dimension_semantics = [], scalar_prefetch = 0 : i64, scratch_operands = 0 : i64, tpu.core_type = #tpu.core_type<tc>} {
    %get3A = arith.constant 0 : index
    %get3A_0 = arith.constant 0 : index
    %get3A_1 = vector.load %arg8[%get3A, %get3A_0] : memref<32x4096xf32, #tpu.memory_space<vmem>>, vector<32x4096xf32>
    %get3A_2 = arith.constant 0 : index
    %get3A_3 = arith.constant 0 : index
    %get3A_4 = vector.load %arg9[%get3A_2, %get3A_3] : memref<32x4096xf32, #tpu.memory_space<vmem>>, vector<32x4096xf32>
    %concatenate3A = tpu.concatenate %get3A_1, %get3A_4 in 0 : vector<32x4096xf32>, vector<32x4096xf32> -> vector<64x4096xf32>
    %get3A_5 = arith.constant 0 : index
    %get3A_6 = arith.constant 0 : index
    %get3A_7 = vector.load %arg0[%get3A_5, %get3A_6] : memref<64x64xf32, #tpu.memory_space<vmem>>, vector<64x64xf32>
    %dot_general3A = arith.constant dense<0.000000e+00> : vector<64x4096xf32>
    %dot_general3A_8 = tpu.matmul %get3A_7, %concatenate3A, %dot_general3A {dimension_numbers = #tpu.dot_dimension_numbers<[1], [0], [0], [1], [0, 0, 1, 1], [], []>, transpose_lhs_hint = false} : vector<64x64xf32>, vector<64x4096xf32>, vector<64x4096xf32> -> vector<64x4096xf32>
    %get3A_9 = arith.constant 0 : index
    %get3A_10 = vector.load %arg1[%get3A_9] : memref<64xf32, #tpu.memory_space<vmem>>, vector<64xf32>
    %get3A_11 = arith.constant 0 : index
    %get3A_12 = vector.load %arg2[%get3A_11] : memref<64xf32, #tpu.memory_space<vmem>>, vector<64xf32>
    %reduce_sum3A = arith.constant dense<0.000000e+00> : vector<64xf32>
    %reduce_sum3A_13 = vector.multi_reduction <add>, %dot_general3A_8, %reduce_sum3A [1] : vector<64x4096xf32> to vector<64xf32>
    %broadcast_in_dim3A = vector.shape_cast %reduce_sum3A_13 : vector<64xf32> to vector<64x1xf32>
    %div3A = arith.constant 4.096000e+03 : f32
    %div3A_14 = vector.broadcast %div3A : f32 to vector<64x1xf32>
    %div3A_15 = arith.divf %broadcast_in_dim3A, %div3A_14 : vector<64x1xf32>
    %sub3A = vector.broadcast %div3A_15 : vector<64x1xf32> to vector<64x4096xf32>
    %sub3A_16 = arith.subf %dot_general3A_8, %sub3A : vector<64x4096xf32>
    %integer_pow3A = arith.mulf %sub3A_16, %sub3A_16 : vector<64x4096xf32>
    %reduce_sum3A_17 = arith.constant dense<0.000000e+00> : vector<64xf32>
    %reduce_sum3A_18 = vector.multi_reduction <add>, %integer_pow3A, %reduce_sum3A_17 [1] : vector<64x4096xf32> to vector<64xf32>
    %broadcast_in_dim3A_19 = vector.shape_cast %reduce_sum3A_18 : vector<64xf32> to vector<64x1xf32>
    %div3A_20 = arith.constant 4.096000e+03 : f32
    %div3A_21 = vector.broadcast %div3A_20 : f32 to vector<64x1xf32>
    %div3A_22 = arith.divf %broadcast_in_dim3A_19, %div3A_21 : vector<64x1xf32>
    %sub3A_23 = vector.broadcast %div3A_15 : vector<64x1xf32> to vector<64x4096xf32>
    %sub3A_24 = arith.subf %dot_general3A_8, %sub3A_23 : vector<64x4096xf32>
    %add3A = arith.constant 9.99999974E-6 : f32
    %add3A_25 = vector.broadcast %add3A : f32 to vector<64x1xf32>
    %add3A_26 = arith.addf %div3A_22, %add3A_25 : vector<64x1xf32>
    %sqrt3A = math.sqrt %add3A_26 : vector<64x1xf32>
    %div3A_27 = vector.broadcast %sqrt3A : vector<64x1xf32> to vector<64x4096xf32>
    %div3A_28 = arith.divf %sub3A_24, %div3A_27 : vector<64x4096xf32>
    %broadcast_in_dim3A_29 = vector.shape_cast %get3A_10 : vector<64xf32> to vector<64x1xf32>
    %mul3A = vector.broadcast %broadcast_in_dim3A_29 : vector<64x1xf32> to vector<64x4096xf32>
    %mul3A_30 = arith.mulf %div3A_28, %mul3A : vector<64x4096xf32>
    %broadcast_in_dim3A_31 = vector.shape_cast %get3A_12 : vector<64xf32> to vector<64x1xf32>
    %add3A_32 = vector.broadcast %broadcast_in_dim3A_31 : vector<64x1xf32> to vector<64x4096xf32>
    %add3A_33 = arith.addf %mul3A_30, %add3A_32 : vector<64x4096xf32>
    %max3A = arith.constant 0.000000e+00 : f32
    %max3A_34 = vector.broadcast %max3A : f32 to vector<64x4096xf32>
    %max3A_35 = arith.maximumf %add3A_33, %max3A_34 : vector<64x4096xf32>
    %swap3A = arith.constant 0 : index
    %swap3A_36 = arith.constant 0 : index
    %swap3A_37 = vector.load %arg10[%swap3A, %swap3A_36] : memref<64x4096xf32, #tpu.memory_space<vmem>>, vector<64x4096xf32>
    tpu.vector_store %arg10[%swap3A, %swap3A_36], %max3A_35 {strides = array<i32>} : memref<64x4096xf32, #tpu.memory_space<vmem>>, vector<64x4096xf32>,
    %get3A_38 = arith.constant 0 : index
    %get3A_39 = arith.constant 0 : index
    %get3A_40 = vector.load %arg3[%get3A_38, %get3A_39] : memref<64x64xf32, #tpu.memory_space<vmem>>, vector<64x64xf32>
    %dot_general3A_41 = arith.constant dense<0.000000e+00> : vector<64x4096xf32>
    %dot_general3A_42 = tpu.matmul %get3A_40, %max3A_35, %dot_general3A_41 {dimension_numbers = #tpu.dot_dimension_numbers<[1], [0], [0], [1], [0, 0, 1, 1], [], []>, transpose_lhs_hint = false} : vector<64x64xf32>, vector<64x4096xf32>, vector<64x4096xf32> -> vector<64x4096xf32>
    %get3A_43 = arith.constant 0 : index
    %get3A_44 = vector.load %arg4[%get3A_43] : memref<64xf32, #tpu.memory_space<vmem>>, vector<64xf32>
    %get3A_45 = arith.constant 0 : index
    %get3A_46 = vector.load %arg5[%get3A_45] : memref<64xf32, #tpu.memory_space<vmem>>, vector<64xf32>
    %reduce_sum3A_47 = arith.constant dense<0.000000e+00> : vector<64xf32>
    %reduce_sum3A_48 = vector.multi_reduction <add>, %dot_general3A_42, %reduce_sum3A_47 [1] : vector<64x4096xf32> to vector<64xf32>
    %broadcast_in_dim3A_49 = vector.shape_cast %reduce_sum3A_48 : vector<64xf32> to vector<64x1xf32>
    %div3A_50 = arith.constant 4.096000e+03 : f32
    %div3A_51 = vector.broadcast %div3A_50 : f32 to vector<64x1xf32>
    %div3A_52 = arith.divf %broadcast_in_dim3A_49, %div3A_51 : vector<64x1xf32>
    %sub3A_53 = vector.broadcast %div3A_52 : vector<64x1xf32> to vector<64x4096xf32>
    %sub3A_54 = arith.subf %dot_general3A_42, %sub3A_53 : vector<64x4096xf32>
    %integer_pow3A_55 = arith.mulf %sub3A_54, %sub3A_54 : vector<64x4096xf32>
    %reduce_sum3A_56 = arith.constant dense<0.000000e+00> : vector<64xf32>
    %reduce_sum3A_57 = vector.multi_reduction <add>, %integer_pow3A_55, %reduce_sum3A_56 [1] : vector<64x4096xf32> to vector<64xf32>
    %broadcast_in_dim3A_58 = vector.shape_cast %reduce_sum3A_57 : vector<64xf32> to vector<64x1xf32>
    %div3A_59 = arith.constant 4.096000e+03 : f32
    %div3A_60 = vector.broadcast %div3A_59 : f32 to vector<64x1xf32>
    %div3A_61 = arith.divf %broadcast_in_dim3A_58, %div3A_60 : vector<64x1xf32>
    %sub3A_62 = vector.broadcast %div3A_52 : vector<64x1xf32> to vector<64x4096xf32>
    %sub3A_63 = arith.subf %dot_general3A_42, %sub3A_62 : vector<64x4096xf32>
    %add3A_64 = arith.constant 9.99999974E-6 : f32
    %add3A_65 = vector.broadcast %add3A_64 : f32 to vector<64x1xf32>
    %add3A_66 = arith.addf %div3A_61, %add3A_65 : vector<64x1xf32>
    %sqrt3A_67 = math.sqrt %add3A_66 : vector<64x1xf32>
    %div3A_68 = vector.broadcast %sqrt3A_67 : vector<64x1xf32> to vector<64x4096xf32>
    %div3A_69 = arith.divf %sub3A_63, %div3A_68 : vector<64x4096xf32>
    %broadcast_in_dim3A_70 = vector.shape_cast %get3A_44 : vector<64xf32> to vector<64x1xf32>
    %mul3A_71 = vector.broadcast %broadcast_in_dim3A_70 : vector<64x1xf32> to vector<64x4096xf32>
    %mul3A_72 = arith.mulf %div3A_69, %mul3A_71 : vector<64x4096xf32>
    %broadcast_in_dim3A_73 = vector.shape_cast %get3A_46 : vector<64xf32> to vector<64x1xf32>
    %add3A_74 = vector.broadcast %broadcast_in_dim3A_73 : vector<64x1xf32> to vector<64x4096xf32>
    %add3A_75 = arith.addf %mul3A_72, %add3A_74 : vector<64x4096xf32>
    %max3A_76 = arith.constant 0.000000e+00 : f32
    %max3A_77 = vector.broadcast %max3A_76 : f32 to vector<64x4096xf32>
    %max3A_78 = arith.maximumf %add3A_75, %max3A_77 : vector<64x4096xf32>
    %get3A_79 = arith.constant 0 : index
    %get3A_80 = arith.constant 0 : index
    %get3A_81 = vector.load %arg6[%get3A_79, %get3A_80] : memref<1x64xf32, #tpu.memory_space<vmem>>, vector<1x64xf32>
    %dot_general3A_82 = arith.constant dense<0.000000e+00> : vector<1x4096xf32>
    %dot_general3A_83 = tpu.matmul %get3A_81, %max3A_78, %dot_general3A_82 {dimension_numbers = #tpu.dot_dimension_numbers<[1], [0], [0], [1], [0, 0, 1, 1], [], []>, transpose_lhs_hint = false} : vector<1x64xf32>, vector<64x4096xf32>, vector<1x4096xf32> -> vector<1x4096xf32>
    %get3A_84 = arith.constant 0 : index
    %get3A_85 = vector.load %arg7[%get3A_84] : memref<1xf32, #tpu.memory_space<vmem>>, vector<1xf32>
    %broadcast_in_dim3A_86 = vector.shape_cast %get3A_85 : vector<1xf32> to vector<1x1xf32>
    %add3A_87 = vector.broadcast %broadcast_in_dim3A_86 : vector<1x1xf32> to vector<1x4096xf32>
    %add3A_88 = arith.addf %dot_general3A_83, %add3A_87 : vector<1x4096xf32>
    %swap3A_89 = arith.constant 0 : index
    %swap3A_90 = arith.constant 0 : index
    %swap3A_91 = vector.load %arg11[%swap3A_89, %swap3A_90] : memref<1x4096xf32, #tpu.memory_space<vmem>>, vector<1x4096xf32>
    tpu.vector_store %arg11[%swap3A_89, %swap3A_90], %add3A_88 {strides = array<i32>} : memref<1x4096xf32, #tpu.memory_space<vmem>>, vector<1x4096xf32>,
    return
  }
}

</mosaic_0001>

<sc_bundles>
// kernel: gather_offload_async_start.1
scs
__scs_entry_jumppad:
0x0: {  	(pc) =	sbr.rel $0x88, $3  }
0x1: {  	(tag) =	ssettag $0x0;
	lr =	simm.s32 $0x1  }
0x2: {  	[smem:$0x3F84] =	sst lr;
	_ =	strace $0xD0000000  }
0x3: {  	_ = 	snop  }
0x4: {  	_ = 	snop  }
0x5: {  	_ = 	snop  }
0x6: {  	_ = 	snop  }
0x7: {  	_ = 	snop  }
__scs_overlays_trampoline_lowered:
0x8: {  	[smem:$0x3F93] =	sst s0  }
0x9: {  	[smem:$0x3F94] =	sst s1  }
0xa: {  	[smem:$0x3F95] =	sst s2  }
0xb: {  	[smem:$0x3F96] =	sst s3  }
0xc: {  	[smem:$0x3F97] =	sst s4  }
0xd: {  	[smem:$0x3F98] =	sst s5  }
0xe: {  	[smem:$0x3F99] =	sst s6  }
0xf: {  	[smem:$0x3F9A] =	sst s7  }
0x10: {  	[smem:$0x3F9B] =	sst s8  }
0x11: {  	[smem:$0x3F9C] =	sst s9;
	s0 =	simm.s32 @!p0 $0x0  }
0x12: {  	s1 =	sld [smem:$0x3F82];
	s0 =	simm.s32 @p0 $0x1  }
0x13: {  	[smem:$0x3F9D] =	sst s0;
	s0 =	simm.s32 @!p1 $0x0  }
0x14: {  	s2 =	sld [smem:$0x3F81];
	s0 =	simm.s32 @p1 $0x1  }
0x15: {  	[smem:$0x3F9E] =	sst s0;
	s0 =	simm.s32 @!p2 $0x0  }
0x16: {  	s3 =	sld [smem:$0x3FDB];
	s0 =	simm.s32 @p2 $0x1  }
0x17: {  	s4 =	simm.s32 $0x1BF5;
	[smem:$0x3FA0] =	sst s0  }
0x18: {  	s0 =	sld [smem:$0x3F83];
	_ =	swait.ge [sflag:s4], $0x0  }
0x19: {  	s7 =	sld [smem:$0x3F84]  }
0x1a: {  	s8 =	sadd.s32 $0xFFFFE003, lr  }
0x1b: {  	s9 =	sadd.s32 $0xFFFFFEF7, lr;
	s5 =	simm.s32 $0xFFFFFFFF;
	p2 =	slt.u32 s8, $0xFFFFF086  }
0x1c: {  	p1 =	slt.u32 s9, $0xF7A;
	s5 =	simm.s32 @!p2 $0x0  }
0x1d: {  	s5 =	simm.s32 @p1 $0x1;
	p0 =	seq.s32 s7, s2  }
0x1e: {  	s7 =	smul.u32 @!p0 $0xF7A, s2;
	p2 =	seq.s32 @!p0 s5, $0x0  }
0x1f: {  	s9 =	smul.u32 $0xF7A, s1;
	s8 =	simm.s32 @!p0 $0x1BF5;
	p2 =	por !p2, p0  }
0x20: {  	[sflag:s8] =	ssyncset.s32 @!p0 $0xFFFFF086;
	s6 =	sadd.s32 @!p0 s3, s7;
	s7 =	simm.s32 @!p0 $0x108  }
0x21: {  	s3 =	sadd.s32 s3, s9;
	s6 =	sadd.s32 @!p0 $0x88, s6;
	s7 =	simm.s32 @p2 $0x1082  }
0x22: {  	[simem:s7], [sflag:s8] =	dma.local @!p0 [hbm:s6], $0xF7A  }
0x23: {  	s9 =	sor.u32 $0xD0000000, s2;
	s6 =	simm.s32 $0x108;
	_ =	swait.ge @!p0 [sflag:s8], $0x0  }
0x24: {  	s3 =	sadd.s32 $0x88, s3;
	s6 =	simm.s32 @!p1 $0x1082;
	[sflag:s4] =	ssyncset.s32 $0xFFFFF086  }
0x25: {  	[simem:s6], [sflag:s4] =	dma.local [hbm:s3], $0xF7A  }
0x26: {  	[smem:$0x3F84] =	sst s1;
	(tag) =	ssettag s2;
	_ =	strace s9  }
0x27: {  	s1 =	sld [smem:$0x3F94]  }
0x28: {  	s2 =	sld [smem:$0x3F95]  }
0x29: {  	s4 =	sld [smem:$0x3F97]  }
0x2a: {  	p0 =	seq.s32 s5, $0x0;
	s5 =	sld [smem:$0x3F98]  }
0x2b: {  	s6 =	sld [smem:$0x3F99]  }
0x2c: {  	s7 =	sld [smem:$0x3F9A]  }
0x2d: {  	s3 =	simm.s32 $0x108;
	s8 =	sld [smem:$0x3F9B]  }
0x2e: {  	s3 =	simm.s32 @!p0 $0x1082;
	s9 =	sld [smem:$0x3F9C]  }
0x2f: {  	lr =	sadd.s32 s0, s3;
	s0 =	sld [smem:$0x3F93]  }
0x30: {  	s3 =	sld [smem:$0x3F96]  }
0x31: {  	[smem:$0x3F9F] =	sst s10  }
0x32: {  	s10 =	sld [smem:$0x3F9D];
	_ =	sdelay $0x3  }
0x33: {  	p0 =	seq.s32 s10, $0x1;
	s10 =	sld [smem:$0x3F9F];
	_ =	sdelay $0x3  }
0x34: {  	[smem:$0x3F9F] =	sst s10  }
0x35: {  	s10 =	sld [smem:$0x3F9E];
	_ =	sdelay $0x3  }
0x36: {  	p1 =	seq.s32 s10, $0x1;
	s10 =	sld [smem:$0x3F9F];
	_ =	sdelay $0x3  }
0x37: {  	[smem:$0x3F9F] =	sst s10  }
0x38: {  	s10 =	sld [smem:$0x3FA0]  }
0x39: {  	_ = 	snop;
	(pc) =	sbr.ind lr, $3  }
0x3a: {  	_ = 	snop  }
0x3b: {  	_ = 	snop  }
0x3c: {  	p2 =	seq.s32 s10, $0x1;
	s10 =	sld [smem:$0x3F9F]  }
0x3d: {  	_ =	shalt  }
0x3e: {  	_ =	shalt  }
0x3f: {  	_ =	shalt  }
0x40: {  	_ =	shalt  }
0x41: {  	_ =	shalt  }
0x42: {  	_ =	shalt  }
0x43: {  	_ =	shalt  }
0x44: {  	_ =	shalt  }
0x45: {  	_ =	shalt  }
0x46: {  	_ =	shalt  }
0x47: {  	_ =	shalt  }
0x48: {  	_ =	shalt  }
0x49: {  	_ =	shalt  }
0x4a: {  	_ =	shalt  }
0x4b: {  	_ =	shalt  }
0x4c: {  	_ =	shalt  }
0x4d: {  	_ =	shalt  }
0x4e: {  	_ =	shalt  }
0x4f: {  	_ =	shalt  }
0x50: {  	_ =	shalt  }
0x51: {  	_ =	shalt  }
0x52: {  	_ =	shalt  }
0x53: {  	_ =	shalt  }
0x54: {  	_ =	shalt  }
0x55: {  	_ =	shalt  }
0x56: {  	_ =	shalt  }
0x57: {  	_ =	shalt  }
0x58: {  	_ =	shalt  }
0x59: {  	_ =	shalt  }
0x5a: {  	_ =	shalt  }
0x5b: {  	_ =	shalt  }
0x5c: {  	_ =	shalt  }
0x5d: {  	_ =	shalt  }
0x5e: {  	_ =	shalt  }
0x5f: {  	_ =	shalt  }
0x60: {  	_ =	shalt  }
0x61: {  	_ =	shalt  }
0x62: {  	_ =	shalt  }
0x63: {  	_ =	shalt  }
0x64: {  	_ =	shalt  }
0x65: {  	_ =	shalt  }
0x66: {  	_ =	shalt  }
0x67: {  	_ =	shalt  }
0x68: {  	_ =	shalt  }
0x69: {  	_ =	shalt  }
0x6a: {  	_ =	shalt  }
0x6b: {  	_ =	shalt  }
0x6c: {  	_ =	shalt  }
0x6d: {  	_ =	shalt  }
0x6e: {  	_ =	shalt  }
0x6f: {  	_ =	shalt  }
0x70: {  	_ =	shalt  }
0x71: {  	_ =	shalt  }
0x72: {  	_ =	shalt  }
0x73: {  	_ =	shalt  }
0x74: {  	_ =	shalt  }
0x75: {  	_ =	shalt  }
0x76: {  	_ =	shalt  }
0x77: {  	_ =	shalt  }
0x78: {  	_ =	shalt  }
0x79: {  	_ =	shalt  }
0x7a: {  	_ =	shalt  }
0x7b: {  	_ =	shalt  }
0x7c: {  	_ =	shalt  }
0x7d: {  	_ =	shalt  }
0x7e: {  	_ =	shalt  }
0x7f: {  	_ =	shalt  }
0x80: {  	_ =	shalt  }
0x81: {  	_ =	shalt  }
0x82: {  	_ =	shalt  }
0x83: {  	_ =	shalt  }
0x84: {  	_ =	shalt  }
0x85: {  	_ =	shalt  }
0x86: {  	_ =	shalt  }
0x87: {  	_ =	shalt  }
.Lfunc_end0:
.L_simem_size_0:
called_computation.1_lowered:
.L_overlay_start_0:
0x88: {  	s2 =	sld [smem:$0x3FD9]  }
0x89: {  	s3 =	sld [smem:$0x3FFE];
	_ =	sdelay $0x1  }
0x8a: {  	s1 =	srdreg.scid  }
0x8b: {  	s0 =	sand.u32 $0x1, s1  }
0x8c: {  	s16 =	sshll.u32 s0, $0xA;
	s2 =	sadd.s32 s3, s2  }
0x8d: {  	s2 =	sadd.s32 s2, s16  }
0x8e: {  	[smem:$0x3FAB] =	sst s2  }
0x8f: {  	_ = 	snop  }
0x90: {  	(tm) =	ssettm $0x1  }
0x91: {  	s17 =	sld [smem:$0x3FFB];
	_ =	sdelay $0x3  }
0x92: {  	_ =	strace s17  }
0x93: {  	s2 =	sld [smem:$0x3FFC];
	_ =	sdelay $0x3  }
0x94: {  	_ =	strace s2  }
0x95: {  	s2 =	sld [smem:$0x3FFD];
	_ =	sdelay $0x3  }
0x96: {  	_ =	strace s2  }
0x97: {  	_ =	strace $0x8FFFFFFF  }
0x98: {  	s18 =	sld [smem:$0x3FDB];
	_ =	sdelay $0x1  }
0x99: {  	s19 =	simm.s32 $_scs_section_size  }
0x9a: {  	s4 =	simm.s32 $_size__tile_overlayer_lowered;
	s5 =	simm.s32 $_tile_overlayer_lowered  }
0x9b: {  	s22 =	simm.s32 $0x1BFF;
	s21 =	sshll.u32 s5, $0x1;
	s2 =	sadd.s32 s19, s18  }
0x9c: {  	s6 =	simm.s32 $0x0;
	s20 =	sshll.u32 s4, $0x1;
	s4 =	sadd.s32 s21, s2  }
0x9d: {  	[timem:s6], [sflag:s22] =	dma.local [hbm:s4], s20  }
0x9e: {  	_ =	swait.ge [sflag:s22], s20  }
0x9f: {  	s3 =	ssub.s32 $0x0, s20;
	[sflag:s22] =	ssyncset.done $0x0  }
0xa0: {  	[sflag:s22] =	ssyncadd.s32 s3;
	_ =	sdelay $0x1  }
0xa1: {  	s23 =	simm.s32 $0x1B8B  }
0xa2: {  	_ =	swait.ge [sflag:s23], $0x1  }
0xa3: {  	[sflag:s23] =	ssyncset.done $0x0  }
0xa4: {  	s25 =	simm.s32 $0x1B8E;
	s24 =	sld [smem:$0x3FFE];
	[sflag:s23] =	ssyncadd.s32 $0xFFFFFFFF  }
0xa5: {  	s26 =	simm.s32 $execute0_lowered;
	[smem:$0x3FD2] =	sst s25  }
0xa6: {  	s4 =	sshll.u32 s26, $0x1;
	_ =	strace $0x80000049;
	[dreg:$0x1] =	wrdreg $0xFFFFFFFF  }
0xa7: {  	s28 =	simm.s32 $_size_execute0_lowered;
	s2 =	sadd.s32 s2, s4;
	[dreg:$0x0] =	wrdreg $0x0  }
0xa8: {  	s4 =	sshll.u32 s28, $0x1;
	[dreg:$0x2] =	wrdreg s2  }
0xa9: {  	[dreg:$0x3] =	wrdreg s4  }
0xaa: {  	[dreg:$0x4] =	wrdreg $0xC0  }
0xab: {  	_ =	task [dreg:s6], $0x5FFFF  }
0xac: {  	[dreg:$0x1] =	wrdreg $0xFFFFFFFF  }
0xad: {  	[dreg:$0x0] =	wrdreg $0x60  }
0xae: {  	[dreg:$0x2] =	wrdreg s24  }
0xaf: {  	[dreg:$0x3] =	wrdreg $0xA  }
0xb0: {  	_ =	task.clear_ibuf [dreg:s6], $0x4FFFF;
	_ =	strace $0x90000049  }
0xb1: {  	s29 =	simm.s32 $0xA;
	_ =	strace $0x8000004B  }
0xb2: {  	_ =	swait.ge [sflag:s29], $0x1  }
0xb3: {  	[sflag:s29] =	ssyncadd.s32 $0xFFFFFFFF  }
0xb4: {  	_ =	strace $0x9000004B  }
0xb5: {  	_ =	sfence  }
0xb6: {  	s30 =	sld [smem:$0x0];
	_ =	sdelay $0x2  }
0xb7: {  	s31 =	sshll.u32 s1, $0xD;
	s1 =	sshrl.u32 s1, $0x2  }
0xb8: {  	s3 =	sand.u32 $0x4000, s31;
	s1 =	sadd.s32 s1, s30  }
0xb9: {  	s0 =	sor.u32 s3, s0;
	s1 =	sshll.u32 s1, $0x11  }
0xba: {  	s0 =	sor.u32 s1, s0  }
0xbb: {  	s0 =	sadd.s32 $0x8F2B, s0  }
0xbc: {  	[sflag:s0] =	ssyncadd.remote.s32 $0x1  }
0xbd: {  	_ =	sfence.sel $0xFFFF  }
0xbe: {  	[dreg:$0x0] =	wrdreg $0xFFFFFFFF;
	(pc) =	sbr.abs _section_cstart, $3  }
0xbf: {  	[dreg:$0x1] =	wrdreg $0xFFFFFFFF  }
0xc0: {  	_ =	task.clear_ibuf [dreg:s6], $0x2FFFF;
	_ =	strace $0x9FFFFFFF  }
0xc1: {  	(tm) =	ssettm $0x7FFFFFFF  }
tec
execute0_lowered:
.L_overlay_start_1:
0x0: {  	(tag) =	ssettag $0x1  }
0x1: {  	s0 =	srdreg.scid;
	s5 =	rddreg [dreg:$0x0]  }
0x2: {  	s1 =	stileid.u32;
	s6 =	simm.s32 $0x1;
	s9 =	simm.s32 $0x1  }
0x3: {  	s10 =	simm.s32 $0x3;
	s13 =	simm.s32 $0x0;
	s2 =	sshll.u32 s0, $0xA  }
0x4: {  	s12 =	simm.s32 $0x0;
	s3 =	sshll.u32 s1, $0xB;
	s2 =	sand.u32 $0x400, s2  }
0x5: {  	s0 =	rddreg [dreg:$0x1];
	_ =	strace $0x8000004A;
	s2 =	sor.u32 s3, s2  }
0x6: {  	s4 =	sadd.s32 $0x4800, s5;
	[sflag:s6] =	ssyncpa.u1 $0x0;
	s8 =	ssub.s32 $0x10000, s2  }
.Ltmp0:
0x7: {  	s3 =	sadd.s32 $0x10A800, s5;
	s7 =	sand.u32 $0x7C00, s8;
	(pc) =	sbr.rel .LBB2_1-.Ltmp0, $4  }
0x8: {  	s5 =	sadd.s32 $0x6800, s5;
	s11 =	smov.u32 s2;
	p0 =	sne.s32 s7, $0x0  }
0x9: {  	s8 =	sshrl.u32 s8, $0xF;
	s7 =	simm.s32 $0x2;
	s9 =	simm.s32 @!p0 $0x0  }
0xa: {  	[sflag:s7] =	ssyncpa.u1 $0x0;
	p0 =	por $0x0, $0x0;
	s8 =	sadd.s32 s9, s8  }
0xb: {  	vm0 =	vmmov $0xffff;
	[sflag:s10] =	ssyncpa.u1 $0x0;
	s10 =	simm.s32 $0x0;
	s9 =	sadd.s32 $0x1, s8  }
.LBB2_4:
0xc: {  	v5 =	vld.msk [tilespmem:s18+$0x0 ss:$0x1], $0xffff  }
0xd: {  	v6 =	vand.u32 $0x3, v1;
	v7 =	vshrl.u32 v1, $0x2  }
0xe: {  	v3 =	vor.u32 v4, v3;
	vm1 =	veq.s32 v1, $0x80000000;
	v53 =	vand.u32 $0x3FFF, v7  }
0xf: {  	v2 =	vor.u32 v2, v3;
	v54 =	vsel vm1, $0xFFFFFFFF, v6;
	v1 =	vsel vm1, $0xFFFFFFFF, v53  }
0x10: {  	v6 =	vshll.u32 v54, $0x7;
	v3 =	vand.u32 $0xFFFF0000, v54;
	v55 =	vand.u32 $0x7F, v1  }
0x11: {  	v1 =	vshll.u32 v1, $0x2;
	v6 =	vand.u32 $0x180, v6;
	v56 =	vshrl.u32 v5, $0x2  }
0x12: {  	v1 =	vand.u32 $0xFFFFFE00, v1;
	vm1 =	veq.s32 v5, $0x80000000;
	v57 =	vand.u32 $0x3FFF, v56  }
0x13: {  	v1 =	vadd.s32 v3, v1;
	v5 =	vand.u32 $0x3, v5;
	v3 =	vsel vm1, $0xFFFFFFFF, v57  }
0x14: {  	v1 =	vor.u32 v6, v1;
	v5 =	vsel vm1, $0xFFFFFFFF, v5;
	v58 =	vshll.u32 v3, $0x2  }
0x15: {  	v59 =	vshll.u32 v5, $0x7;
	v5 =	vand.u32 $0xFFFF0000, v5;
	v6 =	vand.u32 $0xFFFFFE00, v58  }
0x16: {  	v1 =	vor.u32 v55, v1;
	v61 =	vand.u32 $0x180, v59;
	v60 =	vadd.s32 v5, v6  }
0x17: {  	[tilespmem:s16], [sflag:$0x1] =	stream.indirect_vreg.gather [hbm4b:s3+s10], $0x1, v0, vm0, $0x4038;
	v62 =	vand.u32 $0x7F, v3;
	v63 =	vor.u32 v61, v60;
	[tilespmem:$0x1000] =	vst v63  }
0x18: {  	(ifvalue) =	ssetifvalue $0x7FFFFFFF;
	v0 =	vor.u32 v62, v63  }
0x19: {  	[tilespmem:s15], [sflag:$0x1] =	stream.indirect_vreg.gather [hbm4b:s3+s10], $0x1, v2, vm0, $0x4038;
	[tilespmem:$0x1000] =	vst v63  }
0x1a: {  	s29 =	sadd.s32 $0x10, s15;
	(ifvalue) =	ssetifvalue $0x7FFFFFFF  }
0x1b: {  	[tilespmem:s29], [sflag:$0x1] =	stream.indirect_vreg.gather [hbm4b:s3+s10], $0x1, v1, vm0, $0x4038;
	[tilespmem:$0x1000] =	vst v63  }
0x1c: {  	s15 =	sadd.s32 $0x10, s29;
	(ifvalue) =	ssetifvalue $0x7FFFFFFF  }
0x1d: {  	[tilespmem:s15], [sflag:$0x1] =	stream.indirect_vreg.gather [hbm4b:s3+s10], $0x1, v0, vm0, $0x4038;
	[tilespmem:$0x1000] =	vst v63  }
0x1e: {  	_ =	swait.ge [sflag:s6], $0x400  }
0x1f: {  	s30 =	sshrl.u32 s13, $0x3;
	[sflag:s6] =	ssyncset.done $0x0  }
0x20: {  	s31 =	sand.u32 $0x7, s13;
	s15 =	sadd.s32 s5, s30;
	[sflag:s6] =	ssyncadd.s32 $0xFFFFFC00  }
0x21: {  	[hbm4b:s15+s31] =	stream.linear.scatter [tilespmem:s14], [sflag:$0x3], $0x400, $0x38;
	[tilespmem:$0x1000] =	vst v63  }
.LBB2_5:
0x22: {  	s15 =	sadd.s32 $0x8000, s11  }
0x23: {  	p2 =	sgt.s32 s15, $0xFFFF  }
0x24: {  	s15 =	smov.u32 @p2 s2;
	p2 =	sne.s32 s12, s9  }
.Ltmp1:
0x25: {  	p1 =	slt.u32 s12, $0x2;
	(pc) =	sbr.rel @!p2 .LBB2_6-.Ltmp1, $4  }
0x26: {  	s14 =	simm.s32 @!p1 $0x3  }
0x27: {  	s16 =	sadd.s32 $0x1, s12;
	_ =	swait.ge @!p1 [sflag:s14], $0x400  }
0x28: {  	s13 =	smov.u32 s11;
	p0 =	por !p0, !p0;
	[sflag:s14] =	ssyncset.done @!p1 $0x0  }
0x29: {  	s12 =	smov.u32 s16;
	s11 =	smov.u32 s15;
	[sflag:s14] =	ssyncadd.s32 @!p1 $0xFFFFFC00  }
.LBB2_1:
0x2a: {  	p1 =	sge.u32 s12, s8  }
0x2b: {  	s14 =	sxor.u32 @!p1 $0xFFFFFFFF, s12  }
0x2c: {  	s31 =	sadd.s32 $0xFFFFFFFF, s12;
	s15 =	sshrl.u32 @!p1 s11, $0x3;
	s14 =	sshll.u32 @!p1 s14, $0xA  }
0x2d: {  	s16 =	sand.u32 @!p1 $0x7, s11;
	s15 =	sadd.s32 @!p1 s4, s15;
	s14 =	sand.u32 @!p1 $0x400, s14  }
0x2e: {  	[tilespmem:s14], [sflag:$0x2] =	stream.linear.gather @!p1 [hbm4b:s15+s16], $0x400, $0x38;
	[tilespmem:$0x1000] =	vst v63  }
0x2f: {  	p1 =	sge.u32 s31, s8  }
.Ltmp2:
0x30: {  	_ = 	snop;
	(pc) =	sbr.rel @p1 .LBB2_5-.Ltmp2, $1  }
0x31: {  	_ =	sdelay $0x3  }
0x32: {  	s14 =	simm.s32 $0x1  }
0x33: {  	_ =	swait.ge [sflag:s7], $0x400;
	s14 =	simm.s32 @!p0 $0x0  }
0x34: {  	[sflag:s7] =	ssyncset.done $0x0;
	s14 =	sshll.u32 s14, $0xA  }
0x35: {  	[sflag:s7] =	ssyncadd.s32 $0xFFFFFC00;
	(ifvalue) =	ssetifvalue $0x7FFFFFFF;
	v0 =	vld.msk [tilespmem:s14+$0x0 ss:$0x1], $0xffff;
	_ =	sdelay $0x4  }
0x36: {  	s15 =	sadd.s32 $0x10, s14;
	v2 =	vshrl.u32 v0, $0x2  }
0x37: {  	v1 =	vld.msk [tilespmem:s15+$0x0 ss:$0x1], $0xffff;
	vm1 =	veq.s32 v0, $0x80000000;
	v2 =	vand.u32 $0x3FFF, v2  }
0x38: {  	v0 =	vand.u32 $0x3, v0;
	v2 =	vsel vm1, $0xFFFFFFFF, v2  }
0x39: {  	v0 =	vsel vm1, $0xFFFFFFFF, v0;
	v3 =	vshll.u32 v2, $0x2  }
0x3a: {  	v4 =	vand.u32 $0xFFFF0000, v0;
	v0 =	vshll.u32 v0, $0x7;
	v3 =	vand.u32 $0xFFFFFE00, v3  }
0x3b: {  	v0 =	vand.u32 $0x180, v0;
	v3 =	vadd.s32 v4, v3  }
0x3c: {  	v2 =	vand.u32 $0x7F, v2;
	v4 =	vshrl.u32 v1, $0x2;
	v0 =	vor.u32 v0, v3  }
0x3d: {  	vm1 =	veq.s32 v1, $0x80000000;
	v4 =	vand.u32 $0x3FFF, v4;
	v0 =	vor.u32 v2, v0  }
0x3e: {  	s16 =	sshll.u32 s12, $0xA;
	s15 =	sadd.s32 $0x10, s15;
	v1 =	vand.u32 $0x3, v1;
	v3 =	vsel vm1, $0xFFFFFFFF, v4  }
0x3f: {  	s17 =	sand.u32 $0x400, s16;
	v2 =	vsel vm1, $0xFFFFFFFF, v1;
	v1 =	vld.msk [tilespmem:s15+$0x0 ss:$0x1], $0xffff;
	v4 =	vshll.u32 v3, $0x2  }
0x40: {  	s16 =	sor.u32 $0x800, s14;
	s14 =	sor.u32 $0x800, s17;
	s17 =	simm.s32 $0x30;
	v5 =	vshll.u32 v2, $0x7;
	v6 =	vand.u32 $0xFFFF0000, v2;
	v4 =	vand.u32 $0xFFFFFE00, v4  }
0x41: {  	s18 =	sadd.s32 $0x10, s15;
	(ifvalue) =	ssetifvalue $0x7FFFFFFF;
	s15 =	sadd.s32 $0x10, s16;
	v2 =	vand.u32 $0x7F, v3;
	v3 =	vadd.s32 v6, v4;
	v4 =	vand.u32 $0x180, v5  }
.LBB2_3:
0x42: {  	[tilespmem:s16], [sflag:$0x1] =	stream.indirect_vreg.gather [hbm4b:s3+s10], $0x1, v0, vm0, $0x4038;
	[tilespmem:$0x1000] =	vst v63  }
0x43: {  	s17 =	sadd.s32 $0x10, s17  }
0x44: {  	v5 =	vand.u32 $0x3, v1;
	v6 =	vshrl.u32 v1, $0x2;
	v3 =	vor.u32 v4, v3;
	v0 =	vmovc v1;
	v1 =	vld.msk [tilespmem:s18+$0x0 ss:$0x1], $0xffff;
	p1 =	slt.u32 s17, $0x3F0  }
.Ltmp3:
0x45: {  	s16 =	smov.u32 s15;
	vm1 =	veq.s32 v0, $0x80000000;
	v4 =	vand.u32 $0x3FFF, v6;
	v0 =	vor.u32 v2, v3;
	(pc) =	sbr.rel @p1 .LBB2_3-.Ltmp3, $4  }
0x46: {  	v3 =	vsel vm1, $0xFFFFFFFF, v5;
	v4 =	vsel vm1, $0xFFFFFFFF, v4  }
0x47: {  	v2 =	vand.u32 $0x7F, v4;
	v4 =	vshll.u32 v4, $0x2;
	v5 =	vshll.u32 v3, $0x7  }
0x48: {  	v3 =	vand.u32 $0xFFFF0000, v3;
	v4 =	vand.u32 $0xFFFFFE00, v4  }
0x49: {  	s18 =	sadd.s32 $0x10, s18;
	s15 =	sadd.s32 $0x10, s15;
	v3 =	vadd.s32 v3, v4;
	v4 =	vand.u32 $0x180, v5;
	(ifvalue) =	ssetifvalue $0x7FFFFFFF  }
.Ltmp4:
0x4a: {  	_ = 	snop;
	(pc) =	sbr.rel .LBB2_4-.Ltmp4, $1  }
0x4b: {  	_ =	sdelay $0x3  }
.LBB2_6:
0x4c: {  	_ =	sfence.sel $0x180000  }
0x4d: {  	s2 =	simm.s32 $0x2;
	[bflag:$0x0] =	sbarrier.arrive $0xFFFF  }
0x4e: {  	s30 =	simm.s32 $0x3;
	[sflag:s2] =	ssyncpa.u1 $0x1  }
0x4f: {  	s31 =	simm.s32 $0x1;
	[sflag:s30] =	ssyncpa.u1 $0x1  }
0x50: {  	[sflag:s31] =	ssyncpa.u1 $0x1  }
0x51: {  	p0 =	sne.s32 s1, $0x0;
	_ =	strace $0x9000004A  }
0x52: {  	s0 =	sadd.s32 @!p0 $0x100000, s0;
	[bflag:$0x2] =	sbarrier.arrive $0xFFFF  }
0x53: {  	[sflag:s0] =	ssyncadd.tile.s32 @!p0 $0x1;
	_ =	shalt  }
.Lfunc_end2:
_tile_overlayer_lowered:
.L_overlay_start_2:
0x54: {  	(tag) =	ssettag $0x2  }
0x55: {  	s0 =	rddreg [dreg:$0x0];
	s2 =	stileid.u32  }
0x56: {  	s1 =	rddreg [dreg:$0x1];
	p0 =	sne.s32 s2, $0x0  }
0x57: {  	s3 =	rddreg [dreg:$0x2];
	[bflag:$0x3] =	sbarrier.arrive $0xFFFF;
	s2 =	simm.s32 @!p0 $0x1C01  }
0x58: {  	[timem:s3], [sflag:s2] =	dma.local @!p0 [hbm:s0], s1  }
0x59: {  	s0 =	simm.s32 @!p0 $0x1  }
0x5a: {  	_ =	swait.ge @!p0 [sflag:s0], s1  }
0x5b: {  	s1 =	ssub.s32 @!p0 $0x0, s1;
	[sflag:s0] =	ssyncset.done @!p0 $0x0  }
0x5c: {  	[sflag:s0] =	ssyncadd.s32 @!p0 s1  }
0x5d: {  	[bflag:$0x3] =	sbarrier.arrive $0xFFFF  }
0x5e: {  	_ =	shalt  }

// kernel: gather_offload_async_start
scs
__scs_entry_jumppad:
0x0: {  	(pc) =	sbr.rel $0x88, $3  }
0x1: {  	(tag) =	ssettag $0x0;
	lr =	simm.s32 $0x1  }
0x2: {  	[smem:$0x3F84] =	sst lr;
	_ =	strace $0xD0000000  }
0x3: {  	_ = 	snop  }
0x4: {  	_ = 	snop  }
0x5: {  	_ = 	snop  }
0x6: {  	_ = 	snop  }
0x7: {  	_ = 	snop  }
__scs_overlays_trampoline_lowered:
0x8: {  	[smem:$0x3F93] =	sst s0  }
0x9: {  	[smem:$0x3F94] =	sst s1  }
0xa: {  	[smem:$0x3F95] =	sst s2  }
0xb: {  	[smem:$0x3F96] =	sst s3  }
0xc: {  	[smem:$0x3F97] =	sst s4  }
0xd: {  	[smem:$0x3F98] =	sst s5  }
0xe: {  	[smem:$0x3F99] =	sst s6  }
0xf: {  	[smem:$0x3F9A] =	sst s7  }
0x10: {  	[smem:$0x3F9B] =	sst s8  }
0x11: {  	[smem:$0x3F9C] =	sst s9;
	s0 =	simm.s32 @!p0 $0x0  }
0x12: {  	s1 =	sld [smem:$0x3F82];
	s0 =	simm.s32 @p0 $0x1  }
0x13: {  	[smem:$0x3F9D] =	sst s0;
	s0 =	simm.s32 @!p1 $0x0  }
0x14: {  	s2 =	sld [smem:$0x3F81];
	s0 =	simm.s32 @p1 $0x1  }
0x15: {  	[smem:$0x3F9E] =	sst s0;
	s0 =	simm.s32 @!p2 $0x0  }
0x16: {  	s3 =	sld [smem:$0x3FDB];
	s0 =	simm.s32 @p2 $0x1  }
0x17: {  	s4 =	simm.s32 $0x1BF5;
	[smem:$0x3FA0] =	sst s0  }
0x18: {  	s0 =	sld [smem:$0x3F83];
	_ =	swait.ge [sflag:s4], $0x0  }
0x19: {  	s7 =	sld [smem:$0x3F84]  }
0x1a: {  	s8 =	sadd.s32 $0xFFFFE003, lr  }
0x1b: {  	s9 =	sadd.s32 $0xFFFFFEF7, lr;
	s5 =	simm.s32 $0xFFFFFFFF;
	p2 =	slt.u32 s8, $0xFFFFF086  }
0x1c: {  	p1 =	slt.u32 s9, $0xF7A;
	s5 =	simm.s32 @!p2 $0x0  }
0x1d: {  	s5 =	simm.s32 @p1 $0x1;
	p0 =	seq.s32 s7, s2  }
0x1e: {  	s7 =	smul.u32 @!p0 $0xF7A, s2;
	p2 =	seq.s32 @!p0 s5, $0x0  }
0x1f: {  	s9 =	smul.u32 $0xF7A, s1;
	s8 =	simm.s32 @!p0 $0x1BF5;
	p2 =	por !p2, p0  }
0x20: {  	[sflag:s8] =	ssyncset.s32 @!p0 $0xFFFFF086;
	s6 =	sadd.s32 @!p0 s3, s7;
	s7 =	simm.s32 @!p0 $0x108  }
0x21: {  	s3 =	sadd.s32 s3, s9;
	s6 =	sadd.s32 @!p0 $0x88, s6;
	s7 =	simm.s32 @p2 $0x1082  }
0x22: {  	[simem:s7], [sflag:s8] =	dma.local @!p0 [hbm:s6], $0xF7A  }
0x23: {  	s9 =	sor.u32 $0xD0000000, s2;
	s6 =	simm.s32 $0x108;
	_ =	swait.ge @!p0 [sflag:s8], $0x0  }
0x24: {  	s3 =	sadd.s32 $0x88, s3;
	s6 =	simm.s32 @!p1 $0x1082;
	[sflag:s4] =	ssyncset.s32 $0xFFFFF086  }
0x25: {  	[simem:s6], [sflag:s4] =	dma.local [hbm:s3], $0xF7A  }
0x26: {  	[smem:$0x3F84] =	sst s1;
	(tag) =	ssettag s2;
	_ =	strace s9  }
0x27: {  	s1 =	sld [smem:$0x3F94]  }
0x28: {  	s2 =	sld [smem:$0x3F95]  }
0x29: {  	s4 =	sld [smem:$0x3F97]  }
0x2a: {  	p0 =	seq.s32 s5, $0x0;
	s5 =	sld [smem:$0x3F98]  }
0x2b: {  	s6 =	sld [smem:$0x3F99]  }
0x2c: {  	s7 =	sld [smem:$0x3F9A]  }
0x2d: {  	s3 =	simm.s32 $0x108;
	s8 =	sld [smem:$0x3F9B]  }
0x2e: {  	s3 =	simm.s32 @!p0 $0x1082;
	s9 =	sld [smem:$0x3F9C]  }
0x2f: {  	lr =	sadd.s32 s0, s3;
	s0 =	sld [smem:$0x3F93]  }
0x30: {  	s3 =	sld [smem:$0x3F96]  }
0x31: {  	[smem:$0x3F9F] =	sst s10  }
0x32: {  	s10 =	sld [smem:$0x3F9D];
	_ =	sdelay $0x3  }
0x33: {  	p0 =	seq.s32 s10, $0x1;
	s10 =	sld [smem:$0x3F9F];
	_ =	sdelay $0x3  }
0x34: {  	[smem:$0x3F9F] =	sst s10  }
0x35: {  	s10 =	sld [smem:$0x3F9E];
	_ =	sdelay $0x3  }
0x36: {  	p1 =	seq.s32 s10, $0x1;
	s10 =	sld [smem:$0x3F9F];
	_ =	sdelay $0x3  }
0x37: {  	[smem:$0x3F9F] =	sst s10  }
0x38: {  	s10 =	sld [smem:$0x3FA0]  }
0x39: {  	_ = 	snop;
	(pc) =	sbr.ind lr, $3  }
0x3a: {  	_ = 	snop  }
0x3b: {  	_ = 	snop  }
0x3c: {  	p2 =	seq.s32 s10, $0x1;
	s10 =	sld [smem:$0x3F9F]  }
0x3d: {  	_ =	shalt  }
0x3e: {  	_ =	shalt  }
0x3f: {  	_ =	shalt  }
0x40: {  	_ =	shalt  }
0x41: {  	_ =	shalt  }
0x42: {  	_ =	shalt  }
0x43: {  	_ =	shalt  }
0x44: {  	_ =	shalt  }
0x45: {  	_ =	shalt  }
0x46: {  	_ =	shalt  }
0x47: {  	_ =	shalt  }
0x48: {  	_ =	shalt  }
0x49: {  	_ =	shalt  }
0x4a: {  	_ =	shalt  }
0x4b: {  	_ =	shalt  }
0x4c: {  	_ =	shalt  }
0x4d: {  	_ =	shalt  }
0x4e: {  	_ =	shalt  }
0x4f: {  	_ =	shalt  }
0x50: {  	_ =	shalt  }
0x51: {  	_ =	shalt  }
0x52: {  	_ =	shalt  }
0x53: {  	_ =	shalt  }
0x54: {  	_ =	shalt  }
0x55: {  	_ =	shalt  }
0x56: {  	_ =	shalt  }
0x57: {  	_ =	shalt  }
0x58: {  	_ =	shalt  }
0x59: {  	_ =	shalt  }
0x5a: {  	_ =	shalt  }
0x5b: {  	_ =	shalt  }
0x5c: {  	_ =	shalt  }
0x5d: {  	_ =	shalt  }
0x5e: {  	_ =	shalt  }
0x5f: {  	_ =	shalt  }
0x60: {  	_ =	shalt  }
0x61: {  	_ =	shalt  }
0x62: {  	_ =	shalt  }
0x63: {  	_ =	shalt  }
0x64: {  	_ =	shalt  }
0x65: {  	_ =	shalt  }
0x66: {  	_ =	shalt  }
0x67: {  	_ =	shalt  }
0x68: {  	_ =	shalt  }
0x69: {  	_ =	shalt  }
0x6a: {  	_ =	shalt  }
0x6b: {  	_ =	shalt  }
0x6c: {  	_ =	shalt  }
0x6d: {  	_ =	shalt  }
0x6e: {  	_ =	shalt  }
0x6f: {  	_ =	shalt  }
0x70: {  	_ =	shalt  }
0x71: {  	_ =	shalt  }
0x72: {  	_ =	shalt  }
0x73: {  	_ =	shalt  }
0x74: {  	_ =	shalt  }
0x75: {  	_ =	shalt  }
0x76: {  	_ =	shalt  }
0x77: {  	_ =	shalt  }
0x78: {  	_ =	shalt  }
0x79: {  	_ =	shalt  }
0x7a: {  	_ =	shalt  }
0x7b: {  	_ =	shalt  }
0x7c: {  	_ =	shalt  }
0x7d: {  	_ =	shalt  }
0x7e: {  	_ =	shalt  }
0x7f: {  	_ =	shalt  }
0x80: {  	_ =	shalt  }
0x81: {  	_ =	shalt  }
0x82: {  	_ =	shalt  }
0x83: {  	_ =	shalt  }
0x84: {  	_ =	shalt  }
0x85: {  	_ =	shalt  }
0x86: {  	_ =	shalt  }
0x87: {  	_ =	shalt  }
.Lfunc_end0:
.L_simem_size_0:
called_computation_lowered:
.L_overlay_start_0:
0x88: {  	s2 =	sld [smem:$0x3FD9]  }
0x89: {  	s3 =	sld [smem:$0x3FFE];
	_ =	sdelay $0x1  }
0x8a: {  	s1 =	srdreg.scid  }
0x8b: {  	s0 =	sand.u32 $0x1, s1  }
0x8c: {  	s17 =	sshll.u32 s0, $0xA;
	s2 =	sadd.s32 s3, s2  }
0x8d: {  	s2 =	sadd.s32 s2, s17  }
0x8e: {  	[smem:$0x3FAB] =	sst s2  }
0x8f: {  	_ = 	snop  }
0x90: {  	(tm) =	ssettm $0x1  }
0x91: {  	s18 =	sld [smem:$0x3FFB];
	_ =	sdelay $0x3  }
0x92: {  	_ =	strace s18  }
0x93: {  	s2 =	sld [smem:$0x3FFC];
	_ =	sdelay $0x3  }
0x94: {  	_ =	strace s2  }
0x95: {  	s2 =	sld [smem:$0x3FFD];
	_ =	sdelay $0x3  }
0x96: {  	_ =	strace s2  }
0x97: {  	_ =	strace $0x8FFFFFFF  }
0x98: {  	s19 =	sld [smem:$0x3FDB];
	_ =	sdelay $0x1  }
0x99: {  	s20 =	simm.s32 $_scs_section_size  }
0x9a: {  	s4 =	simm.s32 $_size__tile_overlayer_lowered;
	s5 =	simm.s32 $_tile_overlayer_lowered  }
0x9b: {  	s6 =	simm.s32 $0x1BFF;
	s21 =	sshll.u32 s5, $0x1;
	s3 =	sadd.s32 s20, s19  }
0x9c: {  	s22 =	simm.s32 $0x0;
	s4 =	sshll.u32 s4, $0x1;
	s5 =	sadd.s32 s21, s3  }
0x9d: {  	[timem:s22], [sflag:s6] =	dma.local [hbm:s5], s4  }
0x9e: {  	_ =	swait.ge [sflag:s6], s4  }
0x9f: {  	s4 =	ssub.s32 $0x0, s4;
	[sflag:s6] =	ssyncset.done $0x0  }
0xa0: {  	[sflag:s6] =	ssyncadd.s32 s4;
	_ =	sdelay $0x1  }
0xa1: {  	s23 =	simm.s32 $0x1B8B  }
0xa2: {  	_ =	swait.ge [sflag:s23], $0x1  }
0xa3: {  	[sflag:s23] =	ssyncset.done $0x0  }
0xa4: {  	[sflag:s23] =	ssyncadd.s32 $0xFFFFFFFF  }
0xa5: {  	s4 =	sld [smem:$0x0]  }
0xa6: {  	s5 =	sand.u32 $0xFFFFFFFE, s1  }
0xa7: {  	p0 =	sne.s32 s1, s5  }
0xa8: {  	s5 =	sshll.u32 @p0 s5, $0xE  }
0xa9: {  	s5 =	sadd.s32 @p0 $0x11B8D, s5;
	s6 =	sshll.u32 @p0 s4, $0x11  }
0xaa: {  	s5 =	sor.u32 @p0 s6, s5  }
0xab: {  	[sflag:s5] =	ssyncadd.remote.s32 @p0 $0x1;
	_ =	sdelay $0x1  }
0xac: {  	s5 =	simm.s32 @p0 $0x1B8D  }
0xad: {  	_ =	swait.eq @p0 [sflag:s5], $0x1  }
0xae: {  	[sflag:s5] =	ssyncadd.s32 @p0 $0xFFFFFFFF  }
0xaf: {  	s6 =	sshll.u32 @!p0 s1, $0xE  }
0xb0: {  	s6 =	sor.u32 @!p0 $0x4000, s6;
	s5 =	simm.s32 @!p0 $0x1B8D  }
0xb1: {  	s4 =	sshll.u32 @!p0 s4, $0x11;
	s6 =	sadd.s32 @!p0 $0x11B8D, s6;
	_ =	swait.eq @!p0 [sflag:s5], $0x1  }
0xb2: {  	s4 =	sor.u32 @!p0 s4, s6;
	[sflag:s5] =	ssyncadd.s32 @!p0 $0xFFFFFFFF  }
0xb3: {  	s25 =	simm.s32 $0x1B8E;
	s24 =	sld [smem:$0x3FFE];
	[sflag:s4] =	ssyncadd.remote.s32 @!p0 $0x1  }
0xb4: {  	s26 =	simm.s32 $execute0_lowered;
	[smem:$0x3FD2] =	sst s25  }
0xb5: {  	s5 =	sshll.u32 s26, $0x1;
	_ =	strace $0x8000004C;
	[dreg:$0x1] =	wrdreg $0xFFFFFFFF  }
0xb6: {  	s28 =	simm.s32 $_size_execute0_lowered;
	s3 =	sadd.s32 s3, s5;
	[dreg:$0x0] =	wrdreg $0x0  }
0xb7: {  	s5 =	sshll.u32 s28, $0x1;
	[dreg:$0x2] =	wrdreg s3  }
0xb8: {  	[dreg:$0x3] =	wrdreg s5  }
0xb9: {  	[dreg:$0x4] =	wrdreg $0xC0  }
0xba: {  	_ =	task [dreg:s22], $0x5FFFF  }
0xbb: {  	[dreg:$0x1] =	wrdreg $0xFFFFFFFF  }
0xbc: {  	[dreg:$0x0] =	wrdreg $0x60  }
0xbd: {  	[dreg:$0x2] =	wrdreg s24  }
0xbe: {  	[dreg:$0x3] =	wrdreg $0x9  }
0xbf: {  	_ =	task.clear_ibuf [dreg:s22], $0x4FFFF;
	_ =	strace $0x9000004C  }
0xc0: {  	s29 =	simm.s32 $0x9;
	_ =	strace $0x8000004E  }
0xc1: {  	_ =	swait.ge [sflag:s29], $0x1  }
0xc2: {  	[sflag:s29] =	ssyncadd.s32 $0xFFFFFFFF  }
0xc3: {  	_ =	strace $0x9000004E  }
0xc4: {  	_ =	sfence  }
0xc5: {  	s30 =	sld [smem:$0x0];
	_ =	sdelay $0x2  }
0xc6: {  	s31 =	sshll.u32 s1, $0xD;
	s1 =	sshrl.u32 s1, $0x2  }
0xc7: {  	s4 =	sand.u32 $0x4000, s31;
	s1 =	sadd.s32 s1, s30  }
0xc8: {  	s0 =	sor.u32 s4, s0;
	s1 =	sshll.u32 s1, $0x11  }
0xc9: {  	s0 =	sor.u32 s1, s0  }
0xca: {  	s0 =	sadd.s32 $0x8F2B, s0  }
0xcb: {  	[sflag:s0] =	ssyncadd.remote.s32 $0x1  }
0xcc: {  	_ =	sfence.sel $0xFFFF  }
0xcd: {  	[dreg:$0x0] =	wrdreg $0xFFFFFFFF;
	(pc) =	sbr.abs _section_cstart, $3  }
0xce: {  	[dreg:$0x1] =	wrdreg $0xFFFFFFFF  }
0xcf: {  	_ =	task.clear_ibuf [dreg:s22], $0x2FFFF;
	_ =	strace $0x9FFFFFFF  }
0xd0: {  	(tm) =	ssettm $0x7FFFFFFF  }
0xd1: {  	_ =	shalt  }
tec
execute0_lowered:
.L_overlay_start_1:
0x0: {  	(tag) =	ssettag $0x1  }
0x1: {  	s7 =	rddreg [dreg:$0x0]  }
0x2: {  	s0 =	rddreg [dreg:$0x1];
	_ =	strace $0x8000004D  }
0x3: {  	s1 =	srdreg.scid;
	s4 =	simm.s32 $0x1;
	s9 =	simm.s32 $0x3  }
0x4: {  	s11 =	simm.s32 $0x0;
	p0 =	por $0x0, $0x0;
	s5 =	sshll.u32 s1, $0x4  }
.Ltmp0:
0x5: {  	s1 =	stileid.u32;
	s5 =	sand.u32 $0x10, s5;
	(pc) =	sbr.rel .LBB2_1-.Ltmp0, $4  }
0x6: {  	s2 =	sadd.s32 $0xA800, s7;
	s3 =	sadd.s32 $0x4800, s7;
	s6 =	sor.u32 s1, s5  }
0x7: {  	[sflag:s4] =	ssyncpa.u1 $0x0;
	s5 =	simm.s32 $0x2;
	s6 =	sshll.u32 s6, $0xB  }
0x8: {  	s7 =	sadd.s32 $0x118E00, s7;
	[sflag:s5] =	ssyncpa.u1 $0x0;
	s8 =	sadd.s32 $0x800, s6  }
0x9: {  	vm0 =	vmmov $0xff;
	vm1 =	vcmask $0x3F20;
	[sflag:s9] =	ssyncpa.u1 $0x0;
	s10 =	smov.u32 s6;
	s9 =	simm.s32 $0x0  }
.LBB2_7:
0xa: {  	p1 =	slt.u32 s9, $0x2;
	s11 =	sadd.s32 $0x100, s10  }
0xb: {  	s13 =	smov.u32 s6;
	s9 =	sadd.s32 $0x1, s9;
	p2 =	slt.s32 s11, s8  }
0xc: {  	s13 =	smov.u32 @p2 s11;
	p2 =	sne.s32 s9, $0xA  }
.Ltmp1:
0xd: {  	_ = 	snop;
	(pc) =	sbr.rel @!p2 .LBB2_8-.Ltmp1, $4  }
0xe: {  	s12 =	simm.s32 @!p1 $0x3  }
0xf: {  	_ =	swait.ge @!p1 [sflag:s12], $0x8000  }
0x10: {  	p0 =	por !p0, !p0;
	[sflag:s12] =	ssyncset.done @!p1 $0x0  }
0x11: {  	s11 =	smov.u32 s10;
	s10 =	smov.u32 s13;
	[sflag:s12] =	ssyncadd.s32 @!p1 $0xFFFF8000  }
.LBB2_1:
0x12: {  	p1 =	sgt.u32 s9, $0x7  }
0x13: {  	s12 =	sxor.u32 @!p1 $0xFFFFFFFF, s9  }
0x14: {  	s13 =	sshrl.u32 @!p1 s10, $0x3;
	s12 =	sshll.u32 @!p1 s12, $0x8  }
0x15: {  	s14 =	sand.u32 @!p1 $0x7, s10;
	s13 =	sadd.s32 @!p1 s3, s13;
	s12 =	sand.u32 @!p1 $0x100, s12  }
0x16: {  	[tilespmem:s12], [sflag:$0x2] =	stream.linear.gather @!p1 [hbm4b:s13+s14], $0x100, $0x38;
	[tilespmem:$0x10200] =	vst v63  }
0x17: {  	p1 =	seq.s32 s9, $0x0  }
0x18: {  	p2 =	seq.s32 @!p1 s9, $0x9  }
0x19: {  	p1 =	por p1, p2  }
.Ltmp2:
0x1a: {  	_ = 	snop;
	(pc) =	sbr.rel @p1 .LBB2_7-.Ltmp2, $1  }
0x1b: {  	_ =	sdelay $0x3  }
0x1c: {  	s12 =	simm.s32 $0x1  }
0x1d: {  	_ =	swait.ge [sflag:s5], $0x100;
	s12 =	simm.s32 @!p0 $0x0  }
0x1e: {  	[sflag:s5] =	ssyncset.done $0x0;
	s14 =	sshll.u32 s12, $0x8  }
0x1f: {  	[sflag:s5] =	ssyncadd.s32 $0xFFFFFF00;
	s13 =	sadd.s32 $0x0, s14  }
0x20: {  	v0 =	vld.msk [tilespmem:s13+$0x0 ss:$0x1], $0xffff;
	_ =	sdelay $0x4  }
0x21: {  	v1 =	vshll.u32 v0, $0x5  }
0x22: {  	vm2 =	veq.s32 v0, $0x80000000;
	v0 =	vshll.u32 v0, $0x15;
	v1 =	vand.u32 $0x1FFF80, v1  }
0x23: {  	v0 =	vand.u32 $0x600000, v0;
	v1 =	vsel vm2, $0xFFFFFF80, v1  }
0x24: {  	v0 =	vsel vm2, $0xFFE00000, v0;
	v2 =	vand.u32 $0xFFFFFC00, v1  }
0x25: {  	v1 =	vand.u32 $0x380, v1;
	v0 =	vadd.s32 v0, v2  }
0x26: {  	v0 =	vor.u32 v1, v0  }
0x27: {  	v0 =	vshrl.u32 v0, $0x3;
	_ =	sdelay $0x2  }
0x28: {  	s12 =	sshll.u32 s12, $0xF  }
0x29: {  	s12 =	sor.u32 $0x200, s12  }
0x2a: {  	[tilespmem:s12], [sflag:$0x1] =	stream.indirect_vreg.gather [hbm:s2], $0x80, v0, vm0, $0x38;
	[tilespmem:$0x10200] =	vst v63  }
0x2b: {  	s15 =	sadd.s32 $0x10, s14;
	s13 =	sadd.s32 $0x400, s12  }
0x2c: {  	[tilespmem:s13], [sflag:$0x1] =	stream.indirect_vreg.gather [hbm:s2], $0x80, v0, vm1, $0x38;
	[tilespmem:$0x10200] =	vst v63  }
0x2d: {  	s16 =	simm.s32 $0x80;
	v0 =	vld.msk [tilespmem:s15+$0x0 ss:$0x1], $0xffff;
	s15 =	smov.u32 s12  }
.LBB2_3:
0x2e: {  	p1 =	sne.s32 s16, $0x3C0;
	_ =	sdelay $0x4  }
0x2f: {  	v1 =	vshll.u32 v0, $0x5  }
0x30: {  	vm2 =	veq.s32 v0, $0x80000000;
	v0 =	vshll.u32 v0, $0x15;
	v1 =	vand.u32 $0x1FFF80, v1  }
0x31: {  	v0 =	vand.u32 $0x600000, v0;
	v1 =	vsel vm2, $0xFFFFFF80, v1  }
0x32: {  	v0 =	vsel vm2, $0xFFE00000, v0;
	v2 =	vand.u32 $0xFFFFFC00, v1  }
0x33: {  	v1 =	vand.u32 $0x380, v1;
	v0 =	vadd.s32 v0, v2  }
0x34: {  	v0 =	vor.u32 v1, v0  }
0x35: {  	v0 =	vshrl.u32 v0, $0x3;
	_ =	sdelay $0x3  }
.Ltmp3:
0x36: {  	s17 =	sshra.s32 s16, $0x2;
	s15 =	sadd.s32 $0x800, s15;
	(pc) =	sbr.rel @p1 .LBB2_3-.Ltmp3, $4  }
0x37: {  	[tilespmem:s15], [sflag:$0x1] =	stream.indirect_vreg.gather [hbm:s2], $0x80, v0, vm0, $0x38;
	[tilespmem:$0x10200] =	vst v63  }
0x38: {  	s17 =	sadd.s32 s17, s14;
	s18 =	sadd.s32 $0x400, s15  }
0x39: {  	[tilespmem:s18], [sflag:$0x1] =	stream.indirect_vreg.gather [hbm:s2], $0x80, v0, vm1, $0x38;
	[tilespmem:$0x10200] =	vst v63  }
0x3a: {  	s16 =	sadd.s32 $0x40, s16;
	v0 =	vld.msk [tilespmem:s17+$0x0 ss:$0x1], $0xffff  }
0x3b: {  	_ =	sdelay $0x3  }
0x3c: {  	v1 =	vshll.u32 v0, $0x5  }
0x3d: {  	vm2 =	veq.s32 v0, $0x80000000;
	v63 =	vshll.u32 v0, $0x15;
	v1 =	vand.u32 $0x1FFF80, v1  }
0x3e: {  	v0 =	vand.u32 $0x600000, v63;
	v1 =	vsel vm2, $0xFFFFFF80, v1  }
0x3f: {  	v0 =	vsel vm2, $0xFFE00000, v0;
	v2 =	vand.u32 $0xFFFFFC00, v1  }
0x40: {  	v1 =	vand.u32 $0x380, v1;
	v0 =	vadd.s32 v0, v2  }
0x41: {  	v0 =	vor.u32 v1, v0  }
0x42: {  	v0 =	vshrl.u32 v0, $0x3;
	_ =	sdelay $0x3  }
0x43: {  	s14 =	sadd.s32 $0x800, s15  }
0x44: {  	[tilespmem:s14], [sflag:$0x1] =	stream.indirect_vreg.gather [hbm:s2], $0x80, v0, vm0, $0x38;
	[tilespmem:$0x10200] =	vst v63  }
0x45: {  	s14 =	sadd.s32 $0x400, s14  }
0x46: {  	[tilespmem:s14], [sflag:$0x1] =	stream.indirect_vreg.gather [hbm:s2], $0x80, v0, vm1, $0x38;
	[tilespmem:$0x10200] =	vst v63  }
0x47: {  	s11 =	sshll.u32 s11, $0x4;
	_ =	swait.ge [sflag:s4], $0x8000  }
0x48: {  	s11 =	sadd.s32 s11, s7;
	[sflag:s4] =	ssyncset.done $0x0  }
0x49: {  	s15 =	sadd.s32 $0x0, s11;
	s14 =	simm.s32 $0x80;
	[sflag:s4] =	ssyncadd.s32 $0xFFFF8000  }
.LBB2_5:
0x4a: {  	[hbm:s15] =	stream.linear.scatter [tilespmem:s12], [sflag:$0x3], $0x400, $0x38;
	[tilespmem:$0x10200] =	vst v63  }
0x4b: {  	s15 =	smov.u32 s14;
	s12 =	smov.u32 s13;
	p1 =	sne.s32 s14, $0xF80  }
.Ltmp4:
0x4c: {  	s14 =	sadd.s32 $0x80, s14;
	(pc) =	sbr.rel @p1 .LBB2_5-.Ltmp4, $2  }
0x4d: {  	_ =	sdelay $0x2  }
0x4e: {  	s13 =	sadd.s32 $0x400, s13;
	s15 =	sadd.s32 s15, s11  }
.Ltmp5:
0x4f: {  	(pc) =	sbr.rel .LBB2_7-.Ltmp5, $2  }
0x50: {  	_ =	sdelay $0x2  }
0x51: {  	[hbm:s15] =	stream.linear.scatter [tilespmem:s12], [sflag:$0x3], $0x400, $0x38;
	[tilespmem:$0x10200] =	vst v63  }
.LBB2_8:
0x52: {  	_ =	sfence.sel $0x180000  }
0x53: {  	s2 =	simm.s32 $0x2;
	[bflag:$0x0] =	sbarrier.arrive $0xFFFF  }
0x54: {  	s30 =	simm.s32 $0x3;
	[sflag:s2] =	ssyncpa.u1 $0x1  }
0x55: {  	s31 =	simm.s32 $0x1;
	[sflag:s30] =	ssyncpa.u1 $0x1  }
0x56: {  	[sflag:s31] =	ssyncpa.u1 $0x1  }
0x57: {  	p0 =	sne.s32 s1, $0x0;
	_ =	strace $0x9000004D  }
0x58: {  	s0 =	sadd.s32 @!p0 $0x100000, s0;
	[bflag:$0x2] =	sbarrier.arrive $0xFFFF  }
0x59: {  	[sflag:s0] =	ssyncadd.tile.s32 @!p0 $0x1;
	_ =	shalt  }
.Lfunc_end2:
_tile_overlayer_lowered:
.L_overlay_start_2:
0x5a: {  	(tag) =	ssettag $0x2  }
0x5b: {  	s0 =	rddreg [dreg:$0x0];
	s2 =	stileid.u32  }
0x5c: {  	s1 =	rddreg [dreg:$0x1];
	p0 =	sne.s32 s2, $0x0  }
0x5d: {  	s3 =	rddreg [dreg:$0x2];
	[bflag:$0x3] =	sbarrier.arrive $0xFFFF;
	s2 =	simm.s32 @!p0 $0x1C01  }
0x5e: {  	[timem:s3], [sflag:s2] =	dma.local @!p0 [hbm:s0], s1  }
0x5f: {  	s0 =	simm.s32 @!p0 $0x1  }
0x60: {  	_ =	swait.ge @!p0 [sflag:s0], s1  }
0x61: {  	s1 =	ssub.s32 @!p0 $0x0, s1;
	[sflag:s0] =	ssyncset.done @!p0 $0x0  }
0x62: {  	[sflag:s0] =	ssyncadd.s32 @!p0 s1  }
0x63: {  	[bflag:$0x3] =	sbarrier.arrive $0xFFFF  }
0x64: {  	_ =	shalt  }

// kernel: kernel.12.cloned.1.call-start
scs
__scs_entry_jumppad:
0x0: {  	(pc) =	sbr.rel $0x88, $3  }
0x1: {  	(tag) =	ssettag $0x0;
	lr =	simm.s32 $0x1  }
0x2: {  	[smem:$0x3F84] =	sst lr;
	_ =	strace $0xD0000000  }
0x3: {  	_ = 	snop  }
0x4: {  	_ = 	snop  }
0x5: {  	_ = 	snop  }
0x6: {  	_ = 	snop  }
0x7: {  	_ = 	snop  }
__scs_overlays_trampoline_lowered:
0x8: {  	[smem:$0x3F93] =	sst s0  }
0x9: {  	[smem:$0x3F94] =	sst s1  }
0xa: {  	[smem:$0x3F95] =	sst s2  }
0xb: {  	[smem:$0x3F96] =	sst s3  }
0xc: {  	[smem:$0x3F97] =	sst s4  }
0xd: {  	[smem:$0x3F98] =	sst s5  }
0xe: {  	[smem:$0x3F99] =	sst s6  }
0xf: {  	[smem:$0x3F9A] =	sst s7  }
0x10: {  	[smem:$0x3F9B] =	sst s8  }
0x11: {  	[smem:$0x3F9C] =	sst s9;
	s0 =	simm.s32 @!p0 $0x0  }
0x12: {  	s1 =	sld [smem:$0x3F82];
	s0 =	simm.s32 @p0 $0x1  }
0x13: {  	[smem:$0x3F9D] =	sst s0;
	s0 =	simm.s32 @!p1 $0x0  }
0x14: {  	s2 =	sld [smem:$0x3F81];
	s0 =	simm.s32 @p1 $0x1  }
0x15: {  	[smem:$0x3F9E] =	sst s0;
	s0 =	simm.s32 @!p2 $0x0  }
0x16: {  	s3 =	sld [smem:$0x3FDB];
	s0 =	simm.s32 @p2 $0x1  }
0x17: {  	s4 =	simm.s32 $0x1BF5;
	[smem:$0x3FA0] =	sst s0  }
0x18: {  	s0 =	sld [smem:$0x3F83];
	_ =	swait.ge [sflag:s4], $0x0  }
0x19: {  	s7 =	sld [smem:$0x3F84]  }
0x1a: {  	s8 =	sadd.s32 $0xFFFFE003, lr  }
0x1b: {  	s9 =	sadd.s32 $0xFFFFFEF7, lr;
	s5 =	simm.s32 $0xFFFFFFFF;
	p2 =	slt.u32 s8, $0xFFFFF086  }
0x1c: {  	p1 =	slt.u32 s9, $0xF7A;
	s5 =	simm.s32 @!p2 $0x0  }
0x1d: {  	s5 =	simm.s32 @p1 $0x1;
	p0 =	seq.s32 s7, s2  }
0x1e: {  	s7 =	smul.u32 @!p0 $0xF7A, s2;
	p2 =	seq.s32 @!p0 s5, $0x0  }
0x1f: {  	s9 =	smul.u32 $0xF7A, s1;
	s8 =	simm.s32 @!p0 $0x1BF5;
	p2 =	por !p2, p0  }
0x20: {  	[sflag:s8] =	ssyncset.s32 @!p0 $0xFFFFF086;
	s6 =	sadd.s32 @!p0 s3, s7;
	s7 =	simm.s32 @!p0 $0x108  }
0x21: {  	s3 =	sadd.s32 s3, s9;
	s6 =	sadd.s32 @!p0 $0x88, s6;
	s7 =	simm.s32 @p2 $0x1082  }
0x22: {  	[simem:s7], [sflag:s8] =	dma.local @!p0 [hbm:s6], $0xF7A  }
0x23: {  	s9 =	sor.u32 $0xD0000000, s2;
	s6 =	simm.s32 $0x108;
	_ =	swait.ge @!p0 [sflag:s8], $0x0  }
0x24: {  	s3 =	sadd.s32 $0x88, s3;
	s6 =	simm.s32 @!p1 $0x1082;
	[sflag:s4] =	ssyncset.s32 $0xFFFFF086  }
0x25: {  	[simem:s6], [sflag:s4] =	dma.local [hbm:s3], $0xF7A  }
0x26: {  	[smem:$0x3F84] =	sst s1;
	(tag) =	ssettag s2;
	_ =	strace s9  }
0x27: {  	s1 =	sld [smem:$0x3F94]  }
0x28: {  	s2 =	sld [smem:$0x3F95]  }
0x29: {  	s4 =	sld [smem:$0x3F97]  }
0x2a: {  	p0 =	seq.s32 s5, $0x0;
	s5 =	sld [smem:$0x3F98]  }
0x2b: {  	s6 =	sld [smem:$0x3F99]  }
0x2c: {  	s7 =	sld [smem:$0x3F9A]  }
0x2d: {  	s3 =	simm.s32 $0x108;
	s8 =	sld [smem:$0x3F9B]  }
0x2e: {  	s3 =	simm.s32 @!p0 $0x1082;
	s9 =	sld [smem:$0x3F9C]  }
0x2f: {  	lr =	sadd.s32 s0, s3;
	s0 =	sld [smem:$0x3F93]  }
0x30: {  	s3 =	sld [smem:$0x3F96]  }
0x31: {  	[smem:$0x3F9F] =	sst s10  }
0x32: {  	s10 =	sld [smem:$0x3F9D];
	_ =	sdelay $0x3  }
0x33: {  	p0 =	seq.s32 s10, $0x1;
	s10 =	sld [smem:$0x3F9F];
	_ =	sdelay $0x3  }
0x34: {  	[smem:$0x3F9F] =	sst s10  }
0x35: {  	s10 =	sld [smem:$0x3F9E];
	_ =	sdelay $0x3  }
0x36: {  	p1 =	seq.s32 s10, $0x1;
	s10 =	sld [smem:$0x3F9F];
	_ =	sdelay $0x3  }
0x37: {  	[smem:$0x3F9F] =	sst s10  }
0x38: {  	s10 =	sld [smem:$0x3FA0]  }
0x39: {  	_ = 	snop;
	(pc) =	sbr.ind lr, $3  }
0x3a: {  	_ = 	snop  }
0x3b: {  	_ = 	snop  }
0x3c: {  	p2 =	seq.s32 s10, $0x1;
	s10 =	sld [smem:$0x3F9F]  }
0x3d: {  	_ =	shalt  }
0x3e: {  	_ =	shalt  }
0x3f: {  	_ =	shalt  }
0x40: {  	_ =	shalt  }
0x41: {  	_ =	shalt  }
0x42: {  	_ =	shalt  }
0x43: {  	_ =	shalt  }
0x44: {  	_ =	shalt  }
0x45: {  	_ =	shalt  }
0x46: {  	_ =	shalt  }
0x47: {  	_ =	shalt  }
0x48: {  	_ =	shalt  }
0x49: {  	_ =	shalt  }
0x4a: {  	_ =	shalt  }
0x4b: {  	_ =	shalt  }
0x4c: {  	_ =	shalt  }
0x4d: {  	_ =	shalt  }
0x4e: {  	_ =	shalt  }
0x4f: {  	_ =	shalt  }
0x50: {  	_ =	shalt  }
0x51: {  	_ =	shalt  }
0x52: {  	_ =	shalt  }
0x53: {  	_ =	shalt  }
0x54: {  	_ =	shalt  }
0x55: {  	_ =	shalt  }
0x56: {  	_ =	shalt  }
0x57: {  	_ =	shalt  }
0x58: {  	_ =	shalt  }
0x59: {  	_ =	shalt  }
0x5a: {  	_ =	shalt  }
0x5b: {  	_ =	shalt  }
0x5c: {  	_ =	shalt  }
0x5d: {  	_ =	shalt  }
0x5e: {  	_ =	shalt  }
0x5f: {  	_ =	shalt  }
0x60: {  	_ =	shalt  }
0x61: {  	_ =	shalt  }
0x62: {  	_ =	shalt  }
0x63: {  	_ =	shalt  }
0x64: {  	_ =	shalt  }
0x65: {  	_ =	shalt  }
0x66: {  	_ =	shalt  }
0x67: {  	_ =	shalt  }
0x68: {  	_ =	shalt  }
0x69: {  	_ =	shalt  }
0x6a: {  	_ =	shalt  }
0x6b: {  	_ =	shalt  }
0x6c: {  	_ =	shalt  }
0x6d: {  	_ =	shalt  }
0x6e: {  	_ =	shalt  }
0x6f: {  	_ =	shalt  }
0x70: {  	_ =	shalt  }
0x71: {  	_ =	shalt  }
0x72: {  	_ =	shalt  }
0x73: {  	_ =	shalt  }
0x74: {  	_ =	shalt  }
0x75: {  	_ =	shalt  }
0x76: {  	_ =	shalt  }
0x77: {  	_ =	shalt  }
0x78: {  	_ =	shalt  }
0x79: {  	_ =	shalt  }
0x7a: {  	_ =	shalt  }
0x7b: {  	_ =	shalt  }
0x7c: {  	_ =	shalt  }
0x7d: {  	_ =	shalt  }
0x7e: {  	_ =	shalt  }
0x7f: {  	_ =	shalt  }
0x80: {  	_ =	shalt  }
0x81: {  	_ =	shalt  }
0x82: {  	_ =	shalt  }
0x83: {  	_ =	shalt  }
0x84: {  	_ =	shalt  }
0x85: {  	_ =	shalt  }
0x86: {  	_ =	shalt  }
0x87: {  	_ =	shalt  }
.Lfunc_end0:
.L_simem_size_0:
called_computation.2_lowered:
.L_overlay_start_0:
0x88: {  	s2 =	sld [smem:$0x3FD9]  }
0x89: {  	s3 =	sld [smem:$0x3FFE];
	_ =	sdelay $0x1  }
0x8a: {  	s1 =	srdreg.scid  }
0x8b: {  	s0 =	sand.u32 $0x1, s1  }
0x8c: {  	s14 =	sshll.u32 s0, $0xA;
	s2 =	sadd.s32 s3, s2  }
0x8d: {  	s2 =	sadd.s32 s2, s14  }
0x8e: {  	[smem:$0x3FAB] =	sst s2  }
0x8f: {  	_ = 	snop  }
0x90: {  	s2 =	sld [smem:$0x3FD0];
	_ =	sdelay $0x2  }
0x91: {  	s15 =	simm.s32 $0xB;
	s4 =	simm.s32 $0x10  }
0x92: {  	[smem:s4], [sflag:s15] =	dma.local [hbm:s2], $0x1  }
0x93: {  	_ =	swait.eq [sflag:s15], $0x1  }
0x94: {  	[sflag:s15] =	ssyncset.done $0x0  }
0x95: {  	s16 =	sld [smem:$0x11];
	[sflag:s15] =	ssyncadd.s32 $0xFFFFFFFF  }
0x96: {  	s17 =	sld [smem:$0x12];
	(tm) =	ssettm $0x1  }
0x97: {  	s18 =	sld [smem:$0x3FFB];
	_ =	sdelay $0x3  }
0x98: {  	_ =	strace s18  }
0x99: {  	s4 =	sld [smem:$0x3FFC];
	_ =	sdelay $0x3  }
0x9a: {  	_ =	strace s4  }
0x9b: {  	s4 =	sld [smem:$0x3FFD];
	_ =	sdelay $0x3  }
0x9c: {  	_ =	strace s4  }
0x9d: {  	_ =	strace $0x8FFFFFFF  }
0x9e: {  	s19 =	sld [smem:$0x3FDB];
	_ =	sdelay $0x1  }
0x9f: {  	s5 =	simm.s32 $_scs_section_size  }
0xa0: {  	s6 =	simm.s32 $_size__tile_overlayer_lowered;
	s7 =	simm.s32 $_tile_overlayer_lowered  }
0xa1: {  	s22 =	simm.s32 $0x1BFF;
	s21 =	sshll.u32 s7, $0x1;
	s4 =	sadd.s32 s5, s19  }
0xa2: {  	s8 =	simm.s32 $0x0;
	s20 =	sshll.u32 s6, $0x1;
	s6 =	sadd.s32 s21, s4  }
0xa3: {  	[timem:s8], [sflag:s22] =	dma.local [hbm:s6], s20  }
0xa4: {  	_ =	swait.ge [sflag:s22], s20  }
0xa5: {  	s5 =	ssub.s32 $0x0, s20;
	[sflag:s22] =	ssyncset.done $0x0  }
0xa6: {  	[sflag:s22] =	ssyncadd.s32 s5;
	_ =	sdelay $0x1  }
0xa7: {  	s23 =	simm.s32 $0x1B8B  }
0xa8: {  	_ =	swait.ge [sflag:s23], $0x1  }
0xa9: {  	[sflag:s23] =	ssyncset.done $0x0  }
0xaa: {  	s25 =	simm.s32 $0x1B8E;
	s24 =	sld [smem:$0x3FFE];
	[sflag:s23] =	ssyncadd.s32 $0xFFFFFFFF  }
0xab: {  	s26 =	simm.s32 $execute0_lowered;
	[smem:$0x3FD2] =	sst s25  }
0xac: {  	s6 =	sshll.u32 s26, $0x1;
	_ =	strace $0x80000046;
	[dreg:$0x1] =	wrdreg $0xFFFFFFFF  }
0xad: {  	s28 =	simm.s32 $_size_execute0_lowered;
	s4 =	sadd.s32 s4, s6;
	[dreg:$0x0] =	wrdreg $0x0  }
0xae: {  	s6 =	sshll.u32 s28, $0x1;
	[dreg:$0x2] =	wrdreg s4  }
0xaf: {  	[dreg:$0x3] =	wrdreg s6  }
0xb0: {  	[dreg:$0x4] =	wrdreg $0xC0  }
0xb1: {  	_ =	task [dreg:s8], $0x5FFFF  }
0xb2: {  	[dreg:$0x1] =	wrdreg $0xFFFFFFFF  }
0xb3: {  	[dreg:$0x0] =	wrdreg $0x60  }
0xb4: {  	[dreg:$0x2] =	wrdreg s24  }
0xb5: {  	[dreg:$0x3] =	wrdreg s16  }
0xb6: {  	[dreg:$0x4] =	wrdreg s17  }
0xb7: {  	[dreg:$0x5] =	wrdreg $0x10C800  }
0xb8: {  	[dreg:$0x6] =	wrdreg $0x9  }
0xb9: {  	_ =	task.clear_ibuf [dreg:s8], $0x7FFFF;
	_ =	strace $0x90000046  }
0xba: {  	s29 =	simm.s32 $0x9;
	_ =	strace $0x80000048  }
0xbb: {  	_ =	swait.ge [sflag:s29], $0x1  }
0xbc: {  	[sflag:s29] =	ssyncadd.s32 $0xFFFFFFFF  }
0xbd: {  	_ =	strace $0x90000048  }
0xbe: {  	_ =	sfence  }
0xbf: {  	s30 =	sld [smem:$0x0];
	_ =	sdelay $0x2  }
0xc0: {  	s31 =	sshll.u32 s1, $0xD;
	s1 =	sshrl.u32 s1, $0x2  }
0xc1: {  	s3 =	sand.u32 $0x4000, s31;
	s1 =	sadd.s32 s1, s30  }
0xc2: {  	s0 =	sor.u32 s3, s0;
	s1 =	sshll.u32 s1, $0x11  }
0xc3: {  	s0 =	sor.u32 s1, s0  }
0xc4: {  	s0 =	sadd.s32 $0x8F2B, s0  }
0xc5: {  	[sflag:s0] =	ssyncadd.remote.s32 $0x1  }
0xc6: {  	_ =	sfence.sel $0xFFFF  }
0xc7: {  	[dreg:$0x0] =	wrdreg $0xFFFFFFFF;
	(pc) =	sbr.abs _section_cstart, $3  }
0xc8: {  	[dreg:$0x1] =	wrdreg $0xFFFFFFFF  }
0xc9: {  	_ =	task.clear_ibuf [dreg:s8], $0x2FFFF;
	_ =	strace $0x9FFFFFFF  }
0xca: {  	(tm) =	ssettm $0x7FFFFFFF  }
0xcb: {  	_ =	shalt  }
tec
execute0_lowered:
.L_overlay_start_1:
0x0: {  	(tag) =	ssettag $0x1  }
0x1: {  	s0 =	rddreg [dreg:$0x0]  }
0x2: {  	s1 =	rddreg [dreg:$0x1]  }
0x3: {  	s4 =	rddreg [dreg:$0x2]  }
0x4: {  	s2 =	rddreg [dreg:$0x3];
	s3 =	simm.s32 $0x0  }
0x5: {  	s5 =	srdreg.scid;
	s10 =	stileid.u32;
	s15 =	simm.s32 $0x80  }
0x6: {  	s16 =	simm.s32 $0x200;
	s17 =	simm.s32 $0x1;
	s18 =	simm.s32 $0x4000  }
0x7: {  	s19 =	simm.s32 $0x8000;
	s20 =	simm.s32 $0xC000;
	s29 =	simm.s32 $0x11B40  }
0x8: {  	s30 =	simm.s32 $0x11D40;
	s31 =	simm.s32 $0x0;
	[smem:$0x7FF] =	sst s3  }
0x9: {  	s5 =	sand.u32 $0x1, s5;
	s9 =	sshrl.u32 s10, $0x3;
	s21 =	sand.u32 $0x7, s10  }
0xa: {  	s25 =	sshll.u32 s10, $0x7;
	s6 =	sshll.u32 s5, $0x5;
	s7 =	sshll.u32 s9, $0x4  }
0xb: {  	s5 =	ssub.s32 $0x2, s5;
	_ =	strace $0x80000047;
	s26 =	sshll.u32 s21, $0xB  }
0xc: {  	s23 =	sshll.u32 s9, $0xA;
	p0 =	sne.s32 s21, $0x0;
	s21 =	simm.s32 $0x10800  }
0xd: {  	s22 =	sshrl.u32 s25, $0x2;
	s13 =	sor.u32 s6, s7;
	s24 =	sshrl.u32 s5, $0x1  }
0xe: {  	s28 =	sor.u32 $0x4000, s26;
	s0 =	sadd.s32 s13, s0;
	s14 =	ssub.s32 s5, s24  }
.Ltmp0:
0xf: {  	v4 =	vmov s26;
	s5 =	sadd.s32 $0x6000, s0;
	s6 =	sadd.s32 $0x4000, s0;
	(pc) =	sbr.rel .LBB2_1-.Ltmp0, $4  }
0x10: {  	v0 =	vmov s28;
	s8 =	sadd.s32 $0x8000, s0;
	s9 =	sadd.s32 $0xA000, s0;
	s10 =	sadd.s32 $0xA200, s0  }
0x11: {  	s11 =	sadd.s32 $0xA400, s0;
	s12 =	sadd.s32 $0xA600, s0;
	s0 =	sor.u32 $0x8000, s26  }
0x12: {  	s25 =	simm.s32 $0x10CC0;
	s23 =	sshrl.u32 s23, $0x2;
	s7 =	sadd.s32 s1, s13;
	v1 =	vmov s0  }
0x13: {  	v2 =	vimm.f32 $1.000000000e+10;
	v3 =	vlaneseq.u32;
	s13 =	sadd.s32 s4, s13;
	s24 =	simm.s32 $0x10C00;
	s14 =	smax.u32 s14, $0x1  }
.LBB2_7:
0x14: {  	s31 =	sadd.s32 $0x1, s31  }
0x15: {  	p1 =	sne.s32 s31, s14  }
.Ltmp1:
0x16: {  	_ = 	snop;
	(pc) =	sbr.rel @!p1 .LBB2_8-.Ltmp1, $1  }
0x17: {  	_ =	sdelay $0x3  }
.LBB2_1:
0x18: {  	[tilespmem:s3], [sflag:$0x1] =	stream.strided.gather [hbm4b:s5+s15], $0x4000, s16, s15, $0x38;
	[tilespmem:$0x11DC0] =	vst v63  }
0x19: {  	_ =	swait.ge [sflag:s17], $0x4000  }
0x1a: {  	[sflag:s17] =	ssyncset.done $0x0  }
0x1b: {  	[sflag:s17] =	ssyncadd.s32 $0xFFFFC000  }
0x1c: {  	[tilespmem:s18], [sflag:$0x1] =	stream.strided.gather [hbm4b:s6+s15], $0x4000, s16, s15, $0x38;
	[tilespmem:$0x11DC0] =	vst v63  }
0x1d: {  	_ =	swait.ge [sflag:s17], $0x4000  }
0x1e: {  	[sflag:s17] =	ssyncset.done $0x0  }
0x1f: {  	[sflag:s17] =	ssyncadd.s32 $0xFFFFC000  }
0x20: {  	[tilespmem:s19], [sflag:$0x1] =	stream.strided.gather [hbm4b:s7+s15], $0x4000, s16, s15, $0x38;
	[tilespmem:$0x11DC0] =	vst v63  }
0x21: {  	_ =	swait.ge [sflag:s17], $0x4000  }
0x22: {  	[sflag:s17] =	ssyncset.done $0x0  }
0x23: {  	[sflag:s17] =	ssyncadd.s32 $0xFFFFC000  }
0x24: {  	[tilespmem:s20], [sflag:$0x1] =	stream.strided.gather [hbm4b:s8+s15], $0x4000, s16, s15, $0x38;
	[tilespmem:$0x11DC0] =	vst v63  }
0x25: {  	_ =	swait.ge [sflag:s17], $0x4000  }
0x26: {  	[sflag:s17] =	ssyncset.done $0x0  }
0x27: {  	[sflag:s17] =	ssyncadd.s32 $0xFFFFC000  }
0x28: {  	[tilespmem:$0x10000] =	vst v2  }
0x29: {  	[tilespmem:$0x10010] =	vst v2  }
0x2a: {  	[tilespmem:$0x10020] =	vst v2  }
0x2b: {  	[tilespmem:$0x10030] =	vst v2  }
0x2c: {  	[tilespmem:$0x10040] =	vst v2  }
0x2d: {  	[tilespmem:$0x10050] =	vst v2  }
0x2e: {  	[tilespmem:$0x10060] =	vst v2  }
0x2f: {  	[tilespmem:$0x10070] =	vst v2  }
0x30: {  	[tilespmem:$0x10080] =	vst v2  }
0x31: {  	[tilespmem:$0x10090] =	vst v2  }
0x32: {  	[tilespmem:$0x100A0] =	vst v2  }
0x33: {  	[tilespmem:$0x100B0] =	vst v2  }
0x34: {  	[tilespmem:$0x100C0] =	vst v2  }
0x35: {  	[tilespmem:$0x100D0] =	vst v2  }
0x36: {  	[tilespmem:$0x100E0] =	vst v2  }
0x37: {  	[tilespmem:$0x100F0] =	vst v2  }
0x38: {  	[tilespmem:$0x10100] =	vst v2  }
0x39: {  	[tilespmem:$0x10110] =	vst v2  }
0x3a: {  	[tilespmem:$0x10120] =	vst v2  }
0x3b: {  	[tilespmem:$0x10130] =	vst v2  }
0x3c: {  	[tilespmem:$0x10140] =	vst v2  }
0x3d: {  	[tilespmem:$0x10150] =	vst v2  }
0x3e: {  	[tilespmem:$0x10160] =	vst v2  }
0x3f: {  	[tilespmem:$0x10170] =	vst v2  }
0x40: {  	[tilespmem:$0x10180] =	vst v2  }
0x41: {  	[tilespmem:$0x10190] =	vst v2  }
0x42: {  	[tilespmem:$0x101A0] =	vst v2  }
0x43: {  	[tilespmem:$0x101B0] =	vst v2  }
0x44: {  	[tilespmem:$0x101C0] =	vst v2  }
0x45: {  	[tilespmem:$0x101D0] =	vst v2  }
0x46: {  	[tilespmem:$0x101E0] =	vst v2  }
0x47: {  	[tilespmem:$0x101F0] =	vst v2  }
0x48: {  	[tilespmem:$0x10200] =	vst v2  }
0x49: {  	[tilespmem:$0x10210] =	vst v2  }
0x4a: {  	[tilespmem:$0x10220] =	vst v2  }
0x4b: {  	[tilespmem:$0x10230] =	vst v2  }
0x4c: {  	[tilespmem:$0x10240] =	vst v2  }
0x4d: {  	[tilespmem:$0x10250] =	vst v2  }
0x4e: {  	[tilespmem:$0x10260] =	vst v2  }
0x4f: {  	[tilespmem:$0x10270] =	vst v2  }
0x50: {  	[tilespmem:$0x10280] =	vst v2  }
0x51: {  	[tilespmem:$0x10290] =	vst v2  }
0x52: {  	[tilespmem:$0x102A0] =	vst v2  }
0x53: {  	[tilespmem:$0x102B0] =	vst v2  }
0x54: {  	[tilespmem:$0x102C0] =	vst v2  }
0x55: {  	[tilespmem:$0x102D0] =	vst v2  }
0x56: {  	[tilespmem:$0x102E0] =	vst v2  }
0x57: {  	[tilespmem:$0x102F0] =	vst v2  }
0x58: {  	[tilespmem:$0x10300] =	vst v2  }
0x59: {  	[tilespmem:$0x10310] =	vst v2  }
0x5a: {  	[tilespmem:$0x10320] =	vst v2  }
0x5b: {  	[tilespmem:$0x10330] =	vst v2  }
0x5c: {  	[tilespmem:$0x10340] =	vst v2  }
0x5d: {  	[tilespmem:$0x10350] =	vst v2  }
0x5e: {  	[tilespmem:$0x10360] =	vst v2  }
0x5f: {  	[tilespmem:$0x10370] =	vst v2  }
0x60: {  	[tilespmem:$0x10380] =	vst v2  }
0x61: {  	[tilespmem:$0x10390] =	vst v2  }
0x62: {  	[tilespmem:$0x103A0] =	vst v2  }
0x63: {  	[tilespmem:$0x103B0] =	vst v2  }
0x64: {  	[tilespmem:$0x103C0] =	vst v2  }
0x65: {  	[tilespmem:$0x103D0] =	vst v2  }
0x66: {  	[tilespmem:$0x103E0] =	vst v2  }
0x67: {  	[tilespmem:$0x103F0] =	vst v2  }
0x68: {  	[tilespmem:$0x10400] =	vst v2  }
0x69: {  	[tilespmem:$0x10410] =	vst v2  }
0x6a: {  	[tilespmem:$0x10420] =	vst v2  }
0x6b: {  	[tilespmem:$0x10430] =	vst v2  }
0x6c: {  	[tilespmem:$0x10440] =	vst v2  }
0x6d: {  	[tilespmem:$0x10450] =	vst v2  }
0x6e: {  	[tilespmem:$0x10460] =	vst v2  }
0x6f: {  	[tilespmem:$0x10470] =	vst v2  }
0x70: {  	[tilespmem:$0x10480] =	vst v2  }
0x71: {  	[tilespmem:$0x10490] =	vst v2  }
0x72: {  	[tilespmem:$0x104A0] =	vst v2  }
0x73: {  	[tilespmem:$0x104B0] =	vst v2  }
0x74: {  	[tilespmem:$0x104C0] =	vst v2  }
0x75: {  	[tilespmem:$0x104D0] =	vst v2  }
0x76: {  	[tilespmem:$0x104E0] =	vst v2  }
0x77: {  	[tilespmem:$0x104F0] =	vst v2  }
0x78: {  	[tilespmem:$0x10500] =	vst v2  }
0x79: {  	[tilespmem:$0x10510] =	vst v2  }
0x7a: {  	[tilespmem:$0x10520] =	vst v2  }
0x7b: {  	[tilespmem:$0x10530] =	vst v2  }
0x7c: {  	[tilespmem:$0x10540] =	vst v2  }
0x7d: {  	[tilespmem:$0x10550] =	vst v2  }
0x7e: {  	[tilespmem:$0x10560] =	vst v2  }
0x7f: {  	[tilespmem:$0x10570] =	vst v2  }
0x80: {  	[tilespmem:$0x10580] =	vst v2  }
0x81: {  	[tilespmem:$0x10590] =	vst v2  }
0x82: {  	[tilespmem:$0x105A0] =	vst v2  }
0x83: {  	[tilespmem:$0x105B0] =	vst v2  }
0x84: {  	[tilespmem:$0x105C0] =	vst v2  }
0x85: {  	[tilespmem:$0x105D0] =	vst v2  }
0x86: {  	[tilespmem:$0x105E0] =	vst v2  }
0x87: {  	[tilespmem:$0x105F0] =	vst v2  }
0x88: {  	[tilespmem:$0x10600] =	vst v2  }
0x89: {  	[tilespmem:$0x10610] =	vst v2  }
0x8a: {  	[tilespmem:$0x10620] =	vst v2  }
0x8b: {  	[tilespmem:$0x10630] =	vst v2  }
0x8c: {  	[tilespmem:$0x10640] =	vst v2  }
0x8d: {  	[tilespmem:$0x10650] =	vst v2  }
0x8e: {  	[tilespmem:$0x10660] =	vst v2  }
0x8f: {  	[tilespmem:$0x10670] =	vst v2  }
0x90: {  	[tilespmem:$0x10680] =	vst v2  }
0x91: {  	[tilespmem:$0x10690] =	vst v2  }
0x92: {  	[tilespmem:$0x106A0] =	vst v2  }
0x93: {  	[tilespmem:$0x106B0] =	vst v2  }
0x94: {  	[tilespmem:$0x106C0] =	vst v2  }
0x95: {  	[tilespmem:$0x106D0] =	vst v2  }
0x96: {  	[tilespmem:$0x106E0] =	vst v2  }
0x97: {  	[tilespmem:$0x106F0] =	vst v2  }
0x98: {  	[tilespmem:$0x10700] =	vst v2  }
0x99: {  	[tilespmem:$0x10710] =	vst v2  }
0x9a: {  	[tilespmem:$0x10720] =	vst v2  }
0x9b: {  	[tilespmem:$0x10730] =	vst v2  }
0x9c: {  	[tilespmem:$0x10740] =	vst v2  }
0x9d: {  	[tilespmem:$0x10750] =	vst v2  }
0x9e: {  	[tilespmem:$0x10760] =	vst v2  }
0x9f: {  	[tilespmem:$0x10770] =	vst v2  }
0xa0: {  	[tilespmem:$0x10780] =	vst v2  }
0xa1: {  	[tilespmem:$0x10790] =	vst v2  }
0xa2: {  	[tilespmem:$0x107A0] =	vst v2  }
0xa3: {  	[tilespmem:$0x107B0] =	vst v2  }
0xa4: {  	[tilespmem:$0x107C0] =	vst v2  }
0xa5: {  	[tilespmem:$0x107D0] =	vst v2  }
0xa6: {  	[tilespmem:$0x107E0] =	vst v2  }
0xa7: {  	v7 =	vimm.s32 $0x0;
	s0 =	simm.s32 $0x0;
	[tilespmem:$0x107F0] =	vst v2  }
.LBB2_2:
0xa8: {  	v5 =	vmov s0;
	_ =	sdelay $0x4  }
0xa9: {  	s1 =	simm.s32 $0x0;
	[tilespmem:v5+s21+$0x0] =	vst.idx.msk $0x1, v7  }
0xaa: {  	v5 =	vld.idx.msk [tilespmem:v7+s1+$0x0], $0xffff  }
0xab: {  	s4 =	simm.s32 $0x0;
	v6 =	vld.idx.msk [tilespmem:v7+s18+$0x0], $0xffff  }
0xac: {  	v8 =	vld.idx.msk [tilespmem:v4+s4+$0x0 ss:$0x1], $0xffff  }
0xad: {  	v9 =	vld.idx.msk [tilespmem:v0+s4+$0x0 ss:$0x1], $0xffff  }
0xae: {  	v7 =	vld.idx.msk [tilespmem:v7+s19+$0x0], $0xffff  }
0xaf: {  	v10 =	vld.idx.msk [tilespmem:v1+s4+$0x0 ss:$0x1], $0xffff;
	_ =	sdelay $0x2  }
0xb0: {  	v8 =	vsub.f32 v8, v5;
	v9 =	vsub.f32 v9, v6;
	_ =	sdelay $0x1  }
0xb1: {  	v10 =	vsub.f32 v10, v7;
	v8 =	vmul.f32 v8, v8;
	v9 =	vmul.f32 v9, v9  }
0xb2: {  	v11 =	vld [tilespmem:s4+$0x10000]  }
0xb3: {  	v8 =	vadd.f32 v9, v8;
	v9 =	vmul.f32 v10, v10;
	_ =	sdelay $0x1  }
0xb4: {  	v9 =	vadd.f32 v9, v8;
	_ =	sdelay $0x1  }
0xb5: {  	v8 =	vimm.f32 $-1.000000000e+00;
	v10 =	vmin.f32 v11, v9  }
0xb6: {  	s28 =	simm.s32 $0x80;
	s1 =	simm.s32 $0x10;
	v11 =	vor.u32 s26, v3;
	v9 =	vimm.s32 $0x0;
	[tilespmem:s4+$0x10000] =	vst v10;
	vm0 =	vgt.f32 v10, v8;
	s4 =	smov.u32 s26  }
.LBB2_3:
0xb7: {  	p1 =	sne.s32 s28, $0x1FC0;
	v12 =	vld.idx.msk [tilespmem:v4+s1+$0x0 ss:$0x1], $0xffff;
	v8 =	vsel vm0, v10, v8;
	v9 =	vsel vm0, v11, v9  }
0xb8: {  	v10 =	vld.idx.msk [tilespmem:v0+s1+$0x0 ss:$0x1], $0xffff;
	_ =	sdelay $0x1  }
0xb9: {  	v11 =	vld.idx.msk [tilespmem:v1+s1+$0x0 ss:$0x1], $0xffff;
	_ =	sdelay $0x3  }
0xba: {  	v12 =	vsub.f32 v12, v5;
	v10 =	vsub.f32 v10, v6;
	_ =	sdelay $0x1  }
0xbb: {  	v12 =	vmul.f32 v12, v12;
	v11 =	vsub.f32 v11, v7;
	v10 =	vmul.f32 v10, v10  }
0xbc: {  	v13 =	vld [tilespmem:s1+$0x10000]  }
0xbd: {  	v10 =	vadd.f32 v10, v12;
	v11 =	vmul.f32 v11, v11  }
.Ltmp2:
0xbe: {  	(pc) =	sbr.rel @p1 .LBB2_3-.Ltmp2, $3  }
0xbf: {  	v10 =	vadd.f32 v11, v10;
	_ =	sdelay $0x1  }
0xc0: {  	s4 =	sadd.s32 $0x10, s4;
	v10 =	vmin.f32 v13, v10  }
0xc1: {  	v11 =	vor.u32 s4, v3;
	[tilespmem:s1+$0x10000] =	vst v10;
	s1 =	sshra.s32 s28, $0x2;
	s28 =	sadd.s32 $0x40, s28;
	vm0 =	vgt.f32 v10, v8  }
0xc2: {  	_ =	sdelay $0x3  }
0xc3: {  	v12 =	vld.idx.msk [tilespmem:v4+s1+$0x0 ss:$0x1], $0xffff  }
0xc4: {  	v13 =	vld.idx.msk [tilespmem:v0+s1+$0x0 ss:$0x1], $0xffff;
	_ =	sdelay $0x1  }
0xc5: {  	v14 =	vld.idx.msk [tilespmem:v1+s1+$0x0 ss:$0x1], $0xffff;
	_ =	sdelay $0x2  }
0xc6: {  	v5 =	vsub.f32 v12, v5;
	v6 =	vsub.f32 v13, v6;
	_ =	sdelay $0x1  }
0xc7: {  	v7 =	vsub.f32 v14, v7;
	v5 =	vmul.f32 v5, v5;
	v6 =	vmul.f32 v6, v6  }
0xc8: {  	v54 =	vld [tilespmem:s1+$0x10000]  }
0xc9: {  	v5 =	vadd.f32 v6, v5;
	v6 =	vmul.f32 v7, v7;
	_ =	sdelay $0x1  }
0xca: {  	v5 =	vadd.f32 v6, v5;
	_ =	sdelay $0x1  }
0xcb: {  	v6 =	vsel vm0, v10, v8;
	v5 =	vmin.f32 v54, v5  }
0xcc: {  	vm1 =	vgt.f32 v5, v6  }
0xcd: {  	v6 =	vsel vm1, v5, v6  }
0xce: {  	(xrf0) =	vmax.scan.msk.f32 $0xffff, v6;
	_ =	sdelay $0x5  }
0xcf: {  	s4 =	sadd.s32 $0x10, s4;
	v7, _, _ =	vpop (xrf0)  }
0xd0: {  	v55 =	vor.u32 s4, v3;
	v8 =	vsel vm0, v11, v9;
	v7 =	vbroadcast v7, $0xF  }
0xd1: {  	v8 =	vsel vm1, v55, v8  }
0xd2: {  	vm9 =	veq.f32 v6, v7;
	v6 =	vxor.u32 $0x80000000, v8  }
0xd3: {  	v6 =	vnsel vm9, $0x80004000, v6  }
0xd4: {  	(xrf0) =	vmin.scan.msk.u32 $0xffff, v6;
	_ =	sdelay $0x5  }
0xd5: {  	v6, _, _ =	vpop (xrf0)  }
0xd6: {  	(v2sf) =	vpush v6, $0xF;
	_ =	sdelay $0xe  }
0xd7: {  	s28 =	sshll.u32 s0, $0x9;
	s4 =	spop (v2sf)  }
0xd8: {  	s28 =	sand.u32 $0x200, s28;
	[tilespmem:s1+$0x10000] =	vst v5;
	s4 =	sxor.u32 $0x80000000, s4  }
0xd9: {  	s28 =	sadd.s32 s28, s2;
	[tilespmem:$0x10C00] =	vst v7;
	v5 =	vmov s4  }
0xda: {  	s4 =	sadd.s32 s22, s28;
	[tilespmem:$0x10C10] =	vst v5  }
0xdb: {  	[spmem:s4] =	stream.linear.scatter [tilespmem:s24], [sflag:$0x1], $0x20, $0x38;
	[tilespmem:$0x11DC0] =	vst v63  }
0xdc: {  	_ =	swait.ge [sflag:s17], $0x20  }
0xdd: {  	[sflag:s17] =	ssyncset.done $0x0  }
0xde: {  	[sflag:s17] =	ssyncadd.s32 $0xFFFFFFE0  }
0xdf: {  	s1 =	sadd.s32 s23, s28;
	[bflag:$0x0] =	sbarrier.arrive $0xFFFF  }
0xe0: {  	[tilespmem:s25], [sflag:$0x1] =	stream.linear.gather [spmem:s1], $0x100, $0x38;
	[tilespmem:$0x11DC0] =	vst v63  }
0xe1: {  	_ =	swait.ge [sflag:s17], $0x100  }
0xe2: {  	[sflag:s17] =	ssyncset.done $0x0  }
0xe3: {  	[sflag:s17] =	ssyncadd.s32 $0xFFFFFF00  }
0xe4: {  	v5 =	vld [tilespmem:$0x10CC0]  }
0xe5: {  	v6 =	vld [tilespmem:$0x10CD0]  }
0xe6: {  	v7 =	vld [tilespmem:$0x10CE0]  }
0xe7: {  	v8 =	vld [tilespmem:$0x10CF0]  }
0xe8: {  	v56 =	vld [tilespmem:$0x10D00]  }
0xe9: {  	v57 =	vld [tilespmem:$0x10D10];
	vm10 =	vgt.f32 v5, $-1.000000000e+00  }
0xea: {  	v58 =	vld [tilespmem:$0x10D20];
	v5 =	vnsel vm10, $0xBF800000, v5  }
0xeb: {  	v59 =	vld [tilespmem:$0x10D30];
	vm11 =	vgt.f32 v7, v5  }
0xec: {  	v5 =	vsel vm11, v7, v5;
	v7 =	vld [tilespmem:$0x10D40]  }
0xed: {  	v60 =	vld [tilespmem:$0x10D50];
	vm2 =	vgt.f32 v56, v5  }
0xee: {  	v61 =	vld [tilespmem:$0x10D60];
	v5 =	vsel vm2, v56, v5  }
0xef: {  	v62 =	vld [tilespmem:$0x10D70];
	vm3 =	vgt.f32 v58, v5  }
0xf0: {  	v63 =	vld [tilespmem:$0x10D80];
	v5 =	vsel vm3, v58, v5  }
0xf1: {  	v15 =	vld [tilespmem:$0x10D90];
	v6 =	vnsel vm10, $0x0, v6;
	vm12 =	vgt.f32 v7, v5  }
0xf2: {  	v6 =	vsel vm11, v8, v6;
	v5 =	vsel vm12, v7, v5;
	v7 =	vld [tilespmem:$0x10DA0]  }
0xf3: {  	v8 =	vld [tilespmem:$0x10DB0];
	v6 =	vsel vm2, v57, v6;
	vm13 =	vgt.f32 v61, v5  }
0xf4: {  	s0 =	sadd.s32 $0x1, s0;
	v6 =	vsel vm3, v59, v6;
	v5 =	vsel vm13, v61, v5  }
0xf5: {  	p1 =	sne.s32 s0, $0x400;
	v6 =	vsel vm12, v60, v6;
	vm14 =	vgt.f32 v63, v5  }
.Ltmp3:
0xf6: {  	v6 =	vsel vm13, v62, v6;
	v5 =	vsel vm14, v63, v5;
	(pc) =	sbr.rel @p1 .LBB2_2-.Ltmp3, $4  }
0xf7: {  	v6 =	vsel vm14, v15, v6;
	vm15 =	vgt.f32 v7, v5  }
0xf8: {  	v5 =	vsel vm15, v8, v6  }
0xf9: {  	vm0 =	vlt.u32 v5, $0x4000  }
0xfa: {  	v7 =	vnsel vm0, $0x0, v5  }
.Ltmp4:
0xfb: {  	(pc) =	sbr.rel @p0 .LBB2_7-.Ltmp4, $1  }
0xfc: {  	_ =	sdelay $0x3  }
0xfd: {  	v5 =	vld [tilespmem:$0x10800];
	_ =	sdelay $0x7  }
0xfe: {  	v6 =	vld.idx.msk [tilespmem:v5+s3+$0x0], $0xffff;
	_ =	sdelay $0x4  }
0xff: {  	[tilespmem:$0x10DC0] =	vst v6  }
0x100: {  	v6 =	vld.idx.msk [tilespmem:v5+s18+$0x0], $0xffff;
	_ =	sdelay $0x4  }
0x101: {  	[tilespmem:$0x10E40] =	vst v6  }
0x102: {  	v6 =	vld.idx.msk [tilespmem:v5+s19+$0x0], $0xffff;
	_ =	sdelay $0x3  }
0x103: {  	v7 =	vld [tilespmem:$0x10810]  }
0x104: {  	[tilespmem:$0x10EC0] =	vst v6  }
0x105: {  	v5 =	vld.idx.msk [tilespmem:v5+s20+$0x0], $0xffff;
	_ =	sdelay $0x4  }
0x106: {  	[tilespmem:$0x10F40] =	vst v5  }
0x107: {  	v5 =	vld.idx.msk [tilespmem:v7+s3+$0x0], $0xffff;
	_ =	sdelay $0x4  }
0x108: {  	[tilespmem:$0x10DD0] =	vst v5  }
0x109: {  	v5 =	vld.idx.msk [tilespmem:v7+s18+$0x0], $0xffff;
	_ =	sdelay $0x4  }
0x10a: {  	[tilespmem:$0x10E50] =	vst v5  }
0x10b: {  	v5 =	vld.idx.msk [tilespmem:v7+s19+$0x0], $0xffff;
	_ =	sdelay $0x3  }
0x10c: {  	v6 =	vld [tilespmem:$0x10820]  }
0x10d: {  	[tilespmem:$0x10ED0] =	vst v5  }
0x10e: {  	v5 =	vld.idx.msk [tilespmem:v7+s20+$0x0], $0xffff;
	_ =	sdelay $0x4  }
0x10f: {  	[tilespmem:$0x10F50] =	vst v5  }
0x110: {  	v5 =	vld.idx.msk [tilespmem:v6+s3+$0x0], $0xffff;
	_ =	sdelay $0x4  }
0x111: {  	[tilespmem:$0x10DE0] =	vst v5  }
0x112: {  	v5 =	vld.idx.msk [tilespmem:v6+s18+$0x0], $0xffff;
	_ =	sdelay $0x4  }
0x113: {  	[tilespmem:$0x10E60] =	vst v5  }
0x114: {  	v5 =	vld.idx.msk [tilespmem:v6+s19+$0x0], $0xffff;
	_ =	sdelay $0x3  }
0x115: {  	v7 =	vld [tilespmem:$0x10830]  }
0x116: {  	[tilespmem:$0x10EE0] =	vst v5  }
0x117: {  	v5 =	vld.idx.msk [tilespmem:v6+s20+$0x0], $0xffff;
	_ =	sdelay $0x4  }
0x118: {  	[tilespmem:$0x10F60] =	vst v5  }
0x119: {  	v5 =	vld.idx.msk [tilespmem:v7+s3+$0x0], $0xffff;
	_ =	sdelay $0x4  }
0x11a: {  	[tilespmem:$0x10DF0] =	vst v5  }
0x11b: {  	v5 =	vld.idx.msk [tilespmem:v7+s18+$0x0], $0xffff;
	_ =	sdelay $0x4  }
0x11c: {  	[tilespmem:$0x10E70] =	vst v5  }
0x11d: {  	v5 =	vld.idx.msk [tilespmem:v7+s19+$0x0], $0xffff;
	_ =	sdelay $0x3  }
0x11e: {  	v6 =	vld [tilespmem:$0x10840]  }
0x11f: {  	[tilespmem:$0x10EF0] =	vst v5  }
0x120: {  	v5 =	vld.idx.msk [tilespmem:v7+s20+$0x0], $0xffff;
	_ =	sdelay $0x4  }
0x121: {  	[tilespmem:$0x10F70] =	vst v5  }
0x122: {  	v5 =	vld.idx.msk [tilespmem:v6+s3+$0x0], $0xffff;
	_ =	sdelay $0x4  }
0x123: {  	[tilespmem:$0x10E00] =	vst v5  }
0x124: {  	v5 =	vld.idx.msk [tilespmem:v6+s18+$0x0], $0xffff;
	_ =	sdelay $0x4  }
0x125: {  	[tilespmem:$0x10E80] =	vst v5  }
0x126: {  	v5 =	vld.idx.msk [tilespmem:v6+s19+$0x0], $0xffff;
	_ =	sdelay $0x3  }
0x127: {  	v7 =	vld [tilespmem:$0x10850]  }
0x128: {  	[tilespmem:$0x10F00] =	vst v5  }
0x129: {  	v5 =	vld.idx.msk [tilespmem:v6+s20+$0x0], $0xffff;
	_ =	sdelay $0x4  }
0x12a: {  	[tilespmem:$0x10F80] =	vst v5  }
0x12b: {  	v5 =	vld.idx.msk [tilespmem:v7+s3+$0x0], $0xffff;
	_ =	sdelay $0x4  }
0x12c: {  	[tilespmem:$0x10E10] =	vst v5  }
0x12d: {  	v5 =	vld.idx.msk [tilespmem:v7+s18+$0x0], $0xffff;
	_ =	sdelay $0x4  }
0x12e: {  	[tilespmem:$0x10E90] =	vst v5  }
0x12f: {  	v5 =	vld.idx.msk [tilespmem:v7+s19+$0x0], $0xffff;
	_ =	sdelay $0x3  }
0x130: {  	v6 =	vld [tilespmem:$0x10860]  }
0x131: {  	[tilespmem:$0x10F10] =	vst v5  }
0x132: {  	v5 =	vld.idx.msk [tilespmem:v7+s20+$0x0], $0xffff;
	_ =	sdelay $0x4  }
0x133: {  	[tilespmem:$0x10F90] =	vst v5  }
0x134: {  	v5 =	vld.idx.msk [tilespmem:v6+s3+$0x0], $0xffff;
	_ =	sdelay $0x4  }
0x135: {  	[tilespmem:$0x10E20] =	vst v5  }
0x136: {  	v5 =	vld.idx.msk [tilespmem:v6+s18+$0x0], $0xffff;
	_ =	sdelay $0x4  }
0x137: {  	[tilespmem:$0x10EA0] =	vst v5  }
0x138: {  	v5 =	vld.idx.msk [tilespmem:v6+s19+$0x0], $0xffff;
	_ =	sdelay $0x3  }
0x139: {  	v7 =	vld [tilespmem:$0x10870]  }
0x13a: {  	[tilespmem:$0x10F20] =	vst v5  }
0x13b: {  	v5 =	vld.idx.msk [tilespmem:v6+s20+$0x0], $0xffff;
	_ =	sdelay $0x4  }
0x13c: {  	[tilespmem:$0x10FA0] =	vst v5  }
0x13d: {  	v5 =	vld.idx.msk [tilespmem:v7+s3+$0x0], $0xffff;
	_ =	sdelay $0x4  }
0x13e: {  	[tilespmem:$0x10E30] =	vst v5  }
0x13f: {  	v5 =	vld.idx.msk [tilespmem:v7+s18+$0x0], $0xffff;
	_ =	sdelay $0x4  }
0x140: {  	[tilespmem:$0x10EB0] =	vst v5  }
0x141: {  	v5 =	vld.idx.msk [tilespmem:v7+s19+$0x0], $0xffff;
	_ =	sdelay $0x3  }
0x142: {  	v6 =	vld [tilespmem:$0x10880]  }
0x143: {  	[tilespmem:$0x10F30] =	vst v5  }
0x144: {  	v5 =	vld.idx.msk [tilespmem:v7+s20+$0x0], $0xffff;
	_ =	sdelay $0x4  }
0x145: {  	[tilespmem:$0x10FB0] =	vst v5  }
0x146: {  	v5 =	vld.idx.msk [tilespmem:v6+s3+$0x0], $0xffff;
	_ =	sdelay $0x4  }
0x147: {  	[tilespmem:$0x10FC0] =	vst v5  }
0x148: {  	v5 =	vld.idx.msk [tilespmem:v6+s18+$0x0], $0xffff;
	_ =	sdelay $0x4  }
0x149: {  	[tilespmem:$0x11040] =	vst v5  }
0x14a: {  	v5 =	vld.idx.msk [tilespmem:v6+s19+$0x0], $0xffff;
	_ =	sdelay $0x3  }
0x14b: {  	v7 =	vld [tilespmem:$0x10890]  }
0x14c: {  	[tilespmem:$0x110C0] =	vst v5  }
0x14d: {  	v5 =	vld.idx.msk [tilespmem:v6+s20+$0x0], $0xffff;
	_ =	sdelay $0x4  }
0x14e: {  	[tilespmem:$0x11140] =	vst v5  }
0x14f: {  	v5 =	vld.idx.msk [tilespmem:v7+s3+$0x0], $0xffff;
	_ =	sdelay $0x4  }
0x150: {  	[tilespmem:$0x10FD0] =	vst v5  }
0x151: {  	v5 =	vld.idx.msk [tilespmem:v7+s18+$0x0], $0xffff;
	_ =	sdelay $0x4  }
0x152: {  	[tilespmem:$0x11050] =	vst v5  }
0x153: {  	v5 =	vld.idx.msk [tilespmem:v7+s19+$0x0], $0xffff;
	_ =	sdelay $0x3  }
0x154: {  	v6 =	vld [tilespmem:$0x108A0]  }
0x155: {  	[tilespmem:$0x110D0] =	vst v5  }
0x156: {  	v5 =	vld.idx.msk [tilespmem:v7+s20+$0x0], $0xffff;
	_ =	sdelay $0x4  }
0x157: {  	[tilespmem:$0x11150] =	vst v5  }
0x158: {  	v5 =	vld.idx.msk [tilespmem:v6+s3+$0x0], $0xffff;
	_ =	sdelay $0x4  }
0x159: {  	[tilespmem:$0x10FE0] =	vst v5  }
0x15a: {  	v5 =	vld.idx.msk [tilespmem:v6+s18+$0x0], $0xffff;
	_ =	sdelay $0x4  }
0x15b: {  	[tilespmem:$0x11060] =	vst v5  }
0x15c: {  	v5 =	vld.idx.msk [tilespmem:v6+s19+$0x0], $0xffff;
	_ =	sdelay $0x3  }
0x15d: {  	v7 =	vld [tilespmem:$0x108B0]  }
0x15e: {  	[tilespmem:$0x110E0] =	vst v5  }
0x15f: {  	v5 =	vld.idx.msk [tilespmem:v6+s20+$0x0], $0xffff;
	_ =	sdelay $0x4  }
0x160: {  	[tilespmem:$0x11160] =	vst v5  }
0x161: {  	v5 =	vld.idx.msk [tilespmem:v7+s3+$0x0], $0xffff;
	_ =	sdelay $0x4  }
0x162: {  	[tilespmem:$0x10FF0] =	vst v5  }
0x163: {  	v5 =	vld.idx.msk [tilespmem:v7+s18+$0x0], $0xffff;
	_ =	sdelay $0x4  }
0x164: {  	[tilespmem:$0x11070] =	vst v5  }
0x165: {  	v5 =	vld.idx.msk [tilespmem:v7+s19+$0x0], $0xffff;
	_ =	sdelay $0x3  }
0x166: {  	v6 =	vld [tilespmem:$0x108C0]  }
0x167: {  	[tilespmem:$0x110F0] =	vst v5  }
0x168: {  	v5 =	vld.idx.msk [tilespmem:v7+s20+$0x0], $0xffff;
	_ =	sdelay $0x4  }
0x169: {  	[tilespmem:$0x11170] =	vst v5  }
0x16a: {  	v5 =	vld.idx.msk [tilespmem:v6+s3+$0x0], $0xffff;
	_ =	sdelay $0x4  }
0x16b: {  	[tilespmem:$0x11000] =	vst v5  }
0x16c: {  	v5 =	vld.idx.msk [tilespmem:v6+s18+$0x0], $0xffff;
	_ =	sdelay $0x4  }
0x16d: {  	[tilespmem:$0x11080] =	vst v5  }
0x16e: {  	v5 =	vld.idx.msk [tilespmem:v6+s19+$0x0], $0xffff;
	_ =	sdelay $0x3  }
0x16f: {  	v7 =	vld [tilespmem:$0x108D0]  }
0x170: {  	[tilespmem:$0x11100] =	vst v5  }
0x171: {  	v5 =	vld.idx.msk [tilespmem:v6+s20+$0x0], $0xffff;
	_ =	sdelay $0x4  }
0x172: {  	[tilespmem:$0x11180] =	vst v5  }
0x173: {  	v5 =	vld.idx.msk [tilespmem:v7+s3+$0x0], $0xffff;
	_ =	sdelay $0x4  }
0x174: {  	[tilespmem:$0x11010] =	vst v5  }
0x175: {  	v5 =	vld.idx.msk [tilespmem:v7+s18+$0x0], $0xffff;
	_ =	sdelay $0x4  }
0x176: {  	[tilespmem:$0x11090] =	vst v5  }
0x177: {  	v5 =	vld.idx.msk [tilespmem:v7+s19+$0x0], $0xffff;
	_ =	sdelay $0x3  }
0x178: {  	v6 =	vld [tilespmem:$0x108E0]  }
0x179: {  	[tilespmem:$0x11110] =	vst v5  }
0x17a: {  	v5 =	vld.idx.msk [tilespmem:v7+s20+$0x0], $0xffff;
	_ =	sdelay $0x4  }
0x17b: {  	[tilespmem:$0x11190] =	vst v5  }
0x17c: {  	v5 =	vld.idx.msk [tilespmem:v6+s3+$0x0], $0xffff;
	_ =	sdelay $0x4  }
0x17d: {  	[tilespmem:$0x11020] =	vst v5  }
0x17e: {  	v5 =	vld.idx.msk [tilespmem:v6+s18+$0x0], $0xffff;
	_ =	sdelay $0x4  }
0x17f: {  	[tilespmem:$0x110A0] =	vst v5  }
0x180: {  	v5 =	vld.idx.msk [tilespmem:v6+s19+$0x0], $0xffff;
	_ =	sdelay $0x3  }
0x181: {  	v7 =	vld [tilespmem:$0x108F0]  }
0x182: {  	[tilespmem:$0x11120] =	vst v5  }
0x183: {  	v5 =	vld.idx.msk [tilespmem:v6+s20+$0x0], $0xffff;
	_ =	sdelay $0x4  }
0x184: {  	[tilespmem:$0x111A0] =	vst v5  }
0x185: {  	v5 =	vld.idx.msk [tilespmem:v7+s3+$0x0], $0xffff;
	_ =	sdelay $0x4  }
0x186: {  	[tilespmem:$0x11030] =	vst v5  }
0x187: {  	v5 =	vld.idx.msk [tilespmem:v7+s18+$0x0], $0xffff;
	_ =	sdelay $0x4  }
0x188: {  	[tilespmem:$0x110B0] =	vst v5  }
0x189: {  	v5 =	vld.idx.msk [tilespmem:v7+s19+$0x0], $0xffff;
	_ =	sdelay $0x3  }
0x18a: {  	v6 =	vld [tilespmem:$0x10900]  }
0x18b: {  	[tilespmem:$0x11130] =	vst v5  }
0x18c: {  	v5 =	vld.idx.msk [tilespmem:v7+s20+$0x0], $0xffff;
	_ =	sdelay $0x4  }
0x18d: {  	[tilespmem:$0x111B0] =	vst v5  }
0x18e: {  	v5 =	vld.idx.msk [tilespmem:v6+s3+$0x0], $0xffff;
	_ =	sdelay $0x4  }
0x18f: {  	[tilespmem:$0x111C0] =	vst v5  }
0x190: {  	v5 =	vld.idx.msk [tilespmem:v6+s18+$0x0], $0xffff;
	_ =	sdelay $0x4  }
0x191: {  	[tilespmem:$0x11240] =	vst v5  }
0x192: {  	v5 =	vld.idx.msk [tilespmem:v6+s19+$0x0], $0xffff;
	_ =	sdelay $0x3  }
0x193: {  	v7 =	vld [tilespmem:$0x10910]  }
0x194: {  	[tilespmem:$0x112C0] =	vst v5  }
0x195: {  	v5 =	vld.idx.msk [tilespmem:v6+s20+$0x0], $0xffff;
	_ =	sdelay $0x4  }
0x196: {  	[tilespmem:$0x11340] =	vst v5  }
0x197: {  	v5 =	vld.idx.msk [tilespmem:v7+s3+$0x0], $0xffff;
	_ =	sdelay $0x4  }
0x198: {  	[tilespmem:$0x111D0] =	vst v5  }
0x199: {  	v5 =	vld.idx.msk [tilespmem:v7+s18+$0x0], $0xffff;
	_ =	sdelay $0x4  }
0x19a: {  	[tilespmem:$0x11250] =	vst v5  }
0x19b: {  	v5 =	vld.idx.msk [tilespmem:v7+s19+$0x0], $0xffff;
	_ =	sdelay $0x3  }
0x19c: {  	v6 =	vld [tilespmem:$0x10920]  }
0x19d: {  	[tilespmem:$0x112D0] =	vst v5  }
0x19e: {  	v5 =	vld.idx.msk [tilespmem:v7+s20+$0x0], $0xffff;
	_ =	sdelay $0x4  }
0x19f: {  	[tilespmem:$0x11350] =	vst v5  }
0x1a0: {  	v5 =	vld.idx.msk [tilespmem:v6+s3+$0x0], $0xffff;
	_ =	sdelay $0x4  }
0x1a1: {  	[tilespmem:$0x111E0] =	vst v5  }
0x1a2: {  	v5 =	vld.idx.msk [tilespmem:v6+s18+$0x0], $0xffff;
	_ =	sdelay $0x4  }
0x1a3: {  	[tilespmem:$0x11260] =	vst v5  }
0x1a4: {  	v5 =	vld.idx.msk [tilespmem:v6+s19+$0x0], $0xffff;
	_ =	sdelay $0x3  }
0x1a5: {  	v7 =	vld [tilespmem:$0x10930]  }
0x1a6: {  	[tilespmem:$0x112E0] =	vst v5  }
0x1a7: {  	v5 =	vld.idx.msk [tilespmem:v6+s20+$0x0], $0xffff;
	_ =	sdelay $0x4  }
0x1a8: {  	[tilespmem:$0x11360] =	vst v5  }
0x1a9: {  	v5 =	vld.idx.msk [tilespmem:v7+s3+$0x0], $0xffff;
	_ =	sdelay $0x4  }
0x1aa: {  	[tilespmem:$0x111F0] =	vst v5  }
0x1ab: {  	v5 =	vld.idx.msk [tilespmem:v7+s18+$0x0], $0xffff;
	_ =	sdelay $0x4  }
0x1ac: {  	[tilespmem:$0x11270] =	vst v5  }
0x1ad: {  	v5 =	vld.idx.msk [tilespmem:v7+s19+$0x0], $0xffff;
	_ =	sdelay $0x3  }
0x1ae: {  	v6 =	vld [tilespmem:$0x10940]  }
0x1af: {  	[tilespmem:$0x112F0] =	vst v5  }
0x1b0: {  	v5 =	vld.idx.msk [tilespmem:v7+s20+$0x0], $0xffff;
	_ =	sdelay $0x4  }
0x1b1: {  	[tilespmem:$0x11370] =	vst v5  }
0x1b2: {  	v5 =	vld.idx.msk [tilespmem:v6+s3+$0x0], $0xffff;
	_ =	sdelay $0x4  }
0x1b3: {  	[tilespmem:$0x11200] =	vst v5  }
0x1b4: {  	v5 =	vld.idx.msk [tilespmem:v6+s18+$0x0], $0xffff;
	_ =	sdelay $0x4  }
0x1b5: {  	[tilespmem:$0x11280] =	vst v5  }
0x1b6: {  	v5 =	vld.idx.msk [tilespmem:v6+s19+$0x0], $0xffff;
	_ =	sdelay $0x3  }
0x1b7: {  	v7 =	vld [tilespmem:$0x10950]  }
0x1b8: {  	[tilespmem:$0x11300] =	vst v5  }
0x1b9: {  	v5 =	vld.idx.msk [tilespmem:v6+s20+$0x0], $0xffff;
	_ =	sdelay $0x4  }
0x1ba: {  	[tilespmem:$0x11380] =	vst v5  }
0x1bb: {  	v5 =	vld.idx.msk [tilespmem:v7+s3+$0x0], $0xffff;
	_ =	sdelay $0x4  }
0x1bc: {  	[tilespmem:$0x11210] =	vst v5  }
0x1bd: {  	v5 =	vld.idx.msk [tilespmem:v7+s18+$0x0], $0xffff;
	_ =	sdelay $0x4  }
0x1be: {  	[tilespmem:$0x11290] =	vst v5  }
0x1bf: {  	v5 =	vld.idx.msk [tilespmem:v7+s19+$0x0], $0xffff;
	_ =	sdelay $0x3  }
0x1c0: {  	v6 =	vld [tilespmem:$0x10960]  }
0x1c1: {  	[tilespmem:$0x11310] =	vst v5  }
0x1c2: {  	v5 =	vld.idx.msk [tilespmem:v7+s20+$0x0], $0xffff;
	_ =	sdelay $0x4  }
0x1c3: {  	[tilespmem:$0x11390] =	vst v5  }
0x1c4: {  	v5 =	vld.idx.msk [tilespmem:v6+s3+$0x0], $0xffff;
	_ =	sdelay $0x4  }
0x1c5: {  	[tilespmem:$0x11220] =	vst v5  }
0x1c6: {  	v5 =	vld.idx.msk [tilespmem:v6+s18+$0x0], $0xffff;
	_ =	sdelay $0x4  }
0x1c7: {  	[tilespmem:$0x112A0] =	vst v5  }
0x1c8: {  	v5 =	vld.idx.msk [tilespmem:v6+s19+$0x0], $0xffff;
	_ =	sdelay $0x3  }
0x1c9: {  	v7 =	vld [tilespmem:$0x10970]  }
0x1ca: {  	[tilespmem:$0x11320] =	vst v5  }
0x1cb: {  	v5 =	vld.idx.msk [tilespmem:v6+s20+$0x0], $0xffff;
	_ =	sdelay $0x4  }
0x1cc: {  	[tilespmem:$0x113A0] =	vst v5  }
0x1cd: {  	v5 =	vld.idx.msk [tilespmem:v7+s3+$0x0], $0xffff;
	_ =	sdelay $0x4  }
0x1ce: {  	[tilespmem:$0x11230] =	vst v5  }
0x1cf: {  	v5 =	vld.idx.msk [tilespmem:v7+s18+$0x0], $0xffff;
	_ =	sdelay $0x4  }
0x1d0: {  	[tilespmem:$0x112B0] =	vst v5  }
0x1d1: {  	v5 =	vld.idx.msk [tilespmem:v7+s19+$0x0], $0xffff;
	_ =	sdelay $0x3  }
0x1d2: {  	v6 =	vld [tilespmem:$0x10980]  }
0x1d3: {  	[tilespmem:$0x11330] =	vst v5  }
0x1d4: {  	v5 =	vld.idx.msk [tilespmem:v7+s20+$0x0], $0xffff;
	_ =	sdelay $0x4  }
0x1d5: {  	[tilespmem:$0x113B0] =	vst v5  }
0x1d6: {  	v5 =	vld.idx.msk [tilespmem:v6+s3+$0x0], $0xffff;
	_ =	sdelay $0x4  }
0x1d7: {  	[tilespmem:$0x113C0] =	vst v5  }
0x1d8: {  	v5 =	vld.idx.msk [tilespmem:v6+s18+$0x0], $0xffff;
	_ =	sdelay $0x4  }
0x1d9: {  	[tilespmem:$0x11440] =	vst v5  }
0x1da: {  	v5 =	vld.idx.msk [tilespmem:v6+s19+$0x0], $0xffff;
	_ =	sdelay $0x3  }
0x1db: {  	v7 =	vld [tilespmem:$0x10990]  }
0x1dc: {  	[tilespmem:$0x114C0] =	vst v5  }
0x1dd: {  	v5 =	vld.idx.msk [tilespmem:v6+s20+$0x0], $0xffff;
	_ =	sdelay $0x4  }
0x1de: {  	[tilespmem:$0x11540] =	vst v5  }
0x1df: {  	v5 =	vld.idx.msk [tilespmem:v7+s3+$0x0], $0xffff;
	_ =	sdelay $0x4  }
0x1e0: {  	[tilespmem:$0x113D0] =	vst v5  }
0x1e1: {  	v5 =	vld.idx.msk [tilespmem:v7+s18+$0x0], $0xffff;
	_ =	sdelay $0x4  }
0x1e2: {  	[tilespmem:$0x11450] =	vst v5  }
0x1e3: {  	v5 =	vld.idx.msk [tilespmem:v7+s19+$0x0], $0xffff;
	_ =	sdelay $0x3  }
0x1e4: {  	v6 =	vld [tilespmem:$0x109A0]  }
0x1e5: {  	[tilespmem:$0x114D0] =	vst v5  }
0x1e6: {  	v5 =	vld.idx.msk [tilespmem:v7+s20+$0x0], $0xffff;
	_ =	sdelay $0x4  }
0x1e7: {  	[tilespmem:$0x11550] =	vst v5  }
0x1e8: {  	v5 =	vld.idx.msk [tilespmem:v6+s3+$0x0], $0xffff;
	_ =	sdelay $0x4  }
0x1e9: {  	[tilespmem:$0x113E0] =	vst v5  }
0x1ea: {  	v5 =	vld.idx.msk [tilespmem:v6+s18+$0x0], $0xffff;
	_ =	sdelay $0x4  }
0x1eb: {  	[tilespmem:$0x11460] =	vst v5  }
0x1ec: {  	v5 =	vld.idx.msk [tilespmem:v6+s19+$0x0], $0xffff;
	_ =	sdelay $0x3  }
0x1ed: {  	v7 =	vld [tilespmem:$0x109B0]  }
0x1ee: {  	[tilespmem:$0x114E0] =	vst v5  }
0x1ef: {  	v5 =	vld.idx.msk [tilespmem:v6+s20+$0x0], $0xffff;
	_ =	sdelay $0x4  }
0x1f0: {  	[tilespmem:$0x11560] =	vst v5  }
0x1f1: {  	v5 =	vld.idx.msk [tilespmem:v7+s3+$0x0], $0xffff;
	_ =	sdelay $0x4  }
0x1f2: {  	[tilespmem:$0x113F0] =	vst v5  }
0x1f3: {  	v5 =	vld.idx.msk [tilespmem:v7+s18+$0x0], $0xffff;
	_ =	sdelay $0x4  }
0x1f4: {  	[tilespmem:$0x11470] =	vst v5  }
0x1f5: {  	v5 =	vld.idx.msk [tilespmem:v7+s19+$0x0], $0xffff;
	_ =	sdelay $0x3  }
0x1f6: {  	v6 =	vld [tilespmem:$0x109C0]  }
0x1f7: {  	[tilespmem:$0x114F0] =	vst v5  }
0x1f8: {  	v5 =	vld.idx.msk [tilespmem:v7+s20+$0x0], $0xffff;
	_ =	sdelay $0x4  }
0x1f9: {  	[tilespmem:$0x11570] =	vst v5  }
0x1fa: {  	v5 =	vld.idx.msk [tilespmem:v6+s3+$0x0], $0xffff;
	_ =	sdelay $0x4  }
0x1fb: {  	[tilespmem:$0x11400] =	vst v5  }
0x1fc: {  	v5 =	vld.idx.msk [tilespmem:v6+s18+$0x0], $0xffff;
	_ =	sdelay $0x4  }
0x1fd: {  	[tilespmem:$0x11480] =	vst v5  }
0x1fe: {  	v5 =	vld.idx.msk [tilespmem:v6+s19+$0x0], $0xffff;
	_ =	sdelay $0x3  }
0x1ff: {  	v7 =	vld [tilespmem:$0x109D0]  }
0x200: {  	[tilespmem:$0x11500] =	vst v5  }
0x201: {  	v5 =	vld.idx.msk [tilespmem:v6+s20+$0x0], $0xffff;
	_ =	sdelay $0x4  }
0x202: {  	[tilespmem:$0x11580] =	vst v5  }
0x203: {  	v5 =	vld.idx.msk [tilespmem:v7+s3+$0x0], $0xffff;
	_ =	sdelay $0x4  }
0x204: {  	[tilespmem:$0x11410] =	vst v5  }
0x205: {  	v5 =	vld.idx.msk [tilespmem:v7+s18+$0x0], $0xffff;
	_ =	sdelay $0x4  }
0x206: {  	[tilespmem:$0x11490] =	vst v5  }
0x207: {  	v5 =	vld.idx.msk [tilespmem:v7+s19+$0x0], $0xffff;
	_ =	sdelay $0x3  }
0x208: {  	v6 =	vld [tilespmem:$0x109E0]  }
0x209: {  	[tilespmem:$0x11510] =	vst v5  }
0x20a: {  	v5 =	vld.idx.msk [tilespmem:v7+s20+$0x0], $0xffff;
	_ =	sdelay $0x4  }
0x20b: {  	[tilespmem:$0x11590] =	vst v5  }
0x20c: {  	v5 =	vld.idx.msk [tilespmem:v6+s3+$0x0], $0xffff;
	_ =	sdelay $0x4  }
0x20d: {  	[tilespmem:$0x11420] =	vst v5  }
0x20e: {  	v5 =	vld.idx.msk [tilespmem:v6+s18+$0x0], $0xffff;
	_ =	sdelay $0x4  }
0x20f: {  	[tilespmem:$0x114A0] =	vst v5  }
0x210: {  	v5 =	vld.idx.msk [tilespmem:v6+s19+$0x0], $0xffff;
	_ =	sdelay $0x3  }
0x211: {  	v7 =	vld [tilespmem:$0x109F0]  }
0x212: {  	[tilespmem:$0x11520] =	vst v5  }
0x213: {  	v5 =	vld.idx.msk [tilespmem:v6+s20+$0x0], $0xffff;
	_ =	sdelay $0x4  }
0x214: {  	[tilespmem:$0x115A0] =	vst v5  }
0x215: {  	v5 =	vld.idx.msk [tilespmem:v7+s3+$0x0], $0xffff;
	_ =	sdelay $0x4  }
0x216: {  	[tilespmem:$0x11430] =	vst v5  }
0x217: {  	v5 =	vld.idx.msk [tilespmem:v7+s18+$0x0], $0xffff;
	_ =	sdelay $0x4  }
0x218: {  	[tilespmem:$0x114B0] =	vst v5  }
0x219: {  	v5 =	vld.idx.msk [tilespmem:v7+s19+$0x0], $0xffff;
	_ =	sdelay $0x3  }
0x21a: {  	v6 =	vld [tilespmem:$0x10A00]  }
0x21b: {  	[tilespmem:$0x11530] =	vst v5  }
0x21c: {  	v5 =	vld.idx.msk [tilespmem:v7+s20+$0x0], $0xffff;
	_ =	sdelay $0x4  }
0x21d: {  	[tilespmem:$0x115B0] =	vst v5  }
0x21e: {  	v5 =	vld.idx.msk [tilespmem:v6+s3+$0x0], $0xffff;
	_ =	sdelay $0x4  }
0x21f: {  	[tilespmem:$0x115C0] =	vst v5  }
0x220: {  	v5 =	vld.idx.msk [tilespmem:v6+s18+$0x0], $0xffff;
	_ =	sdelay $0x4  }
0x221: {  	[tilespmem:$0x11640] =	vst v5  }
0x222: {  	v5 =	vld.idx.msk [tilespmem:v6+s19+$0x0], $0xffff;
	_ =	sdelay $0x3  }
0x223: {  	v7 =	vld [tilespmem:$0x10A10]  }
0x224: {  	[tilespmem:$0x116C0] =	vst v5  }
0x225: {  	v5 =	vld.idx.msk [tilespmem:v6+s20+$0x0], $0xffff;
	_ =	sdelay $0x4  }
0x226: {  	[tilespmem:$0x11740] =	vst v5  }
0x227: {  	v5 =	vld.idx.msk [tilespmem:v7+s3+$0x0], $0xffff;
	_ =	sdelay $0x4  }
0x228: {  	[tilespmem:$0x115D0] =	vst v5  }
0x229: {  	v5 =	vld.idx.msk [tilespmem:v7+s18+$0x0], $0xffff;
	_ =	sdelay $0x4  }
0x22a: {  	[tilespmem:$0x11650] =	vst v5  }
0x22b: {  	v5 =	vld.idx.msk [tilespmem:v7+s19+$0x0], $0xffff;
	_ =	sdelay $0x3  }
0x22c: {  	v6 =	vld [tilespmem:$0x10A20]  }
0x22d: {  	[tilespmem:$0x116D0] =	vst v5  }
0x22e: {  	v5 =	vld.idx.msk [tilespmem:v7+s20+$0x0], $0xffff;
	_ =	sdelay $0x4  }
0x22f: {  	[tilespmem:$0x11750] =	vst v5  }
0x230: {  	v5 =	vld.idx.msk [tilespmem:v6+s3+$0x0], $0xffff;
	_ =	sdelay $0x4  }
0x231: {  	[tilespmem:$0x115E0] =	vst v5  }
0x232: {  	v5 =	vld.idx.msk [tilespmem:v6+s18+$0x0], $0xffff;
	_ =	sdelay $0x4  }
0x233: {  	[tilespmem:$0x11660] =	vst v5  }
0x234: {  	v5 =	vld.idx.msk [tilespmem:v6+s19+$0x0], $0xffff;
	_ =	sdelay $0x3  }
0x235: {  	v7 =	vld [tilespmem:$0x10A30]  }
0x236: {  	[tilespmem:$0x116E0] =	vst v5  }
0x237: {  	v5 =	vld.idx.msk [tilespmem:v6+s20+$0x0], $0xffff;
	_ =	sdelay $0x4  }
0x238: {  	[tilespmem:$0x11760] =	vst v5  }
0x239: {  	v5 =	vld.idx.msk [tilespmem:v7+s3+$0x0], $0xffff;
	_ =	sdelay $0x4  }
0x23a: {  	[tilespmem:$0x115F0] =	vst v5  }
0x23b: {  	v5 =	vld.idx.msk [tilespmem:v7+s18+$0x0], $0xffff;
	_ =	sdelay $0x4  }
0x23c: {  	[tilespmem:$0x11670] =	vst v5  }
0x23d: {  	v5 =	vld.idx.msk [tilespmem:v7+s19+$0x0], $0xffff;
	_ =	sdelay $0x3  }
0x23e: {  	v6 =	vld [tilespmem:$0x10A40]  }
0x23f: {  	[tilespmem:$0x116F0] =	vst v5  }
0x240: {  	v5 =	vld.idx.msk [tilespmem:v7+s20+$0x0], $0xffff;
	_ =	sdelay $0x4  }
0x241: {  	[tilespmem:$0x11770] =	vst v5  }
0x242: {  	v5 =	vld.idx.msk [tilespmem:v6+s3+$0x0], $0xffff;
	_ =	sdelay $0x4  }
0x243: {  	[tilespmem:$0x11600] =	vst v5  }
0x244: {  	v5 =	vld.idx.msk [tilespmem:v6+s18+$0x0], $0xffff;
	_ =	sdelay $0x4  }
0x245: {  	[tilespmem:$0x11680] =	vst v5  }
0x246: {  	v5 =	vld.idx.msk [tilespmem:v6+s19+$0x0], $0xffff;
	_ =	sdelay $0x3  }
0x247: {  	v7 =	vld [tilespmem:$0x10A50]  }
0x248: {  	[tilespmem:$0x11700] =	vst v5  }
0x249: {  	v5 =	vld.idx.msk [tilespmem:v6+s20+$0x0], $0xffff;
	_ =	sdelay $0x4  }
0x24a: {  	[tilespmem:$0x11780] =	vst v5  }
0x24b: {  	v5 =	vld.idx.msk [tilespmem:v7+s3+$0x0], $0xffff;
	_ =	sdelay $0x4  }
0x24c: {  	[tilespmem:$0x11610] =	vst v5  }
0x24d: {  	v5 =	vld.idx.msk [tilespmem:v7+s18+$0x0], $0xffff;
	_ =	sdelay $0x4  }
0x24e: {  	[tilespmem:$0x11690] =	vst v5  }
0x24f: {  	v5 =	vld.idx.msk [tilespmem:v7+s19+$0x0], $0xffff;
	_ =	sdelay $0x3  }
0x250: {  	v6 =	vld [tilespmem:$0x10A60]  }
0x251: {  	[tilespmem:$0x11710] =	vst v5  }
0x252: {  	v5 =	vld.idx.msk [tilespmem:v7+s20+$0x0], $0xffff;
	_ =	sdelay $0x4  }
0x253: {  	[tilespmem:$0x11790] =	vst v5  }
0x254: {  	v5 =	vld.idx.msk [tilespmem:v6+s3+$0x0], $0xffff;
	_ =	sdelay $0x4  }
0x255: {  	[tilespmem:$0x11620] =	vst v5  }
0x256: {  	v5 =	vld.idx.msk [tilespmem:v6+s18+$0x0], $0xffff;
	_ =	sdelay $0x4  }
0x257: {  	[tilespmem:$0x116A0] =	vst v5  }
0x258: {  	v5 =	vld.idx.msk [tilespmem:v6+s19+$0x0], $0xffff;
	_ =	sdelay $0x3  }
0x259: {  	v7 =	vld [tilespmem:$0x10A70]  }
0x25a: {  	[tilespmem:$0x11720] =	vst v5  }
0x25b: {  	v5 =	vld.idx.msk [tilespmem:v6+s20+$0x0], $0xffff;
	_ =	sdelay $0x4  }
0x25c: {  	[tilespmem:$0x117A0] =	vst v5  }
0x25d: {  	v5 =	vld.idx.msk [tilespmem:v7+s3+$0x0], $0xffff;
	_ =	sdelay $0x4  }
0x25e: {  	[tilespmem:$0x11630] =	vst v5  }
0x25f: {  	v5 =	vld.idx.msk [tilespmem:v7+s18+$0x0], $0xffff;
	_ =	sdelay $0x4  }
0x260: {  	[tilespmem:$0x116B0] =	vst v5  }
0x261: {  	v5 =	vld.idx.msk [tilespmem:v7+s19+$0x0], $0xffff;
	_ =	sdelay $0x3  }
0x262: {  	v6 =	vld [tilespmem:$0x10A80]  }
0x263: {  	[tilespmem:$0x11730] =	vst v5  }
0x264: {  	v5 =	vld.idx.msk [tilespmem:v7+s20+$0x0], $0xffff;
	_ =	sdelay $0x4  }
0x265: {  	[tilespmem:$0x117B0] =	vst v5  }
0x266: {  	v5 =	vld.idx.msk [tilespmem:v6+s3+$0x0], $0xffff;
	_ =	sdelay $0x4  }
0x267: {  	[tilespmem:$0x117C0] =	vst v5  }
0x268: {  	v5 =	vld.idx.msk [tilespmem:v6+s18+$0x0], $0xffff;
	_ =	sdelay $0x4  }
0x269: {  	[tilespmem:$0x11840] =	vst v5  }
0x26a: {  	v5 =	vld.idx.msk [tilespmem:v6+s19+$0x0], $0xffff;
	_ =	sdelay $0x3  }
0x26b: {  	v7 =	vld [tilespmem:$0x10A90]  }
0x26c: {  	[tilespmem:$0x118C0] =	vst v5  }
0x26d: {  	v5 =	vld.idx.msk [tilespmem:v6+s20+$0x0], $0xffff;
	_ =	sdelay $0x4  }
0x26e: {  	[tilespmem:$0x11940] =	vst v5  }
0x26f: {  	v5 =	vld.idx.msk [tilespmem:v7+s3+$0x0], $0xffff;
	_ =	sdelay $0x4  }
0x270: {  	[tilespmem:$0x117D0] =	vst v5  }
0x271: {  	v5 =	vld.idx.msk [tilespmem:v7+s18+$0x0], $0xffff;
	_ =	sdelay $0x4  }
0x272: {  	[tilespmem:$0x11850] =	vst v5  }
0x273: {  	v5 =	vld.idx.msk [tilespmem:v7+s19+$0x0], $0xffff;
	_ =	sdelay $0x3  }
0x274: {  	v6 =	vld [tilespmem:$0x10AA0]  }
0x275: {  	[tilespmem:$0x118D0] =	vst v5  }
0x276: {  	v5 =	vld.idx.msk [tilespmem:v7+s20+$0x0], $0xffff;
	_ =	sdelay $0x4  }
0x277: {  	[tilespmem:$0x11950] =	vst v5  }
0x278: {  	v5 =	vld.idx.msk [tilespmem:v6+s3+$0x0], $0xffff;
	_ =	sdelay $0x4  }
0x279: {  	[tilespmem:$0x117E0] =	vst v5  }
0x27a: {  	v5 =	vld.idx.msk [tilespmem:v6+s18+$0x0], $0xffff;
	_ =	sdelay $0x4  }
0x27b: {  	[tilespmem:$0x11860] =	vst v5  }
0x27c: {  	v5 =	vld.idx.msk [tilespmem:v6+s19+$0x0], $0xffff;
	_ =	sdelay $0x3  }
0x27d: {  	v7 =	vld [tilespmem:$0x10AB0]  }
0x27e: {  	[tilespmem:$0x118E0] =	vst v5  }
0x27f: {  	v5 =	vld.idx.msk [tilespmem:v6+s20+$0x0], $0xffff;
	_ =	sdelay $0x4  }
0x280: {  	[tilespmem:$0x11960] =	vst v5  }
0x281: {  	v5 =	vld.idx.msk [tilespmem:v7+s3+$0x0], $0xffff;
	_ =	sdelay $0x4  }
0x282: {  	[tilespmem:$0x117F0] =	vst v5  }
0x283: {  	v5 =	vld.idx.msk [tilespmem:v7+s18+$0x0], $0xffff;
	_ =	sdelay $0x4  }
0x284: {  	[tilespmem:$0x11870] =	vst v5  }
0x285: {  	v5 =	vld.idx.msk [tilespmem:v7+s19+$0x0], $0xffff;
	_ =	sdelay $0x3  }
0x286: {  	v6 =	vld [tilespmem:$0x10AC0]  }
0x287: {  	[tilespmem:$0x118F0] =	vst v5  }
0x288: {  	v5 =	vld.idx.msk [tilespmem:v7+s20+$0x0], $0xffff;
	_ =	sdelay $0x4  }
0x289: {  	[tilespmem:$0x11970] =	vst v5  }
0x28a: {  	v5 =	vld.idx.msk [tilespmem:v6+s3+$0x0], $0xffff;
	_ =	sdelay $0x4  }
0x28b: {  	[tilespmem:$0x11800] =	vst v5  }
0x28c: {  	v5 =	vld.idx.msk [tilespmem:v6+s18+$0x0], $0xffff;
	_ =	sdelay $0x4  }
0x28d: {  	[tilespmem:$0x11880] =	vst v5  }
0x28e: {  	v5 =	vld.idx.msk [tilespmem:v6+s19+$0x0], $0xffff;
	_ =	sdelay $0x3  }
0x28f: {  	v7 =	vld [tilespmem:$0x10AD0]  }
0x290: {  	[tilespmem:$0x11900] =	vst v5  }
0x291: {  	v5 =	vld.idx.msk [tilespmem:v6+s20+$0x0], $0xffff;
	_ =	sdelay $0x4  }
0x292: {  	[tilespmem:$0x11980] =	vst v5  }
0x293: {  	v5 =	vld.idx.msk [tilespmem:v7+s3+$0x0], $0xffff;
	_ =	sdelay $0x4  }
0x294: {  	[tilespmem:$0x11810] =	vst v5  }
0x295: {  	v5 =	vld.idx.msk [tilespmem:v7+s18+$0x0], $0xffff;
	_ =	sdelay $0x4  }
0x296: {  	[tilespmem:$0x11890] =	vst v5  }
0x297: {  	v5 =	vld.idx.msk [tilespmem:v7+s19+$0x0], $0xffff;
	_ =	sdelay $0x3  }
0x298: {  	v6 =	vld [tilespmem:$0x10AE0]  }
0x299: {  	[tilespmem:$0x11910] =	vst v5  }
0x29a: {  	v5 =	vld.idx.msk [tilespmem:v7+s20+$0x0], $0xffff;
	_ =	sdelay $0x4  }
0x29b: {  	[tilespmem:$0x11990] =	vst v5  }
0x29c: {  	v5 =	vld.idx.msk [tilespmem:v6+s3+$0x0], $0xffff;
	_ =	sdelay $0x4  }
0x29d: {  	[tilespmem:$0x11820] =	vst v5  }
0x29e: {  	v5 =	vld.idx.msk [tilespmem:v6+s18+$0x0], $0xffff;
	_ =	sdelay $0x4  }
0x29f: {  	[tilespmem:$0x118A0] =	vst v5  }
0x2a0: {  	v5 =	vld.idx.msk [tilespmem:v6+s19+$0x0], $0xffff;
	_ =	sdelay $0x3  }
0x2a1: {  	v7 =	vld [tilespmem:$0x10AF0]  }
0x2a2: {  	[tilespmem:$0x11920] =	vst v5  }
0x2a3: {  	v5 =	vld.idx.msk [tilespmem:v6+s20+$0x0], $0xffff;
	_ =	sdelay $0x4  }
0x2a4: {  	[tilespmem:$0x119A0] =	vst v5  }
0x2a5: {  	v5 =	vld.idx.msk [tilespmem:v7+s3+$0x0], $0xffff;
	_ =	sdelay $0x4  }
0x2a6: {  	[tilespmem:$0x11830] =	vst v5  }
0x2a7: {  	v5 =	vld.idx.msk [tilespmem:v7+s18+$0x0], $0xffff;
	_ =	sdelay $0x4  }
0x2a8: {  	[tilespmem:$0x118B0] =	vst v5  }
0x2a9: {  	v5 =	vld.idx.msk [tilespmem:v7+s19+$0x0], $0xffff;
	_ =	sdelay $0x3  }
0x2aa: {  	v6 =	vld [tilespmem:$0x10B00]  }
0x2ab: {  	[tilespmem:$0x11930] =	vst v5  }
0x2ac: {  	v5 =	vld.idx.msk [tilespmem:v7+s20+$0x0], $0xffff;
	_ =	sdelay $0x4  }
0x2ad: {  	[tilespmem:$0x119B0] =	vst v5  }
0x2ae: {  	v5 =	vld.idx.msk [tilespmem:v6+s3+$0x0], $0xffff;
	_ =	sdelay $0x4  }
0x2af: {  	[tilespmem:$0x119C0] =	vst v5  }
0x2b0: {  	v5 =	vld.idx.msk [tilespmem:v6+s18+$0x0], $0xffff;
	_ =	sdelay $0x4  }
0x2b1: {  	[tilespmem:$0x11A40] =	vst v5  }
0x2b2: {  	v5 =	vld.idx.msk [tilespmem:v6+s19+$0x0], $0xffff;
	_ =	sdelay $0x3  }
0x2b3: {  	v7 =	vld [tilespmem:$0x10B10]  }
0x2b4: {  	[tilespmem:$0x11AC0] =	vst v5  }
0x2b5: {  	v5 =	vld.idx.msk [tilespmem:v6+s20+$0x0], $0xffff;
	_ =	sdelay $0x4  }
0x2b6: {  	[tilespmem:$0x11B40] =	vst v5  }
0x2b7: {  	v5 =	vld.idx.msk [tilespmem:v7+s3+$0x0], $0xffff;
	_ =	sdelay $0x4  }
0x2b8: {  	[tilespmem:$0x119D0] =	vst v5  }
0x2b9: {  	v5 =	vld.idx.msk [tilespmem:v7+s18+$0x0], $0xffff;
	_ =	sdelay $0x4  }
0x2ba: {  	[tilespmem:$0x11A50] =	vst v5  }
0x2bb: {  	v5 =	vld.idx.msk [tilespmem:v7+s19+$0x0], $0xffff;
	_ =	sdelay $0x3  }
0x2bc: {  	v6 =	vld [tilespmem:$0x10B20]  }
0x2bd: {  	[tilespmem:$0x11AD0] =	vst v5  }
0x2be: {  	v5 =	vld.idx.msk [tilespmem:v7+s20+$0x0], $0xffff;
	_ =	sdelay $0x4  }
0x2bf: {  	[tilespmem:$0x11B50] =	vst v5  }
0x2c0: {  	v5 =	vld.idx.msk [tilespmem:v6+s3+$0x0], $0xffff;
	_ =	sdelay $0x4  }
0x2c1: {  	[tilespmem:$0x119E0] =	vst v5  }
0x2c2: {  	v5 =	vld.idx.msk [tilespmem:v6+s18+$0x0], $0xffff;
	_ =	sdelay $0x4  }
0x2c3: {  	[tilespmem:$0x11A60] =	vst v5  }
0x2c4: {  	v5 =	vld.idx.msk [tilespmem:v6+s19+$0x0], $0xffff;
	_ =	sdelay $0x3  }
0x2c5: {  	v7 =	vld [tilespmem:$0x10B30]  }
0x2c6: {  	[tilespmem:$0x11AE0] =	vst v5  }
0x2c7: {  	v5 =	vld.idx.msk [tilespmem:v6+s20+$0x0], $0xffff;
	_ =	sdelay $0x4  }
0x2c8: {  	[tilespmem:$0x11B60] =	vst v5  }
0x2c9: {  	v5 =	vld.idx.msk [tilespmem:v7+s3+$0x0], $0xffff;
	_ =	sdelay $0x4  }
0x2ca: {  	[tilespmem:$0x119F0] =	vst v5  }
0x2cb: {  	v5 =	vld.idx.msk [tilespmem:v7+s18+$0x0], $0xffff;
	_ =	sdelay $0x4  }
0x2cc: {  	[tilespmem:$0x11A70] =	vst v5  }
0x2cd: {  	v5 =	vld.idx.msk [tilespmem:v7+s19+$0x0], $0xffff;
	_ =	sdelay $0x3  }
0x2ce: {  	v6 =	vld [tilespmem:$0x10B40]  }
0x2cf: {  	[tilespmem:$0x11AF0] =	vst v5  }
0x2d0: {  	v5 =	vld.idx.msk [tilespmem:v7+s20+$0x0], $0xffff;
	_ =	sdelay $0x4  }
0x2d1: {  	[tilespmem:$0x11B70] =	vst v5  }
0x2d2: {  	v5 =	vld.idx.msk [tilespmem:v6+s3+$0x0], $0xffff;
	_ =	sdelay $0x4  }
0x2d3: {  	[tilespmem:$0x11A00] =	vst v5  }
0x2d4: {  	v5 =	vld.idx.msk [tilespmem:v6+s18+$0x0], $0xffff;
	_ =	sdelay $0x4  }
0x2d5: {  	[tilespmem:$0x11A80] =	vst v5  }
0x2d6: {  	v5 =	vld.idx.msk [tilespmem:v6+s19+$0x0], $0xffff;
	_ =	sdelay $0x3  }
0x2d7: {  	v7 =	vld [tilespmem:$0x10B50]  }
0x2d8: {  	[tilespmem:$0x11B00] =	vst v5  }
0x2d9: {  	v5 =	vld.idx.msk [tilespmem:v6+s20+$0x0], $0xffff;
	_ =	sdelay $0x4  }
0x2da: {  	[tilespmem:$0x11B80] =	vst v5  }
0x2db: {  	v5 =	vld.idx.msk [tilespmem:v7+s3+$0x0], $0xffff;
	_ =	sdelay $0x4  }
0x2dc: {  	[tilespmem:$0x11A10] =	vst v5  }
0x2dd: {  	v5 =	vld.idx.msk [tilespmem:v7+s18+$0x0], $0xffff;
	_ =	sdelay $0x4  }
0x2de: {  	[tilespmem:$0x11A90] =	vst v5  }
0x2df: {  	v5 =	vld.idx.msk [tilespmem:v7+s19+$0x0], $0xffff;
	_ =	sdelay $0x3  }
0x2e0: {  	v6 =	vld [tilespmem:$0x10B60]  }
0x2e1: {  	[tilespmem:$0x11B10] =	vst v5  }
0x2e2: {  	v5 =	vld.idx.msk [tilespmem:v7+s20+$0x0], $0xffff;
	_ =	sdelay $0x4  }
0x2e3: {  	[tilespmem:$0x11B90] =	vst v5  }
0x2e4: {  	v5 =	vld.idx.msk [tilespmem:v6+s3+$0x0], $0xffff;
	_ =	sdelay $0x4  }
0x2e5: {  	[tilespmem:$0x11A20] =	vst v5  }
0x2e6: {  	v5 =	vld.idx.msk [tilespmem:v6+s18+$0x0], $0xffff;
	_ =	sdelay $0x4  }
0x2e7: {  	[tilespmem:$0x11AA0] =	vst v5  }
0x2e8: {  	v5 =	vld.idx.msk [tilespmem:v6+s19+$0x0], $0xffff;
	_ =	sdelay $0x3  }
0x2e9: {  	v7 =	vld [tilespmem:$0x10B70]  }
0x2ea: {  	[tilespmem:$0x11B20] =	vst v5  }
0x2eb: {  	v5 =	vld.idx.msk [tilespmem:v6+s20+$0x0], $0xffff;
	_ =	sdelay $0x4  }
0x2ec: {  	[tilespmem:$0x11BA0] =	vst v5  }
0x2ed: {  	v5 =	vld.idx.msk [tilespmem:v7+s3+$0x0], $0xffff;
	_ =	sdelay $0x4  }
0x2ee: {  	[tilespmem:$0x11A30] =	vst v5  }
0x2ef: {  	v5 =	vld.idx.msk [tilespmem:v7+s18+$0x0], $0xffff;
	_ =	sdelay $0x4  }
0x2f0: {  	[tilespmem:$0x11AB0] =	vst v5  }
0x2f1: {  	v5 =	vld.idx.msk [tilespmem:v7+s19+$0x0], $0xffff;
	_ =	sdelay $0x3  }
0x2f2: {  	v6 =	vld [tilespmem:$0x10B80]  }
0x2f3: {  	[tilespmem:$0x11B30] =	vst v5  }
0x2f4: {  	v5 =	vld.idx.msk [tilespmem:v7+s20+$0x0], $0xffff;
	_ =	sdelay $0x4  }
0x2f5: {  	[tilespmem:$0x11BB0] =	vst v5  }
0x2f6: {  	v5 =	vld.idx.msk [tilespmem:v6+s3+$0x0], $0xffff;
	_ =	sdelay $0x4  }
0x2f7: {  	[tilespmem:$0x11BC0] =	vst v5  }
0x2f8: {  	v5 =	vld.idx.msk [tilespmem:v6+s18+$0x0], $0xffff;
	_ =	sdelay $0x4  }
0x2f9: {  	[tilespmem:$0x11C40] =	vst v5  }
0x2fa: {  	v5 =	vld.idx.msk [tilespmem:v6+s19+$0x0], $0xffff;
	_ =	sdelay $0x3  }
0x2fb: {  	v7 =	vld [tilespmem:$0x10B90]  }
0x2fc: {  	[tilespmem:$0x11CC0] =	vst v5  }
0x2fd: {  	v5 =	vld.idx.msk [tilespmem:v6+s20+$0x0], $0xffff;
	_ =	sdelay $0x4  }
0x2fe: {  	[tilespmem:$0x11D40] =	vst v5  }
0x2ff: {  	v5 =	vld.idx.msk [tilespmem:v7+s3+$0x0], $0xffff;
	_ =	sdelay $0x4  }
0x300: {  	[tilespmem:$0x11BD0] =	vst v5  }
0x301: {  	v5 =	vld.idx.msk [tilespmem:v7+s18+$0x0], $0xffff;
	_ =	sdelay $0x4  }
0x302: {  	[tilespmem:$0x11C50] =	vst v5  }
0x303: {  	v5 =	vld.idx.msk [tilespmem:v7+s19+$0x0], $0xffff;
	_ =	sdelay $0x3  }
0x304: {  	v6 =	vld [tilespmem:$0x10BA0]  }
0x305: {  	[tilespmem:$0x11CD0] =	vst v5  }
0x306: {  	v5 =	vld.idx.msk [tilespmem:v7+s20+$0x0], $0xffff;
	_ =	sdelay $0x4  }
0x307: {  	[tilespmem:$0x11D50] =	vst v5  }
0x308: {  	v5 =	vld.idx.msk [tilespmem:v6+s3+$0x0], $0xffff;
	_ =	sdelay $0x4  }
0x309: {  	[tilespmem:$0x11BE0] =	vst v5  }
0x30a: {  	v5 =	vld.idx.msk [tilespmem:v6+s18+$0x0], $0xffff;
	_ =	sdelay $0x4  }
0x30b: {  	[tilespmem:$0x11C60] =	vst v5  }
0x30c: {  	v5 =	vld.idx.msk [tilespmem:v6+s19+$0x0], $0xffff;
	_ =	sdelay $0x3  }
0x30d: {  	v7 =	vld [tilespmem:$0x10BB0]  }
0x30e: {  	[tilespmem:$0x11CE0] =	vst v5  }
0x30f: {  	v5 =	vld.idx.msk [tilespmem:v6+s20+$0x0], $0xffff;
	_ =	sdelay $0x4  }
0x310: {  	[tilespmem:$0x11D60] =	vst v5  }
0x311: {  	v5 =	vld.idx.msk [tilespmem:v7+s3+$0x0], $0xffff;
	_ =	sdelay $0x4  }
0x312: {  	[tilespmem:$0x11BF0] =	vst v5  }
0x313: {  	v5 =	vld.idx.msk [tilespmem:v7+s18+$0x0], $0xffff;
	_ =	sdelay $0x4  }
0x314: {  	[tilespmem:$0x11C70] =	vst v5  }
0x315: {  	v5 =	vld.idx.msk [tilespmem:v7+s19+$0x0], $0xffff;
	_ =	sdelay $0x3  }
0x316: {  	v6 =	vld [tilespmem:$0x10BC0]  }
0x317: {  	[tilespmem:$0x11CF0] =	vst v5  }
0x318: {  	v5 =	vld.idx.msk [tilespmem:v7+s20+$0x0], $0xffff;
	_ =	sdelay $0x4  }
0x319: {  	[tilespmem:$0x11D70] =	vst v5  }
0x31a: {  	v5 =	vld.idx.msk [tilespmem:v6+s3+$0x0], $0xffff;
	_ =	sdelay $0x4  }
0x31b: {  	[tilespmem:$0x11C00] =	vst v5  }
0x31c: {  	v5 =	vld.idx.msk [tilespmem:v6+s18+$0x0], $0xffff;
	_ =	sdelay $0x4  }
0x31d: {  	[tilespmem:$0x11C80] =	vst v5  }
0x31e: {  	v5 =	vld.idx.msk [tilespmem:v6+s19+$0x0], $0xffff;
	_ =	sdelay $0x3  }
0x31f: {  	v7 =	vld [tilespmem:$0x10BD0]  }
0x320: {  	[tilespmem:$0x11D00] =	vst v5  }
0x321: {  	v5 =	vld.idx.msk [tilespmem:v6+s20+$0x0], $0xffff;
	_ =	sdelay $0x4  }
0x322: {  	[tilespmem:$0x11D80] =	vst v5  }
0x323: {  	v5 =	vld.idx.msk [tilespmem:v7+s3+$0x0], $0xffff;
	_ =	sdelay $0x4  }
0x324: {  	[tilespmem:$0x11C10] =	vst v5  }
0x325: {  	v5 =	vld.idx.msk [tilespmem:v7+s18+$0x0], $0xffff;
	_ =	sdelay $0x4  }
0x326: {  	[tilespmem:$0x11C90] =	vst v5  }
0x327: {  	v5 =	vld.idx.msk [tilespmem:v7+s19+$0x0], $0xffff;
	_ =	sdelay $0x3  }
0x328: {  	v6 =	vld [tilespmem:$0x10BE0]  }
0x329: {  	[tilespmem:$0x11D10] =	vst v5  }
0x32a: {  	v5 =	vld.idx.msk [tilespmem:v7+s20+$0x0], $0xffff;
	_ =	sdelay $0x4  }
0x32b: {  	[tilespmem:$0x11D90] =	vst v5  }
0x32c: {  	v5 =	vld.idx.msk [tilespmem:v6+s3+$0x0], $0xffff;
	_ =	sdelay $0x4  }
0x32d: {  	[tilespmem:$0x11C20] =	vst v5  }
0x32e: {  	v5 =	vld.idx.msk [tilespmem:v6+s18+$0x0], $0xffff;
	_ =	sdelay $0x4  }
0x32f: {  	[tilespmem:$0x11CA0] =	vst v5  }
0x330: {  	v5 =	vld.idx.msk [tilespmem:v6+s19+$0x0], $0xffff;
	_ =	sdelay $0x3  }
0x331: {  	v7 =	vld [tilespmem:$0x10BF0]  }
0x332: {  	[tilespmem:$0x11D20] =	vst v5  }
0x333: {  	v5 =	vld.idx.msk [tilespmem:v6+s20+$0x0], $0xffff;
	_ =	sdelay $0x4  }
0x334: {  	[tilespmem:$0x11DA0] =	vst v5  }
0x335: {  	v5 =	vld.idx.msk [tilespmem:v7+s3+$0x0], $0xffff;
	_ =	sdelay $0x4  }
0x336: {  	[tilespmem:$0x11C30] =	vst v5  }
0x337: {  	v5 =	vld.idx.msk [tilespmem:v7+s18+$0x0], $0xffff;
	_ =	sdelay $0x4  }
0x338: {  	[tilespmem:$0x11CB0] =	vst v5  }
0x339: {  	v5 =	vld.idx.msk [tilespmem:v7+s19+$0x0], $0xffff;
	_ =	sdelay $0x4  }
0x33a: {  	[tilespmem:$0x11D30] =	vst v5  }
0x33b: {  	v5 =	vld.idx.msk [tilespmem:v7+s20+$0x0], $0xffff;
	_ =	sdelay $0x4  }
0x33c: {  	s0 =	simm.s32 $0x10DC0;
	[tilespmem:$0x11DB0] =	vst v5  }
0x33d: {  	[hbm4b:s9+s3] =	stream.linear.scatter [tilespmem:s0], [sflag:$0x1], $0x80, $0x38;
	[tilespmem:$0x11DC0] =	vst v63  }
0x33e: {  	s28 =	sadd.s32 $0x40, s9;
	s1 =	simm.s32 $0x10FC0  }
0x33f: {  	[hbm4b:s28+s3] =	stream.linear.scatter [tilespmem:s1], [sflag:$0x1], $0x80, $0x38;
	[tilespmem:$0x11DC0] =	vst v63  }
0x340: {  	s4 =	sadd.s32 $0x80, s9;
	s28 =	simm.s32 $0x111C0  }
0x341: {  	[hbm4b:s4+s3] =	stream.linear.scatter [tilespmem:s28], [sflag:$0x1], $0x80, $0x38;
	[tilespmem:$0x11DC0] =	vst v63  }
0x342: {  	s4 =	sadd.s32 $0xC0, s9;
	s28 =	simm.s32 $0x113C0  }
0x343: {  	[hbm4b:s4+s3] =	stream.linear.scatter [tilespmem:s28], [sflag:$0x1], $0x80, $0x38;
	[tilespmem:$0x11DC0] =	vst v63  }
0x344: {  	s4 =	sadd.s32 $0x100, s9;
	s28 =	simm.s32 $0x115C0  }
0x345: {  	[hbm4b:s4+s3] =	stream.linear.scatter [tilespmem:s28], [sflag:$0x1], $0x80, $0x38;
	[tilespmem:$0x11DC0] =	vst v63  }
0x346: {  	s4 =	sadd.s32 $0x140, s9;
	s28 =	simm.s32 $0x117C0  }
0x347: {  	[hbm4b:s4+s3] =	stream.linear.scatter [tilespmem:s28], [sflag:$0x1], $0x80, $0x38;
	[tilespmem:$0x11DC0] =	vst v63  }
0x348: {  	s4 =	sadd.s32 $0x180, s9;
	s28 =	simm.s32 $0x119C0  }
0x349: {  	[hbm4b:s4+s3] =	stream.linear.scatter [tilespmem:s28], [sflag:$0x1], $0x80, $0x38;
	[tilespmem:$0x11DC0] =	vst v63  }
0x34a: {  	s4 =	sadd.s32 $0x1C0, s9;
	s28 =	simm.s32 $0x11BC0  }
0x34b: {  	[hbm4b:s4+s3] =	stream.linear.scatter [tilespmem:s28], [sflag:$0x1], $0x80, $0x38;
	[tilespmem:$0x11DC0] =	vst v63  }
0x34c: {  	_ =	swait.ge [sflag:s17], $0x400  }
0x34d: {  	[sflag:s17] =	ssyncset.done $0x0  }
0x34e: {  	s1 =	simm.s32 $0x10E40;
	[sflag:s17] =	ssyncadd.s32 $0xFFFFFC00  }
0x34f: {  	[hbm4b:s10+s3] =	stream.linear.scatter [tilespmem:s1], [sflag:$0x1], $0x80, $0x38;
	[tilespmem:$0x11DC0] =	vst v63  }
0x350: {  	s4 =	sadd.s32 $0x40, s10;
	s28 =	simm.s32 $0x11040  }
0x351: {  	[hbm4b:s4+s3] =	stream.linear.scatter [tilespmem:s28], [sflag:$0x1], $0x80, $0x38;
	[tilespmem:$0x11DC0] =	vst v63  }
0x352: {  	s4 =	sadd.s32 $0x80, s10;
	s28 =	simm.s32 $0x11240  }
0x353: {  	[hbm4b:s4+s3] =	stream.linear.scatter [tilespmem:s28], [sflag:$0x1], $0x80, $0x38;
	[tilespmem:$0x11DC0] =	vst v63  }
0x354: {  	s4 =	sadd.s32 $0xC0, s10;
	s28 =	simm.s32 $0x11440  }
0x355: {  	[hbm4b:s4+s3] =	stream.linear.scatter [tilespmem:s28], [sflag:$0x1], $0x80, $0x38;
	[tilespmem:$0x11DC0] =	vst v63  }
0x356: {  	s4 =	sadd.s32 $0x100, s10;
	s28 =	simm.s32 $0x11640  }
0x357: {  	[hbm4b:s4+s3] =	stream.linear.scatter [tilespmem:s28], [sflag:$0x1], $0x80, $0x38;
	[tilespmem:$0x11DC0] =	vst v63  }
0x358: {  	s4 =	sadd.s32 $0x140, s10;
	s28 =	simm.s32 $0x11840  }
0x359: {  	[hbm4b:s4+s3] =	stream.linear.scatter [tilespmem:s28], [sflag:$0x1], $0x80, $0x38;
	[tilespmem:$0x11DC0] =	vst v63  }
0x35a: {  	s4 =	sadd.s32 $0x180, s10;
	s28 =	simm.s32 $0x11A40  }
0x35b: {  	[hbm4b:s4+s3] =	stream.linear.scatter [tilespmem:s28], [sflag:$0x1], $0x80, $0x38;
	[tilespmem:$0x11DC0] =	vst v63  }
0x35c: {  	s4 =	sadd.s32 $0x1C0, s10;
	s28 =	simm.s32 $0x11C40  }
0x35d: {  	[hbm4b:s4+s3] =	stream.linear.scatter [tilespmem:s28], [sflag:$0x1], $0x80, $0x38;
	[tilespmem:$0x11DC0] =	vst v63  }
0x35e: {  	_ =	swait.ge [sflag:s17], $0x400  }
0x35f: {  	[sflag:s17] =	ssyncset.done $0x0  }
0x360: {  	s1 =	simm.s32 $0x10EC0;
	[sflag:s17] =	ssyncadd.s32 $0xFFFFFC00  }
0x361: {  	[hbm4b:s11+s3] =	stream.linear.scatter [tilespmem:s1], [sflag:$0x1], $0x80, $0x38;
	[tilespmem:$0x11DC0] =	vst v63  }
0x362: {  	s4 =	sadd.s32 $0x40, s11;
	s28 =	simm.s32 $0x110C0  }
0x363: {  	[hbm4b:s4+s3] =	stream.linear.scatter [tilespmem:s28], [sflag:$0x1], $0x80, $0x38;
	[tilespmem:$0x11DC0] =	vst v63  }
0x364: {  	s4 =	sadd.s32 $0x80, s11;
	s28 =	simm.s32 $0x112C0  }
0x365: {  	[hbm4b:s4+s3] =	stream.linear.scatter [tilespmem:s28], [sflag:$0x1], $0x80, $0x38;
	[tilespmem:$0x11DC0] =	vst v63  }
0x366: {  	s4 =	sadd.s32 $0xC0, s11;
	s28 =	simm.s32 $0x114C0  }
0x367: {  	[hbm4b:s4+s3] =	stream.linear.scatter [tilespmem:s28], [sflag:$0x1], $0x80, $0x38;
	[tilespmem:$0x11DC0] =	vst v63  }
0x368: {  	s4 =	sadd.s32 $0x100, s11;
	s28 =	simm.s32 $0x116C0  }
0x369: {  	[hbm4b:s4+s3] =	stream.linear.scatter [tilespmem:s28], [sflag:$0x1], $0x80, $0x38;
	[tilespmem:$0x11DC0] =	vst v63  }
0x36a: {  	s4 =	sadd.s32 $0x140, s11;
	s28 =	simm.s32 $0x118C0  }
0x36b: {  	[hbm4b:s4+s3] =	stream.linear.scatter [tilespmem:s28], [sflag:$0x1], $0x80, $0x38;
	[tilespmem:$0x11DC0] =	vst v63  }
0x36c: {  	s4 =	sadd.s32 $0x180, s11;
	s28 =	simm.s32 $0x11AC0  }
0x36d: {  	[hbm4b:s4+s3] =	stream.linear.scatter [tilespmem:s28], [sflag:$0x1], $0x80, $0x38;
	[tilespmem:$0x11DC0] =	vst v63  }
0x36e: {  	s4 =	sadd.s32 $0x1C0, s11;
	s28 =	simm.s32 $0x11CC0  }
0x36f: {  	[hbm4b:s4+s3] =	stream.linear.scatter [tilespmem:s28], [sflag:$0x1], $0x80, $0x38;
	[tilespmem:$0x11DC0] =	vst v63  }
0x370: {  	_ =	swait.ge [sflag:s17], $0x400  }
0x371: {  	[sflag:s17] =	ssyncset.done $0x0  }
0x372: {  	s1 =	simm.s32 $0x10F40;
	[sflag:s17] =	ssyncadd.s32 $0xFFFFFC00  }
0x373: {  	[hbm4b:s12+s3] =	stream.linear.scatter [tilespmem:s1], [sflag:$0x1], $0x80, $0x38;
	[tilespmem:$0x11DC0] =	vst v63  }
0x374: {  	s4 =	sadd.s32 $0x40, s12;
	s28 =	simm.s32 $0x11140  }
0x375: {  	[hbm4b:s4+s3] =	stream.linear.scatter [tilespmem:s28], [sflag:$0x1], $0x80, $0x38;
	[tilespmem:$0x11DC0] =	vst v63  }
0x376: {  	s4 =	sadd.s32 $0x80, s12;
	s28 =	simm.s32 $0x11340  }
0x377: {  	[hbm4b:s4+s3] =	stream.linear.scatter [tilespmem:s28], [sflag:$0x1], $0x80, $0x38;
	[tilespmem:$0x11DC0] =	vst v63  }
0x378: {  	s4 =	sadd.s32 $0xC0, s12;
	s28 =	simm.s32 $0x11540  }
0x379: {  	[hbm4b:s4+s3] =	stream.linear.scatter [tilespmem:s28], [sflag:$0x1], $0x80, $0x38;
	[tilespmem:$0x11DC0] =	vst v63  }
0x37a: {  	s4 =	sadd.s32 $0x100, s12;
	s28 =	simm.s32 $0x11740  }
0x37b: {  	[hbm4b:s4+s3] =	stream.linear.scatter [tilespmem:s28], [sflag:$0x1], $0x80, $0x38;
	[tilespmem:$0x11DC0] =	vst v63  }
0x37c: {  	s4 =	sadd.s32 $0x140, s12;
	s28 =	simm.s32 $0x11940  }
0x37d: {  	[hbm4b:s4+s3] =	stream.linear.scatter [tilespmem:s28], [sflag:$0x1], $0x80, $0x38;
	[tilespmem:$0x11DC0] =	vst v63  }
0x37e: {  	s4 =	sadd.s32 $0x180, s12  }
0x37f: {  	[hbm4b:s4+s3] =	stream.linear.scatter [tilespmem:s29], [sflag:$0x1], $0x80, $0x38;
	[tilespmem:$0x11DC0] =	vst v63  }
0x380: {  	s28 =	sadd.s32 $0x1C0, s12  }
0x381: {  	[hbm4b:s28+s3] =	stream.linear.scatter [tilespmem:s30], [sflag:$0x1], $0x80, $0x38;
	[tilespmem:$0x11DC0] =	vst v63  }
0x382: {  	_ =	swait.ge [sflag:s17], $0x400  }
0x383: {  	[sflag:s17] =	ssyncset.done $0x0  }
.Ltmp5:
0x384: {  	[sflag:s17] =	ssyncadd.s32 $0xFFFFFC00;
	(pc) =	sbr.rel .LBB2_7-.Ltmp5, $4  }
0x385: {  	[hbm4b:s13+s15] =	stream.strided.scatter [tilespmem:s21], [sflag:$0x1], $0x400, s16, s15, $0x38;
	[tilespmem:$0x11DC0] =	vst v63  }
0x386: {  	_ =	swait.ge [sflag:s17], $0x400  }
0x387: {  	[sflag:s17] =	ssyncset.done $0x0  }
0x388: {  	[sflag:s17] =	ssyncadd.s32 $0xFFFFFC00  }
.LBB2_8:
0x389: {  	_ =	sfence.sel $0x180000  }
0x38a: {  	[bflag:$0x0] =	sbarrier.arrive $0xFFFF  }
0x38b: {  	_ =	strace $0x90000047  }
0x38c: {  	s0 =	stileid.u32;
	[bflag:$0x2] =	sbarrier.arrive $0xFFFF  }
0x38d: {  	p0 =	sne.s32 s0, $0x0;
	s0 =	rddreg [dreg:$0x4]  }
0x38e: {  	s0 =	sadd.s32 @!p0 $0x100000, s0  }
0x38f: {  	[sflag:s0] =	ssyncadd.tile.s32 @!p0 $0x1;
	_ =	shalt  }
.Lfunc_end2:
_tile_overlayer_lowered:
.L_overlay_start_2:
0x390: {  	(tag) =	ssettag $0x2  }
0x391: {  	s0 =	rddreg [dreg:$0x0];
	s2 =	stileid.u32  }
0x392: {  	s1 =	rddreg [dreg:$0x1];
	p0 =	sne.s32 s2, $0x0  }
0x393: {  	s3 =	rddreg [dreg:$0x2];
	[bflag:$0x3] =	sbarrier.arrive $0xFFFF;
	s2 =	simm.s32 @!p0 $0x1C01  }
0x394: {  	[timem:s3], [sflag:s2] =	dma.local @!p0 [hbm:s0], s1  }
0x395: {  	s0 =	simm.s32 @!p0 $0x1  }
0x396: {  	_ =	swait.ge @!p0 [sflag:s0], s1  }
0x397: {  	s1 =	ssub.s32 @!p0 $0x0, s1;
	[sflag:s0] =	ssyncset.done @!p0 $0x0  }
0x398: {  	[sflag:s0] =	ssyncadd.s32 @!p0 s1  }
0x399: {  	[bflag:$0x3] =	sbarrier.arrive $0xFFFF  }
0x39a: {  	_ =	shalt  }

</sc_bundles>
